<compile_context>
chip_gen: v7x
topology: tpu7x:2x2x1
jax: 0.10.2.dev20260603
libtpu: 0.0.44.dev20260713+nightly
codegen_flags: <defaults>
</compile_context>

<pallas_src>
import functools

import jax
import jax.numpy as jnp
from jax import lax
from jax.experimental import pallas as pl
from jax.experimental.pallas import tpu as pltpu
from jax.experimental.pallas import tpu_sc as plsc

HIDDEN = 768
FFN = 1024
NUM_EXPERTS = 8
TOPK = 2
T = 2048
LANES = 128
NEG = -1e30
BM = 128
S = TOPK * T + NUM_EXPERTS * BM
NBLK = S // BM
L = 16


def _routing_body(x_ref, gw_ref, d0_ref, d1_ref, wv_ref, bmeta_ref):
    x = x_ref[...]
    gw = gw_ref[...]
    logits8 = lax.dot_general(
        x, gw, (((1,), (1,)), ((), ())), preferred_element_type=jnp.float32
    )
    logits = jnp.concatenate(
        [logits8, jnp.full((T, LANES - NUM_EXPERTS), NEG, jnp.float32)], axis=1)
    lane = lax.broadcasted_iota(jnp.int32, (T, LANES), 1)
    valid = lane < NUM_EXPERTS
    m = jnp.max(logits, axis=1, keepdims=True)
    p = jnp.where(valid, jnp.exp(logits - m), 0.0)
    m1 = jnp.max(p, axis=1, keepdims=True)
    a1 = jnp.min(jnp.where(p == m1, lane, LANES), axis=1, keepdims=True)
    oh1 = (lane == a1)
    p2 = jnp.where(oh1, 0.0, p)
    m2 = jnp.max(p2, axis=1, keepdims=True)
    a2 = jnp.min(jnp.where(p2 == m2, lane, LANES), axis=1, keepdims=True)
    oh2 = (lane == a2)
    s = m1 + m2
    wv_ref[...] = jnp.concatenate(
        [jnp.broadcast_to(m1 / s, (T, L)), jnp.broadcast_to(m2 / s, (T, L)),
         jnp.zeros((T, LANES - 2 * L), jnp.float32)], axis=1)

    c = oh1.astype(jnp.float32) + oh2.astype(jnp.float32)
    cum = c
    d = 1
    while d < T:
        cum = cum + jnp.concatenate(
            [jnp.zeros((d, LANES), jnp.float32), cum[:T - d]], axis=0)
        d *= 2
    xexcl = (cum - c).astype(jnp.int32)
    counts = cum[T - 1:T, :].astype(jnp.int32)
    padded = ((counts + BM - 1) // BM) * BM
    offi = padded
    d = 1
    while d < LANES:
        offi = offi + jnp.concatenate(
            [jnp.zeros((1, d), jnp.int32), offi[:, :LANES - d]], axis=1)
        d *= 2
    off = offi - padded
    oh1i = oh1.astype(jnp.int32)
    oh2i = oh2.astype(jnp.int32)
    d0_ref[...] = jnp.sum((off + xexcl) * oh1i, axis=1, keepdims=True
                          ).reshape(T // LANES, LANES)
    d1_ref[...] = jnp.sum((off + xexcl + oh1i) * oh2i, axis=1, keepdims=True
                          ).reshape(T // LANES, LANES)

    bs = lane[:1, :] * BM
    be = jnp.zeros((1, LANES), jnp.int32)
    end_sel = jnp.zeros((1, LANES), jnp.int32)
    for e in range(NUM_EXPERTS):
        sel = (lane[:1, :] == e).astype(jnp.int32)
        off_e = jnp.sum(off * sel, axis=1, keepdims=True)
        end_e = jnp.sum((off + counts) * sel, axis=1, keepdims=True)
        be = be + (off_e <= bs).astype(jnp.int32)
    be = jnp.maximum(be - 1, 0)
    for e in range(NUM_EXPERTS):
        sel = (lane[:1, :] == e).astype(jnp.int32)
        end_e = jnp.sum((off + counts) * sel, axis=1, keepdims=True)
        end_sel = end_sel + (be == e).astype(jnp.int32) * end_e
    bval = (bs < end_sel).astype(jnp.int32)

    be_prev = jnp.concatenate(
        [jnp.full((1, 1), -1, jnp.int32), be[:, :LANES - 1]], axis=1)
    estart = bval * (be != be_prev).astype(jnp.int32)
    g = estart
    d = 1
    while d < LANES:
        g = g + jnp.concatenate(
            [jnp.zeros((1, d), jnp.int32), g[:, :LANES - d]], axis=1)
        d *= 2
    ngroups = jnp.sum(estart, axis=1, keepdims=True)
    g = g - 1
    gpar = g % 2
    ne = jnp.zeros((1, LANES), jnp.int32)
    for gi in range(NUM_EXPERTS):
        sge = jnp.sum(estart * (g == gi).astype(jnp.int32) * be,
                      axis=1, keepdims=True)
        ne = ne + (g + 1 == gi).astype(jnp.int32) * sge
    hasnext = (g + 1 < ngroups).astype(jnp.int32)
    z = jnp.zeros((1, LANES), jnp.int32)
    bmeta_ref[...] = jnp.concatenate(
        [be, bval, estart, gpar, ne, hasnext, z, z], axis=0)


def _routing(x, gw):
    return pl.pallas_call(
        _routing_body,
        out_shape=[
            jax.ShapeDtypeStruct((T // LANES, LANES), jnp.int32),
            jax.ShapeDtypeStruct((T // LANES, LANES), jnp.int32),
            jax.ShapeDtypeStruct((T, LANES), jnp.float32),
            jax.ShapeDtypeStruct((8, LANES), jnp.int32),
        ],
    )(x, gw)


NSPLIT = 8


def _weight_dma_descs(w13_hbm, w2_hbm, w13_buf, w2_buf, sem13, sem2, e, slot):
    descs = []
    ck13 = 2 * FFN // NSPLIT
    ck2 = HIDDEN // NSPLIT
    for i in range(NSPLIT):
        descs.append(pltpu.make_async_copy(
            w13_hbm.at[e, pl.ds(i * ck13, ck13)],
            w13_buf.at[slot, pl.ds(i * ck13, ck13)], sem13.at[slot]))
        descs.append(pltpu.make_async_copy(
            w2_hbm.at[e, pl.ds(i * ck2, ck2)],
            w2_buf.at[slot, pl.ds(i * ck2, ck2)], sem2.at[slot]))
    return descs


def _start_weight_dmas(*args):
    for d in _weight_dma_descs(*args):
        d.start()


def _wait_weight_dmas(*args):
    for d in _weight_dma_descs(*args):
        d.wait()


def _gmm_body(meta_ref, xs_ref, w13_hbm, w2_hbm, ys_ref,
              w13_buf, w2_buf, sem13, sem2):
    b = pl.program_id(0)
    cure = meta_ref[b]
    val = meta_ref[NBLK + b]
    est = meta_ref[2 * NBLK + b]
    par = meta_ref[3 * NBLK + b]
    nxe = meta_ref[4 * NBLK + b]
    hn = meta_ref[5 * NBLK + b]

    @pl.when(est == 1)
    def _():
        @pl.when(b == 0)
        def _():
            _start_weight_dmas(w13_hbm, w2_hbm, w13_buf, w2_buf,
                               sem13, sem2, cure, par)

        _wait_weight_dmas(w13_hbm, w2_hbm, w13_buf, w2_buf,
                          sem13, sem2, cure, par)

        @pl.when(hn == 1)
        def _():
            _start_weight_dmas(w13_hbm, w2_hbm, w13_buf, w2_buf,
                               sem13, sem2, nxe, 1 - par)

    @pl.when(val == 1)
    def _():
        xb = xs_ref[...]
        h = lax.dot_general(
            xb, w13_buf[par], (((1,), (1,)), ((), ())),
            preferred_element_type=jnp.float32,
        )
        h1 = h[:, :FFN]
        h3 = h[:, FFN:]
        inter = h1 * (1.0 / (1.0 + jnp.exp(-h1))) * h3
        ys_ref[...] = lax.dot_general(
            inter, w2_buf[par], (((1,), (1,)), ((), ())),
            preferred_element_type=jnp.float32,
        )


def _gmm(meta, xs, w13, w2):
    return pl.pallas_call(
        _gmm_body,
        grid_spec=pltpu.PrefetchScalarGridSpec(
            num_scalar_prefetch=1,
            grid=(NBLK,),
            in_specs=[
                pl.BlockSpec(
                    (BM, HIDDEN),
                    lambda b, m: (jnp.where(m[NBLK + b] == 1, b, NBLK - 1), 0)),
                pl.BlockSpec(memory_space=pl.ANY),
                pl.BlockSpec(memory_space=pl.ANY),
            ],
            out_specs=pl.BlockSpec(
                (BM, HIDDEN),
                lambda b, m: (jnp.where(m[NBLK + b] == 1, b, NBLK - 1), 0)),
            scratch_shapes=[
                pltpu.VMEM((2, 2 * FFN, HIDDEN), jnp.float32),
                pltpu.VMEM((2, HIDDEN, FFN), jnp.float32),
                pltpu.SemaphoreType.DMA((2,)),
                pltpu.SemaphoreType.DMA((2,)),
            ],
        ),
        out_shape=jax.ShapeDtypeStruct((S, HIDDEN), jnp.float32),
    )(meta, xs, w13, w2)


def _dispatch_body(tpw, nc, x_hbm, d0_hbm, d1_hbm, xs_hbm,
                   xrows_v, d0_v, d1_v, sem):
    wid = lax.axis_index("s") * nc + lax.axis_index("c")
    base = wid * tpw
    pltpu.sync_copy(x_hbm.at[pl.ds(base, tpw)], xrows_v)
    pltpu.sync_copy(d0_hbm.at[pl.ds(base, tpw)], d0_v)
    pltpu.sync_copy(d1_hbm.at[pl.ds(base, tpw)], d1_v)
    c0 = pltpu.async_copy(xrows_v, xs_hbm.at[d0_v], sem)
    c1 = pltpu.async_copy(xrows_v, xs_hbm.at[d1_v], sem)
    c0.wait()
    c1.wait()


def _combine_body(tpw, nc, ys_hbm, d0_hbm, d1_hbm, wv_hbm, out_hbm,
                  ra_v, rb_v, d0_v, d1_v, wv_v, sem):
    wid = lax.axis_index("s") * nc + lax.axis_index("c")
    base = wid * tpw
    pltpu.sync_copy(d0_hbm.at[pl.ds(base, tpw)], d0_v)
    pltpu.sync_copy(d1_hbm.at[pl.ds(base, tpw)], d1_v)
    pltpu.sync_copy(wv_hbm.at[pl.ds(base, tpw)], wv_v)
    c0 = pltpu.async_copy(ys_hbm.at[d0_v], ra_v, sem)
    c1 = pltpu.async_copy(ys_hbm.at[d1_v], rb_v, sem)
    c0.wait()
    c1.wait()

    def row(j, _):
        w0b = wv_v[j, pl.ds(0, L)]
        w1b = wv_v[j, pl.ds(L, L)]
        for cch in range(HIDDEN // L):
            sl = pl.ds(cch * L, L)
            ra_v[j, sl] = w0b * ra_v[j, sl] + w1b * rb_v[j, sl]
        return 0

    lax.fori_loop(0, tpw, row, 0)
    pltpu.sync_copy(ra_v, out_hbm.at[pl.ds(base, tpw)])


def kernel(x, gate_w, w13, w2):
    d0, d1, wv, bmeta = _routing(x, gate_w)
    d0 = d0.reshape(T)
    d1 = d1.reshape(T)
    meta = bmeta[:6, :NBLK].reshape(-1)

    info = plsc.get_sparse_core_info()
    nc, ns = info.num_cores, info.num_subcores
    nw = nc * ns
    tpw = T // nw
    mesh = plsc.VectorSubcoreMesh(core_axis_name="c", subcore_axis_name="s",
                                  num_cores=nc, num_subcores=ns)

    dispatch = functools.partial(
        pl.kernel,
        mesh=mesh,
        out_type=jax.ShapeDtypeStruct((S, HIDDEN), jnp.float32),
        scratch_types=[
            pltpu.VMEM((tpw, HIDDEN), jnp.float32),
            pltpu.VMEM((tpw,), jnp.int32),
            pltpu.VMEM((tpw,), jnp.int32),
            pltpu.SemaphoreType.DMA,
        ],
    )(functools.partial(_dispatch_body, tpw, nc))
    xs = dispatch(x, d0, d1)

    ys = _gmm(meta, xs, w13, w2)

    combine = functools.partial(
        pl.kernel,
        mesh=mesh,
        out_type=jax.ShapeDtypeStruct((T, HIDDEN), jnp.float32),
        scratch_types=[
            pltpu.VMEM((tpw, HIDDEN), jnp.float32),
            pltpu.VMEM((tpw, HIDDEN), jnp.float32),
            pltpu.VMEM((tpw,), jnp.int32),
            pltpu.VMEM((tpw,), jnp.int32),
            pltpu.VMEM((tpw, LANES), jnp.float32),
            pltpu.SemaphoreType.DMA,
        ],
    )(functools.partial(_combine_body, tpw, nc))
    return combine(ys, d0, d1, wv)

# --- scband reference (transcript-rebuilt; emitter-appended) ---
"""Pipeline reference for scband-flash-phi-layer-57002805952807 (READ-ONLY COPY).

The authoritative reference and input builder live on the scoring server;
editing this copy changes nothing except your own understanding.
"""

import jax, jax.numpy as jnp
import numpy as np

HIDDEN = 768
FFN = 1024
NUM_EXPERTS = 8
TOP_K = 2
T = 2048


def setup_inputs(seed: int = 0) -> dict:
    key = jax.random.key(seed)
    k1, k2, k3, k4 = jax.random.split(key, 4)
    x = jax.random.normal(k1, (T, HIDDEN), dtype=jnp.float32)
    # gate: FastLinear(hidden_size -> num_experts, bias=False)
    gate_w = jax.random.normal(k2, (NUM_EXPERTS, HIDDEN), dtype=jnp.float32) * 0.02
    # w13: concat of w1 (gate proj) and w3 (up proj): [E, 2*ffn, hidden]
    w13 = jax.random.normal(k3, (NUM_EXPERTS, 2 * FFN, HIDDEN), dtype=jnp.float32) * 0.02
    # w2: down proj, stored transposed as in BlockSparseMoE: [E, hidden, ffn]
    w2 = jax.random.normal(k4, (NUM_EXPERTS, HIDDEN, FFN), dtype=jnp.float32) * 0.02
    return {"x": x, "gate_w": gate_w, "w13": w13, "w2": w2}


def reference(x, gate_w, w13, w2):
    # router logits (gate linear, no bias)
    router_logits = x @ gate_w.T  # [T, E]
    # fused_moe semantics: softmax over all experts, top-k, renormalize=True
    probs = jax.nn.softmax(router_logits.astype(jnp.float32), axis=-1)
    topk_w, topk_idx = jax.lax.top_k(probs, TOP_K)  # [T, k]
    topk_w = topk_w / jnp.sum(topk_w, axis=-1, keepdims=True)
    t = x.shape[0]
    # dense combine weights: scatter-add renormalized routing weights -> [T, E]
    combine = jnp.zeros((t, NUM_EXPERTS), dtype=x.dtype).at[
        jnp.arange(t)[:, None], topk_idx
    ].add(topk_w.astype(x.dtype))
    # expert MLPs: silu(x @ w1^T) * (x @ w3^T) @ w2^T
    h = jnp.einsum('td,efd->etf', x, w13)  # [E, T, 2*ffn]
    h1 = h[:, :, :FFN]
    h3 = h[:, :, FFN:]
    inter = jax.nn.silu(h1) * h3  # [E, T, ffn]
    y = jnp.einsum('etf,ehf->eth', inter, w2)  # [E, T, hidden]
    out = jnp.einsum('eth,te->th', y, combine)  # [T, hidden]
    return out

if __name__ == "__main__":
    import jax
    _d = setup_inputs()
    print(jax.jit(kernel)(*tuple(_d.values())))

</pallas_src>

<mosaic_0001>
#map = affine_map<(d0, d1) -> (0, 0)>
#map1 = affine_map<(d0, d1) -> (0)>
module attributes {stable_mosaic.version = 14 : i64} {
  func.func @_dispatch_body(%arg0: i32, %arg1: i32, %arg2: memref<2048x768xf32, #tpu.memory_space<hbm>>, %arg3: memref<2048xi32, #tpu.memory_space<hbm>>, %arg4: memref<2048xi32, #tpu.memory_space<hbm>>, %arg5: memref<5120x768xf32, #tpu.memory_space<hbm>>, %arg6: memref<64x768xf32, #tpu.memory_space<vmem>>, %arg7: memref<64xi32, #tpu.memory_space<vmem>>, %arg8: memref<64xi32, #tpu.memory_space<vmem>>, %arg9: memref<!tpu.dma_semaphore, #tpu.memory_space<semaphore_mem>>) attributes {dimension_semantics = [#tpu.dimension_semantics<core_parallel>, #tpu.dimension_semantics<subcore_parallel>], iteration_bounds = array<i64: 2, 16>, scalar_prefetch = 0 : i64, scratch_operands = 4 : i64, tpu.core_type = #tpu.core_type<sc_vector_subcore>, window_params = [{transform_indices = #map}, {transform_indices = #map1}, {transform_indices = #map1}, {transform_indices = #map}]} {
    %mul3A = arith.constant 2 : i32
    %mul3A_0 = arith.muli %arg1, %mul3A : i32
    %add3A = arith.addi %mul3A_0, %arg0 : i32
    %mul3A_1 = arith.constant 64 : i32
    %mul3A_2 = arith.muli %add3A, %mul3A_1 : i32
    "tpu.region"() ({
      %run_scoped3A = tpu.sem_alloc : memref<!tpu.dma_semaphore, #tpu.memory_space<semaphore_mem>>
      %dma_start3A_13 = arith.constant 0 : i32
      %dma_start3A_14 = tpu.memref_slice %arg2[%mul3A_2, %dma_start3A_13] : memref<2048x768xf32, #tpu.memory_space<hbm>> -> memref<64x768xf32, #tpu.memory_space<hbm>>
      %dma_start3A_15 = arith.constant 0 : i32
      %dma_start3A_16 = tpu.memref_slice %arg2[%mul3A_2, %dma_start3A_15] : memref<2048x768xf32, #tpu.memory_space<hbm>> -> memref<64x768xf32, #tpu.memory_space<hbm>>
      tpu.enqueue_dma source(%dma_start3A_16 : memref<64x768xf32, #tpu.memory_space<hbm>>) target(%arg6 : memref<64x768xf32, #tpu.memory_space<vmem>>) target_semaphore(%run_scoped3A : memref<!tpu.dma_semaphore, #tpu.memory_space<semaphore_mem>>)
      %dma_wait3A_17 = arith.constant 0 : i32
      %dma_wait3A_18 = tpu.memref_slice %arg2[%mul3A_2, %dma_wait3A_17] : memref<2048x768xf32, #tpu.memory_space<hbm>> -> memref<64x768xf32, #tpu.memory_space<hbm>>
      %dma_wait3A_19 = arith.constant 0 : i32
      %dma_wait3A_20 = tpu.memref_slice %arg2[%mul3A_2, %dma_wait3A_19] : memref<2048x768xf32, #tpu.memory_space<hbm>> -> memref<64x768xf32, #tpu.memory_space<hbm>>
      tpu.wait_dma2 semaphore(%run_scoped3A : memref<!tpu.dma_semaphore, #tpu.memory_space<semaphore_mem>>) src(%dma_wait3A_20 : memref<64x768xf32, #tpu.memory_space<hbm>>) dst(%arg6 : memref<64x768xf32, #tpu.memory_space<vmem>>)
      tpu.yield
    }) : () -> ()
    "tpu.region"() ({
      %run_scoped3A = tpu.sem_alloc : memref<!tpu.dma_semaphore, #tpu.memory_space<semaphore_mem>>
      %dma_start3A_13 = tpu.memref_slice %arg3[%mul3A_2] : memref<2048xi32, #tpu.memory_space<hbm>> -> memref<64xi32, #tpu.memory_space<hbm>>
      %dma_start3A_14 = tpu.memref_slice %arg3[%mul3A_2] : memref<2048xi32, #tpu.memory_space<hbm>> -> memref<64xi32, #tpu.memory_space<hbm>>
      tpu.enqueue_dma source(%dma_start3A_14 : memref<64xi32, #tpu.memory_space<hbm>>) target(%arg7 : memref<64xi32, #tpu.memory_space<vmem>>) target_semaphore(%run_scoped3A : memref<!tpu.dma_semaphore, #tpu.memory_space<semaphore_mem>>)
      %dma_wait3A_15 = tpu.memref_slice %arg3[%mul3A_2] : memref<2048xi32, #tpu.memory_space<hbm>> -> memref<64xi32, #tpu.memory_space<hbm>>
      %dma_wait3A_16 = tpu.memref_slice %arg3[%mul3A_2] : memref<2048xi32, #tpu.memory_space<hbm>> -> memref<64xi32, #tpu.memory_space<hbm>>
      tpu.wait_dma2 semaphore(%run_scoped3A : memref<!tpu.dma_semaphore, #tpu.memory_space<semaphore_mem>>) src(%dma_wait3A_16 : memref<64xi32, #tpu.memory_space<hbm>>) dst(%arg7 : memref<64xi32, #tpu.memory_space<vmem>>)
      tpu.yield
    }) : () -> ()
    "tpu.region"() ({
      %run_scoped3A = tpu.sem_alloc : memref<!tpu.dma_semaphore, #tpu.memory_space<semaphore_mem>>
      %dma_start3A_13 = tpu.memref_slice %arg4[%mul3A_2] : memref<2048xi32, #tpu.memory_space<hbm>> -> memref<64xi32, #tpu.memory_space<hbm>>
      %dma_start3A_14 = tpu.memref_slice %arg4[%mul3A_2] : memref<2048xi32, #tpu.memory_space<hbm>> -> memref<64xi32, #tpu.memory_space<hbm>>
      tpu.enqueue_dma source(%dma_start3A_14 : memref<64xi32, #tpu.memory_space<hbm>>) target(%arg8 : memref<64xi32, #tpu.memory_space<vmem>>) target_semaphore(%run_scoped3A : memref<!tpu.dma_semaphore, #tpu.memory_space<semaphore_mem>>)
      %dma_wait3A_15 = tpu.memref_slice %arg4[%mul3A_2] : memref<2048xi32, #tpu.memory_space<hbm>> -> memref<64xi32, #tpu.memory_space<hbm>>
      %dma_wait3A_16 = tpu.memref_slice %arg4[%mul3A_2] : memref<2048xi32, #tpu.memory_space<hbm>> -> memref<64xi32, #tpu.memory_space<hbm>>
      tpu.wait_dma2 semaphore(%run_scoped3A : memref<!tpu.dma_semaphore, #tpu.memory_space<semaphore_mem>>) src(%dma_wait3A_16 : memref<64xi32, #tpu.memory_space<hbm>>) dst(%arg8 : memref<64xi32, #tpu.memory_space<vmem>>)
      tpu.yield
    }) : () -> ()
    %dma_start3A = arith.constant 0 : i32
    %dma_start3A_3 = arith.constant 0 : i32
    %dma_start3A_4 = tpu.memref_slice %arg5[%dma_start3A, %dma_start3A_3] : memref<5120x768xf32, #tpu.memory_space<hbm>> -> memref<5120x768xf32, #tpu.memory_space<hbm>>
    tpu.enqueue_indirect_dma source(%arg6 : memref<64x768xf32, #tpu.memory_space<vmem>>) target(%dma_start3A_4 : memref<5120x768xf32, #tpu.memory_space<hbm>>) offsets(%arg7 : memref<64xi32, #tpu.memory_space<vmem>>) semaphore(%arg9 : memref<!tpu.dma_semaphore, #tpu.memory_space<semaphore_mem>>)
    %dma_start3A_5 = arith.constant 0 : i32
    %dma_start3A_6 = arith.constant 0 : i32
    %dma_start3A_7 = tpu.memref_slice %arg5[%dma_start3A_5, %dma_start3A_6] : memref<5120x768xf32, #tpu.memory_space<hbm>> -> memref<5120x768xf32, #tpu.memory_space<hbm>>
    tpu.enqueue_indirect_dma source(%arg6 : memref<64x768xf32, #tpu.memory_space<vmem>>) target(%dma_start3A_7 : memref<5120x768xf32, #tpu.memory_space<hbm>>) offsets(%arg8 : memref<64xi32, #tpu.memory_space<vmem>>) semaphore(%arg9 : memref<!tpu.dma_semaphore, #tpu.memory_space<semaphore_mem>>)
    %dma_wait3A = arith.constant 0 : i32
    %dma_wait3A_8 = arith.constant 0 : i32
    %dma_wait3A_9 = tpu.memref_slice %arg5[%dma_wait3A, %dma_wait3A_8] : memref<5120x768xf32, #tpu.memory_space<hbm>> -> memref<5120x768xf32, #tpu.memory_space<hbm>>
    tpu.wait_indirect_dma semaphore(%arg9 : memref<!tpu.dma_semaphore, #tpu.memory_space<semaphore_mem>>) src(%arg6 : memref<64x768xf32, #tpu.memory_space<vmem>>) dst(%dma_wait3A_9 : memref<5120x768xf32, #tpu.memory_space<hbm>>)
    %dma_wait3A_10 = arith.constant 0 : i32
    %dma_wait3A_11 = arith.constant 0 : i32
    %dma_wait3A_12 = tpu.memref_slice %arg5[%dma_wait3A_10, %dma_wait3A_11] : memref<5120x768xf32, #tpu.memory_space<hbm>> -> memref<5120x768xf32, #tpu.memory_space<hbm>>
    tpu.wait_indirect_dma semaphore(%arg9 : memref<!tpu.dma_semaphore, #tpu.memory_space<semaphore_mem>>) src(%arg6 : memref<64x768xf32, #tpu.memory_space<vmem>>) dst(%dma_wait3A_12 : memref<5120x768xf32, #tpu.memory_space<hbm>>)
    return
  }
}

#map = affine_map<(d0, d1) -> (0, 0)>
#map1 = affine_map<(d0, d1) -> (0)>
module attributes {stable_mosaic.version = 14 : i64} {
  func.func @_combine_body(%arg0: i32, %arg1: i32, %arg2: memref<5120x768xf32, #tpu.memory_space<hbm>>, %arg3: memref<2048xi32, #tpu.memory_space<hbm>>, %arg4: memref<2048xi32, #tpu.memory_space<hbm>>, %arg5: memref<2048x128xf32, #tpu.memory_space<hbm>>, %arg6: memref<2048x768xf32, #tpu.memory_space<hbm>>, %arg7: memref<64x768xf32, #tpu.memory_space<vmem>>, %arg8: memref<64x768xf32, #tpu.memory_space<vmem>>, %arg9: memref<64xi32, #tpu.memory_space<vmem>>, %arg10: memref<64xi32, #tpu.memory_space<vmem>>, %arg11: memref<64x128xf32, #tpu.memory_space<vmem>>, %arg12: memref<!tpu.dma_semaphore, #tpu.memory_space<semaphore_mem>>) attributes {dimension_semantics = [#tpu.dimension_semantics<core_parallel>, #tpu.dimension_semantics<subcore_parallel>], iteration_bounds = array<i64: 2, 16>, scalar_prefetch = 0 : i64, scratch_operands = 6 : i64, tpu.core_type = #tpu.core_type<sc_vector_subcore>, window_params = [{transform_indices = #map}, {transform_indices = #map1}, {transform_indices = #map1}, {transform_indices = #map}, {transform_indices = #map}]} {
    %mul3A = arith.constant 2 : i32
    %mul3A_0 = arith.muli %arg1, %mul3A : i32
    %add3A = arith.addi %mul3A_0, %arg0 : i32
    %mul3A_1 = arith.constant 64 : i32
    %mul3A_2 = arith.muli %add3A, %mul3A_1 : i32
    "tpu.region"() ({
      %run_scoped3A = tpu.sem_alloc : memref<!tpu.dma_semaphore, #tpu.memory_space<semaphore_mem>>
      %dma_start3A_19 = tpu.memref_slice %arg3[%mul3A_2] : memref<2048xi32, #tpu.memory_space<hbm>> -> memref<64xi32, #tpu.memory_space<hbm>>
      %dma_start3A_20 = tpu.memref_slice %arg3[%mul3A_2] : memref<2048xi32, #tpu.memory_space<hbm>> -> memref<64xi32, #tpu.memory_space<hbm>>
      tpu.enqueue_dma source(%dma_start3A_20 : memref<64xi32, #tpu.memory_space<hbm>>) target(%arg9 : memref<64xi32, #tpu.memory_space<vmem>>) target_semaphore(%run_scoped3A : memref<!tpu.dma_semaphore, #tpu.memory_space<semaphore_mem>>)
      %dma_wait3A_21 = tpu.memref_slice %arg3[%mul3A_2] : memref<2048xi32, #tpu.memory_space<hbm>> -> memref<64xi32, #tpu.memory_space<hbm>>
      %dma_wait3A_22 = tpu.memref_slice %arg3[%mul3A_2] : memref<2048xi32, #tpu.memory_space<hbm>> -> memref<64xi32, #tpu.memory_space<hbm>>
      tpu.wait_dma2 semaphore(%run_scoped3A : memref<!tpu.dma_semaphore, #tpu.memory_space<semaphore_mem>>) src(%dma_wait3A_22 : memref<64xi32, #tpu.memory_space<hbm>>) dst(%arg9 : memref<64xi32, #tpu.memory_space<vmem>>)
      tpu.yield
    }) : () -> ()
    "tpu.region"() ({
      %run_scoped3A = tpu.sem_alloc : memref<!tpu.dma_semaphore, #tpu.memory_space<semaphore_mem>>
      %dma_start3A_19 = tpu.memref_slice %arg4[%mul3A_2] : memref<2048xi32, #tpu.memory_space<hbm>> -> memref<64xi32, #tpu.memory_space<hbm>>
      %dma_start3A_20 = tpu.memref_slice %arg4[%mul3A_2] : memref<2048xi32, #tpu.memory_space<hbm>> -> memref<64xi32, #tpu.memory_space<hbm>>
      tpu.enqueue_dma source(%dma_start3A_20 : memref<64xi32, #tpu.memory_space<hbm>>) target(%arg10 : memref<64xi32, #tpu.memory_space<vmem>>) target_semaphore(%run_scoped3A : memref<!tpu.dma_semaphore, #tpu.memory_space<semaphore_mem>>)
      %dma_wait3A_21 = tpu.memref_slice %arg4[%mul3A_2] : memref<2048xi32, #tpu.memory_space<hbm>> -> memref<64xi32, #tpu.memory_space<hbm>>
      %dma_wait3A_22 = tpu.memref_slice %arg4[%mul3A_2] : memref<2048xi32, #tpu.memory_space<hbm>> -> memref<64xi32, #tpu.memory_space<hbm>>
      tpu.wait_dma2 semaphore(%run_scoped3A : memref<!tpu.dma_semaphore, #tpu.memory_space<semaphore_mem>>) src(%dma_wait3A_22 : memref<64xi32, #tpu.memory_space<hbm>>) dst(%arg10 : memref<64xi32, #tpu.memory_space<vmem>>)
      tpu.yield
    }) : () -> ()
    "tpu.region"() ({
      %run_scoped3A = tpu.sem_alloc : memref<!tpu.dma_semaphore, #tpu.memory_space<semaphore_mem>>
      %dma_start3A_19 = arith.constant 0 : i32
      %dma_start3A_20 = tpu.memref_slice %arg5[%mul3A_2, %dma_start3A_19] : memref<2048x128xf32, #tpu.memory_space<hbm>> -> memref<64x128xf32, #tpu.memory_space<hbm>>
      %dma_start3A_21 = arith.constant 0 : i32
      %dma_start3A_22 = tpu.memref_slice %arg5[%mul3A_2, %dma_start3A_21] : memref<2048x128xf32, #tpu.memory_space<hbm>> -> memref<64x128xf32, #tpu.memory_space<hbm>>
      tpu.enqueue_dma source(%dma_start3A_22 : memref<64x128xf32, #tpu.memory_space<hbm>>) target(%arg11 : memref<64x128xf32, #tpu.memory_space<vmem>>) target_semaphore(%run_scoped3A : memref<!tpu.dma_semaphore, #tpu.memory_space<semaphore_mem>>)
      %dma_wait3A_23 = arith.constant 0 : i32
      %dma_wait3A_24 = tpu.memref_slice %arg5[%mul3A_2, %dma_wait3A_23] : memref<2048x128xf32, #tpu.memory_space<hbm>> -> memref<64x128xf32, #tpu.memory_space<hbm>>
      %dma_wait3A_25 = arith.constant 0 : i32
      %dma_wait3A_26 = tpu.memref_slice %arg5[%mul3A_2, %dma_wait3A_25] : memref<2048x128xf32, #tpu.memory_space<hbm>> -> memref<64x128xf32, #tpu.memory_space<hbm>>
      tpu.wait_dma2 semaphore(%run_scoped3A : memref<!tpu.dma_semaphore, #tpu.memory_space<semaphore_mem>>) src(%dma_wait3A_26 : memref<64x128xf32, #tpu.memory_space<hbm>>) dst(%arg11 : memref<64x128xf32, #tpu.memory_space<vmem>>)
      tpu.yield
    }) : () -> ()
    %dma_start3A = arith.constant 0 : i32
    %dma_start3A_3 = arith.constant 0 : i32
    %dma_start3A_4 = tpu.memref_slice %arg2[%dma_start3A, %dma_start3A_3] : memref<5120x768xf32, #tpu.memory_space<hbm>> -> memref<5120x768xf32, #tpu.memory_space<hbm>>
    tpu.enqueue_indirect_dma source(%dma_start3A_4 : memref<5120x768xf32, #tpu.memory_space<hbm>>) target(%arg7 : memref<64x768xf32, #tpu.memory_space<vmem>>) offsets(%arg9 : memref<64xi32, #tpu.memory_space<vmem>>) semaphore(%arg12 : memref<!tpu.dma_semaphore, #tpu.memory_space<semaphore_mem>>)
    %dma_start3A_5 = arith.constant 0 : i32
    %dma_start3A_6 = arith.constant 0 : i32
    %dma_start3A_7 = tpu.memref_slice %arg2[%dma_start3A_5, %dma_start3A_6] : memref<5120x768xf32, #tpu.memory_space<hbm>> -> memref<5120x768xf32, #tpu.memory_space<hbm>>
    tpu.enqueue_indirect_dma source(%dma_start3A_7 : memref<5120x768xf32, #tpu.memory_space<hbm>>) target(%arg8 : memref<64x768xf32, #tpu.memory_space<vmem>>) offsets(%arg10 : memref<64xi32, #tpu.memory_space<vmem>>) semaphore(%arg12 : memref<!tpu.dma_semaphore, #tpu.memory_space<semaphore_mem>>)
    %dma_wait3A = arith.constant 0 : i32
    %dma_wait3A_8 = arith.constant 0 : i32
    %dma_wait3A_9 = tpu.memref_slice %arg2[%dma_wait3A, %dma_wait3A_8] : memref<5120x768xf32, #tpu.memory_space<hbm>> -> memref<5120x768xf32, #tpu.memory_space<hbm>>
    tpu.wait_indirect_dma semaphore(%arg12 : memref<!tpu.dma_semaphore, #tpu.memory_space<semaphore_mem>>) src(%dma_wait3A_9 : memref<5120x768xf32, #tpu.memory_space<hbm>>) dst(%arg7 : memref<64x768xf32, #tpu.memory_space<vmem>>)
    %dma_wait3A_10 = arith.constant 0 : i32
    %dma_wait3A_11 = arith.constant 0 : i32
    %dma_wait3A_12 = tpu.memref_slice %arg2[%dma_wait3A_10, %dma_wait3A_11] : memref<5120x768xf32, #tpu.memory_space<hbm>> -> memref<5120x768xf32, #tpu.memory_space<hbm>>
    tpu.wait_indirect_dma semaphore(%arg12 : memref<!tpu.dma_semaphore, #tpu.memory_space<semaphore_mem>>) src(%dma_wait3A_12 : memref<5120x768xf32, #tpu.memory_space<hbm>>) dst(%arg8 : memref<64x768xf32, #tpu.memory_space<vmem>>)
    %scan3A = arith.constant 0 : i32
    %scan3A_13 = arith.constant 0 : i32
    %scan3A_14 = arith.constant 64 : i32
    %scan3A_15 = arith.addi %scan3A_13, %scan3A_14 : i32
    %scan3A_16 = arith.constant 1 : i32
    %scan3A_17 = scf.for %scan3A_19 = %scan3A_13 to %scan3A_15 step %scan3A_16 iter_args(%scan3A_20 = %scan3A) -> (i32)  : i32 {
      %get3A = arith.index_cast %scan3A_19 : i32 to index
      %get3A_21 = arith.constant 0 : index
      %get3A_22 = tpu.vector_load %arg11[%get3A, %get3A_21] {strides = array<i32>} : memref<64x128xf32, #tpu.memory_space<vmem>>, vector<1x16xf32>,
      %get3A_23 = vector.shape_cast %get3A_22 : vector<1x16xf32> to vector<16xf32>
      %get3A_24 = arith.index_cast %scan3A_19 : i32 to index
      %get3A_25 = arith.constant 16 : index
      %get3A_26 = tpu.vector_load %arg11[%get3A_24, %get3A_25] {strides = array<i32>} : memref<64x128xf32, #tpu.memory_space<vmem>>, vector<1x16xf32>,
      %get3A_27 = vector.shape_cast %get3A_26 : vector<1x16xf32> to vector<16xf32>
      %get3A_28 = arith.index_cast %scan3A_19 : i32 to index
      %get3A_29 = arith.constant 0 : index
      %get3A_30 = tpu.vector_load %arg7[%get3A_28, %get3A_29] {strides = array<i32>} : memref<64x768xf32, #tpu.memory_space<vmem>>, vector<1x16xf32>,
      %get3A_31 = vector.shape_cast %get3A_30 : vector<1x16xf32> to vector<16xf32>
      %mul3A_32 = arith.mulf %get3A_23, %get3A_31 : vector<16xf32>
      %get3A_33 = arith.index_cast %scan3A_19 : i32 to index
      %get3A_34 = arith.constant 0 : index
      %get3A_35 = tpu.vector_load %arg8[%get3A_33, %get3A_34] {strides = array<i32>} : memref<64x768xf32, #tpu.memory_space<vmem>>, vector<1x16xf32>,
      %get3A_36 = vector.shape_cast %get3A_35 : vector<1x16xf32> to vector<16xf32>
      %mul3A_37 = arith.mulf %get3A_27, %get3A_36 : vector<16xf32>
      %add3A_38 = arith.addf %mul3A_32, %mul3A_37 : vector<16xf32>
      %swap3A = arith.index_cast %scan3A_19 : i32 to index
      %swap3A_39 = arith.constant 0 : index
      %swap3A_40 = tpu.vector_load %arg7[%swap3A, %swap3A_39] {strides = array<i32>} : memref<64x768xf32, #tpu.memory_space<vmem>>, vector<1x16xf32>,
      %swap3A_41 = vector.shape_cast %swap3A_40 : vector<1x16xf32> to vector<16xf32>
      %swap3A_42 = vector.shape_cast %add3A_38 : vector<16xf32> to vector<1x16xf32>
      tpu.vector_store %arg7[%swap3A, %swap3A_39], %swap3A_42 {strides = array<i32>} : memref<64x768xf32, #tpu.memory_space<vmem>>, vector<1x16xf32>,
      %get3A_43 = arith.index_cast %scan3A_19 : i32 to index
      %get3A_44 = arith.constant 16 : index
      %get3A_45 = tpu.vector_load %arg7[%get3A_43, %get3A_44] {strides = array<i32>} : memref<64x768xf32, #tpu.memory_space<vmem>>, vector<1x16xf32>,
      %get3A_46 = vector.shape_cast %get3A_45 : vector<1x16xf32> to vector<16xf32>
      %mul3A_47 = arith.mulf %get3A_23, %get3A_46 : vector<16xf32>
      %get3A_48 = arith.index_cast %scan3A_19 : i32 to index
      %get3A_49 = arith.constant 16 : index
      %get3A_50 = tpu.vector_load %arg8[%get3A_48, %get3A_49] {strides = array<i32>} : memref<64x768xf32, #tpu.memory_space<vmem>>, vector<1x16xf32>,
      %get3A_51 = vector.shape_cast %get3A_50 : vector<1x16xf32> to vector<16xf32>
      %mul3A_52 = arith.mulf %get3A_27, %get3A_51 : vector<16xf32>
      %add3A_53 = arith.addf %mul3A_47, %mul3A_52 : vector<16xf32>
      %swap3A_54 = arith.index_cast %scan3A_19 : i32 to index
      %swap3A_55 = arith.constant 16 : index
      %swap3A_56 = tpu.vector_load %arg7[%swap3A_54, %swap3A_55] {strides = array<i32>} : memref<64x768xf32, #tpu.memory_space<vmem>>, vector<1x16xf32>,
      %swap3A_57 = vector.shape_cast %swap3A_56 : vector<1x16xf32> to vector<16xf32>
      %swap3A_58 = vector.shape_cast %add3A_53 : vector<16xf32> to vector<1x16xf32>
      tpu.vector_store %arg7[%swap3A_54, %swap3A_55], %swap3A_58 {strides = array<i32>} : memref<64x768xf32, #tpu.memory_space<vmem>>, vector<1x16xf32>,
      %get3A_59 = arith.index_cast %scan3A_19 : i32 to index
      %get3A_60 = arith.constant 32 : index
      %get3A_61 = tpu.vector_load %arg7[%get3A_59, %get3A_60] {strides = array<i32>} : memref<64x768xf32, #tpu.memory_space<vmem>>, vector<1x16xf32>,
      %get3A_62 = vector.shape_cast %get3A_61 : vector<1x16xf32> to vector<16xf32>
      %mul3A_63 = arith.mulf %get3A_23, %get3A_62 : vector<16xf32>
      %get3A_64 = arith.index_cast %scan3A_19 : i32 to index
      %get3A_65 = arith.constant 32 : index
      %get3A_66 = tpu.vector_load %arg8[%get3A_64, %get3A_65] {strides = array<i32>} : memref<64x768xf32, #tpu.memory_space<vmem>>, vector<1x16xf32>,
      %get3A_67 = vector.shape_cast %get3A_66 : vector<1x16xf32> to vector<16xf32>
      %mul3A_68 = arith.mulf %get3A_27, %get3A_67 : vector<16xf32>
      %add3A_69 = arith.addf %mul3A_63, %mul3A_68 : vector<16xf32>
      %swap3A_70 = arith.index_cast %scan3A_19 : i32 to index
      %swap3A_71 = arith.constant 32 : index
      %swap3A_72 = tpu.vector_load %arg7[%swap3A_70, %swap3A_71] {strides = array<i32>} : memref<64x768xf32, #tpu.memory_space<vmem>>, vector<1x16xf32>,
      %swap3A_73 = vector.shape_cast %swap3A_72 : vector<1x16xf32> to vector<16xf32>
      %swap3A_74 = vector.shape_cast %add3A_69 : vector<16xf32> to vector<1x16xf32>
      tpu.vector_store %arg7[%swap3A_70, %swap3A_71], %swap3A_74 {strides = array<i32>} : memref<64x768xf32, #tpu.memory_space<vmem>>, vector<1x16xf32>,
      %get3A_75 = arith.index_cast %scan3A_19 : i32 to index
      %get3A_76 = arith.constant 48 : index
      %get3A_77 = tpu.vector_load %arg7[%get3A_75, %get3A_76] {strides = array<i32>} : memref<64x768xf32, #tpu.memory_space<vmem>>, vector<1x16xf32>,
      %get3A_78 = vector.shape_cast %get3A_77 : vector<1x16xf32> to vector<16xf32>
      %mul3A_79 = arith.mulf %get3A_23, %get3A_78 : vector<16xf32>
      %get3A_80 = arith.index_cast %scan3A_19 : i32 to index
      %get3A_81 = arith.constant 48 : index
      %get3A_82 = tpu.vector_load %arg8[%get3A_80, %get3A_81] {strides = array<i32>} : memref<64x768xf32, #tpu.memory_space<vmem>>, vector<1x16xf32>,
      %get3A_83 = vector.shape_cast %get3A_82 : vector<1x16xf32> to vector<16xf32>
      %mul3A_84 = arith.mulf %get3A_27, %get3A_83 : vector<16xf32>
      %add3A_85 = arith.addf %mul3A_79, %mul3A_84 : vector<16xf32>
      %swap3A_86 = arith.index_cast %scan3A_19 : i32 to index
      %swap3A_87 = arith.constant 48 : index
      %swap3A_88 = tpu.vector_load %arg7[%swap3A_86, %swap3A_87] {strides = array<i32>} : memref<64x768xf32, #tpu.memory_space<vmem>>, vector<1x16xf32>,
      %swap3A_89 = vector.shape_cast %swap3A_88 : vector<1x16xf32> to vector<16xf32>
      %swap3A_90 = vector.shape_cast %add3A_85 : vector<16xf32> to vector<1x16xf32>
      tpu.vector_store %arg7[%swap3A_86, %swap3A_87], %swap3A_90 {strides = array<i32>} : memref<64x768xf32, #tpu.memory_space<vmem>>, vector<1x16xf32>,
      %get3A_91 = arith.index_cast %scan3A_19 : i32 to index
      %get3A_92 = arith.constant 64 : index
      %get3A_93 = tpu.vector_load %arg7[%get3A_91, %get3A_92] {strides = array<i32>} : memref<64x768xf32, #tpu.memory_space<vmem>>, vector<1x16xf32>,
      %get3A_94 = vector.shape_cast %get3A_93 : vector<1x16xf32> to vector<16xf32>
      %mul3A_95 = arith.mulf %get3A_23, %get3A_94 : vector<16xf32>
      %get3A_96 = arith.index_cast %scan3A_19 : i32 to index
      %get3A_97 = arith.constant 64 : index
      %get3A_98 = tpu.vector_load %arg8[%get3A_96, %get3A_97] {strides = array<i32>} : memref<64x768xf32, #tpu.memory_space<vmem>>, vector<1x16xf32>,
      %get3A_99 = vector.shape_cast %get3A_98 : vector<1x16xf32> to vector<16xf32>
      %mul3A_100 = arith.mulf %get3A_27, %get3A_99 : vector<16xf32>
      %add3A_101 = arith.addf %mul3A_95, %mul3A_100 : vector<16xf32>
      %swap3A_102 = arith.index_cast %scan3A_19 : i32 to index
      %swap3A_103 = arith.constant 64 : index
      %swap3A_104 = tpu.vector_load %arg7[%swap3A_102, %swap3A_103] {strides = array<i32>} : memref<64x768xf32, #tpu.memory_space<vmem>>, vector<1x16xf32>,
      %swap3A_105 = vector.shape_cast %swap3A_104 : vector<1x16xf32> to vector<16xf32>
      %swap3A_106 = vector.shape_cast %add3A_101 : vector<16xf32> to vector<1x16xf32>
      tpu.vector_store %arg7[%swap3A_102, %swap3A_103], %swap3A_106 {strides = array<i32>} : memref<64x768xf32, #tpu.memory_space<vmem>>, vector<1x16xf32>,
      %get3A_107 = arith.index_cast %scan3A_19 : i32 to index
      %get3A_108 = arith.constant 80 : index
      %get3A_109 = tpu.vector_load %arg7[%get3A_107, %get3A_108] {strides = array<i32>} : memref<64x768xf32, #tpu.memory_space<vmem>>, vector<1x16xf32>,
      %get3A_110 = vector.shape_cast %get3A_109 : vector<1x16xf32> to vector<16xf32>
      %mul3A_111 = arith.mulf %get3A_23, %get3A_110 : vector<16xf32>
      %get3A_112 = arith.index_cast %scan3A_19 : i32 to index
      %get3A_113 = arith.constant 80 : index
      %get3A_114 = tpu.vector_load %arg8[%get3A_112, %get3A_113] {strides = array<i32>} : memref<64x768xf32, #tpu.memory_space<vmem>>, vector<1x16xf32>,
      %get3A_115 = vector.shape_cast %get3A_114 : vector<1x16xf32> to vector<16xf32>
      %mul3A_116 = arith.mulf %get3A_27, %get3A_115 : vector<16xf32>
      %add3A_117 = arith.addf %mul3A_111, %mul3A_116 : vector<16xf32>
      %swap3A_118 = arith.index_cast %scan3A_19 : i32 to index
      %swap3A_119 = arith.constant 80 : index
      %swap3A_120 = tpu.vector_load %arg7[%swap3A_118, %swap3A_119] {strides = array<i32>} : memref<64x768xf32, #tpu.memory_space<vmem>>, vector<1x16xf32>,
      %swap3A_121 = vector.shape_cast %swap3A_120 : vector<1x16xf32> to vector<16xf32>
      %swap3A_122 = vector.shape_cast %add3A_117 : vector<16xf32> to vector<1x16xf32>
      tpu.vector_store %arg7[%swap3A_118, %swap3A_119], %swap3A_122 {strides = array<i32>} : memref<64x768xf32, #tpu.memory_space<vmem>>, vector<1x16xf32>,
      %get3A_123 = arith.index_cast %scan3A_19 : i32 to index
      %get3A_124 = arith.constant 96 : index
      %get3A_125 = tpu.vector_load %arg7[%get3A_123, %get3A_124] {strides = array<i32>} : memref<64x768xf32, #tpu.memory_space<vmem>>, vector<1x16xf32>,
      %get3A_126 = vector.shape_cast %get3A_125 : vector<1x16xf32> to vector<16xf32>
      %mul3A_127 = arith.mulf %get3A_23, %get3A_126 : vector<16xf32>
      %get3A_128 = arith.index_cast %scan3A_19 : i32 to index
      %get3A_129 = arith.constant 96 : index
      %get3A_130 = tpu.vector_load %arg8[%get3A_128, %get3A_129] {strides = array<i32>} : memref<64x768xf32, #tpu.memory_space<vmem>>, vector<1x16xf32>,
      %get3A_131 = vector.shape_cast %get3A_130 : vector<1x16xf32> to vector<16xf32>
      %mul3A_132 = arith.mulf %get3A_27, %get3A_131 : vector<16xf32>
      %add3A_133 = arith.addf %mul3A_127, %mul3A_132 : vector<16xf32>
      %swap3A_134 = arith.index_cast %scan3A_19 : i32 to index
      %swap3A_135 = arith.constant 96 : index
      %swap3A_136 = tpu.vector_load %arg7[%swap3A_134, %swap3A_135] {strides = array<i32>} : memref<64x768xf32, #tpu.memory_space<vmem>>, vector<1x16xf32>,
      %swap3A_137 = vector.shape_cast %swap3A_136 : vector<1x16xf32> to vector<16xf32>
      %swap3A_138 = vector.shape_cast %add3A_133 : vector<16xf32> to vector<1x16xf32>
      tpu.vector_store %arg7[%swap3A_134, %swap3A_135], %swap3A_138 {strides = array<i32>} : memref<64x768xf32, #tpu.memory_space<vmem>>, vector<1x16xf32>,
      %get3A_139 = arith.index_cast %scan3A_19 : i32 to index
      %get3A_140 = arith.constant 112 : index
      %get3A_141 = tpu.vector_load %arg7[%get3A_139, %get3A_140] {strides = array<i32>} : memref<64x768xf32, #tpu.memory_space<vmem>>, vector<1x16xf32>,
      %get3A_142 = vector.shape_cast %get3A_141 : vector<1x16xf32> to vector<16xf32>
      %mul3A_143 = arith.mulf %get3A_23, %get3A_142 : vector<16xf32>
      %get3A_144 = arith.index_cast %scan3A_19 : i32 to index
      %get3A_145 = arith.constant 112 : index
      %get3A_146 = tpu.vector_load %arg8[%get3A_144, %get3A_145] {strides = array<i32>} : memref<64x768xf32, #tpu.memory_space<vmem>>, vector<1x16xf32>,
      %get3A_147 = vector.shape_cast %get3A_146 : vector<1x16xf32> to vector<16xf32>
      %mul3A_148 = arith.mulf %get3A_27, %get3A_147 : vector<16xf32>
      %add3A_149 = arith.addf %mul3A_143, %mul3A_148 : vector<16xf32>
      %swap3A_150 = arith.index_cast %scan3A_19 : i32 to index
      %swap3A_151 = arith.constant 112 : index
      %swap3A_152 = tpu.vector_load %arg7[%swap3A_150, %swap3A_151] {strides = array<i32>} : memref<64x768xf32, #tpu.memory_space<vmem>>, vector<1x16xf32>,
      %swap3A_153 = vector.shape_cast %swap3A_152 : vector<1x16xf32> to vector<16xf32>
      %swap3A_154 = vector.shape_cast %add3A_149 : vector<16xf32> to vector<1x16xf32>
      tpu.vector_store %arg7[%swap3A_150, %swap3A_151], %swap3A_154 {strides = array<i32>} : memref<64x768xf32, #tpu.memory_space<vmem>>, vector<1x16xf32>,
      %get3A_155 = arith.index_cast %scan3A_19 : i32 to index
      %get3A_156 = arith.constant 128 : index
      %get3A_157 = tpu.vector_load %arg7[%get3A_155, %get3A_156] {strides = array<i32>} : memref<64x768xf32, #tpu.memory_space<vmem>>, vector<1x16xf32>,
      %get3A_158 = vector.shape_cast %get3A_157 : vector<1x16xf32> to vector<16xf32>
      %mul3A_159 = arith.mulf %get3A_23, %get3A_158 : vector<16xf32>
      %get3A_160 = arith.index_cast %scan3A_19 : i32 to index
      %get3A_161 = arith.constant 128 : index
      %get3A_162 = tpu.vector_load %arg8[%get3A_160, %get3A_161] {strides = array<i32>} : memref<64x768xf32, #tpu.memory_space<vmem>>, vector<1x16xf32>,
      %get3A_163 = vector.shape_cast %get3A_162 : vector<1x16xf32> to vector<16xf32>
      %mul3A_164 = arith.mulf %get3A_27, %get3A_163 : vector<16xf32>
      %add3A_165 = arith.addf %mul3A_159, %mul3A_164 : vector<16xf32>
      %swap3A_166 = arith.index_cast %scan3A_19 : i32 to index
      %swap3A_167 = arith.constant 128 : index
      %swap3A_168 = tpu.vector_load %arg7[%swap3A_166, %swap3A_167] {strides = array<i32>} : memref<64x768xf32, #tpu.memory_space<vmem>>, vector<1x16xf32>,
      %swap3A_169 = vector.shape_cast %swap3A_168 : vector<1x16xf32> to vector<16xf32>
      %swap3A_170 = vector.shape_cast %add3A_165 : vector<16xf32> to vector<1x16xf32>
      tpu.vector_store %arg7[%swap3A_166, %swap3A_167], %swap3A_170 {strides = array<i32>} : memref<64x768xf32, #tpu.memory_space<vmem>>, vector<1x16xf32>,
      %get3A_171 = arith.index_cast %scan3A_19 : i32 to index
      %get3A_172 = arith.constant 144 : index
      %get3A_173 = tpu.vector_load %arg7[%get3A_171, %get3A_172] {strides = array<i32>} : memref<64x768xf32, #tpu.memory_space<vmem>>, vector<1x16xf32>,
      %get3A_174 = vector.shape_cast %get3A_173 : vector<1x16xf32> to vector<16xf32>
      %mul3A_175 = arith.mulf %get3A_23, %get3A_174 : vector<16xf32>
      %get3A_176 = arith.index_cast %scan3A_19 : i32 to index
      %get3A_177 = arith.constant 144 : index
      %get3A_178 = tpu.vector_load %arg8[%get3A_176, %get3A_177] {strides = array<i32>} : memref<64x768xf32, #tpu.memory_space<vmem>>, vector<1x16xf32>,
      %get3A_179 = vector.shape_cast %get3A_178 : vector<1x16xf32> to vector<16xf32>
      %mul3A_180 = arith.mulf %get3A_27, %get3A_179 : vector<16xf32>
      %add3A_181 = arith.addf %mul3A_175, %mul3A_180 : vector<16xf32>
      %swap3A_182 = arith.index_cast %scan3A_19 : i32 to index
      %swap3A_183 = arith.constant 144 : index
      %swap3A_184 = tpu.vector_load %arg7[%swap3A_182, %swap3A_183] {strides = array<i32>} : memref<64x768xf32, #tpu.memory_space<vmem>>, vector<1x16xf32>,
      %swap3A_185 = vector.shape_cast %swap3A_184 : vector<1x16xf32> to vector<16xf32>
      %swap3A_186 = vector.shape_cast %add3A_181 : vector<16xf32> to vector<1x16xf32>
      tpu.vector_store %arg7[%swap3A_182, %swap3A_183], %swap3A_186 {strides = array<i32>} : memref<64x768xf32, #tpu.memory_space<vmem>>, vector<1x16xf32>,
      %get3A_187 = arith.index_cast %scan3A_19 : i32 to index
      %get3A_188 = arith.constant 160 : index
      %get3A_189 = tpu.vector_load %arg7[%get3A_187, %get3A_188] {strides = array<i32>} : memref<64x768xf32, #tpu.memory_space<vmem>>, vector<1x16xf32>,
      %get3A_190 = vector.shape_cast %get3A_189 : vector<1x16xf32> to vector<16xf32>
      %mul3A_191 = arith.mulf %get3A_23, %get3A_190 : vector<16xf32>
      %get3A_192 = arith.index_cast %scan3A_19 : i32 to index
      %get3A_193 = arith.constant 160 : index
      %get3A_194 = tpu.vector_load %arg8[%get3A_192, %get3A_193] {strides = array<i32>} : memref<64x768xf32, #tpu.memory_space<vmem>>, vector<1x16xf32>,
      %get3A_195 = vector.shape_cast %get3A_194 : vector<1x16xf32> to vector<16xf32>
      %mul3A_196 = arith.mulf %get3A_27, %get3A_195 : vector<16xf32>
      %add3A_197 = arith.addf %mul3A_191, %mul3A_196 : vector<16xf32>
      %swap3A_198 = arith.index_cast %scan3A_19 : i32 to index
      %swap3A_199 = arith.constant 160 : index
      %swap3A_200 = tpu.vector_load %arg7[%swap3A_198, %swap3A_199] {strides = array<i32>} : memref<64x768xf32, #tpu.memory_space<vmem>>, vector<1x16xf32>,
      %swap3A_201 = vector.shape_cast %swap3A_200 : vector<1x16xf32> to vector<16xf32>
      %swap3A_202 = vector.shape_cast %add3A_197 : vector<16xf32> to vector<1x16xf32>
      tpu.vector_store %arg7[%swap3A_198, %swap3A_199], %swap3A_202 {strides = array<i32>} : memref<64x768xf32, #tpu.memory_space<vmem>>, vector<1x16xf32>,
      %get3A_203 = arith.index_cast %scan3A_19 : i32 to index
      %get3A_204 = arith.constant 176 : index
      %get3A_205 = tpu.vector_load %arg7[%get3A_203, %get3A_204] {strides = array<i32>} : memref<64x768xf32, #tpu.memory_space<vmem>>, vector<1x16xf32>,
      %get3A_206 = vector.shape_cast %get3A_205 : vector<1x16xf32> to vector<16xf32>
      %mul3A_207 = arith.mulf %get3A_23, %get3A_206 : vector<16xf32>
      %get3A_208 = arith.index_cast %scan3A_19 : i32 to index
      %get3A_209 = arith.constant 176 : index
      %get3A_210 = tpu.vector_load %arg8[%get3A_208, %get3A_209] {strides = array<i32>} : memref<64x768xf32, #tpu.memory_space<vmem>>, vector<1x16xf32>,
      %get3A_211 = vector.shape_cast %get3A_210 : vector<1x16xf32> to vector<16xf32>
      %mul3A_212 = arith.mulf %get3A_27, %get3A_211 : vector<16xf32>
      %add3A_213 = arith.addf %mul3A_207, %mul3A_212 : vector<16xf32>
      %swap3A_214 = arith.index_cast %scan3A_19 : i32 to index
      %swap3A_215 = arith.constant 176 : index
      %swap3A_216 = tpu.vector_load %arg7[%swap3A_214, %swap3A_215] {strides = array<i32>} : memref<64x768xf32, #tpu.memory_space<vmem>>, vector<1x16xf32>,
      %swap3A_217 = vector.shape_cast %swap3A_216 : vector<1x16xf32> to vector<16xf32>
      %swap3A_218 = vector.shape_cast %add3A_213 : vector<16xf32> to vector<1x16xf32>
      tpu.vector_store %arg7[%swap3A_214, %swap3A_215], %swap3A_218 {strides = array<i32>} : memref<64x768xf32, #tpu.memory_space<vmem>>, vector<1x16xf32>,
      %get3A_219 = arith.index_cast %scan3A_19 : i32 to index
      %get3A_220 = arith.constant 192 : index
      %get3A_221 = tpu.vector_load %arg7[%get3A_219, %get3A_220] {strides = array<i32>} : memref<64x768xf32, #tpu.memory_space<vmem>>, vector<1x16xf32>,
      %get3A_222 = vector.shape_cast %get3A_221 : vector<1x16xf32> to vector<16xf32>
      %mul3A_223 = arith.mulf %get3A_23, %get3A_222 : vector<16xf32>
      %get3A_224 = arith.index_cast %scan3A_19 : i32 to index
      %get3A_225 = arith.constant 192 : index
      %get3A_226 = tpu.vector_load %arg8[%get3A_224, %get3A_225] {strides = array<i32>} : memref<64x768xf32, #tpu.memory_space<vmem>>, vector<1x16xf32>,
      %get3A_227 = vector.shape_cast %get3A_226 : vector<1x16xf32> to vector<16xf32>
      %mul3A_228 = arith.mulf %get3A_27, %get3A_227 : vector<16xf32>
      %add3A_229 = arith.addf %mul3A_223, %mul3A_228 : vector<16xf32>
      %swap3A_230 = arith.index_cast %scan3A_19 : i32 to index
      %swap3A_231 = arith.constant 192 : index
      %swap3A_232 = tpu.vector_load %arg7[%swap3A_230, %swap3A_231] {strides = array<i32>} : memref<64x768xf32, #tpu.memory_space<vmem>>, vector<1x16xf32>,
      %swap3A_233 = vector.shape_cast %swap3A_232 : vector<1x16xf32> to vector<16xf32>
      %swap3A_234 = vector.shape_cast %add3A_229 : vector<16xf32> to vector<1x16xf32>
      tpu.vector_store %arg7[%swap3A_230, %swap3A_231], %swap3A_234 {strides = array<i32>} : memref<64x768xf32, #tpu.memory_space<vmem>>, vector<1x16xf32>,
      %get3A_235 = arith.index_cast %scan3A_19 : i32 to index
      %get3A_236 = arith.constant 208 : index
      %get3A_237 = tpu.vector_load %arg7[%get3A_235, %get3A_236] {strides = array<i32>} : memref<64x768xf32, #tpu.memory_space<vmem>>, vector<1x16xf32>,
      %get3A_238 = vector.shape_cast %get3A_237 : vector<1x16xf32> to vector<16xf32>
      %mul3A_239 = arith.mulf %get3A_23, %get3A_238 : vector<16xf32>
      %get3A_240 = arith.index_cast %scan3A_19 : i32 to index
      %get3A_241 = arith.constant 208 : index
      %get3A_242 = tpu.vector_load %arg8[%get3A_240, %get3A_241] {strides = array<i32>} : memref<64x768xf32, #tpu.memory_space<vmem>>, vector<1x16xf32>,
      %get3A_243 = vector.shape_cast %get3A_242 : vector<1x16xf32> to vector<16xf32>
      %mul3A_244 = arith.mulf %get3A_27, %get3A_243 : vector<16xf32>
      %add3A_245 = arith.addf %mul3A_239, %mul3A_244 : vector<16xf32>
      %swap3A_246 = arith.index_cast %scan3A_19 : i32 to index
      %swap3A_247 = arith.constant 208 : index
      %swap3A_248 = tpu.vector_load %arg7[%swap3A_246, %swap3A_247] {strides = array<i32>} : memref<64x768xf32, #tpu.memory_space<vmem>>, vector<1x16xf32>,
      %swap3A_249 = vector.shape_cast %swap3A_248 : vector<1x16xf32> to vector<16xf32>
      %swap3A_250 = vector.shape_cast %add3A_245 : vector<16xf32> to vector<1x16xf32>
      tpu.vector_store %arg7[%swap3A_246, %swap3A_247], %swap3A_250 {strides = array<i32>} : memref<64x768xf32, #tpu.memory_space<vmem>>, vector<1x16xf32>,
      %get3A_251 = arith.index_cast %scan3A_19 : i32 to index
      %get3A_252 = arith.constant 224 : index
      %get3A_253 = tpu.vector_load %arg7[%get3A_251, %get3A_252] {strides = array<i32>} : memref<64x768xf32, #tpu.memory_space<vmem>>, vector<1x16xf32>,
      %get3A_254 = vector.shape_cast %get3A_253 : vector<1x16xf32> to vector<16xf32>
      %mul3A_255 = arith.mulf %get3A_23, %get3A_254 : vector<16xf32>
      %get3A_256 = arith.index_cast %scan3A_19 : i32 to index
      %get3A_257 = arith.constant 224 : index
      %get3A_258 = tpu.vector_load %arg8[%get3A_256, %get3A_257] {strides = array<i32>} : memref<64x768xf32, #tpu.memory_space<vmem>>, vector<1x16xf32>,
      %get3A_259 = vector.shape_cast %get3A_258 : vector<1x16xf32> to vector<16xf32>
      %mul3A_260 = arith.mulf %get3A_27, %get3A_259 : vector<16xf32>
      %add3A_261 = arith.addf %mul3A_255, %mul3A_260 : vector<16xf32>
      %swap3A_262 = arith.index_cast %scan3A_19 : i32 to index
      %swap3A_263 = arith.constant 224 : index
      %swap3A_264 = tpu.vector_load %arg7[%swap3A_262, %swap3A_263] {strides = array<i32>} : memref<64x768xf32, #tpu.memory_space<vmem>>, vector<1x16xf32>,
      %swap3A_265 = vector.shape_cast %swap3A_264 : vector<1x16xf32> to vector<16xf32>
      %swap3A_266 = vector.shape_cast %add3A_261 : vector<16xf32> to vector<1x16xf32>
      tpu.vector_store %arg7[%swap3A_262, %swap3A_263], %swap3A_266 {strides = array<i32>} : memref<64x768xf32, #tpu.memory_space<vmem>>, vector<1x16xf32>,
      %get3A_267 = arith.index_cast %scan3A_19 : i32 to index
      %get3A_268 = arith.constant 240 : index
      %get3A_269 = tpu.vector_load %arg7[%get3A_267, %get3A_268] {strides = array<i32>} : memref<64x768xf32, #tpu.memory_space<vmem>>, vector<1x16xf32>,
      %get3A_270 = vector.shape_cast %get3A_269 : vector<1x16xf32> to vector<16xf32>
      %mul3A_271 = arith.mulf %get3A_23, %get3A_270 : vector<16xf32>
      %get3A_272 = arith.index_cast %scan3A_19 : i32 to index
      %get3A_273 = arith.constant 240 : index
      %get3A_274 = tpu.vector_load %arg8[%get3A_272, %get3A_273] {strides = array<i32>} : memref<64x768xf32, #tpu.memory_space<vmem>>, vector<1x16xf32>,
      %get3A_275 = vector.shape_cast %get3A_274 : vector<1x16xf32> to vector<16xf32>
      %mul3A_276 = arith.mulf %get3A_27, %get3A_275 : vector<16xf32>
      %add3A_277 = arith.addf %mul3A_271, %mul3A_276 : vector<16xf32>
      %swap3A_278 = arith.index_cast %scan3A_19 : i32 to index
      %swap3A_279 = arith.constant 240 : index
      %swap3A_280 = tpu.vector_load %arg7[%swap3A_278, %swap3A_279] {strides = array<i32>} : memref<64x768xf32, #tpu.memory_space<vmem>>, vector<1x16xf32>,
      %swap3A_281 = vector.shape_cast %swap3A_280 : vector<1x16xf32> to vector<16xf32>
      %swap3A_282 = vector.shape_cast %add3A_277 : vector<16xf32> to vector<1x16xf32>
      tpu.vector_store %arg7[%swap3A_278, %swap3A_279], %swap3A_282 {strides = array<i32>} : memref<64x768xf32, #tpu.memory_space<vmem>>, vector<1x16xf32>,
      %get3A_283 = arith.index_cast %scan3A_19 : i32 to index
      %get3A_284 = arith.constant 256 : index
      %get3A_285 = tpu.vector_load %arg7[%get3A_283, %get3A_284] {strides = array<i32>} : memref<64x768xf32, #tpu.memory_space<vmem>>, vector<1x16xf32>,
      %get3A_286 = vector.shape_cast %get3A_285 : vector<1x16xf32> to vector<16xf32>
      %mul3A_287 = arith.mulf %get3A_23, %get3A_286 : vector<16xf32>
      %get3A_288 = arith.index_cast %scan3A_19 : i32 to index
      %get3A_289 = arith.constant 256 : index
      %get3A_290 = tpu.vector_load %arg8[%get3A_288, %get3A_289] {strides = array<i32>} : memref<64x768xf32, #tpu.memory_space<vmem>>, vector<1x16xf32>,
      %get3A_291 = vector.shape_cast %get3A_290 : vector<1x16xf32> to vector<16xf32>
      %mul3A_292 = arith.mulf %get3A_27, %get3A_291 : vector<16xf32>
      %add3A_293 = arith.addf %mul3A_287, %mul3A_292 : vector<16xf32>
      %swap3A_294 = arith.index_cast %scan3A_19 : i32 to index
      %swap3A_295 = arith.constant 256 : index
      %swap3A_296 = tpu.vector_load %arg7[%swap3A_294, %swap3A_295] {strides = array<i32>} : memref<64x768xf32, #tpu.memory_space<vmem>>, vector<1x16xf32>,
      %swap3A_297 = vector.shape_cast %swap3A_296 : vector<1x16xf32> to vector<16xf32>
      %swap3A_298 = vector.shape_cast %add3A_293 : vector<16xf32> to vector<1x16xf32>
      tpu.vector_store %arg7[%swap3A_294, %swap3A_295], %swap3A_298 {strides = array<i32>} : memref<64x768xf32, #tpu.memory_space<vmem>>, vector<1x16xf32>,
      %get3A_299 = arith.index_cast %scan3A_19 : i32 to index
      %get3A_300 = arith.constant 272 : index
      %get3A_301 = tpu.vector_load %arg7[%get3A_299, %get3A_300] {strides = array<i32>} : memref<64x768xf32, #tpu.memory_space<vmem>>, vector<1x16xf32>,
      %get3A_302 = vector.shape_cast %get3A_301 : vector<1x16xf32> to vector<16xf32>
      %mul3A_303 = arith.mulf %get3A_23, %get3A_302 : vector<16xf32>
      %get3A_304 = arith.index_cast %scan3A_19 : i32 to index
      %get3A_305 = arith.constant 272 : index
      %get3A_306 = tpu.vector_load %arg8[%get3A_304, %get3A_305] {strides = array<i32>} : memref<64x768xf32, #tpu.memory_space<vmem>>, vector<1x16xf32>,
      %get3A_307 = vector.shape_cast %get3A_306 : vector<1x16xf32> to vector<16xf32>
      %mul3A_308 = arith.mulf %get3A_27, %get3A_307 : vector<16xf32>
      %add3A_309 = arith.addf %mul3A_303, %mul3A_308 : vector<16xf32>
      %swap3A_310 = arith.index_cast %scan3A_19 : i32 to index
      %swap3A_311 = arith.constant 272 : index
      %swap3A_312 = tpu.vector_load %arg7[%swap3A_310, %swap3A_311] {strides = array<i32>} : memref<64x768xf32, #tpu.memory_space<vmem>>, vector<1x16xf32>,
      %swap3A_313 = vector.shape_cast %swap3A_312 : vector<1x16xf32> to vector<16xf32>
      %swap3A_314 = vector.shape_cast %add3A_309 : vector<16xf32> to vector<1x16xf32>
      tpu.vector_store %arg7[%swap3A_310, %swap3A_311], %swap3A_314 {strides = array<i32>} : memref<64x768xf32, #tpu.memory_space<vmem>>, vector<1x16xf32>,
      %get3A_315 = arith.index_cast %scan3A_19 : i32 to index
      %get3A_316 = arith.constant 288 : index
      %get3A_317 = tpu.vector_load %arg7[%get3A_315, %get3A_316] {strides = array<i32>} : memref<64x768xf32, #tpu.memory_space<vmem>>, vector<1x16xf32>,
      %get3A_318 = vector.shape_cast %get3A_317 : vector<1x16xf32> to vector<16xf32>
      %mul3A_319 = arith.mulf %get3A_23, %get3A_318 : vector<16xf32>
      %get3A_320 = arith.index_cast %scan3A_19 : i32 to index
      %get3A_321 = arith.constant 288 : index
      %get3A_322 = tpu.vector_load %arg8[%get3A_320, %get3A_321] {strides = array<i32>} : memref<64x768xf32, #tpu.memory_space<vmem>>, vector<1x16xf32>,
      %get3A_323 = vector.shape_cast %get3A_322 : vector<1x16xf32> to vector<16xf32>
      %mul3A_324 = arith.mulf %get3A_27, %get3A_323 : vector<16xf32>
      %add3A_325 = arith.addf %mul3A_319, %mul3A_324 : vector<16xf32>
      %swap3A_326 = arith.index_cast %scan3A_19 : i32 to index
      %swap3A_327 = arith.constant 288 : index
      %swap3A_328 = tpu.vector_load %arg7[%swap3A_326, %swap3A_327] {strides = array<i32>} : memref<64x768xf32, #tpu.memory_space<vmem>>, vector<1x16xf32>,
      %swap3A_329 = vector.shape_cast %swap3A_328 : vector<1x16xf32> to vector<16xf32>
      %swap3A_330 = vector.shape_cast %add3A_325 : vector<16xf32> to vector<1x16xf32>
      tpu.vector_store %arg7[%swap3A_326, %swap3A_327], %swap3A_330 {strides = array<i32>} : memref<64x768xf32, #tpu.memory_space<vmem>>, vector<1x16xf32>,
      %get3A_331 = arith.index_cast %scan3A_19 : i32 to index
      %get3A_332 = arith.constant 304 : index
      %get3A_333 = tpu.vector_load %arg7[%get3A_331, %get3A_332] {strides = array<i32>} : memref<64x768xf32, #tpu.memory_space<vmem>>, vector<1x16xf32>,
      %get3A_334 = vector.shape_cast %get3A_333 : vector<1x16xf32> to vector<16xf32>
      %mul3A_335 = arith.mulf %get3A_23, %get3A_334 : vector<16xf32>
      %get3A_336 = arith.index_cast %scan3A_19 : i32 to index
      %get3A_337 = arith.constant 304 : index
      %get3A_338 = tpu.vector_load %arg8[%get3A_336, %get3A_337] {strides = array<i32>} : memref<64x768xf32, #tpu.memory_space<vmem>>, vector<1x16xf32>,
      %get3A_339 = vector.shape_cast %get3A_338 : vector<1x16xf32> to vector<16xf32>
      %mul3A_340 = arith.mulf %get3A_27, %get3A_339 : vector<16xf32>
      %add3A_341 = arith.addf %mul3A_335, %mul3A_340 : vector<16xf32>
      %swap3A_342 = arith.index_cast %scan3A_19 : i32 to index
      %swap3A_343 = arith.constant 304 : index
      %swap3A_344 = tpu.vector_load %arg7[%swap3A_342, %swap3A_343] {strides = array<i32>} : memref<64x768xf32, #tpu.memory_space<vmem>>, vector<1x16xf32>,
      %swap3A_345 = vector.shape_cast %swap3A_344 : vector<1x16xf32> to vector<16xf32>
      %swap3A_346 = vector.shape_cast %add3A_341 : vector<16xf32> to vector<1x16xf32>
      tpu.vector_store %arg7[%swap3A_342, %swap3A_343], %swap3A_346 {strides = array<i32>} : memref<64x768xf32, #tpu.memory_space<vmem>>, vector<1x16xf32>,
      %get3A_347 = arith.index_cast %scan3A_19 : i32 to index
      %get3A_348 = arith.constant 320 : index
      %get3A_349 = tpu.vector_load %arg7[%get3A_347, %get3A_348] {strides = array<i32>} : memref<64x768xf32, #tpu.memory_space<vmem>>, vector<1x16xf32>,
      %get3A_350 = vector.shape_cast %get3A_349 : vector<1x16xf32> to vector<16xf32>
      %mul3A_351 = arith.mulf %get3A_23, %get3A_350 : vector<16xf32>
      %get3A_352 = arith.index_cast %scan3A_19 : i32 to index
      %get3A_353 = arith.constant 320 : index
      %get3A_354 = tpu.vector_load %arg8[%get3A_352, %get3A_353] {strides = array<i32>} : memref<64x768xf32, #tpu.memory_space<vmem>>, vector<1x16xf32>,
      %get3A_355 = vector.shape_cast %get3A_354 : vector<1x16xf32> to vector<16xf32>
      %mul3A_356 = arith.mulf %get3A_27, %get3A_355 : vector<16xf32>
      %add3A_357 = arith.addf %mul3A_351, %mul3A_356 : vector<16xf32>
      %swap3A_358 = arith.index_cast %scan3A_19 : i32 to index
      %swap3A_359 = arith.constant 320 : index
      %swap3A_360 = tpu.vector_load %arg7[%swap3A_358, %swap3A_359] {strides = array<i32>} : memref<64x768xf32, #tpu.memory_space<vmem>>, vector<1x16xf32>,
      %swap3A_361 = vector.shape_cast %swap3A_360 : vector<1x16xf32> to vector<16xf32>
      %swap3A_362 = vector.shape_cast %add3A_357 : vector<16xf32> to vector<1x16xf32>
      tpu.vector_store %arg7[%swap3A_358, %swap3A_359], %swap3A_362 {strides = array<i32>} : memref<64x768xf32, #tpu.memory_space<vmem>>, vector<1x16xf32>,
      %get3A_363 = arith.index_cast %scan3A_19 : i32 to index
      %get3A_364 = arith.constant 336 : index
      %get3A_365 = tpu.vector_load %arg7[%get3A_363, %get3A_364] {strides = array<i32>} : memref<64x768xf32, #tpu.memory_space<vmem>>, vector<1x16xf32>,
      %get3A_366 = vector.shape_cast %get3A_365 : vector<1x16xf32> to vector<16xf32>
      %mul3A_367 = arith.mulf %get3A_23, %get3A_366 : vector<16xf32>
      %get3A_368 = arith.index_cast %scan3A_19 : i32 to index
      %get3A_369 = arith.constant 336 : index
      %get3A_370 = tpu.vector_load %arg8[%get3A_368, %get3A_369] {strides = array<i32>} : memref<64x768xf32, #tpu.memory_space<vmem>>, vector<1x16xf32>,
      %get3A_371 = vector.shape_cast %get3A_370 : vector<1x16xf32> to vector<16xf32>
      %mul3A_372 = arith.mulf %get3A_27, %get3A_371 : vector<16xf32>
      %add3A_373 = arith.addf %mul3A_367, %mul3A_372 : vector<16xf32>
      %swap3A_374 = arith.index_cast %scan3A_19 : i32 to index
      %swap3A_375 = arith.constant 336 : index
      %swap3A_376 = tpu.vector_load %arg7[%swap3A_374, %swap3A_375] {strides = array<i32>} : memref<64x768xf32, #tpu.memory_space<vmem>>, vector<1x16xf32>,
      %swap3A_377 = vector.shape_cast %swap3A_376 : vector<1x16xf32> to vector<16xf32>
      %swap3A_378 = vector.shape_cast %add3A_373 : vector<16xf32> to vector<1x16xf32>
      tpu.vector_store %arg7[%swap3A_374, %swap3A_375], %swap3A_378 {strides = array<i32>} : memref<64x768xf32, #tpu.memory_space<vmem>>, vector<1x16xf32>,
      %get3A_379 = arith.index_cast %scan3A_19 : i32 to index
      %get3A_380 = arith.constant 352 : index
      %get3A_381 = tpu.vector_load %arg7[%get3A_379, %get3A_380] {strides = array<i32>} : memref<64x768xf32, #tpu.memory_space<vmem>>, vector<1x16xf32>,
      %get3A_382 = vector.shape_cast %get3A_381 : vector<1x16xf32> to vector<16xf32>
      %mul3A_383 = arith.mulf %get3A_23, %get3A_382 : vector<16xf32>
      %get3A_384 = arith.index_cast %scan3A_19 : i32 to index
      %get3A_385 = arith.constant 352 : index
      %get3A_386 = tpu.vector_load %arg8[%get3A_384, %get3A_385] {strides = array<i32>} : memref<64x768xf32, #tpu.memory_space<vmem>>, vector<1x16xf32>,
      %get3A_387 = vector.shape_cast %get3A_386 : vector<1x16xf32> to vector<16xf32>
      %mul3A_388 = arith.mulf %get3A_27, %get3A_387 : vector<16xf32>
      %add3A_389 = arith.addf %mul3A_383, %mul3A_388 : vector<16xf32>
      %swap3A_390 = arith.index_cast %scan3A_19 : i32 to index
      %swap3A_391 = arith.constant 352 : index
      %swap3A_392 = tpu.vector_load %arg7[%swap3A_390, %swap3A_391] {strides = array<i32>} : memref<64x768xf32, #tpu.memory_space<vmem>>, vector<1x16xf32>,
      %swap3A_393 = vector.shape_cast %swap3A_392 : vector<1x16xf32> to vector<16xf32>
      %swap3A_394 = vector.shape_cast %add3A_389 : vector<16xf32> to vector<1x16xf32>
      tpu.vector_store %arg7[%swap3A_390, %swap3A_391], %swap3A_394 {strides = array<i32>} : memref<64x768xf32, #tpu.memory_space<vmem>>, vector<1x16xf32>,
      %get3A_395 = arith.index_cast %scan3A_19 : i32 to index
      %get3A_396 = arith.constant 368 : index
      %get3A_397 = tpu.vector_load %arg7[%get3A_395, %get3A_396] {strides = array<i32>} : memref<64x768xf32, #tpu.memory_space<vmem>>, vector<1x16xf32>,
      %get3A_398 = vector.shape_cast %get3A_397 : vector<1x16xf32> to vector<16xf32>
      %mul3A_399 = arith.mulf %get3A_23, %get3A_398 : vector<16xf32>
      %get3A_400 = arith.index_cast %scan3A_19 : i32 to index
      %get3A_401 = arith.constant 368 : index
      %get3A_402 = tpu.vector_load %arg8[%get3A_400, %get3A_401] {strides = array<i32>} : memref<64x768xf32, #tpu.memory_space<vmem>>, vector<1x16xf32>,
      %get3A_403 = vector.shape_cast %get3A_402 : vector<1x16xf32> to vector<16xf32>
      %mul3A_404 = arith.mulf %get3A_27, %get3A_403 : vector<16xf32>
      %add3A_405 = arith.addf %mul3A_399, %mul3A_404 : vector<16xf32>
      %swap3A_406 = arith.index_cast %scan3A_19 : i32 to index
      %swap3A_407 = arith.constant 368 : index
      %swap3A_408 = tpu.vector_load %arg7[%swap3A_406, %swap3A_407] {strides = array<i32>} : memref<64x768xf32, #tpu.memory_space<vmem>>, vector<1x16xf32>,
      %swap3A_409 = vector.shape_cast %swap3A_408 : vector<1x16xf32> to vector<16xf32>
      %swap3A_410 = vector.shape_cast %add3A_405 : vector<16xf32> to vector<1x16xf32>
      tpu.vector_store %arg7[%swap3A_406, %swap3A_407], %swap3A_410 {strides = array<i32>} : memref<64x768xf32, #tpu.memory_space<vmem>>, vector<1x16xf32>,
      %get3A_411 = arith.index_cast %scan3A_19 : i32 to index
      %get3A_412 = arith.constant 384 : index
      %get3A_413 = tpu.vector_load %arg7[%get3A_411, %get3A_412] {strides = array<i32>} : memref<64x768xf32, #tpu.memory_space<vmem>>, vector<1x16xf32>,
      %get3A_414 = vector.shape_cast %get3A_413 : vector<1x16xf32> to vector<16xf32>
      %mul3A_415 = arith.mulf %get3A_23, %get3A_414 : vector<16xf32>
      %get3A_416 = arith.index_cast %scan3A_19 : i32 to index
      %get3A_417 = arith.constant 384 : index
      %get3A_418 = tpu.vector_load %arg8[%get3A_416, %get3A_417] {strides = array<i32>} : memref<64x768xf32, #tpu.memory_space<vmem>>, vector<1x16xf32>,
      %get3A_419 = vector.shape_cast %get3A_418 : vector<1x16xf32> to vector<16xf32>
      %mul3A_420 = arith.mulf %get3A_27, %get3A_419 : vector<16xf32>
      %add3A_421 = arith.addf %mul3A_415, %mul3A_420 : vector<16xf32>
      %swap3A_422 = arith.index_cast %scan3A_19 : i32 to index
      %swap3A_423 = arith.constant 384 : index
      %swap3A_424 = tpu.vector_load %arg7[%swap3A_422, %swap3A_423] {strides = array<i32>} : memref<64x768xf32, #tpu.memory_space<vmem>>, vector<1x16xf32>,
      %swap3A_425 = vector.shape_cast %swap3A_424 : vector<1x16xf32> to vector<16xf32>
      %swap3A_426 = vector.shape_cast %add3A_421 : vector<16xf32> to vector<1x16xf32>
      tpu.vector_store %arg7[%swap3A_422, %swap3A_423], %swap3A_426 {strides = array<i32>} : memref<64x768xf32, #tpu.memory_space<vmem>>, vector<1x16xf32>,
      %get3A_427 = arith.index_cast %scan3A_19 : i32 to index
      %get3A_428 = arith.constant 400 : index
      %get3A_429 = tpu.vector_load %arg7[%get3A_427, %get3A_428] {strides = array<i32>} : memref<64x768xf32, #tpu.memory_space<vmem>>, vector<1x16xf32>,
      %get3A_430 = vector.shape_cast %get3A_429 : vector<1x16xf32> to vector<16xf32>
      %mul3A_431 = arith.mulf %get3A_23, %get3A_430 : vector<16xf32>
      %get3A_432 = arith.index_cast %scan3A_19 : i32 to index
      %get3A_433 = arith.constant 400 : index
      %get3A_434 = tpu.vector_load %arg8[%get3A_432, %get3A_433] {strides = array<i32>} : memref<64x768xf32, #tpu.memory_space<vmem>>, vector<1x16xf32>,
      %get3A_435 = vector.shape_cast %get3A_434 : vector<1x16xf32> to vector<16xf32>
      %mul3A_436 = arith.mulf %get3A_27, %get3A_435 : vector<16xf32>
      %add3A_437 = arith.addf %mul3A_431, %mul3A_436 : vector<16xf32>
      %swap3A_438 = arith.index_cast %scan3A_19 : i32 to index
      %swap3A_439 = arith.constant 400 : index
      %swap3A_440 = tpu.vector_load %arg7[%swap3A_438, %swap3A_439] {strides = array<i32>} : memref<64x768xf32, #tpu.memory_space<vmem>>, vector<1x16xf32>,
      %swap3A_441 = vector.shape_cast %swap3A_440 : vector<1x16xf32> to vector<16xf32>
      %swap3A_442 = vector.shape_cast %add3A_437 : vector<16xf32> to vector<1x16xf32>
      tpu.vector_store %arg7[%swap3A_438, %swap3A_439], %swap3A_442 {strides = array<i32>} : memref<64x768xf32, #tpu.memory_space<vmem>>, vector<1x16xf32>,
      %get3A_443 = arith.index_cast %scan3A_19 : i32 to index
      %get3A_444 = arith.constant 416 : index
      %get3A_445 = tpu.vector_load %arg7[%get3A_443, %get3A_444] {strides = array<i32>} : memref<64x768xf32, #tpu.memory_space<vmem>>, vector<1x16xf32>,
      %get3A_446 = vector.shape_cast %get3A_445 : vector<1x16xf32> to vector<16xf32>
      %mul3A_447 = arith.mulf %get3A_23, %get3A_446 : vector<16xf32>
      %get3A_448 = arith.index_cast %scan3A_19 : i32 to index
      %get3A_449 = arith.constant 416 : index
      %get3A_450 = tpu.vector_load %arg8[%get3A_448, %get3A_449] {strides = array<i32>} : memref<64x768xf32, #tpu.memory_space<vmem>>, vector<1x16xf32>,
      %get3A_451 = vector.shape_cast %get3A_450 : vector<1x16xf32> to vector<16xf32>
      %mul3A_452 = arith.mulf %get3A_27, %get3A_451 : vector<16xf32>
      %add3A_453 = arith.addf %mul3A_447, %mul3A_452 : vector<16xf32>
      %swap3A_454 = arith.index_cast %scan3A_19 : i32 to index
      %swap3A_455 = arith.constant 416 : index
      %swap3A_456 = tpu.vector_load %arg7[%swap3A_454, %swap3A_455] {strides = array<i32>} : memref<64x768xf32, #tpu.memory_space<vmem>>, vector<1x16xf32>,
      %swap3A_457 = vector.shape_cast %swap3A_456 : vector<1x16xf32> to vector<16xf32>
      %swap3A_458 = vector.shape_cast %add3A_453 : vector<16xf32> to vector<1x16xf32>
      tpu.vector_store %arg7[%swap3A_454, %swap3A_455], %swap3A_458 {strides = array<i32>} : memref<64x768xf32, #tpu.memory_space<vmem>>, vector<1x16xf32>,
      %get3A_459 = arith.index_cast %scan3A_19 : i32 to index
      %get3A_460 = arith.constant 432 : index
      %get3A_461 = tpu.vector_load %arg7[%get3A_459, %get3A_460] {strides = array<i32>} : memref<64x768xf32, #tpu.memory_space<vmem>>, vector<1x16xf32>,
      %get3A_462 = vector.shape_cast %get3A_461 : vector<1x16xf32> to vector<16xf32>
      %mul3A_463 = arith.mulf %get3A_23, %get3A_462 : vector<16xf32>
      %get3A_464 = arith.index_cast %scan3A_19 : i32 to index
      %get3A_465 = arith.constant 432 : index
      %get3A_466 = tpu.vector_load %arg8[%get3A_464, %get3A_465] {strides = array<i32>} : memref<64x768xf32, #tpu.memory_space<vmem>>, vector<1x16xf32>,
      %get3A_467 = vector.shape_cast %get3A_466 : vector<1x16xf32> to vector<16xf32>
      %mul3A_468 = arith.mulf %get3A_27, %get3A_467 : vector<16xf32>
      %add3A_469 = arith.addf %mul3A_463, %mul3A_468 : vector<16xf32>
      %swap3A_470 = arith.index_cast %scan3A_19 : i32 to index
      %swap3A_471 = arith.constant 432 : index
      %swap3A_472 = tpu.vector_load %arg7[%swap3A_470, %swap3A_471] {strides = array<i32>} : memref<64x768xf32, #tpu.memory_space<vmem>>, vector<1x16xf32>,
      %swap3A_473 = vector.shape_cast %swap3A_472 : vector<1x16xf32> to vector<16xf32>
      %swap3A_474 = vector.shape_cast %add3A_469 : vector<16xf32> to vector<1x16xf32>
      tpu.vector_store %arg7[%swap3A_470, %swap3A_471], %swap3A_474 {strides = array<i32>} : memref<64x768xf32, #tpu.memory_space<vmem>>, vector<1x16xf32>,
      %get3A_475 = arith.index_cast %scan3A_19 : i32 to index
      %get3A_476 = arith.constant 448 : index
      %get3A_477 = tpu.vector_load %arg7[%get3A_475, %get3A_476] {strides = array<i32>} : memref<64x768xf32, #tpu.memory_space<vmem>>, vector<1x16xf32>,
      %get3A_478 = vector.shape_cast %get3A_477 : vector<1x16xf32> to vector<16xf32>
      %mul3A_479 = arith.mulf %get3A_23, %get3A_478 : vector<16xf32>
      %get3A_480 = arith.index_cast %scan3A_19 : i32 to index
      %get3A_481 = arith.constant 448 : index
      %get3A_482 = tpu.vector_load %arg8[%get3A_480, %get3A_481] {strides = array<i32>} : memref<64x768xf32, #tpu.memory_space<vmem>>, vector<1x16xf32>,
      %get3A_483 = vector.shape_cast %get3A_482 : vector<1x16xf32> to vector<16xf32>
      %mul3A_484 = arith.mulf %get3A_27, %get3A_483 : vector<16xf32>
      %add3A_485 = arith.addf %mul3A_479, %mul3A_484 : vector<16xf32>
      %swap3A_486 = arith.index_cast %scan3A_19 : i32 to index
      %swap3A_487 = arith.constant 448 : index
      %swap3A_488 = tpu.vector_load %arg7[%swap3A_486, %swap3A_487] {strides = array<i32>} : memref<64x768xf32, #tpu.memory_space<vmem>>, vector<1x16xf32>,
      %swap3A_489 = vector.shape_cast %swap3A_488 : vector<1x16xf32> to vector<16xf32>
      %swap3A_490 = vector.shape_cast %add3A_485 : vector<16xf32> to vector<1x16xf32>
      tpu.vector_store %arg7[%swap3A_486, %swap3A_487], %swap3A_490 {strides = array<i32>} : memref<64x768xf32, #tpu.memory_space<vmem>>, vector<1x16xf32>,
      %get3A_491 = arith.index_cast %scan3A_19 : i32 to index
      %get3A_492 = arith.constant 464 : index
      %get3A_493 = tpu.vector_load %arg7[%get3A_491, %get3A_492] {strides = array<i32>} : memref<64x768xf32, #tpu.memory_space<vmem>>, vector<1x16xf32>,
      %get3A_494 = vector.shape_cast %get3A_493 : vector<1x16xf32> to vector<16xf32>
      %mul3A_495 = arith.mulf %get3A_23, %get3A_494 : vector<16xf32>
      %get3A_496 = arith.index_cast %scan3A_19 : i32 to index
      %get3A_497 = arith.constant 464 : index
      %get3A_498 = tpu.vector_load %arg8[%get3A_496, %get3A_497] {strides = array<i32>} : memref<64x768xf32, #tpu.memory_space<vmem>>, vector<1x16xf32>,
      %get3A_499 = vector.shape_cast %get3A_498 : vector<1x16xf32> to vector<16xf32>
      %mul3A_500 = arith.mulf %get3A_27, %get3A_499 : vector<16xf32>
      %add3A_501 = arith.addf %mul3A_495, %mul3A_500 : vector<16xf32>
      %swap3A_502 = arith.index_cast %scan3A_19 : i32 to index
      %swap3A_503 = arith.constant 464 : index
      %swap3A_504 = tpu.vector_load %arg7[%swap3A_502, %swap3A_503] {strides = array<i32>} : memref<64x768xf32, #tpu.memory_space<vmem>>, vector<1x16xf32>,
      %swap3A_505 = vector.shape_cast %swap3A_504 : vector<1x16xf32> to vector<16xf32>
      %swap3A_506 = vector.shape_cast %add3A_501 : vector<16xf32> to vector<1x16xf32>
      tpu.vector_store %arg7[%swap3A_502, %swap3A_503], %swap3A_506 {strides = array<i32>} : memref<64x768xf32, #tpu.memory_space<vmem>>, vector<1x16xf32>,
      %get3A_507 = arith.index_cast %scan3A_19 : i32 to index
      %get3A_508 = arith.constant 480 : index
      %get3A_509 = tpu.vector_load %arg7[%get3A_507, %get3A_508] {strides = array<i32>} : memref<64x768xf32, #tpu.memory_space<vmem>>, vector<1x16xf32>,
      %get3A_510 = vector.shape_cast %get3A_509 : vector<1x16xf32> to vector<16xf32>
      %mul3A_511 = arith.mulf %get3A_23, %get3A_510 : vector<16xf32>
      %get3A_512 = arith.index_cast %scan3A_19 : i32 to index
      %get3A_513 = arith.constant 480 : index
      %get3A_514 = tpu.vector_load %arg8[%get3A_512, %get3A_513] {strides = array<i32>} : memref<64x768xf32, #tpu.memory_space<vmem>>, vector<1x16xf32>,
      %get3A_515 = vector.shape_cast %get3A_514 : vector<1x16xf32> to vector<16xf32>
      %mul3A_516 = arith.mulf %get3A_27, %get3A_515 : vector<16xf32>
      %add3A_517 = arith.addf %mul3A_511, %mul3A_516 : vector<16xf32>
      %swap3A_518 = arith.index_cast %scan3A_19 : i32 to index
      %swap3A_519 = arith.constant 480 : index
      %swap3A_520 = tpu.vector_load %arg7[%swap3A_518, %swap3A_519] {strides = array<i32>} : memref<64x768xf32, #tpu.memory_space<vmem>>, vector<1x16xf32>,
      %swap3A_521 = vector.shape_cast %swap3A_520 : vector<1x16xf32> to vector<16xf32>
      %swap3A_522 = vector.shape_cast %add3A_517 : vector<16xf32> to vector<1x16xf32>
      tpu.vector_store %arg7[%swap3A_518, %swap3A_519], %swap3A_522 {strides = array<i32>} : memref<64x768xf32, #tpu.memory_space<vmem>>, vector<1x16xf32>,
      %get3A_523 = arith.index_cast %scan3A_19 : i32 to index
      %get3A_524 = arith.constant 496 : index
      %get3A_525 = tpu.vector_load %arg7[%get3A_523, %get3A_524] {strides = array<i32>} : memref<64x768xf32, #tpu.memory_space<vmem>>, vector<1x16xf32>,
      %get3A_526 = vector.shape_cast %get3A_525 : vector<1x16xf32> to vector<16xf32>
      %mul3A_527 = arith.mulf %get3A_23, %get3A_526 : vector<16xf32>
      %get3A_528 = arith.index_cast %scan3A_19 : i32 to index
      %get3A_529 = arith.constant 496 : index
      %get3A_530 = tpu.vector_load %arg8[%get3A_528, %get3A_529] {strides = array<i32>} : memref<64x768xf32, #tpu.memory_space<vmem>>, vector<1x16xf32>,
      %get3A_531 = vector.shape_cast %get3A_530 : vector<1x16xf32> to vector<16xf32>
      %mul3A_532 = arith.mulf %get3A_27, %get3A_531 : vector<16xf32>
      %add3A_533 = arith.addf %mul3A_527, %mul3A_532 : vector<16xf32>
      %swap3A_534 = arith.index_cast %scan3A_19 : i32 to index
      %swap3A_535 = arith.constant 496 : index
      %swap3A_536 = tpu.vector_load %arg7[%swap3A_534, %swap3A_535] {strides = array<i32>} : memref<64x768xf32, #tpu.memory_space<vmem>>, vector<1x16xf32>,
      %swap3A_537 = vector.shape_cast %swap3A_536 : vector<1x16xf32> to vector<16xf32>
      %swap3A_538 = vector.shape_cast %add3A_533 : vector<16xf32> to vector<1x16xf32>
      tpu.vector_store %arg7[%swap3A_534, %swap3A_535], %swap3A_538 {strides = array<i32>} : memref<64x768xf32, #tpu.memory_space<vmem>>, vector<1x16xf32>,
      %get3A_539 = arith.index_cast %scan3A_19 : i32 to index
      %get3A_540 = arith.constant 512 : index
      %get3A_541 = tpu.vector_load %arg7[%get3A_539, %get3A_540] {strides = array<i32>} : memref<64x768xf32, #tpu.memory_space<vmem>>, vector<1x16xf32>,
      %get3A_542 = vector.shape_cast %get3A_541 : vector<1x16xf32> to vector<16xf32>
      %mul3A_543 = arith.mulf %get3A_23, %get3A_542 : vector<16xf32>
      %get3A_544 = arith.index_cast %scan3A_19 : i32 to index
      %get3A_545 = arith.constant 512 : index
      %get3A_546 = tpu.vector_load %arg8[%get3A_544, %get3A_545] {strides = array<i32>} : memref<64x768xf32, #tpu.memory_space<vmem>>, vector<1x16xf32>,
      %get3A_547 = vector.shape_cast %get3A_546 : vector<1x16xf32> to vector<16xf32>
      %mul3A_548 = arith.mulf %get3A_27, %get3A_547 : vector<16xf32>
      %add3A_549 = arith.addf %mul3A_543, %mul3A_548 : vector<16xf32>
      %swap3A_550 = arith.index_cast %scan3A_19 : i32 to index
      %swap3A_551 = arith.constant 512 : index
      %swap3A_552 = tpu.vector_load %arg7[%swap3A_550, %swap3A_551] {strides = array<i32>} : memref<64x768xf32, #tpu.memory_space<vmem>>, vector<1x16xf32>,
      %swap3A_553 = vector.shape_cast %swap3A_552 : vector<1x16xf32> to vector<16xf32>
      %swap3A_554 = vector.shape_cast %add3A_549 : vector<16xf32> to vector<1x16xf32>
      tpu.vector_store %arg7[%swap3A_550, %swap3A_551], %swap3A_554 {strides = array<i32>} : memref<64x768xf32, #tpu.memory_space<vmem>>, vector<1x16xf32>,
      %get3A_555 = arith.index_cast %scan3A_19 : i32 to index
      %get3A_556 = arith.constant 528 : index
      %get3A_557 = tpu.vector_load %arg7[%get3A_555, %get3A_556] {strides = array<i32>} : memref<64x768xf32, #tpu.memory_space<vmem>>, vector<1x16xf32>,
      %get3A_558 = vector.shape_cast %get3A_557 : vector<1x16xf32> to vector<16xf32>
      %mul3A_559 = arith.mulf %get3A_23, %get3A_558 : vector<16xf32>
      %get3A_560 = arith.index_cast %scan3A_19 : i32 to index
      %get3A_561 = arith.constant 528 : index
      %get3A_562 = tpu.vector_load %arg8[%get3A_560, %get3A_561] {strides = array<i32>} : memref<64x768xf32, #tpu.memory_space<vmem>>, vector<1x16xf32>,
      %get3A_563 = vector.shape_cast %get3A_562 : vector<1x16xf32> to vector<16xf32>
      %mul3A_564 = arith.mulf %get3A_27, %get3A_563 : vector<16xf32>
      %add3A_565 = arith.addf %mul3A_559, %mul3A_564 : vector<16xf32>
      %swap3A_566 = arith.index_cast %scan3A_19 : i32 to index
      %swap3A_567 = arith.constant 528 : index
      %swap3A_568 = tpu.vector_load %arg7[%swap3A_566, %swap3A_567] {strides = array<i32>} : memref<64x768xf32, #tpu.memory_space<vmem>>, vector<1x16xf32>,
      %swap3A_569 = vector.shape_cast %swap3A_568 : vector<1x16xf32> to vector<16xf32>
      %swap3A_570 = vector.shape_cast %add3A_565 : vector<16xf32> to vector<1x16xf32>
      tpu.vector_store %arg7[%swap3A_566, %swap3A_567], %swap3A_570 {strides = array<i32>} : memref<64x768xf32, #tpu.memory_space<vmem>>, vector<1x16xf32>,
      %get3A_571 = arith.index_cast %scan3A_19 : i32 to index
      %get3A_572 = arith.constant 544 : index
      %get3A_573 = tpu.vector_load %arg7[%get3A_571, %get3A_572] {strides = array<i32>} : memref<64x768xf32, #tpu.memory_space<vmem>>, vector<1x16xf32>,
      %get3A_574 = vector.shape_cast %get3A_573 : vector<1x16xf32> to vector<16xf32>
      %mul3A_575 = arith.mulf %get3A_23, %get3A_574 : vector<16xf32>
      %get3A_576 = arith.index_cast %scan3A_19 : i32 to index
      %get3A_577 = arith.constant 544 : index
      %get3A_578 = tpu.vector_load %arg8[%get3A_576, %get3A_577] {strides = array<i32>} : memref<64x768xf32, #tpu.memory_space<vmem>>, vector<1x16xf32>,
      %get3A_579 = vector.shape_cast %get3A_578 : vector<1x16xf32> to vector<16xf32>
      %mul3A_580 = arith.mulf %get3A_27, %get3A_579 : vector<16xf32>
      %add3A_581 = arith.addf %mul3A_575, %mul3A_580 : vector<16xf32>
      %swap3A_582 = arith.index_cast %scan3A_19 : i32 to index
      %swap3A_583 = arith.constant 544 : index
      %swap3A_584 = tpu.vector_load %arg7[%swap3A_582, %swap3A_583] {strides = array<i32>} : memref<64x768xf32, #tpu.memory_space<vmem>>, vector<1x16xf32>,
      %swap3A_585 = vector.shape_cast %swap3A_584 : vector<1x16xf32> to vector<16xf32>
      %swap3A_586 = vector.shape_cast %add3A_581 : vector<16xf32> to vector<1x16xf32>
      tpu.vector_store %arg7[%swap3A_582, %swap3A_583], %swap3A_586 {strides = array<i32>} : memref<64x768xf32, #tpu.memory_space<vmem>>, vector<1x16xf32>,
      %get3A_587 = arith.index_cast %scan3A_19 : i32 to index
      %get3A_588 = arith.constant 560 : index
      %get3A_589 = tpu.vector_load %arg7[%get3A_587, %get3A_588] {strides = array<i32>} : memref<64x768xf32, #tpu.memory_space<vmem>>, vector<1x16xf32>,
      %get3A_590 = vector.shape_cast %get3A_589 : vector<1x16xf32> to vector<16xf32>
      %mul3A_591 = arith.mulf %get3A_23, %get3A_590 : vector<16xf32>
      %get3A_592 = arith.index_cast %scan3A_19 : i32 to index
      %get3A_593 = arith.constant 560 : index
      %get3A_594 = tpu.vector_load %arg8[%get3A_592, %get3A_593] {strides = array<i32>} : memref<64x768xf32, #tpu.memory_space<vmem>>, vector<1x16xf32>,
      %get3A_595 = vector.shape_cast %get3A_594 : vector<1x16xf32> to vector<16xf32>
      %mul3A_596 = arith.mulf %get3A_27, %get3A_595 : vector<16xf32>
      %add3A_597 = arith.addf %mul3A_591, %mul3A_596 : vector<16xf32>
      %swap3A_598 = arith.index_cast %scan3A_19 : i32 to index
      %swap3A_599 = arith.constant 560 : index
      %swap3A_600 = tpu.vector_load %arg7[%swap3A_598, %swap3A_599] {strides = array<i32>} : memref<64x768xf32, #tpu.memory_space<vmem>>, vector<1x16xf32>,
      %swap3A_601 = vector.shape_cast %swap3A_600 : vector<1x16xf32> to vector<16xf32>
      %swap3A_602 = vector.shape_cast %add3A_597 : vector<16xf32> to vector<1x16xf32>
      tpu.vector_store %arg7[%swap3A_598, %swap3A_599], %swap3A_602 {strides = array<i32>} : memref<64x768xf32, #tpu.memory_space<vmem>>, vector<1x16xf32>,
      %get3A_603 = arith.index_cast %scan3A_19 : i32 to index
      %get3A_604 = arith.constant 576 : index
      %get3A_605 = tpu.vector_load %arg7[%get3A_603, %get3A_604] {strides = array<i32>} : memref<64x768xf32, #tpu.memory_space<vmem>>, vector<1x16xf32>,
      %get3A_606 = vector.shape_cast %get3A_605 : vector<1x16xf32> to vector<16xf32>
      %mul3A_607 = arith.mulf %get3A_23, %get3A_606 : vector<16xf32>
      %get3A_608 = arith.index_cast %scan3A_19 : i32 to index
      %get3A_609 = arith.constant 576 : index
      %get3A_610 = tpu.vector_load %arg8[%get3A_608, %get3A_609] {strides = array<i32>} : memref<64x768xf32, #tpu.memory_space<vmem>>, vector<1x16xf32>,
      %get3A_611 = vector.shape_cast %get3A_610 : vector<1x16xf32> to vector<16xf32>
      %mul3A_612 = arith.mulf %get3A_27, %get3A_611 : vector<16xf32>
      %add3A_613 = arith.addf %mul3A_607, %mul3A_612 : vector<16xf32>
      %swap3A_614 = arith.index_cast %scan3A_19 : i32 to index
      %swap3A_615 = arith.constant 576 : index
      %swap3A_616 = tpu.vector_load %arg7[%swap3A_614, %swap3A_615] {strides = array<i32>} : memref<64x768xf32, #tpu.memory_space<vmem>>, vector<1x16xf32>,
      %swap3A_617 = vector.shape_cast %swap3A_616 : vector<1x16xf32> to vector<16xf32>
      %swap3A_618 = vector.shape_cast %add3A_613 : vector<16xf32> to vector<1x16xf32>
      tpu.vector_store %arg7[%swap3A_614, %swap3A_615], %swap3A_618 {strides = array<i32>} : memref<64x768xf32, #tpu.memory_space<vmem>>, vector<1x16xf32>,
      %get3A_619 = arith.index_cast %scan3A_19 : i32 to index
      %get3A_620 = arith.constant 592 : index
      %get3A_621 = tpu.vector_load %arg7[%get3A_619, %get3A_620] {strides = array<i32>} : memref<64x768xf32, #tpu.memory_space<vmem>>, vector<1x16xf32>,
      %get3A_622 = vector.shape_cast %get3A_621 : vector<1x16xf32> to vector<16xf32>
      %mul3A_623 = arith.mulf %get3A_23, %get3A_622 : vector<16xf32>
      %get3A_624 = arith.index_cast %scan3A_19 : i32 to index
      %get3A_625 = arith.constant 592 : index
      %get3A_626 = tpu.vector_load %arg8[%get3A_624, %get3A_625] {strides = array<i32>} : memref<64x768xf32, #tpu.memory_space<vmem>>, vector<1x16xf32>,
      %get3A_627 = vector.shape_cast %get3A_626 : vector<1x16xf32> to vector<16xf32>
      %mul3A_628 = arith.mulf %get3A_27, %get3A_627 : vector<16xf32>
      %add3A_629 = arith.addf %mul3A_623, %mul3A_628 : vector<16xf32>
      %swap3A_630 = arith.index_cast %scan3A_19 : i32 to index
      %swap3A_631 = arith.constant 592 : index
      %swap3A_632 = tpu.vector_load %arg7[%swap3A_630, %swap3A_631] {strides = array<i32>} : memref<64x768xf32, #tpu.memory_space<vmem>>, vector<1x16xf32>,
      %swap3A_633 = vector.shape_cast %swap3A_632 : vector<1x16xf32> to vector<16xf32>
      %swap3A_634 = vector.shape_cast %add3A_629 : vector<16xf32> to vector<1x16xf32>
      tpu.vector_store %arg7[%swap3A_630, %swap3A_631], %swap3A_634 {strides = array<i32>} : memref<64x768xf32, #tpu.memory_space<vmem>>, vector<1x16xf32>,
      %get3A_635 = arith.index_cast %scan3A_19 : i32 to index
      %get3A_636 = arith.constant 608 : index
      %get3A_637 = tpu.vector_load %arg7[%get3A_635, %get3A_636] {strides = array<i32>} : memref<64x768xf32, #tpu.memory_space<vmem>>, vector<1x16xf32>,
      %get3A_638 = vector.shape_cast %get3A_637 : vector<1x16xf32> to vector<16xf32>
      %mul3A_639 = arith.mulf %get3A_23, %get3A_638 : vector<16xf32>
      %get3A_640 = arith.index_cast %scan3A_19 : i32 to index
      %get3A_641 = arith.constant 608 : index
      %get3A_642 = tpu.vector_load %arg8[%get3A_640, %get3A_641] {strides = array<i32>} : memref<64x768xf32, #tpu.memory_space<vmem>>, vector<1x16xf32>,
      %get3A_643 = vector.shape_cast %get3A_642 : vector<1x16xf32> to vector<16xf32>
      %mul3A_644 = arith.mulf %get3A_27, %get3A_643 : vector<16xf32>
      %add3A_645 = arith.addf %mul3A_639, %mul3A_644 : vector<16xf32>
      %swap3A_646 = arith.index_cast %scan3A_19 : i32 to index
      %swap3A_647 = arith.constant 608 : index
      %swap3A_648 = tpu.vector_load %arg7[%swap3A_646, %swap3A_647] {strides = array<i32>} : memref<64x768xf32, #tpu.memory_space<vmem>>, vector<1x16xf32>,
      %swap3A_649 = vector.shape_cast %swap3A_648 : vector<1x16xf32> to vector<16xf32>
      %swap3A_650 = vector.shape_cast %add3A_645 : vector<16xf32> to vector<1x16xf32>
      tpu.vector_store %arg7[%swap3A_646, %swap3A_647], %swap3A_650 {strides = array<i32>} : memref<64x768xf32, #tpu.memory_space<vmem>>, vector<1x16xf32>,
      %get3A_651 = arith.index_cast %scan3A_19 : i32 to index
      %get3A_652 = arith.constant 624 : index
      %get3A_653 = tpu.vector_load %arg7[%get3A_651, %get3A_652] {strides = array<i32>} : memref<64x768xf32, #tpu.memory_space<vmem>>, vector<1x16xf32>,
      %get3A_654 = vector.shape_cast %get3A_653 : vector<1x16xf32> to vector<16xf32>
      %mul3A_655 = arith.mulf %get3A_23, %get3A_654 : vector<16xf32>
      %get3A_656 = arith.index_cast %scan3A_19 : i32 to index
      %get3A_657 = arith.constant 624 : index
      %get3A_658 = tpu.vector_load %arg8[%get3A_656, %get3A_657] {strides = array<i32>} : memref<64x768xf32, #tpu.memory_space<vmem>>, vector<1x16xf32>,
      %get3A_659 = vector.shape_cast %get3A_658 : vector<1x16xf32> to vector<16xf32>
      %mul3A_660 = arith.mulf %get3A_27, %get3A_659 : vector<16xf32>
      %add3A_661 = arith.addf %mul3A_655, %mul3A_660 : vector<16xf32>
      %swap3A_662 = arith.index_cast %scan3A_19 : i32 to index
      %swap3A_663 = arith.constant 624 : index
      %swap3A_664 = tpu.vector_load %arg7[%swap3A_662, %swap3A_663] {strides = array<i32>} : memref<64x768xf32, #tpu.memory_space<vmem>>, vector<1x16xf32>,
      %swap3A_665 = vector.shape_cast %swap3A_664 : vector<1x16xf32> to vector<16xf32>
      %swap3A_666 = vector.shape_cast %add3A_661 : vector<16xf32> to vector<1x16xf32>
      tpu.vector_store %arg7[%swap3A_662, %swap3A_663], %swap3A_666 {strides = array<i32>} : memref<64x768xf32, #tpu.memory_space<vmem>>, vector<1x16xf32>,
      %get3A_667 = arith.index_cast %scan3A_19 : i32 to index
      %get3A_668 = arith.constant 640 : index
      %get3A_669 = tpu.vector_load %arg7[%get3A_667, %get3A_668] {strides = array<i32>} : memref<64x768xf32, #tpu.memory_space<vmem>>, vector<1x16xf32>,
      %get3A_670 = vector.shape_cast %get3A_669 : vector<1x16xf32> to vector<16xf32>
      %mul3A_671 = arith.mulf %get3A_23, %get3A_670 : vector<16xf32>
      %get3A_672 = arith.index_cast %scan3A_19 : i32 to index
      %get3A_673 = arith.constant 640 : index
      %get3A_674 = tpu.vector_load %arg8[%get3A_672, %get3A_673] {strides = array<i32>} : memref<64x768xf32, #tpu.memory_space<vmem>>, vector<1x16xf32>,
      %get3A_675 = vector.shape_cast %get3A_674 : vector<1x16xf32> to vector<16xf32>
      %mul3A_676 = arith.mulf %get3A_27, %get3A_675 : vector<16xf32>
      %add3A_677 = arith.addf %mul3A_671, %mul3A_676 : vector<16xf32>
      %swap3A_678 = arith.index_cast %scan3A_19 : i32 to index
      %swap3A_679 = arith.constant 640 : index
      %swap3A_680 = tpu.vector_load %arg7[%swap3A_678, %swap3A_679] {strides = array<i32>} : memref<64x768xf32, #tpu.memory_space<vmem>>, vector<1x16xf32>,
      %swap3A_681 = vector.shape_cast %swap3A_680 : vector<1x16xf32> to vector<16xf32>
      %swap3A_682 = vector.shape_cast %add3A_677 : vector<16xf32> to vector<1x16xf32>
      tpu.vector_store %arg7[%swap3A_678, %swap3A_679], %swap3A_682 {strides = array<i32>} : memref<64x768xf32, #tpu.memory_space<vmem>>, vector<1x16xf32>,
      %get3A_683 = arith.index_cast %scan3A_19 : i32 to index
      %get3A_684 = arith.constant 656 : index
      %get3A_685 = tpu.vector_load %arg7[%get3A_683, %get3A_684] {strides = array<i32>} : memref<64x768xf32, #tpu.memory_space<vmem>>, vector<1x16xf32>,
      %get3A_686 = vector.shape_cast %get3A_685 : vector<1x16xf32> to vector<16xf32>
      %mul3A_687 = arith.mulf %get3A_23, %get3A_686 : vector<16xf32>
      %get3A_688 = arith.index_cast %scan3A_19 : i32 to index
      %get3A_689 = arith.constant 656 : index
      %get3A_690 = tpu.vector_load %arg8[%get3A_688, %get3A_689] {strides = array<i32>} : memref<64x768xf32, #tpu.memory_space<vmem>>, vector<1x16xf32>,
      %get3A_691 = vector.shape_cast %get3A_690 : vector<1x16xf32> to vector<16xf32>
      %mul3A_692 = arith.mulf %get3A_27, %get3A_691 : vector<16xf32>
      %add3A_693 = arith.addf %mul3A_687, %mul3A_692 : vector<16xf32>
      %swap3A_694 = arith.index_cast %scan3A_19 : i32 to index
      %swap3A_695 = arith.constant 656 : index
      %swap3A_696 = tpu.vector_load %arg7[%swap3A_694, %swap3A_695] {strides = array<i32>} : memref<64x768xf32, #tpu.memory_space<vmem>>, vector<1x16xf32>,
      %swap3A_697 = vector.shape_cast %swap3A_696 : vector<1x16xf32> to vector<16xf32>
      %swap3A_698 = vector.shape_cast %add3A_693 : vector<16xf32> to vector<1x16xf32>
      tpu.vector_store %arg7[%swap3A_694, %swap3A_695], %swap3A_698 {strides = array<i32>} : memref<64x768xf32, #tpu.memory_space<vmem>>, vector<1x16xf32>,
      %get3A_699 = arith.index_cast %scan3A_19 : i32 to index
      %get3A_700 = arith.constant 672 : index
      %get3A_701 = tpu.vector_load %arg7[%get3A_699, %get3A_700] {strides = array<i32>} : memref<64x768xf32, #tpu.memory_space<vmem>>, vector<1x16xf32>,
      %get3A_702 = vector.shape_cast %get3A_701 : vector<1x16xf32> to vector<16xf32>
      %mul3A_703 = arith.mulf %get3A_23, %get3A_702 : vector<16xf32>
      %get3A_704 = arith.index_cast %scan3A_19 : i32 to index
      %get3A_705 = arith.constant 672 : index
      %get3A_706 = tpu.vector_load %arg8[%get3A_704, %get3A_705] {strides = array<i32>} : memref<64x768xf32, #tpu.memory_space<vmem>>, vector<1x16xf32>,
      %get3A_707 = vector.shape_cast %get3A_706 : vector<1x16xf32> to vector<16xf32>
      %mul3A_708 = arith.mulf %get3A_27, %get3A_707 : vector<16xf32>
      %add3A_709 = arith.addf %mul3A_703, %mul3A_708 : vector<16xf32>
      %swap3A_710 = arith.index_cast %scan3A_19 : i32 to index
      %swap3A_711 = arith.constant 672 : index
      %swap3A_712 = tpu.vector_load %arg7[%swap3A_710, %swap3A_711] {strides = array<i32>} : memref<64x768xf32, #tpu.memory_space<vmem>>, vector<1x16xf32>,
      %swap3A_713 = vector.shape_cast %swap3A_712 : vector<1x16xf32> to vector<16xf32>
      %swap3A_714 = vector.shape_cast %add3A_709 : vector<16xf32> to vector<1x16xf32>
      tpu.vector_store %arg7[%swap3A_710, %swap3A_711], %swap3A_714 {strides = array<i32>} : memref<64x768xf32, #tpu.memory_space<vmem>>, vector<1x16xf32>,
      %get3A_715 = arith.index_cast %scan3A_19 : i32 to index
      %get3A_716 = arith.constant 688 : index
      %get3A_717 = tpu.vector_load %arg7[%get3A_715, %get3A_716] {strides = array<i32>} : memref<64x768xf32, #tpu.memory_space<vmem>>, vector<1x16xf32>,
      %get3A_718 = vector.shape_cast %get3A_717 : vector<1x16xf32> to vector<16xf32>
      %mul3A_719 = arith.mulf %get3A_23, %get3A_718 : vector<16xf32>
      %get3A_720 = arith.index_cast %scan3A_19 : i32 to index
      %get3A_721 = arith.constant 688 : index
      %get3A_722 = tpu.vector_load %arg8[%get3A_720, %get3A_721] {strides = array<i32>} : memref<64x768xf32, #tpu.memory_space<vmem>>, vector<1x16xf32>,
      %get3A_723 = vector.shape_cast %get3A_722 : vector<1x16xf32> to vector<16xf32>
      %mul3A_724 = arith.mulf %get3A_27, %get3A_723 : vector<16xf32>
      %add3A_725 = arith.addf %mul3A_719, %mul3A_724 : vector<16xf32>
      %swap3A_726 = arith.index_cast %scan3A_19 : i32 to index
      %swap3A_727 = arith.constant 688 : index
      %swap3A_728 = tpu.vector_load %arg7[%swap3A_726, %swap3A_727] {strides = array<i32>} : memref<64x768xf32, #tpu.memory_space<vmem>>, vector<1x16xf32>,
      %swap3A_729 = vector.shape_cast %swap3A_728 : vector<1x16xf32> to vector<16xf32>
      %swap3A_730 = vector.shape_cast %add3A_725 : vector<16xf32> to vector<1x16xf32>
      tpu.vector_store %arg7[%swap3A_726, %swap3A_727], %swap3A_730 {strides = array<i32>} : memref<64x768xf32, #tpu.memory_space<vmem>>, vector<1x16xf32>,
      %get3A_731 = arith.index_cast %scan3A_19 : i32 to index
      %get3A_732 = arith.constant 704 : index
      %get3A_733 = tpu.vector_load %arg7[%get3A_731, %get3A_732] {strides = array<i32>} : memref<64x768xf32, #tpu.memory_space<vmem>>, vector<1x16xf32>,
      %get3A_734 = vector.shape_cast %get3A_733 : vector<1x16xf32> to vector<16xf32>
      %mul3A_735 = arith.mulf %get3A_23, %get3A_734 : vector<16xf32>
      %get3A_736 = arith.index_cast %scan3A_19 : i32 to index
      %get3A_737 = arith.constant 704 : index
      %get3A_738 = tpu.vector_load %arg8[%get3A_736, %get3A_737] {strides = array<i32>} : memref<64x768xf32, #tpu.memory_space<vmem>>, vector<1x16xf32>,
      %get3A_739 = vector.shape_cast %get3A_738 : vector<1x16xf32> to vector<16xf32>
      %mul3A_740 = arith.mulf %get3A_27, %get3A_739 : vector<16xf32>
      %add3A_741 = arith.addf %mul3A_735, %mul3A_740 : vector<16xf32>
      %swap3A_742 = arith.index_cast %scan3A_19 : i32 to index
      %swap3A_743 = arith.constant 704 : index
      %swap3A_744 = tpu.vector_load %arg7[%swap3A_742, %swap3A_743] {strides = array<i32>} : memref<64x768xf32, #tpu.memory_space<vmem>>, vector<1x16xf32>,
      %swap3A_745 = vector.shape_cast %swap3A_744 : vector<1x16xf32> to vector<16xf32>
      %swap3A_746 = vector.shape_cast %add3A_741 : vector<16xf32> to vector<1x16xf32>
      tpu.vector_store %arg7[%swap3A_742, %swap3A_743], %swap3A_746 {strides = array<i32>} : memref<64x768xf32, #tpu.memory_space<vmem>>, vector<1x16xf32>,
      %get3A_747 = arith.index_cast %scan3A_19 : i32 to index
      %get3A_748 = arith.constant 720 : index
      %get3A_749 = tpu.vector_load %arg7[%get3A_747, %get3A_748] {strides = array<i32>} : memref<64x768xf32, #tpu.memory_space<vmem>>, vector<1x16xf32>,
      %get3A_750 = vector.shape_cast %get3A_749 : vector<1x16xf32> to vector<16xf32>
      %mul3A_751 = arith.mulf %get3A_23, %get3A_750 : vector<16xf32>
      %get3A_752 = arith.index_cast %scan3A_19 : i32 to index
      %get3A_753 = arith.constant 720 : index
      %get3A_754 = tpu.vector_load %arg8[%get3A_752, %get3A_753] {strides = array<i32>} : memref<64x768xf32, #tpu.memory_space<vmem>>, vector<1x16xf32>,
      %get3A_755 = vector.shape_cast %get3A_754 : vector<1x16xf32> to vector<16xf32>
      %mul3A_756 = arith.mulf %get3A_27, %get3A_755 : vector<16xf32>
      %add3A_757 = arith.addf %mul3A_751, %mul3A_756 : vector<16xf32>
      %swap3A_758 = arith.index_cast %scan3A_19 : i32 to index
      %swap3A_759 = arith.constant 720 : index
      %swap3A_760 = tpu.vector_load %arg7[%swap3A_758, %swap3A_759] {strides = array<i32>} : memref<64x768xf32, #tpu.memory_space<vmem>>, vector<1x16xf32>,
      %swap3A_761 = vector.shape_cast %swap3A_760 : vector<1x16xf32> to vector<16xf32>
      %swap3A_762 = vector.shape_cast %add3A_757 : vector<16xf32> to vector<1x16xf32>
      tpu.vector_store %arg7[%swap3A_758, %swap3A_759], %swap3A_762 {strides = array<i32>} : memref<64x768xf32, #tpu.memory_space<vmem>>, vector<1x16xf32>,
      %get3A_763 = arith.index_cast %scan3A_19 : i32 to index
      %get3A_764 = arith.constant 736 : index
      %get3A_765 = tpu.vector_load %arg7[%get3A_763, %get3A_764] {strides = array<i32>} : memref<64x768xf32, #tpu.memory_space<vmem>>, vector<1x16xf32>,
      %get3A_766 = vector.shape_cast %get3A_765 : vector<1x16xf32> to vector<16xf32>
      %mul3A_767 = arith.mulf %get3A_23, %get3A_766 : vector<16xf32>
      %get3A_768 = arith.index_cast %scan3A_19 : i32 to index
      %get3A_769 = arith.constant 736 : index
      %get3A_770 = tpu.vector_load %arg8[%get3A_768, %get3A_769] {strides = array<i32>} : memref<64x768xf32, #tpu.memory_space<vmem>>, vector<1x16xf32>,
      %get3A_771 = vector.shape_cast %get3A_770 : vector<1x16xf32> to vector<16xf32>
      %mul3A_772 = arith.mulf %get3A_27, %get3A_771 : vector<16xf32>
      %add3A_773 = arith.addf %mul3A_767, %mul3A_772 : vector<16xf32>
      %swap3A_774 = arith.index_cast %scan3A_19 : i32 to index
      %swap3A_775 = arith.constant 736 : index
      %swap3A_776 = tpu.vector_load %arg7[%swap3A_774, %swap3A_775] {strides = array<i32>} : memref<64x768xf32, #tpu.memory_space<vmem>>, vector<1x16xf32>,
      %swap3A_777 = vector.shape_cast %swap3A_776 : vector<1x16xf32> to vector<16xf32>
      %swap3A_778 = vector.shape_cast %add3A_773 : vector<16xf32> to vector<1x16xf32>
      tpu.vector_store %arg7[%swap3A_774, %swap3A_775], %swap3A_778 {strides = array<i32>} : memref<64x768xf32, #tpu.memory_space<vmem>>, vector<1x16xf32>,
      %get3A_779 = arith.index_cast %scan3A_19 : i32 to index
      %get3A_780 = arith.constant 752 : index
      %get3A_781 = tpu.vector_load %arg7[%get3A_779, %get3A_780] {strides = array<i32>} : memref<64x768xf32, #tpu.memory_space<vmem>>, vector<1x16xf32>,
      %get3A_782 = vector.shape_cast %get3A_781 : vector<1x16xf32> to vector<16xf32>
      %mul3A_783 = arith.mulf %get3A_23, %get3A_782 : vector<16xf32>
      %get3A_784 = arith.index_cast %scan3A_19 : i32 to index
      %get3A_785 = arith.constant 752 : index
      %get3A_786 = tpu.vector_load %arg8[%get3A_784, %get3A_785] {strides = array<i32>} : memref<64x768xf32, #tpu.memory_space<vmem>>, vector<1x16xf32>,
      %get3A_787 = vector.shape_cast %get3A_786 : vector<1x16xf32> to vector<16xf32>
      %mul3A_788 = arith.mulf %get3A_27, %get3A_787 : vector<16xf32>
      %add3A_789 = arith.addf %mul3A_783, %mul3A_788 : vector<16xf32>
      %swap3A_790 = arith.index_cast %scan3A_19 : i32 to index
      %swap3A_791 = arith.constant 752 : index
      %swap3A_792 = tpu.vector_load %arg7[%swap3A_790, %swap3A_791] {strides = array<i32>} : memref<64x768xf32, #tpu.memory_space<vmem>>, vector<1x16xf32>,
      %swap3A_793 = vector.shape_cast %swap3A_792 : vector<1x16xf32> to vector<16xf32>
      %swap3A_794 = vector.shape_cast %add3A_789 : vector<16xf32> to vector<1x16xf32>
      tpu.vector_store %arg7[%swap3A_790, %swap3A_791], %swap3A_794 {strides = array<i32>} : memref<64x768xf32, #tpu.memory_space<vmem>>, vector<1x16xf32>,
      %scan3A_795 = arith.constant 0 : i32
      scf.yield %scan3A_795 : i32
    }
    %scan3A_18 = arith.constant 64 : i32
    "tpu.region"() ({
      %run_scoped3A = tpu.sem_alloc : memref<!tpu.dma_semaphore, #tpu.memory_space<semaphore_mem>>
      %dma_start3A_19 = arith.constant 0 : i32
      %dma_start3A_20 = tpu.memref_slice %arg6[%mul3A_2, %dma_start3A_19] : memref<2048x768xf32, #tpu.memory_space<hbm>> -> memref<64x768xf32, #tpu.memory_space<hbm>>
      %dma_start3A_21 = arith.constant 0 : i32
      %dma_start3A_22 = tpu.memref_slice %arg6[%mul3A_2, %dma_start3A_21] : memref<2048x768xf32, #tpu.memory_space<hbm>> -> memref<64x768xf32, #tpu.memory_space<hbm>>
      tpu.enqueue_dma source(%arg7 : memref<64x768xf32, #tpu.memory_space<vmem>>) target(%dma_start3A_22 : memref<64x768xf32, #tpu.memory_space<hbm>>) target_semaphore(%run_scoped3A : memref<!tpu.dma_semaphore, #tpu.memory_space<semaphore_mem>>)
      %dma_wait3A_23 = arith.constant 0 : i32
      %dma_wait3A_24 = tpu.memref_slice %arg6[%mul3A_2, %dma_wait3A_23] : memref<2048x768xf32, #tpu.memory_space<hbm>> -> memref<64x768xf32, #tpu.memory_space<hbm>>
      %dma_wait3A_25 = arith.constant 0 : i32
      %dma_wait3A_26 = tpu.memref_slice %arg6[%mul3A_2, %dma_wait3A_25] : memref<2048x768xf32, #tpu.memory_space<hbm>> -> memref<64x768xf32, #tpu.memory_space<hbm>>
      tpu.wait_dma2 semaphore(%run_scoped3A : memref<!tpu.dma_semaphore, #tpu.memory_space<semaphore_mem>>) src(%arg7 : memref<64x768xf32, #tpu.memory_space<vmem>>) dst(%dma_wait3A_26 : memref<64x768xf32, #tpu.memory_space<hbm>>)
      tpu.yield
    }) : () -> ()
    return
  }
}

module attributes {stable_mosaic.version = 14 : i64} {
  func.func @_gmm_body(%arg0: i32, %arg1: memref<240xi32, #tpu.memory_space<smem>>, %arg2: memref<128x768xf32, #tpu.memory_space<vmem>>, %arg3: memref<8x2048x768xf32, #tpu.memory_space<any>>, %arg4: memref<8x768x1024xf32, #tpu.memory_space<any>>, %arg5: memref<128x768xf32, #tpu.memory_space<vmem>>, %arg6: memref<2x2048x768xf32, #tpu.memory_space<vmem>>, %arg7: memref<2x768x1024xf32, #tpu.memory_space<vmem>>, %arg8: memref<2x!tpu.dma_semaphore, #tpu.memory_space<semaphore_mem>>, %arg9: memref<2x!tpu.dma_semaphore, #tpu.memory_space<semaphore_mem>>) attributes {dimension_semantics = [#tpu.dimension_semantics<arbitrary>], iteration_bounds = array<i64: 40>, scalar_prefetch = 1 : i64, scratch_operands = 4 : i64, tpu.core_type = #tpu.core_type<tc>, window_params = [{transform_indices = @transform_0, window_bounds = array<i64: 128, 768>}, {}, {}, {transform_indices = @transform_3, window_bounds = array<i64: 128, 768>}]} {
    %get3A = arith.index_cast %arg0 : i32 to index
    %get3A_0 = memref.load %arg1[%get3A] : memref<240xi32, #tpu.memory_space<smem>>
    %add3A = arith.constant 40 : i32
    %add3A_1 = arith.addi %add3A, %arg0 : i32
    %get3A_2 = arith.index_cast %add3A_1 : i32 to index
    %get3A_3 = memref.load %arg1[%get3A_2] : memref<240xi32, #tpu.memory_space<smem>>
    %add3A_4 = arith.constant 80 : i32
    %add3A_5 = arith.addi %add3A_4, %arg0 : i32
    %get3A_6 = arith.index_cast %add3A_5 : i32 to index
    %get3A_7 = memref.load %arg1[%get3A_6] : memref<240xi32, #tpu.memory_space<smem>>
    %add3A_8 = arith.constant 120 : i32
    %add3A_9 = arith.addi %add3A_8, %arg0 : i32
    %get3A_10 = arith.index_cast %add3A_9 : i32 to index
    %get3A_11 = memref.load %arg1[%get3A_10] : memref<240xi32, #tpu.memory_space<smem>>
    %add3A_12 = arith.constant 160 : i32
    %add3A_13 = arith.addi %add3A_12, %arg0 : i32
    %get3A_14 = arith.index_cast %add3A_13 : i32 to index
    %get3A_15 = memref.load %arg1[%get3A_14] : memref<240xi32, #tpu.memory_space<smem>>
    %add3A_16 = arith.constant 200 : i32
    %add3A_17 = arith.addi %add3A_16, %arg0 : i32
    %get3A_18 = arith.index_cast %add3A_17 : i32 to index
    %get3A_19 = memref.load %arg1[%get3A_18] : memref<240xi32, #tpu.memory_space<smem>>
    %eq3A = arith.constant 1 : i32
    %eq3A_20 = arith.cmpi eq, %get3A_7, %eq3A : i32
    %convert_element_type3A = arith.extui %eq3A_20 : i1 to i32
    %cond3A = arith.constant 0 : i32
    %cond3A_21 = arith.cmpi ne, %convert_element_type3A, %cond3A : i32
    scf.if %cond3A_21 {
      %eq3A_27 = arith.constant 0 : i32
      %eq3A_28 = arith.cmpi eq, %arg0, %eq3A_27 : i32
      %convert_element_type3A_29 = arith.extui %eq3A_28 : i1 to i32
      %cond3A_30 = arith.constant 0 : i32
      %cond3A_31 = arith.cmpi ne, %convert_element_type3A_29, %cond3A_30 : i32
      scf.if %cond3A_31 {
        %dma_start3A = tpu.memref_slice %arg8[%get3A_11] : memref<2x!tpu.dma_semaphore, #tpu.memory_space<semaphore_mem>> -> memref<1x!tpu.dma_semaphore, #tpu.memory_space<semaphore_mem>>
        %dma_start3A_196 = tpu.memref_squeeze %dma_start3A : memref<1x!tpu.dma_semaphore, #tpu.memory_space<semaphore_mem>> -> memref<!tpu.dma_semaphore, #tpu.memory_space<semaphore_mem>>
        %dma_start3A_197 = arith.constant 0 : i32
        %dma_start3A_198 = arith.constant 0 : i32
        %dma_start3A_199 = tpu.memref_slice %arg6[%get3A_11, %dma_start3A_197, %dma_start3A_198] : memref<2x2048x768xf32, #tpu.memory_space<vmem>> -> memref<1x256x768xf32, #tpu.memory_space<vmem>>
        %dma_start3A_200 = tpu.memref_squeeze %dma_start3A_199 : memref<1x256x768xf32, #tpu.memory_space<vmem>> -> memref<256x768xf32, #tpu.memory_space<vmem>>
        %dma_start3A_201 = arith.constant 0 : i32
        %dma_start3A_202 = arith.constant 0 : i32
        %dma_start3A_203 = tpu.memref_slice %arg3[%get3A_0, %dma_start3A_201, %dma_start3A_202] : memref<8x2048x768xf32, #tpu.memory_space<any>> -> memref<1x256x768xf32, #tpu.memory_space<any>>
        %dma_start3A_204 = tpu.memref_squeeze %dma_start3A_203 : memref<1x256x768xf32, #tpu.memory_space<any>> -> memref<256x768xf32, #tpu.memory_space<any>>
        tpu.enqueue_dma source(%dma_start3A_204 : memref<256x768xf32, #tpu.memory_space<any>>) target(%dma_start3A_200 : memref<256x768xf32, #tpu.memory_space<vmem>>) target_semaphore(%dma_start3A_196 : memref<!tpu.dma_semaphore, #tpu.memory_space<semaphore_mem>>)
        %dma_start3A_205 = tpu.memref_slice %arg9[%get3A_11] : memref<2x!tpu.dma_semaphore, #tpu.memory_space<semaphore_mem>> -> memref<1x!tpu.dma_semaphore, #tpu.memory_space<semaphore_mem>>
        %dma_start3A_206 = tpu.memref_squeeze %dma_start3A_205 : memref<1x!tpu.dma_semaphore, #tpu.memory_space<semaphore_mem>> -> memref<!tpu.dma_semaphore, #tpu.memory_space<semaphore_mem>>
        %dma_start3A_207 = arith.constant 0 : i32
        %dma_start3A_208 = arith.constant 0 : i32
        %dma_start3A_209 = tpu.memref_slice %arg7[%get3A_11, %dma_start3A_207, %dma_start3A_208] : memref<2x768x1024xf32, #tpu.memory_space<vmem>> -> memref<1x96x1024xf32, #tpu.memory_space<vmem>>
        %dma_start3A_210 = tpu.memref_squeeze %dma_start3A_209 : memref<1x96x1024xf32, #tpu.memory_space<vmem>> -> memref<96x1024xf32, #tpu.memory_space<vmem>>
        %dma_start3A_211 = arith.constant 0 : i32
        %dma_start3A_212 = arith.constant 0 : i32
        %dma_start3A_213 = tpu.memref_slice %arg4[%get3A_0, %dma_start3A_211, %dma_start3A_212] : memref<8x768x1024xf32, #tpu.memory_space<any>> -> memref<1x96x1024xf32, #tpu.memory_space<any>>
        %dma_start3A_214 = tpu.memref_squeeze %dma_start3A_213 : memref<1x96x1024xf32, #tpu.memory_space<any>> -> memref<96x1024xf32, #tpu.memory_space<any>>
        tpu.enqueue_dma source(%dma_start3A_214 : memref<96x1024xf32, #tpu.memory_space<any>>) target(%dma_start3A_210 : memref<96x1024xf32, #tpu.memory_space<vmem>>) target_semaphore(%dma_start3A_206 : memref<!tpu.dma_semaphore, #tpu.memory_space<semaphore_mem>>)
        %dma_start3A_215 = tpu.memref_slice %arg8[%get3A_11] : memref<2x!tpu.dma_semaphore, #tpu.memory_space<semaphore_mem>> -> memref<1x!tpu.dma_semaphore, #tpu.memory_space<semaphore_mem>>
        %dma_start3A_216 = tpu.memref_squeeze %dma_start3A_215 : memref<1x!tpu.dma_semaphore, #tpu.memory_space<semaphore_mem>> -> memref<!tpu.dma_semaphore, #tpu.memory_space<semaphore_mem>>
        %dma_start3A_217 = arith.constant 256 : i32
        %dma_start3A_218 = arith.constant 0 : i32
        %dma_start3A_219 = tpu.memref_slice %arg6[%get3A_11, %dma_start3A_217, %dma_start3A_218] : memref<2x2048x768xf32, #tpu.memory_space<vmem>> -> memref<1x256x768xf32, #tpu.memory_space<vmem>>
        %dma_start3A_220 = tpu.memref_squeeze %dma_start3A_219 : memref<1x256x768xf32, #tpu.memory_space<vmem>> -> memref<256x768xf32, #tpu.memory_space<vmem>>
        %dma_start3A_221 = arith.constant 256 : i32
        %dma_start3A_222 = arith.constant 0 : i32
        %dma_start3A_223 = tpu.memref_slice %arg3[%get3A_0, %dma_start3A_221, %dma_start3A_222] : memref<8x2048x768xf32, #tpu.memory_space<any>> -> memref<1x256x768xf32, #tpu.memory_space<any>>
        %dma_start3A_224 = tpu.memref_squeeze %dma_start3A_223 : memref<1x256x768xf32, #tpu.memory_space<any>> -> memref<256x768xf32, #tpu.memory_space<any>>
        tpu.enqueue_dma source(%dma_start3A_224 : memref<256x768xf32, #tpu.memory_space<any>>) target(%dma_start3A_220 : memref<256x768xf32, #tpu.memory_space<vmem>>) target_semaphore(%dma_start3A_216 : memref<!tpu.dma_semaphore, #tpu.memory_space<semaphore_mem>>)
        %dma_start3A_225 = tpu.memref_slice %arg9[%get3A_11] : memref<2x!tpu.dma_semaphore, #tpu.memory_space<semaphore_mem>> -> memref<1x!tpu.dma_semaphore, #tpu.memory_space<semaphore_mem>>
        %dma_start3A_226 = tpu.memref_squeeze %dma_start3A_225 : memref<1x!tpu.dma_semaphore, #tpu.memory_space<semaphore_mem>> -> memref<!tpu.dma_semaphore, #tpu.memory_space<semaphore_mem>>
        %dma_start3A_227 = arith.constant 96 : i32
        %dma_start3A_228 = arith.constant 0 : i32
        %dma_start3A_229 = tpu.memref_slice %arg7[%get3A_11, %dma_start3A_227, %dma_start3A_228] : memref<2x768x1024xf32, #tpu.memory_space<vmem>> -> memref<1x96x1024xf32, #tpu.memory_space<vmem>>
        %dma_start3A_230 = tpu.memref_squeeze %dma_start3A_229 : memref<1x96x1024xf32, #tpu.memory_space<vmem>> -> memref<96x1024xf32, #tpu.memory_space<vmem>>
        %dma_start3A_231 = arith.constant 96 : i32
        %dma_start3A_232 = arith.constant 0 : i32
        %dma_start3A_233 = tpu.memref_slice %arg4[%get3A_0, %dma_start3A_231, %dma_start3A_232] : memref<8x768x1024xf32, #tpu.memory_space<any>> -> memref<1x96x1024xf32, #tpu.memory_space<any>>
        %dma_start3A_234 = tpu.memref_squeeze %dma_start3A_233 : memref<1x96x1024xf32, #tpu.memory_space<any>> -> memref<96x1024xf32, #tpu.memory_space<any>>
        tpu.enqueue_dma source(%dma_start3A_234 : memref<96x1024xf32, #tpu.memory_space<any>>) target(%dma_start3A_230 : memref<96x1024xf32, #tpu.memory_space<vmem>>) target_semaphore(%dma_start3A_226 : memref<!tpu.dma_semaphore, #tpu.memory_space<semaphore_mem>>)
        %dma_start3A_235 = tpu.memref_slice %arg8[%get3A_11] : memref<2x!tpu.dma_semaphore, #tpu.memory_space<semaphore_mem>> -> memref<1x!tpu.dma_semaphore, #tpu.memory_space<semaphore_mem>>
        %dma_start3A_236 = tpu.memref_squeeze %dma_start3A_235 : memref<1x!tpu.dma_semaphore, #tpu.memory_space<semaphore_mem>> -> memref<!tpu.dma_semaphore, #tpu.memory_space<semaphore_mem>>
        %dma_start3A_237 = arith.constant 512 : i32
        %dma_start3A_238 = arith.constant 0 : i32
        %dma_start3A_239 = tpu.memref_slice %arg6[%get3A_11, %dma_start3A_237, %dma_start3A_238] : memref<2x2048x768xf32, #tpu.memory_space<vmem>> -> memref<1x256x768xf32, #tpu.memory_space<vmem>>
        %dma_start3A_240 = tpu.memref_squeeze %dma_start3A_239 : memref<1x256x768xf32, #tpu.memory_space<vmem>> -> memref<256x768xf32, #tpu.memory_space<vmem>>
        %dma_start3A_241 = arith.constant 512 : i32
        %dma_start3A_242 = arith.constant 0 : i32
        %dma_start3A_243 = tpu.memref_slice %arg3[%get3A_0, %dma_start3A_241, %dma_start3A_242] : memref<8x2048x768xf32, #tpu.memory_space<any>> -> memref<1x256x768xf32, #tpu.memory_space<any>>
        %dma_start3A_244 = tpu.memref_squeeze %dma_start3A_243 : memref<1x256x768xf32, #tpu.memory_space<any>> -> memref<256x768xf32, #tpu.memory_space<any>>
        tpu.enqueue_dma source(%dma_start3A_244 : memref<256x768xf32, #tpu.memory_space<any>>) target(%dma_start3A_240 : memref<256x768xf32, #tpu.memory_space<vmem>>) target_semaphore(%dma_start3A_236 : memref<!tpu.dma_semaphore, #tpu.memory_space<semaphore_mem>>)
        %dma_start3A_245 = tpu.memref_slice %arg9[%get3A_11] : memref<2x!tpu.dma_semaphore, #tpu.memory_space<semaphore_mem>> -> memref<1x!tpu.dma_semaphore, #tpu.memory_space<semaphore_mem>>
        %dma_start3A_246 = tpu.memref_squeeze %dma_start3A_245 : memref<1x!tpu.dma_semaphore, #tpu.memory_space<semaphore_mem>> -> memref<!tpu.dma_semaphore, #tpu.memory_space<semaphore_mem>>
        %dma_start3A_247 = arith.constant 192 : i32
        %dma_start3A_248 = arith.constant 0 : i32
        %dma_start3A_249 = tpu.memref_slice %arg7[%get3A_11, %dma_start3A_247, %dma_start3A_248] : memref<2x768x1024xf32, #tpu.memory_space<vmem>> -> memref<1x96x1024xf32, #tpu.memory_space<vmem>>
        %dma_start3A_250 = tpu.memref_squeeze %dma_start3A_249 : memref<1x96x1024xf32, #tpu.memory_space<vmem>> -> memref<96x1024xf32, #tpu.memory_space<vmem>>
        %dma_start3A_251 = arith.constant 192 : i32
        %dma_start3A_252 = arith.constant 0 : i32
        %dma_start3A_253 = tpu.memref_slice %arg4[%get3A_0, %dma_start3A_251, %dma_start3A_252] : memref<8x768x1024xf32, #tpu.memory_space<any>> -> memref<1x96x1024xf32, #tpu.memory_space<any>>
        %dma_start3A_254 = tpu.memref_squeeze %dma_start3A_253 : memref<1x96x1024xf32, #tpu.memory_space<any>> -> memref<96x1024xf32, #tpu.memory_space<any>>
        tpu.enqueue_dma source(%dma_start3A_254 : memref<96x1024xf32, #tpu.memory_space<any>>) target(%dma_start3A_250 : memref<96x1024xf32, #tpu.memory_space<vmem>>) target_semaphore(%dma_start3A_246 : memref<!tpu.dma_semaphore, #tpu.memory_space<semaphore_mem>>)
        %dma_start3A_255 = tpu.memref_slice %arg8[%get3A_11] : memref<2x!tpu.dma_semaphore, #tpu.memory_space<semaphore_mem>> -> memref<1x!tpu.dma_semaphore, #tpu.memory_space<semaphore_mem>>
        %dma_start3A_256 = tpu.memref_squeeze %dma_start3A_255 : memref<1x!tpu.dma_semaphore, #tpu.memory_space<semaphore_mem>> -> memref<!tpu.dma_semaphore, #tpu.memory_space<semaphore_mem>>
        %dma_start3A_257 = arith.constant 768 : i32
        %dma_start3A_258 = arith.constant 0 : i32
        %dma_start3A_259 = tpu.memref_slice %arg6[%get3A_11, %dma_start3A_257, %dma_start3A_258] : memref<2x2048x768xf32, #tpu.memory_space<vmem>> -> memref<1x256x768xf32, #tpu.memory_space<vmem>>
        %dma_start3A_260 = tpu.memref_squeeze %dma_start3A_259 : memref<1x256x768xf32, #tpu.memory_space<vmem>> -> memref<256x768xf32, #tpu.memory_space<vmem>>
        %dma_start3A_261 = arith.constant 768 : i32
        %dma_start3A_262 = arith.constant 0 : i32
        %dma_start3A_263 = tpu.memref_slice %arg3[%get3A_0, %dma_start3A_261, %dma_start3A_262] : memref<8x2048x768xf32, #tpu.memory_space<any>> -> memref<1x256x768xf32, #tpu.memory_space<any>>
        %dma_start3A_264 = tpu.memref_squeeze %dma_start3A_263 : memref<1x256x768xf32, #tpu.memory_space<any>> -> memref<256x768xf32, #tpu.memory_space<any>>
        tpu.enqueue_dma source(%dma_start3A_264 : memref<256x768xf32, #tpu.memory_space<any>>) target(%dma_start3A_260 : memref<256x768xf32, #tpu.memory_space<vmem>>) target_semaphore(%dma_start3A_256 : memref<!tpu.dma_semaphore, #tpu.memory_space<semaphore_mem>>)
        %dma_start3A_265 = tpu.memref_slice %arg9[%get3A_11] : memref<2x!tpu.dma_semaphore, #tpu.memory_space<semaphore_mem>> -> memref<1x!tpu.dma_semaphore, #tpu.memory_space<semaphore_mem>>
        %dma_start3A_266 = tpu.memref_squeeze %dma_start3A_265 : memref<1x!tpu.dma_semaphore, #tpu.memory_space<semaphore_mem>> -> memref<!tpu.dma_semaphore, #tpu.memory_space<semaphore_mem>>
        %dma_start3A_267 = arith.constant 288 : i32
        %dma_start3A_268 = arith.constant 0 : i32
        %dma_start3A_269 = tpu.memref_slice %arg7[%get3A_11, %dma_start3A_267, %dma_start3A_268] : memref<2x768x1024xf32, #tpu.memory_space<vmem>> -> memref<1x96x1024xf32, #tpu.memory_space<vmem>>
        %dma_start3A_270 = tpu.memref_squeeze %dma_start3A_269 : memref<1x96x1024xf32, #tpu.memory_space<vmem>> -> memref<96x1024xf32, #tpu.memory_space<vmem>>
        %dma_start3A_271 = arith.constant 288 : i32
        %dma_start3A_272 = arith.constant 0 : i32
        %dma_start3A_273 = tpu.memref_slice %arg4[%get3A_0, %dma_start3A_271, %dma_start3A_272] : memref<8x768x1024xf32, #tpu.memory_space<any>> -> memref<1x96x1024xf32, #tpu.memory_space<any>>
        %dma_start3A_274 = tpu.memref_squeeze %dma_start3A_273 : memref<1x96x1024xf32, #tpu.memory_space<any>> -> memref<96x1024xf32, #tpu.memory_space<any>>
        tpu.enqueue_dma source(%dma_start3A_274 : memref<96x1024xf32, #tpu.memory_space<any>>) target(%dma_start3A_270 : memref<96x1024xf32, #tpu.memory_space<vmem>>) target_semaphore(%dma_start3A_266 : memref<!tpu.dma_semaphore, #tpu.memory_space<semaphore_mem>>)
        %dma_start3A_275 = tpu.memref_slice %arg8[%get3A_11] : memref<2x!tpu.dma_semaphore, #tpu.memory_space<semaphore_mem>> -> memref<1x!tpu.dma_semaphore, #tpu.memory_space<semaphore_mem>>
        %dma_start3A_276 = tpu.memref_squeeze %dma_start3A_275 : memref<1x!tpu.dma_semaphore, #tpu.memory_space<semaphore_mem>> -> memref<!tpu.dma_semaphore, #tpu.memory_space<semaphore_mem>>
        %dma_start3A_277 = arith.constant 1024 : i32
        %dma_start3A_278 = arith.constant 0 : i32
        %dma_start3A_279 = tpu.memref_slice %arg6[%get3A_11, %dma_start3A_277, %dma_start3A_278] : memref<2x2048x768xf32, #tpu.memory_space<vmem>> -> memref<1x256x768xf32, #tpu.memory_space<vmem>>
        %dma_start3A_280 = tpu.memref_squeeze %dma_start3A_279 : memref<1x256x768xf32, #tpu.memory_space<vmem>> -> memref<256x768xf32, #tpu.memory_space<vmem>>
        %dma_start3A_281 = arith.constant 1024 : i32
        %dma_start3A_282 = arith.constant 0 : i32
        %dma_start3A_283 = tpu.memref_slice %arg3[%get3A_0, %dma_start3A_281, %dma_start3A_282] : memref<8x2048x768xf32, #tpu.memory_space<any>> -> memref<1x256x768xf32, #tpu.memory_space<any>>
        %dma_start3A_284 = tpu.memref_squeeze %dma_start3A_283 : memref<1x256x768xf32, #tpu.memory_space<any>> -> memref<256x768xf32, #tpu.memory_space<any>>
        tpu.enqueue_dma source(%dma_start3A_284 : memref<256x768xf32, #tpu.memory_space<any>>) target(%dma_start3A_280 : memref<256x768xf32, #tpu.memory_space<vmem>>) target_semaphore(%dma_start3A_276 : memref<!tpu.dma_semaphore, #tpu.memory_space<semaphore_mem>>)
        %dma_start3A_285 = tpu.memref_slice %arg9[%get3A_11] : memref<2x!tpu.dma_semaphore, #tpu.memory_space<semaphore_mem>> -> memref<1x!tpu.dma_semaphore, #tpu.memory_space<semaphore_mem>>
        %dma_start3A_286 = tpu.memref_squeeze %dma_start3A_285 : memref<1x!tpu.dma_semaphore, #tpu.memory_space<semaphore_mem>> -> memref<!tpu.dma_semaphore, #tpu.memory_space<semaphore_mem>>
        %dma_start3A_287 = arith.constant 384 : i32
        %dma_start3A_288 = arith.constant 0 : i32
        %dma_start3A_289 = tpu.memref_slice %arg7[%get3A_11, %dma_start3A_287, %dma_start3A_288] : memref<2x768x1024xf32, #tpu.memory_space<vmem>> -> memref<1x96x1024xf32, #tpu.memory_space<vmem>>
        %dma_start3A_290 = tpu.memref_squeeze %dma_start3A_289 : memref<1x96x1024xf32, #tpu.memory_space<vmem>> -> memref<96x1024xf32, #tpu.memory_space<vmem>>
        %dma_start3A_291 = arith.constant 384 : i32
        %dma_start3A_292 = arith.constant 0 : i32
        %dma_start3A_293 = tpu.memref_slice %arg4[%get3A_0, %dma_start3A_291, %dma_start3A_292] : memref<8x768x1024xf32, #tpu.memory_space<any>> -> memref<1x96x1024xf32, #tpu.memory_space<any>>
        %dma_start3A_294 = tpu.memref_squeeze %dma_start3A_293 : memref<1x96x1024xf32, #tpu.memory_space<any>> -> memref<96x1024xf32, #tpu.memory_space<any>>
        tpu.enqueue_dma source(%dma_start3A_294 : memref<96x1024xf32, #tpu.memory_space<any>>) target(%dma_start3A_290 : memref<96x1024xf32, #tpu.memory_space<vmem>>) target_semaphore(%dma_start3A_286 : memref<!tpu.dma_semaphore, #tpu.memory_space<semaphore_mem>>)
        %dma_start3A_295 = tpu.memref_slice %arg8[%get3A_11] : memref<2x!tpu.dma_semaphore, #tpu.memory_space<semaphore_mem>> -> memref<1x!tpu.dma_semaphore, #tpu.memory_space<semaphore_mem>>
        %dma_start3A_296 = tpu.memref_squeeze %dma_start3A_295 : memref<1x!tpu.dma_semaphore, #tpu.memory_space<semaphore_mem>> -> memref<!tpu.dma_semaphore, #tpu.memory_space<semaphore_mem>>
        %dma_start3A_297 = arith.constant 1280 : i32
        %dma_start3A_298 = arith.constant 0 : i32
        %dma_start3A_299 = tpu.memref_slice %arg6[%get3A_11, %dma_start3A_297, %dma_start3A_298] : memref<2x2048x768xf32, #tpu.memory_space<vmem>> -> memref<1x256x768xf32, #tpu.memory_space<vmem>>
        %dma_start3A_300 = tpu.memref_squeeze %dma_start3A_299 : memref<1x256x768xf32, #tpu.memory_space<vmem>> -> memref<256x768xf32, #tpu.memory_space<vmem>>
        %dma_start3A_301 = arith.constant 1280 : i32
        %dma_start3A_302 = arith.constant 0 : i32
        %dma_start3A_303 = tpu.memref_slice %arg3[%get3A_0, %dma_start3A_301, %dma_start3A_302] : memref<8x2048x768xf32, #tpu.memory_space<any>> -> memref<1x256x768xf32, #tpu.memory_space<any>>
        %dma_start3A_304 = tpu.memref_squeeze %dma_start3A_303 : memref<1x256x768xf32, #tpu.memory_space<any>> -> memref<256x768xf32, #tpu.memory_space<any>>
        tpu.enqueue_dma source(%dma_start3A_304 : memref<256x768xf32, #tpu.memory_space<any>>) target(%dma_start3A_300 : memref<256x768xf32, #tpu.memory_space<vmem>>) target_semaphore(%dma_start3A_296 : memref<!tpu.dma_semaphore, #tpu.memory_space<semaphore_mem>>)
        %dma_start3A_305 = tpu.memref_slice %arg9[%get3A_11] : memref<2x!tpu.dma_semaphore, #tpu.memory_space<semaphore_mem>> -> memref<1x!tpu.dma_semaphore, #tpu.memory_space<semaphore_mem>>
        %dma_start3A_306 = tpu.memref_squeeze %dma_start3A_305 : memref<1x!tpu.dma_semaphore, #tpu.memory_space<semaphore_mem>> -> memref<!tpu.dma_semaphore, #tpu.memory_space<semaphore_mem>>
        %dma_start3A_307 = arith.constant 480 : i32
        %dma_start3A_308 = arith.constant 0 : i32
        %dma_start3A_309 = tpu.memref_slice %arg7[%get3A_11, %dma_start3A_307, %dma_start3A_308] : memref<2x768x1024xf32, #tpu.memory_space<vmem>> -> memref<1x96x1024xf32, #tpu.memory_space<vmem>>
        %dma_start3A_310 = tpu.memref_squeeze %dma_start3A_309 : memref<1x96x1024xf32, #tpu.memory_space<vmem>> -> memref<96x1024xf32, #tpu.memory_space<vmem>>
        %dma_start3A_311 = arith.constant 480 : i32
        %dma_start3A_312 = arith.constant 0 : i32
        %dma_start3A_313 = tpu.memref_slice %arg4[%get3A_0, %dma_start3A_311, %dma_start3A_312] : memref<8x768x1024xf32, #tpu.memory_space<any>> -> memref<1x96x1024xf32, #tpu.memory_space<any>>
        %dma_start3A_314 = tpu.memref_squeeze %dma_start3A_313 : memref<1x96x1024xf32, #tpu.memory_space<any>> -> memref<96x1024xf32, #tpu.memory_space<any>>
        tpu.enqueue_dma source(%dma_start3A_314 : memref<96x1024xf32, #tpu.memory_space<any>>) target(%dma_start3A_310 : memref<96x1024xf32, #tpu.memory_space<vmem>>) target_semaphore(%dma_start3A_306 : memref<!tpu.dma_semaphore, #tpu.memory_space<semaphore_mem>>)
        %dma_start3A_315 = tpu.memref_slice %arg8[%get3A_11] : memref<2x!tpu.dma_semaphore, #tpu.memory_space<semaphore_mem>> -> memref<1x!tpu.dma_semaphore, #tpu.memory_space<semaphore_mem>>
        %dma_start3A_316 = tpu.memref_squeeze %dma_start3A_315 : memref<1x!tpu.dma_semaphore, #tpu.memory_space<semaphore_mem>> -> memref<!tpu.dma_semaphore, #tpu.memory_space<semaphore_mem>>
        %dma_start3A_317 = arith.constant 1536 : i32
        %dma_start3A_318 = arith.constant 0 : i32
        %dma_start3A_319 = tpu.memref_slice %arg6[%get3A_11, %dma_start3A_317, %dma_start3A_318] : memref<2x2048x768xf32, #tpu.memory_space<vmem>> -> memref<1x256x768xf32, #tpu.memory_space<vmem>>
        %dma_start3A_320 = tpu.memref_squeeze %dma_start3A_319 : memref<1x256x768xf32, #tpu.memory_space<vmem>> -> memref<256x768xf32, #tpu.memory_space<vmem>>
        %dma_start3A_321 = arith.constant 1536 : i32
        %dma_start3A_322 = arith.constant 0 : i32
        %dma_start3A_323 = tpu.memref_slice %arg3[%get3A_0, %dma_start3A_321, %dma_start3A_322] : memref<8x2048x768xf32, #tpu.memory_space<any>> -> memref<1x256x768xf32, #tpu.memory_space<any>>
        %dma_start3A_324 = tpu.memref_squeeze %dma_start3A_323 : memref<1x256x768xf32, #tpu.memory_space<any>> -> memref<256x768xf32, #tpu.memory_space<any>>
        tpu.enqueue_dma source(%dma_start3A_324 : memref<256x768xf32, #tpu.memory_space<any>>) target(%dma_start3A_320 : memref<256x768xf32, #tpu.memory_space<vmem>>) target_semaphore(%dma_start3A_316 : memref<!tpu.dma_semaphore, #tpu.memory_space<semaphore_mem>>)
        %dma_start3A_325 = tpu.memref_slice %arg9[%get3A_11] : memref<2x!tpu.dma_semaphore, #tpu.memory_space<semaphore_mem>> -> memref<1x!tpu.dma_semaphore, #tpu.memory_space<semaphore_mem>>
        %dma_start3A_326 = tpu.memref_squeeze %dma_start3A_325 : memref<1x!tpu.dma_semaphore, #tpu.memory_space<semaphore_mem>> -> memref<!tpu.dma_semaphore, #tpu.memory_space<semaphore_mem>>
        %dma_start3A_327 = arith.constant 576 : i32
        %dma_start3A_328 = arith.constant 0 : i32
        %dma_start3A_329 = tpu.memref_slice %arg7[%get3A_11, %dma_start3A_327, %dma_start3A_328] : memref<2x768x1024xf32, #tpu.memory_space<vmem>> -> memref<1x96x1024xf32, #tpu.memory_space<vmem>>
        %dma_start3A_330 = tpu.memref_squeeze %dma_start3A_329 : memref<1x96x1024xf32, #tpu.memory_space<vmem>> -> memref<96x1024xf32, #tpu.memory_space<vmem>>
        %dma_start3A_331 = arith.constant 576 : i32
        %dma_start3A_332 = arith.constant 0 : i32
        %dma_start3A_333 = tpu.memref_slice %arg4[%get3A_0, %dma_start3A_331, %dma_start3A_332] : memref<8x768x1024xf32, #tpu.memory_space<any>> -> memref<1x96x1024xf32, #tpu.memory_space<any>>
        %dma_start3A_334 = tpu.memref_squeeze %dma_start3A_333 : memref<1x96x1024xf32, #tpu.memory_space<any>> -> memref<96x1024xf32, #tpu.memory_space<any>>
        tpu.enqueue_dma source(%dma_start3A_334 : memref<96x1024xf32, #tpu.memory_space<any>>) target(%dma_start3A_330 : memref<96x1024xf32, #tpu.memory_space<vmem>>) target_semaphore(%dma_start3A_326 : memref<!tpu.dma_semaphore, #tpu.memory_space<semaphore_mem>>)
        %dma_start3A_335 = tpu.memref_slice %arg8[%get3A_11] : memref<2x!tpu.dma_semaphore, #tpu.memory_space<semaphore_mem>> -> memref<1x!tpu.dma_semaphore, #tpu.memory_space<semaphore_mem>>
        %dma_start3A_336 = tpu.memref_squeeze %dma_start3A_335 : memref<1x!tpu.dma_semaphore, #tpu.memory_space<semaphore_mem>> -> memref<!tpu.dma_semaphore, #tpu.memory_space<semaphore_mem>>
        %dma_start3A_337 = arith.constant 1792 : i32
        %dma_start3A_338 = arith.constant 0 : i32
        %dma_start3A_339 = tpu.memref_slice %arg6[%get3A_11, %dma_start3A_337, %dma_start3A_338] : memref<2x2048x768xf32, #tpu.memory_space<vmem>> -> memref<1x256x768xf32, #tpu.memory_space<vmem>>
        %dma_start3A_340 = tpu.memref_squeeze %dma_start3A_339 : memref<1x256x768xf32, #tpu.memory_space<vmem>> -> memref<256x768xf32, #tpu.memory_space<vmem>>
        %dma_start3A_341 = arith.constant 1792 : i32
        %dma_start3A_342 = arith.constant 0 : i32
        %dma_start3A_343 = tpu.memref_slice %arg3[%get3A_0, %dma_start3A_341, %dma_start3A_342] : memref<8x2048x768xf32, #tpu.memory_space<any>> -> memref<1x256x768xf32, #tpu.memory_space<any>>
        %dma_start3A_344 = tpu.memref_squeeze %dma_start3A_343 : memref<1x256x768xf32, #tpu.memory_space<any>> -> memref<256x768xf32, #tpu.memory_space<any>>
        tpu.enqueue_dma source(%dma_start3A_344 : memref<256x768xf32, #tpu.memory_space<any>>) target(%dma_start3A_340 : memref<256x768xf32, #tpu.memory_space<vmem>>) target_semaphore(%dma_start3A_336 : memref<!tpu.dma_semaphore, #tpu.memory_space<semaphore_mem>>)
        %dma_start3A_345 = tpu.memref_slice %arg9[%get3A_11] : memref<2x!tpu.dma_semaphore, #tpu.memory_space<semaphore_mem>> -> memref<1x!tpu.dma_semaphore, #tpu.memory_space<semaphore_mem>>
        %dma_start3A_346 = tpu.memref_squeeze %dma_start3A_345 : memref<1x!tpu.dma_semaphore, #tpu.memory_space<semaphore_mem>> -> memref<!tpu.dma_semaphore, #tpu.memory_space<semaphore_mem>>
        %dma_start3A_347 = arith.constant 672 : i32
        %dma_start3A_348 = arith.constant 0 : i32
        %dma_start3A_349 = tpu.memref_slice %arg7[%get3A_11, %dma_start3A_347, %dma_start3A_348] : memref<2x768x1024xf32, #tpu.memory_space<vmem>> -> memref<1x96x1024xf32, #tpu.memory_space<vmem>>
        %dma_start3A_350 = tpu.memref_squeeze %dma_start3A_349 : memref<1x96x1024xf32, #tpu.memory_space<vmem>> -> memref<96x1024xf32, #tpu.memory_space<vmem>>
        %dma_start3A_351 = arith.constant 672 : i32
        %dma_start3A_352 = arith.constant 0 : i32
        %dma_start3A_353 = tpu.memref_slice %arg4[%get3A_0, %dma_start3A_351, %dma_start3A_352] : memref<8x768x1024xf32, #tpu.memory_space<any>> -> memref<1x96x1024xf32, #tpu.memory_space<any>>
        %dma_start3A_354 = tpu.memref_squeeze %dma_start3A_353 : memref<1x96x1024xf32, #tpu.memory_space<any>> -> memref<96x1024xf32, #tpu.memory_space<any>>
        tpu.enqueue_dma source(%dma_start3A_354 : memref<96x1024xf32, #tpu.memory_space<any>>) target(%dma_start3A_350 : memref<96x1024xf32, #tpu.memory_space<vmem>>) target_semaphore(%dma_start3A_346 : memref<!tpu.dma_semaphore, #tpu.memory_space<semaphore_mem>>)
      } else {
      }
      %dma_wait3A = tpu.memref_slice %arg8[%get3A_11] : memref<2x!tpu.dma_semaphore, #tpu.memory_space<semaphore_mem>> -> memref<1x!tpu.dma_semaphore, #tpu.memory_space<semaphore_mem>>
      %dma_wait3A_32 = tpu.memref_squeeze %dma_wait3A : memref<1x!tpu.dma_semaphore, #tpu.memory_space<semaphore_mem>> -> memref<!tpu.dma_semaphore, #tpu.memory_space<semaphore_mem>>
      %dma_wait3A_33 = arith.constant 0 : i32
      %dma_wait3A_34 = arith.constant 0 : i32
      %dma_wait3A_35 = tpu.memref_slice %arg6[%get3A_11, %dma_wait3A_33, %dma_wait3A_34] : memref<2x2048x768xf32, #tpu.memory_space<vmem>> -> memref<1x256x768xf32, #tpu.memory_space<vmem>>
      %dma_wait3A_36 = tpu.memref_squeeze %dma_wait3A_35 : memref<1x256x768xf32, #tpu.memory_space<vmem>> -> memref<256x768xf32, #tpu.memory_space<vmem>>
      %dma_wait3A_37 = arith.constant 0 : i32
      %dma_wait3A_38 = arith.constant 0 : i32
      %dma_wait3A_39 = tpu.memref_slice %arg3[%get3A_0, %dma_wait3A_37, %dma_wait3A_38] : memref<8x2048x768xf32, #tpu.memory_space<any>> -> memref<1x256x768xf32, #tpu.memory_space<any>>
      %dma_wait3A_40 = tpu.memref_squeeze %dma_wait3A_39 : memref<1x256x768xf32, #tpu.memory_space<any>> -> memref<256x768xf32, #tpu.memory_space<any>>
      tpu.wait_dma2 semaphore(%dma_wait3A_32 : memref<!tpu.dma_semaphore, #tpu.memory_space<semaphore_mem>>) src(%dma_wait3A_40 : memref<256x768xf32, #tpu.memory_space<any>>) dst(%dma_wait3A_36 : memref<256x768xf32, #tpu.memory_space<vmem>>)
      %dma_wait3A_41 = tpu.memref_slice %arg9[%get3A_11] : memref<2x!tpu.dma_semaphore, #tpu.memory_space<semaphore_mem>> -> memref<1x!tpu.dma_semaphore, #tpu.memory_space<semaphore_mem>>
      %dma_wait3A_42 = tpu.memref_squeeze %dma_wait3A_41 : memref<1x!tpu.dma_semaphore, #tpu.memory_space<semaphore_mem>> -> memref<!tpu.dma_semaphore, #tpu.memory_space<semaphore_mem>>
      %dma_wait3A_43 = arith.constant 0 : i32
      %dma_wait3A_44 = arith.constant 0 : i32
      %dma_wait3A_45 = tpu.memref_slice %arg7[%get3A_11, %dma_wait3A_43, %dma_wait3A_44] : memref<2x768x1024xf32, #tpu.memory_space<vmem>> -> memref<1x96x1024xf32, #tpu.memory_space<vmem>>
      %dma_wait3A_46 = tpu.memref_squeeze %dma_wait3A_45 : memref<1x96x1024xf32, #tpu.memory_space<vmem>> -> memref<96x1024xf32, #tpu.memory_space<vmem>>
      %dma_wait3A_47 = arith.constant 0 : i32
      %dma_wait3A_48 = arith.constant 0 : i32
      %dma_wait3A_49 = tpu.memref_slice %arg4[%get3A_0, %dma_wait3A_47, %dma_wait3A_48] : memref<8x768x1024xf32, #tpu.memory_space<any>> -> memref<1x96x1024xf32, #tpu.memory_space<any>>
      %dma_wait3A_50 = tpu.memref_squeeze %dma_wait3A_49 : memref<1x96x1024xf32, #tpu.memory_space<any>> -> memref<96x1024xf32, #tpu.memory_space<any>>
      tpu.wait_dma2 semaphore(%dma_wait3A_42 : memref<!tpu.dma_semaphore, #tpu.memory_space<semaphore_mem>>) src(%dma_wait3A_50 : memref<96x1024xf32, #tpu.memory_space<any>>) dst(%dma_wait3A_46 : memref<96x1024xf32, #tpu.memory_space<vmem>>)
      %dma_wait3A_51 = tpu.memref_slice %arg8[%get3A_11] : memref<2x!tpu.dma_semaphore, #tpu.memory_space<semaphore_mem>> -> memref<1x!tpu.dma_semaphore, #tpu.memory_space<semaphore_mem>>
      %dma_wait3A_52 = tpu.memref_squeeze %dma_wait3A_51 : memref<1x!tpu.dma_semaphore, #tpu.memory_space<semaphore_mem>> -> memref<!tpu.dma_semaphore, #tpu.memory_space<semaphore_mem>>
      %dma_wait3A_53 = arith.constant 256 : i32
      %dma_wait3A_54 = arith.constant 0 : i32
      %dma_wait3A_55 = tpu.memref_slice %arg6[%get3A_11, %dma_wait3A_53, %dma_wait3A_54] : memref<2x2048x768xf32, #tpu.memory_space<vmem>> -> memref<1x256x768xf32, #tpu.memory_space<vmem>>
      %dma_wait3A_56 = tpu.memref_squeeze %dma_wait3A_55 : memref<1x256x768xf32, #tpu.memory_space<vmem>> -> memref<256x768xf32, #tpu.memory_space<vmem>>
      %dma_wait3A_57 = arith.constant 256 : i32
      %dma_wait3A_58 = arith.constant 0 : i32
      %dma_wait3A_59 = tpu.memref_slice %arg3[%get3A_0, %dma_wait3A_57, %dma_wait3A_58] : memref<8x2048x768xf32, #tpu.memory_space<any>> -> memref<1x256x768xf32, #tpu.memory_space<any>>
      %dma_wait3A_60 = tpu.memref_squeeze %dma_wait3A_59 : memref<1x256x768xf32, #tpu.memory_space<any>> -> memref<256x768xf32, #tpu.memory_space<any>>
      tpu.wait_dma2 semaphore(%dma_wait3A_52 : memref<!tpu.dma_semaphore, #tpu.memory_space<semaphore_mem>>) src(%dma_wait3A_60 : memref<256x768xf32, #tpu.memory_space<any>>) dst(%dma_wait3A_56 : memref<256x768xf32, #tpu.memory_space<vmem>>)
      %dma_wait3A_61 = tpu.memref_slice %arg9[%get3A_11] : memref<2x!tpu.dma_semaphore, #tpu.memory_space<semaphore_mem>> -> memref<1x!tpu.dma_semaphore, #tpu.memory_space<semaphore_mem>>
      %dma_wait3A_62 = tpu.memref_squeeze %dma_wait3A_61 : memref<1x!tpu.dma_semaphore, #tpu.memory_space<semaphore_mem>> -> memref<!tpu.dma_semaphore, #tpu.memory_space<semaphore_mem>>
      %dma_wait3A_63 = arith.constant 96 : i32
      %dma_wait3A_64 = arith.constant 0 : i32
      %dma_wait3A_65 = tpu.memref_slice %arg7[%get3A_11, %dma_wait3A_63, %dma_wait3A_64] : memref<2x768x1024xf32, #tpu.memory_space<vmem>> -> memref<1x96x1024xf32, #tpu.memory_space<vmem>>
      %dma_wait3A_66 = tpu.memref_squeeze %dma_wait3A_65 : memref<1x96x1024xf32, #tpu.memory_space<vmem>> -> memref<96x1024xf32, #tpu.memory_space<vmem>>
      %dma_wait3A_67 = arith.constant 96 : i32
      %dma_wait3A_68 = arith.constant 0 : i32
      %dma_wait3A_69 = tpu.memref_slice %arg4[%get3A_0, %dma_wait3A_67, %dma_wait3A_68] : memref<8x768x1024xf32, #tpu.memory_space<any>> -> memref<1x96x1024xf32, #tpu.memory_space<any>>
      %dma_wait3A_70 = tpu.memref_squeeze %dma_wait3A_69 : memref<1x96x1024xf32, #tpu.memory_space<any>> -> memref<96x1024xf32, #tpu.memory_space<any>>
      tpu.wait_dma2 semaphore(%dma_wait3A_62 : memref<!tpu.dma_semaphore, #tpu.memory_space<semaphore_mem>>) src(%dma_wait3A_70 : memref<96x1024xf32, #tpu.memory_space<any>>) dst(%dma_wait3A_66 : memref<96x1024xf32, #tpu.memory_space<vmem>>)
      %dma_wait3A_71 = tpu.memref_slice %arg8[%get3A_11] : memref<2x!tpu.dma_semaphore, #tpu.memory_space<semaphore_mem>> -> memref<1x!tpu.dma_semaphore, #tpu.memory_space<semaphore_mem>>
      %dma_wait3A_72 = tpu.memref_squeeze %dma_wait3A_71 : memref<1x!tpu.dma_semaphore, #tpu.memory_space<semaphore_mem>> -> memref<!tpu.dma_semaphore, #tpu.memory_space<semaphore_mem>>
      %dma_wait3A_73 = arith.constant 512 : i32
      %dma_wait3A_74 = arith.constant 0 : i32
      %dma_wait3A_75 = tpu.memref_slice %arg6[%get3A_11, %dma_wait3A_73, %dma_wait3A_74] : memref<2x2048x768xf32, #tpu.memory_space<vmem>> -> memref<1x256x768xf32, #tpu.memory_space<vmem>>
      %dma_wait3A_76 = tpu.memref_squeeze %dma_wait3A_75 : memref<1x256x768xf32, #tpu.memory_space<vmem>> -> memref<256x768xf32, #tpu.memory_space<vmem>>
      %dma_wait3A_77 = arith.constant 512 : i32
      %dma_wait3A_78 = arith.constant 0 : i32
      %dma_wait3A_79 = tpu.memref_slice %arg3[%get3A_0, %dma_wait3A_77, %dma_wait3A_78] : memref<8x2048x768xf32, #tpu.memory_space<any>> -> memref<1x256x768xf32, #tpu.memory_space<any>>
      %dma_wait3A_80 = tpu.memref_squeeze %dma_wait3A_79 : memref<1x256x768xf32, #tpu.memory_space<any>> -> memref<256x768xf32, #tpu.memory_space<any>>
      tpu.wait_dma2 semaphore(%dma_wait3A_72 : memref<!tpu.dma_semaphore, #tpu.memory_space<semaphore_mem>>) src(%dma_wait3A_80 : memref<256x768xf32, #tpu.memory_space<any>>) dst(%dma_wait3A_76 : memref<256x768xf32, #tpu.memory_space<vmem>>)
      %dma_wait3A_81 = tpu.memref_slice %arg9[%get3A_11] : memref<2x!tpu.dma_semaphore, #tpu.memory_space<semaphore_mem>> -> memref<1x!tpu.dma_semaphore, #tpu.memory_space<semaphore_mem>>
      %dma_wait3A_82 = tpu.memref_squeeze %dma_wait3A_81 : memref<1x!tpu.dma_semaphore, #tpu.memory_space<semaphore_mem>> -> memref<!tpu.dma_semaphore, #tpu.memory_space<semaphore_mem>>
      %dma_wait3A_83 = arith.constant 192 : i32
      %dma_wait3A_84 = arith.constant 0 : i32
      %dma_wait3A_85 = tpu.memref_slice %arg7[%get3A_11, %dma_wait3A_83, %dma_wait3A_84] : memref<2x768x1024xf32, #tpu.memory_space<vmem>> -> memref<1x96x1024xf32, #tpu.memory_space<vmem>>
      %dma_wait3A_86 = tpu.memref_squeeze %dma_wait3A_85 : memref<1x96x1024xf32, #tpu.memory_space<vmem>> -> memref<96x1024xf32, #tpu.memory_space<vmem>>
      %dma_wait3A_87 = arith.constant 192 : i32
      %dma_wait3A_88 = arith.constant 0 : i32
      %dma_wait3A_89 = tpu.memref_slice %arg4[%get3A_0, %dma_wait3A_87, %dma_wait3A_88] : memref<8x768x1024xf32, #tpu.memory_space<any>> -> memref<1x96x1024xf32, #tpu.memory_space<any>>
      %dma_wait3A_90 = tpu.memref_squeeze %dma_wait3A_89 : memref<1x96x1024xf32, #tpu.memory_space<any>> -> memref<96x1024xf32, #tpu.memory_space<any>>
      tpu.wait_dma2 semaphore(%dma_wait3A_82 : memref<!tpu.dma_semaphore, #tpu.memory_space<semaphore_mem>>) src(%dma_wait3A_90 : memref<96x1024xf32, #tpu.memory_space<any>>) dst(%dma_wait3A_86 : memref<96x1024xf32, #tpu.memory_space<vmem>>)
      %dma_wait3A_91 = tpu.memref_slice %arg8[%get3A_11] : memref<2x!tpu.dma_semaphore, #tpu.memory_space<semaphore_mem>> -> memref<1x!tpu.dma_semaphore, #tpu.memory_space<semaphore_mem>>
      %dma_wait3A_92 = tpu.memref_squeeze %dma_wait3A_91 : memref<1x!tpu.dma_semaphore, #tpu.memory_space<semaphore_mem>> -> memref<!tpu.dma_semaphore, #tpu.memory_space<semaphore_mem>>
      %dma_wait3A_93 = arith.constant 768 : i32
      %dma_wait3A_94 = arith.constant 0 : i32
      %dma_wait3A_95 = tpu.memref_slice %arg6[%get3A_11, %dma_wait3A_93, %dma_wait3A_94] : memref<2x2048x768xf32, #tpu.memory_space<vmem>> -> memref<1x256x768xf32, #tpu.memory_space<vmem>>
      %dma_wait3A_96 = tpu.memref_squeeze %dma_wait3A_95 : memref<1x256x768xf32, #tpu.memory_space<vmem>> -> memref<256x768xf32, #tpu.memory_space<vmem>>
      %dma_wait3A_97 = arith.constant 768 : i32
      %dma_wait3A_98 = arith.constant 0 : i32
      %dma_wait3A_99 = tpu.memref_slice %arg3[%get3A_0, %dma_wait3A_97, %dma_wait3A_98] : memref<8x2048x768xf32, #tpu.memory_space<any>> -> memref<1x256x768xf32, #tpu.memory_space<any>>
      %dma_wait3A_100 = tpu.memref_squeeze %dma_wait3A_99 : memref<1x256x768xf32, #tpu.memory_space<any>> -> memref<256x768xf32, #tpu.memory_space<any>>
      tpu.wait_dma2 semaphore(%dma_wait3A_92 : memref<!tpu.dma_semaphore, #tpu.memory_space<semaphore_mem>>) src(%dma_wait3A_100 : memref<256x768xf32, #tpu.memory_space<any>>) dst(%dma_wait3A_96 : memref<256x768xf32, #tpu.memory_space<vmem>>)
      %dma_wait3A_101 = tpu.memref_slice %arg9[%get3A_11] : memref<2x!tpu.dma_semaphore, #tpu.memory_space<semaphore_mem>> -> memref<1x!tpu.dma_semaphore, #tpu.memory_space<semaphore_mem>>
      %dma_wait3A_102 = tpu.memref_squeeze %dma_wait3A_101 : memref<1x!tpu.dma_semaphore, #tpu.memory_space<semaphore_mem>> -> memref<!tpu.dma_semaphore, #tpu.memory_space<semaphore_mem>>
      %dma_wait3A_103 = arith.constant 288 : i32
      %dma_wait3A_104 = arith.constant 0 : i32
      %dma_wait3A_105 = tpu.memref_slice %arg7[%get3A_11, %dma_wait3A_103, %dma_wait3A_104] : memref<2x768x1024xf32, #tpu.memory_space<vmem>> -> memref<1x96x1024xf32, #tpu.memory_space<vmem>>
      %dma_wait3A_106 = tpu.memref_squeeze %dma_wait3A_105 : memref<1x96x1024xf32, #tpu.memory_space<vmem>> -> memref<96x1024xf32, #tpu.memory_space<vmem>>
      %dma_wait3A_107 = arith.constant 288 : i32
      %dma_wait3A_108 = arith.constant 0 : i32
      %dma_wait3A_109 = tpu.memref_slice %arg4[%get3A_0, %dma_wait3A_107, %dma_wait3A_108] : memref<8x768x1024xf32, #tpu.memory_space<any>> -> memref<1x96x1024xf32, #tpu.memory_space<any>>
      %dma_wait3A_110 = tpu.memref_squeeze %dma_wait3A_109 : memref<1x96x1024xf32, #tpu.memory_space<any>> -> memref<96x1024xf32, #tpu.memory_space<any>>
      tpu.wait_dma2 semaphore(%dma_wait3A_102 : memref<!tpu.dma_semaphore, #tpu.memory_space<semaphore_mem>>) src(%dma_wait3A_110 : memref<96x1024xf32, #tpu.memory_space<any>>) dst(%dma_wait3A_106 : memref<96x1024xf32, #tpu.memory_space<vmem>>)
      %dma_wait3A_111 = tpu.memref_slice %arg8[%get3A_11] : memref<2x!tpu.dma_semaphore, #tpu.memory_space<semaphore_mem>> -> memref<1x!tpu.dma_semaphore, #tpu.memory_space<semaphore_mem>>
      %dma_wait3A_112 = tpu.memref_squeeze %dma_wait3A_111 : memref<1x!tpu.dma_semaphore, #tpu.memory_space<semaphore_mem>> -> memref<!tpu.dma_semaphore, #tpu.memory_space<semaphore_mem>>
      %dma_wait3A_113 = arith.constant 1024 : i32
      %dma_wait3A_114 = arith.constant 0 : i32
      %dma_wait3A_115 = tpu.memref_slice %arg6[%get3A_11, %dma_wait3A_113, %dma_wait3A_114] : memref<2x2048x768xf32, #tpu.memory_space<vmem>> -> memref<1x256x768xf32, #tpu.memory_space<vmem>>
      %dma_wait3A_116 = tpu.memref_squeeze %dma_wait3A_115 : memref<1x256x768xf32, #tpu.memory_space<vmem>> -> memref<256x768xf32, #tpu.memory_space<vmem>>
      %dma_wait3A_117 = arith.constant 1024 : i32
      %dma_wait3A_118 = arith.constant 0 : i32
      %dma_wait3A_119 = tpu.memref_slice %arg3[%get3A_0, %dma_wait3A_117, %dma_wait3A_118] : memref<8x2048x768xf32, #tpu.memory_space<any>> -> memref<1x256x768xf32, #tpu.memory_space<any>>
      %dma_wait3A_120 = tpu.memref_squeeze %dma_wait3A_119 : memref<1x256x768xf32, #tpu.memory_space<any>> -> memref<256x768xf32, #tpu.memory_space<any>>
      tpu.wait_dma2 semaphore(%dma_wait3A_112 : memref<!tpu.dma_semaphore, #tpu.memory_space<semaphore_mem>>) src(%dma_wait3A_120 : memref<256x768xf32, #tpu.memory_space<any>>) dst(%dma_wait3A_116 : memref<256x768xf32, #tpu.memory_space<vmem>>)
      %dma_wait3A_121 = tpu.memref_slice %arg9[%get3A_11] : memref<2x!tpu.dma_semaphore, #tpu.memory_space<semaphore_mem>> -> memref<1x!tpu.dma_semaphore, #tpu.memory_space<semaphore_mem>>
      %dma_wait3A_122 = tpu.memref_squeeze %dma_wait3A_121 : memref<1x!tpu.dma_semaphore, #tpu.memory_space<semaphore_mem>> -> memref<!tpu.dma_semaphore, #tpu.memory_space<semaphore_mem>>
      %dma_wait3A_123 = arith.constant 384 : i32
      %dma_wait3A_124 = arith.constant 0 : i32
      %dma_wait3A_125 = tpu.memref_slice %arg7[%get3A_11, %dma_wait3A_123, %dma_wait3A_124] : memref<2x768x1024xf32, #tpu.memory_space<vmem>> -> memref<1x96x1024xf32, #tpu.memory_space<vmem>>
      %dma_wait3A_126 = tpu.memref_squeeze %dma_wait3A_125 : memref<1x96x1024xf32, #tpu.memory_space<vmem>> -> memref<96x1024xf32, #tpu.memory_space<vmem>>
      %dma_wait3A_127 = arith.constant 384 : i32
      %dma_wait3A_128 = arith.constant 0 : i32
      %dma_wait3A_129 = tpu.memref_slice %arg4[%get3A_0, %dma_wait3A_127, %dma_wait3A_128] : memref<8x768x1024xf32, #tpu.memory_space<any>> -> memref<1x96x1024xf32, #tpu.memory_space<any>>
      %dma_wait3A_130 = tpu.memref_squeeze %dma_wait3A_129 : memref<1x96x1024xf32, #tpu.memory_space<any>> -> memref<96x1024xf32, #tpu.memory_space<any>>
      tpu.wait_dma2 semaphore(%dma_wait3A_122 : memref<!tpu.dma_semaphore, #tpu.memory_space<semaphore_mem>>) src(%dma_wait3A_130 : memref<96x1024xf32, #tpu.memory_space<any>>) dst(%dma_wait3A_126 : memref<96x1024xf32, #tpu.memory_space<vmem>>)
      %dma_wait3A_131 = tpu.memref_slice %arg8[%get3A_11] : memref<2x!tpu.dma_semaphore, #tpu.memory_space<semaphore_mem>> -> memref<1x!tpu.dma_semaphore, #tpu.memory_space<semaphore_mem>>
      %dma_wait3A_132 = tpu.memref_squeeze %dma_wait3A_131 : memref<1x!tpu.dma_semaphore, #tpu.memory_space<semaphore_mem>> -> memref<!tpu.dma_semaphore, #tpu.memory_space<semaphore_mem>>
      %dma_wait3A_133 = arith.constant 1280 : i32
      %dma_wait3A_134 = arith.constant 0 : i32
      %dma_wait3A_135 = tpu.memref_slice %arg6[%get3A_11, %dma_wait3A_133, %dma_wait3A_134] : memref<2x2048x768xf32, #tpu.memory_space<vmem>> -> memref<1x256x768xf32, #tpu.memory_space<vmem>>
      %dma_wait3A_136 = tpu.memref_squeeze %dma_wait3A_135 : memref<1x256x768xf32, #tpu.memory_space<vmem>> -> memref<256x768xf32, #tpu.memory_space<vmem>>
      %dma_wait3A_137 = arith.constant 1280 : i32
      %dma_wait3A_138 = arith.constant 0 : i32
      %dma_wait3A_139 = tpu.memref_slice %arg3[%get3A_0, %dma_wait3A_137, %dma_wait3A_138] : memref<8x2048x768xf32, #tpu.memory_space<any>> -> memref<1x256x768xf32, #tpu.memory_space<any>>
      %dma_wait3A_140 = tpu.memref_squeeze %dma_wait3A_139 : memref<1x256x768xf32, #tpu.memory_space<any>> -> memref<256x768xf32, #tpu.memory_space<any>>
      tpu.wait_dma2 semaphore(%dma_wait3A_132 : memref<!tpu.dma_semaphore, #tpu.memory_space<semaphore_mem>>) src(%dma_wait3A_140 : memref<256x768xf32, #tpu.memory_space<any>>) dst(%dma_wait3A_136 : memref<256x768xf32, #tpu.memory_space<vmem>>)
      %dma_wait3A_141 = tpu.memref_slice %arg9[%get3A_11] : memref<2x!tpu.dma_semaphore, #tpu.memory_space<semaphore_mem>> -> memref<1x!tpu.dma_semaphore, #tpu.memory_space<semaphore_mem>>
      %dma_wait3A_142 = tpu.memref_squeeze %dma_wait3A_141 : memref<1x!tpu.dma_semaphore, #tpu.memory_space<semaphore_mem>> -> memref<!tpu.dma_semaphore, #tpu.memory_space<semaphore_mem>>
      %dma_wait3A_143 = arith.constant 480 : i32
      %dma_wait3A_144 = arith.constant 0 : i32
      %dma_wait3A_145 = tpu.memref_slice %arg7[%get3A_11, %dma_wait3A_143, %dma_wait3A_144] : memref<2x768x1024xf32, #tpu.memory_space<vmem>> -> memref<1x96x1024xf32, #tpu.memory_space<vmem>>
      %dma_wait3A_146 = tpu.memref_squeeze %dma_wait3A_145 : memref<1x96x1024xf32, #tpu.memory_space<vmem>> -> memref<96x1024xf32, #tpu.memory_space<vmem>>
      %dma_wait3A_147 = arith.constant 480 : i32
      %dma_wait3A_148 = arith.constant 0 : i32
      %dma_wait3A_149 = tpu.memref_slice %arg4[%get3A_0, %dma_wait3A_147, %dma_wait3A_148] : memref<8x768x1024xf32, #tpu.memory_space<any>> -> memref<1x96x1024xf32, #tpu.memory_space<any>>
      %dma_wait3A_150 = tpu.memref_squeeze %dma_wait3A_149 : memref<1x96x1024xf32, #tpu.memory_space<any>> -> memref<96x1024xf32, #tpu.memory_space<any>>
      tpu.wait_dma2 semaphore(%dma_wait3A_142 : memref<!tpu.dma_semaphore, #tpu.memory_space<semaphore_mem>>) src(%dma_wait3A_150 : memref<96x1024xf32, #tpu.memory_space<any>>) dst(%dma_wait3A_146 : memref<96x1024xf32, #tpu.memory_space<vmem>>)
      %dma_wait3A_151 = tpu.memref_slice %arg8[%get3A_11] : memref<2x!tpu.dma_semaphore, #tpu.memory_space<semaphore_mem>> -> memref<1x!tpu.dma_semaphore, #tpu.memory_space<semaphore_mem>>
      %dma_wait3A_152 = tpu.memref_squeeze %dma_wait3A_151 : memref<1x!tpu.dma_semaphore, #tpu.memory_space<semaphore_mem>> -> memref<!tpu.dma_semaphore, #tpu.memory_space<semaphore_mem>>
      %dma_wait3A_153 = arith.constant 1536 : i32
      %dma_wait3A_154 = arith.constant 0 : i32
      %dma_wait3A_155 = tpu.memref_slice %arg6[%get3A_11, %dma_wait3A_153, %dma_wait3A_154] : memref<2x2048x768xf32, #tpu.memory_space<vmem>> -> memref<1x256x768xf32, #tpu.memory_space<vmem>>
      %dma_wait3A_156 = tpu.memref_squeeze %dma_wait3A_155 : memref<1x256x768xf32, #tpu.memory_space<vmem>> -> memref<256x768xf32, #tpu.memory_space<vmem>>
      %dma_wait3A_157 = arith.constant 1536 : i32
      %dma_wait3A_158 = arith.constant 0 : i32
      %dma_wait3A_159 = tpu.memref_slice %arg3[%get3A_0, %dma_wait3A_157, %dma_wait3A_158] : memref<8x2048x768xf32, #tpu.memory_space<any>> -> memref<1x256x768xf32, #tpu.memory_space<any>>
      %dma_wait3A_160 = tpu.memref_squeeze %dma_wait3A_159 : memref<1x256x768xf32, #tpu.memory_space<any>> -> memref<256x768xf32, #tpu.memory_space<any>>
      tpu.wait_dma2 semaphore(%dma_wait3A_152 : memref<!tpu.dma_semaphore, #tpu.memory_space<semaphore_mem>>) src(%dma_wait3A_160 : memref<256x768xf32, #tpu.memory_space<any>>) dst(%dma_wait3A_156 : memref<256x768xf32, #tpu.memory_space<vmem>>)
      %dma_wait3A_161 = tpu.memref_slice %arg9[%get3A_11] : memref<2x!tpu.dma_semaphore, #tpu.memory_space<semaphore_mem>> -> memref<1x!tpu.dma_semaphore, #tpu.memory_space<semaphore_mem>>
      %dma_wait3A_162 = tpu.memref_squeeze %dma_wait3A_161 : memref<1x!tpu.dma_semaphore, #tpu.memory_space<semaphore_mem>> -> memref<!tpu.dma_semaphore, #tpu.memory_space<semaphore_mem>>
      %dma_wait3A_163 = arith.constant 576 : i32
      %dma_wait3A_164 = arith.constant 0 : i32
      %dma_wait3A_165 = tpu.memref_slice %arg7[%get3A_11, %dma_wait3A_163, %dma_wait3A_164] : memref<2x768x1024xf32, #tpu.memory_space<vmem>> -> memref<1x96x1024xf32, #tpu.memory_space<vmem>>
      %dma_wait3A_166 = tpu.memref_squeeze %dma_wait3A_165 : memref<1x96x1024xf32, #tpu.memory_space<vmem>> -> memref<96x1024xf32, #tpu.memory_space<vmem>>
      %dma_wait3A_167 = arith.constant 576 : i32
      %dma_wait3A_168 = arith.constant 0 : i32
      %dma_wait3A_169 = tpu.memref_slice %arg4[%get3A_0, %dma_wait3A_167, %dma_wait3A_168] : memref<8x768x1024xf32, #tpu.memory_space<any>> -> memref<1x96x1024xf32, #tpu.memory_space<any>>
      %dma_wait3A_170 = tpu.memref_squeeze %dma_wait3A_169 : memref<1x96x1024xf32, #tpu.memory_space<any>> -> memref<96x1024xf32, #tpu.memory_space<any>>
      tpu.wait_dma2 semaphore(%dma_wait3A_162 : memref<!tpu.dma_semaphore, #tpu.memory_space<semaphore_mem>>) src(%dma_wait3A_170 : memref<96x1024xf32, #tpu.memory_space<any>>) dst(%dma_wait3A_166 : memref<96x1024xf32, #tpu.memory_space<vmem>>)
      %dma_wait3A_171 = tpu.memref_slice %arg8[%get3A_11] : memref<2x!tpu.dma_semaphore, #tpu.memory_space<semaphore_mem>> -> memref<1x!tpu.dma_semaphore, #tpu.memory_space<semaphore_mem>>
      %dma_wait3A_172 = tpu.memref_squeeze %dma_wait3A_171 : memref<1x!tpu.dma_semaphore, #tpu.memory_space<semaphore_mem>> -> memref<!tpu.dma_semaphore, #tpu.memory_space<semaphore_mem>>
      %dma_wait3A_173 = arith.constant 1792 : i32
      %dma_wait3A_174 = arith.constant 0 : i32
      %dma_wait3A_175 = tpu.memref_slice %arg6[%get3A_11, %dma_wait3A_173, %dma_wait3A_174] : memref<2x2048x768xf32, #tpu.memory_space<vmem>> -> memref<1x256x768xf32, #tpu.memory_space<vmem>>
      %dma_wait3A_176 = tpu.memref_squeeze %dma_wait3A_175 : memref<1x256x768xf32, #tpu.memory_space<vmem>> -> memref<256x768xf32, #tpu.memory_space<vmem>>
      %dma_wait3A_177 = arith.constant 1792 : i32
      %dma_wait3A_178 = arith.constant 0 : i32
      %dma_wait3A_179 = tpu.memref_slice %arg3[%get3A_0, %dma_wait3A_177, %dma_wait3A_178] : memref<8x2048x768xf32, #tpu.memory_space<any>> -> memref<1x256x768xf32, #tpu.memory_space<any>>
      %dma_wait3A_180 = tpu.memref_squeeze %dma_wait3A_179 : memref<1x256x768xf32, #tpu.memory_space<any>> -> memref<256x768xf32, #tpu.memory_space<any>>
      tpu.wait_dma2 semaphore(%dma_wait3A_172 : memref<!tpu.dma_semaphore, #tpu.memory_space<semaphore_mem>>) src(%dma_wait3A_180 : memref<256x768xf32, #tpu.memory_space<any>>) dst(%dma_wait3A_176 : memref<256x768xf32, #tpu.memory_space<vmem>>)
      %dma_wait3A_181 = tpu.memref_slice %arg9[%get3A_11] : memref<2x!tpu.dma_semaphore, #tpu.memory_space<semaphore_mem>> -> memref<1x!tpu.dma_semaphore, #tpu.memory_space<semaphore_mem>>
      %dma_wait3A_182 = tpu.memref_squeeze %dma_wait3A_181 : memref<1x!tpu.dma_semaphore, #tpu.memory_space<semaphore_mem>> -> memref<!tpu.dma_semaphore, #tpu.memory_space<semaphore_mem>>
      %dma_wait3A_183 = arith.constant 672 : i32
      %dma_wait3A_184 = arith.constant 0 : i32
      %dma_wait3A_185 = tpu.memref_slice %arg7[%get3A_11, %dma_wait3A_183, %dma_wait3A_184] : memref<2x768x1024xf32, #tpu.memory_space<vmem>> -> memref<1x96x1024xf32, #tpu.memory_space<vmem>>
      %dma_wait3A_186 = tpu.memref_squeeze %dma_wait3A_185 : memref<1x96x1024xf32, #tpu.memory_space<vmem>> -> memref<96x1024xf32, #tpu.memory_space<vmem>>
      %dma_wait3A_187 = arith.constant 672 : i32
      %dma_wait3A_188 = arith.constant 0 : i32
      %dma_wait3A_189 = tpu.memref_slice %arg4[%get3A_0, %dma_wait3A_187, %dma_wait3A_188] : memref<8x768x1024xf32, #tpu.memory_space<any>> -> memref<1x96x1024xf32, #tpu.memory_space<any>>
      %dma_wait3A_190 = tpu.memref_squeeze %dma_wait3A_189 : memref<1x96x1024xf32, #tpu.memory_space<any>> -> memref<96x1024xf32, #tpu.memory_space<any>>
      tpu.wait_dma2 semaphore(%dma_wait3A_182 : memref<!tpu.dma_semaphore, #tpu.memory_space<semaphore_mem>>) src(%dma_wait3A_190 : memref<96x1024xf32, #tpu.memory_space<any>>) dst(%dma_wait3A_186 : memref<96x1024xf32, #tpu.memory_space<vmem>>)
      %eq3A_191 = arith.constant 1 : i32
      %eq3A_192 = arith.cmpi eq, %get3A_19, %eq3A_191 : i32
      %convert_element_type3A_193 = arith.extui %eq3A_192 : i1 to i32
      %cond3A_194 = arith.constant 0 : i32
      %cond3A_195 = arith.cmpi ne, %convert_element_type3A_193, %cond3A_194 : i32
      scf.if %cond3A_195 {
        %sub3A = arith.constant 1 : i32
        %sub3A_196 = arith.subi %sub3A, %get3A_11 : i32
        %dma_start3A = tpu.memref_slice %arg8[%sub3A_196] : memref<2x!tpu.dma_semaphore, #tpu.memory_space<semaphore_mem>> -> memref<1x!tpu.dma_semaphore, #tpu.memory_space<semaphore_mem>>
        %dma_start3A_197 = tpu.memref_squeeze %dma_start3A : memref<1x!tpu.dma_semaphore, #tpu.memory_space<semaphore_mem>> -> memref<!tpu.dma_semaphore, #tpu.memory_space<semaphore_mem>>
        %dma_start3A_198 = arith.constant 0 : i32
        %dma_start3A_199 = arith.constant 0 : i32
        %dma_start3A_200 = tpu.memref_slice %arg6[%sub3A_196, %dma_start3A_198, %dma_start3A_199] : memref<2x2048x768xf32, #tpu.memory_space<vmem>> -> memref<1x256x768xf32, #tpu.memory_space<vmem>>
        %dma_start3A_201 = tpu.memref_squeeze %dma_start3A_200 : memref<1x256x768xf32, #tpu.memory_space<vmem>> -> memref<256x768xf32, #tpu.memory_space<vmem>>
        %dma_start3A_202 = arith.constant 0 : i32
        %dma_start3A_203 = arith.constant 0 : i32
        %dma_start3A_204 = tpu.memref_slice %arg3[%get3A_15, %dma_start3A_202, %dma_start3A_203] : memref<8x2048x768xf32, #tpu.memory_space<any>> -> memref<1x256x768xf32, #tpu.memory_space<any>>
        %dma_start3A_205 = tpu.memref_squeeze %dma_start3A_204 : memref<1x256x768xf32, #tpu.memory_space<any>> -> memref<256x768xf32, #tpu.memory_space<any>>
        tpu.enqueue_dma source(%dma_start3A_205 : memref<256x768xf32, #tpu.memory_space<any>>) target(%dma_start3A_201 : memref<256x768xf32, #tpu.memory_space<vmem>>) target_semaphore(%dma_start3A_197 : memref<!tpu.dma_semaphore, #tpu.memory_space<semaphore_mem>>)
        %dma_start3A_206 = tpu.memref_slice %arg9[%sub3A_196] : memref<2x!tpu.dma_semaphore, #tpu.memory_space<semaphore_mem>> -> memref<1x!tpu.dma_semaphore, #tpu.memory_space<semaphore_mem>>
        %dma_start3A_207 = tpu.memref_squeeze %dma_start3A_206 : memref<1x!tpu.dma_semaphore, #tpu.memory_space<semaphore_mem>> -> memref<!tpu.dma_semaphore, #tpu.memory_space<semaphore_mem>>
        %dma_start3A_208 = arith.constant 0 : i32
        %dma_start3A_209 = arith.constant 0 : i32
        %dma_start3A_210 = tpu.memref_slice %arg7[%sub3A_196, %dma_start3A_208, %dma_start3A_209] : memref<2x768x1024xf32, #tpu.memory_space<vmem>> -> memref<1x96x1024xf32, #tpu.memory_space<vmem>>
        %dma_start3A_211 = tpu.memref_squeeze %dma_start3A_210 : memref<1x96x1024xf32, #tpu.memory_space<vmem>> -> memref<96x1024xf32, #tpu.memory_space<vmem>>
        %dma_start3A_212 = arith.constant 0 : i32
        %dma_start3A_213 = arith.constant 0 : i32
        %dma_start3A_214 = tpu.memref_slice %arg4[%get3A_15, %dma_start3A_212, %dma_start3A_213] : memref<8x768x1024xf32, #tpu.memory_space<any>> -> memref<1x96x1024xf32, #tpu.memory_space<any>>
        %dma_start3A_215 = tpu.memref_squeeze %dma_start3A_214 : memref<1x96x1024xf32, #tpu.memory_space<any>> -> memref<96x1024xf32, #tpu.memory_space<any>>
        tpu.enqueue_dma source(%dma_start3A_215 : memref<96x1024xf32, #tpu.memory_space<any>>) target(%dma_start3A_211 : memref<96x1024xf32, #tpu.memory_space<vmem>>) target_semaphore(%dma_start3A_207 : memref<!tpu.dma_semaphore, #tpu.memory_space<semaphore_mem>>)
        %dma_start3A_216 = tpu.memref_slice %arg8[%sub3A_196] : memref<2x!tpu.dma_semaphore, #tpu.memory_space<semaphore_mem>> -> memref<1x!tpu.dma_semaphore, #tpu.memory_space<semaphore_mem>>
        %dma_start3A_217 = tpu.memref_squeeze %dma_start3A_216 : memref<1x!tpu.dma_semaphore, #tpu.memory_space<semaphore_mem>> -> memref<!tpu.dma_semaphore, #tpu.memory_space<semaphore_mem>>
        %dma_start3A_218 = arith.constant 256 : i32
        %dma_start3A_219 = arith.constant 0 : i32
        %dma_start3A_220 = tpu.memref_slice %arg6[%sub3A_196, %dma_start3A_218, %dma_start3A_219] : memref<2x2048x768xf32, #tpu.memory_space<vmem>> -> memref<1x256x768xf32, #tpu.memory_space<vmem>>
        %dma_start3A_221 = tpu.memref_squeeze %dma_start3A_220 : memref<1x256x768xf32, #tpu.memory_space<vmem>> -> memref<256x768xf32, #tpu.memory_space<vmem>>
        %dma_start3A_222 = arith.constant 256 : i32
        %dma_start3A_223 = arith.constant 0 : i32
        %dma_start3A_224 = tpu.memref_slice %arg3[%get3A_15, %dma_start3A_222, %dma_start3A_223] : memref<8x2048x768xf32, #tpu.memory_space<any>> -> memref<1x256x768xf32, #tpu.memory_space<any>>
        %dma_start3A_225 = tpu.memref_squeeze %dma_start3A_224 : memref<1x256x768xf32, #tpu.memory_space<any>> -> memref<256x768xf32, #tpu.memory_space<any>>
        tpu.enqueue_dma source(%dma_start3A_225 : memref<256x768xf32, #tpu.memory_space<any>>) target(%dma_start3A_221 : memref<256x768xf32, #tpu.memory_space<vmem>>) target_semaphore(%dma_start3A_217 : memref<!tpu.dma_semaphore, #tpu.memory_space<semaphore_mem>>)
        %dma_start3A_226 = tpu.memref_slice %arg9[%sub3A_196] : memref<2x!tpu.dma_semaphore, #tpu.memory_space<semaphore_mem>> -> memref<1x!tpu.dma_semaphore, #tpu.memory_space<semaphore_mem>>
        %dma_start3A_227 = tpu.memref_squeeze %dma_start3A_226 : memref<1x!tpu.dma_semaphore, #tpu.memory_space<semaphore_mem>> -> memref<!tpu.dma_semaphore, #tpu.memory_space<semaphore_mem>>
        %dma_start3A_228 = arith.constant 96 : i32
        %dma_start3A_229 = arith.constant 0 : i32
        %dma_start3A_230 = tpu.memref_slice %arg7[%sub3A_196, %dma_start3A_228, %dma_start3A_229] : memref<2x768x1024xf32, #tpu.memory_space<vmem>> -> memref<1x96x1024xf32, #tpu.memory_space<vmem>>
        %dma_start3A_231 = tpu.memref_squeeze %dma_start3A_230 : memref<1x96x1024xf32, #tpu.memory_space<vmem>> -> memref<96x1024xf32, #tpu.memory_space<vmem>>
        %dma_start3A_232 = arith.constant 96 : i32
        %dma_start3A_233 = arith.constant 0 : i32
        %dma_start3A_234 = tpu.memref_slice %arg4[%get3A_15, %dma_start3A_232, %dma_start3A_233] : memref<8x768x1024xf32, #tpu.memory_space<any>> -> memref<1x96x1024xf32, #tpu.memory_space<any>>
        %dma_start3A_235 = tpu.memref_squeeze %dma_start3A_234 : memref<1x96x1024xf32, #tpu.memory_space<any>> -> memref<96x1024xf32, #tpu.memory_space<any>>
        tpu.enqueue_dma source(%dma_start3A_235 : memref<96x1024xf32, #tpu.memory_space<any>>) target(%dma_start3A_231 : memref<96x1024xf32, #tpu.memory_space<vmem>>) target_semaphore(%dma_start3A_227 : memref<!tpu.dma_semaphore, #tpu.memory_space<semaphore_mem>>)
        %dma_start3A_236 = tpu.memref_slice %arg8[%sub3A_196] : memref<2x!tpu.dma_semaphore, #tpu.memory_space<semaphore_mem>> -> memref<1x!tpu.dma_semaphore, #tpu.memory_space<semaphore_mem>>
        %dma_start3A_237 = tpu.memref_squeeze %dma_start3A_236 : memref<1x!tpu.dma_semaphore, #tpu.memory_space<semaphore_mem>> -> memref<!tpu.dma_semaphore, #tpu.memory_space<semaphore_mem>>
        %dma_start3A_238 = arith.constant 512 : i32
        %dma_start3A_239 = arith.constant 0 : i32
        %dma_start3A_240 = tpu.memref_slice %arg6[%sub3A_196, %dma_start3A_238, %dma_start3A_239] : memref<2x2048x768xf32, #tpu.memory_space<vmem>> -> memref<1x256x768xf32, #tpu.memory_space<vmem>>
        %dma_start3A_241 = tpu.memref_squeeze %dma_start3A_240 : memref<1x256x768xf32, #tpu.memory_space<vmem>> -> memref<256x768xf32, #tpu.memory_space<vmem>>
        %dma_start3A_242 = arith.constant 512 : i32
        %dma_start3A_243 = arith.constant 0 : i32
        %dma_start3A_244 = tpu.memref_slice %arg3[%get3A_15, %dma_start3A_242, %dma_start3A_243] : memref<8x2048x768xf32, #tpu.memory_space<any>> -> memref<1x256x768xf32, #tpu.memory_space<any>>
        %dma_start3A_245 = tpu.memref_squeeze %dma_start3A_244 : memref<1x256x768xf32, #tpu.memory_space<any>> -> memref<256x768xf32, #tpu.memory_space<any>>
        tpu.enqueue_dma source(%dma_start3A_245 : memref<256x768xf32, #tpu.memory_space<any>>) target(%dma_start3A_241 : memref<256x768xf32, #tpu.memory_space<vmem>>) target_semaphore(%dma_start3A_237 : memref<!tpu.dma_semaphore, #tpu.memory_space<semaphore_mem>>)
        %dma_start3A_246 = tpu.memref_slice %arg9[%sub3A_196] : memref<2x!tpu.dma_semaphore, #tpu.memory_space<semaphore_mem>> -> memref<1x!tpu.dma_semaphore, #tpu.memory_space<semaphore_mem>>
        %dma_start3A_247 = tpu.memref_squeeze %dma_start3A_246 : memref<1x!tpu.dma_semaphore, #tpu.memory_space<semaphore_mem>> -> memref<!tpu.dma_semaphore, #tpu.memory_space<semaphore_mem>>
        %dma_start3A_248 = arith.constant 192 : i32
        %dma_start3A_249 = arith.constant 0 : i32
        %dma_start3A_250 = tpu.memref_slice %arg7[%sub3A_196, %dma_start3A_248, %dma_start3A_249] : memref<2x768x1024xf32, #tpu.memory_space<vmem>> -> memref<1x96x1024xf32, #tpu.memory_space<vmem>>
        %dma_start3A_251 = tpu.memref_squeeze %dma_start3A_250 : memref<1x96x1024xf32, #tpu.memory_space<vmem>> -> memref<96x1024xf32, #tpu.memory_space<vmem>>
        %dma_start3A_252 = arith.constant 192 : i32
        %dma_start3A_253 = arith.constant 0 : i32
        %dma_start3A_254 = tpu.memref_slice %arg4[%get3A_15, %dma_start3A_252, %dma_start3A_253] : memref<8x768x1024xf32, #tpu.memory_space<any>> -> memref<1x96x1024xf32, #tpu.memory_space<any>>
        %dma_start3A_255 = tpu.memref_squeeze %dma_start3A_254 : memref<1x96x1024xf32, #tpu.memory_space<any>> -> memref<96x1024xf32, #tpu.memory_space<any>>
        tpu.enqueue_dma source(%dma_start3A_255 : memref<96x1024xf32, #tpu.memory_space<any>>) target(%dma_start3A_251 : memref<96x1024xf32, #tpu.memory_space<vmem>>) target_semaphore(%dma_start3A_247 : memref<!tpu.dma_semaphore, #tpu.memory_space<semaphore_mem>>)
        %dma_start3A_256 = tpu.memref_slice %arg8[%sub3A_196] : memref<2x!tpu.dma_semaphore, #tpu.memory_space<semaphore_mem>> -> memref<1x!tpu.dma_semaphore, #tpu.memory_space<semaphore_mem>>
        %dma_start3A_257 = tpu.memref_squeeze %dma_start3A_256 : memref<1x!tpu.dma_semaphore, #tpu.memory_space<semaphore_mem>> -> memref<!tpu.dma_semaphore, #tpu.memory_space<semaphore_mem>>
        %dma_start3A_258 = arith.constant 768 : i32
        %dma_start3A_259 = arith.constant 0 : i32
        %dma_start3A_260 = tpu.memref_slice %arg6[%sub3A_196, %dma_start3A_258, %dma_start3A_259] : memref<2x2048x768xf32, #tpu.memory_space<vmem>> -> memref<1x256x768xf32, #tpu.memory_space<vmem>>
        %dma_start3A_261 = tpu.memref_squeeze %dma_start3A_260 : memref<1x256x768xf32, #tpu.memory_space<vmem>> -> memref<256x768xf32, #tpu.memory_space<vmem>>
        %dma_start3A_262 = arith.constant 768 : i32
        %dma_start3A_263 = arith.constant 0 : i32
        %dma_start3A_264 = tpu.memref_slice %arg3[%get3A_15, %dma_start3A_262, %dma_start3A_263] : memref<8x2048x768xf32, #tpu.memory_space<any>> -> memref<1x256x768xf32, #tpu.memory_space<any>>
        %dma_start3A_265 = tpu.memref_squeeze %dma_start3A_264 : memref<1x256x768xf32, #tpu.memory_space<any>> -> memref<256x768xf32, #tpu.memory_space<any>>
        tpu.enqueue_dma source(%dma_start3A_265 : memref<256x768xf32, #tpu.memory_space<any>>) target(%dma_start3A_261 : memref<256x768xf32, #tpu.memory_space<vmem>>) target_semaphore(%dma_start3A_257 : memref<!tpu.dma_semaphore, #tpu.memory_space<semaphore_mem>>)
        %dma_start3A_266 = tpu.memref_slice %arg9[%sub3A_196] : memref<2x!tpu.dma_semaphore, #tpu.memory_space<semaphore_mem>> -> memref<1x!tpu.dma_semaphore, #tpu.memory_space<semaphore_mem>>
        %dma_start3A_267 = tpu.memref_squeeze %dma_start3A_266 : memref<1x!tpu.dma_semaphore, #tpu.memory_space<semaphore_mem>> -> memref<!tpu.dma_semaphore, #tpu.memory_space<semaphore_mem>>
        %dma_start3A_268 = arith.constant 288 : i32
        %dma_start3A_269 = arith.constant 0 : i32
        %dma_start3A_270 = tpu.memref_slice %arg7[%sub3A_196, %dma_start3A_268, %dma_start3A_269] : memref<2x768x1024xf32, #tpu.memory_space<vmem>> -> memref<1x96x1024xf32, #tpu.memory_space<vmem>>
        %dma_start3A_271 = tpu.memref_squeeze %dma_start3A_270 : memref<1x96x1024xf32, #tpu.memory_space<vmem>> -> memref<96x1024xf32, #tpu.memory_space<vmem>>
        %dma_start3A_272 = arith.constant 288 : i32
        %dma_start3A_273 = arith.constant 0 : i32
        %dma_start3A_274 = tpu.memref_slice %arg4[%get3A_15, %dma_start3A_272, %dma_start3A_273] : memref<8x768x1024xf32, #tpu.memory_space<any>> -> memref<1x96x1024xf32, #tpu.memory_space<any>>
        %dma_start3A_275 = tpu.memref_squeeze %dma_start3A_274 : memref<1x96x1024xf32, #tpu.memory_space<any>> -> memref<96x1024xf32, #tpu.memory_space<any>>
        tpu.enqueue_dma source(%dma_start3A_275 : memref<96x1024xf32, #tpu.memory_space<any>>) target(%dma_start3A_271 : memref<96x1024xf32, #tpu.memory_space<vmem>>) target_semaphore(%dma_start3A_267 : memref<!tpu.dma_semaphore, #tpu.memory_space<semaphore_mem>>)
        %dma_start3A_276 = tpu.memref_slice %arg8[%sub3A_196] : memref<2x!tpu.dma_semaphore, #tpu.memory_space<semaphore_mem>> -> memref<1x!tpu.dma_semaphore, #tpu.memory_space<semaphore_mem>>
        %dma_start3A_277 = tpu.memref_squeeze %dma_start3A_276 : memref<1x!tpu.dma_semaphore, #tpu.memory_space<semaphore_mem>> -> memref<!tpu.dma_semaphore, #tpu.memory_space<semaphore_mem>>
        %dma_start3A_278 = arith.constant 1024 : i32
        %dma_start3A_279 = arith.constant 0 : i32
        %dma_start3A_280 = tpu.memref_slice %arg6[%sub3A_196, %dma_start3A_278, %dma_start3A_279] : memref<2x2048x768xf32, #tpu.memory_space<vmem>> -> memref<1x256x768xf32, #tpu.memory_space<vmem>>
        %dma_start3A_281 = tpu.memref_squeeze %dma_start3A_280 : memref<1x256x768xf32, #tpu.memory_space<vmem>> -> memref<256x768xf32, #tpu.memory_space<vmem>>
        %dma_start3A_282 = arith.constant 1024 : i32
        %dma_start3A_283 = arith.constant 0 : i32
        %dma_start3A_284 = tpu.memref_slice %arg3[%get3A_15, %dma_start3A_282, %dma_start3A_283] : memref<8x2048x768xf32, #tpu.memory_space<any>> -> memref<1x256x768xf32, #tpu.memory_space<any>>
        %dma_start3A_285 = tpu.memref_squeeze %dma_start3A_284 : memref<1x256x768xf32, #tpu.memory_space<any>> -> memref<256x768xf32, #tpu.memory_space<any>>
        tpu.enqueue_dma source(%dma_start3A_285 : memref<256x768xf32, #tpu.memory_space<any>>) target(%dma_start3A_281 : memref<256x768xf32, #tpu.memory_space<vmem>>) target_semaphore(%dma_start3A_277 : memref<!tpu.dma_semaphore, #tpu.memory_space<semaphore_mem>>)
        %dma_start3A_286 = tpu.memref_slice %arg9[%sub3A_196] : memref<2x!tpu.dma_semaphore, #tpu.memory_space<semaphore_mem>> -> memref<1x!tpu.dma_semaphore, #tpu.memory_space<semaphore_mem>>
        %dma_start3A_287 = tpu.memref_squeeze %dma_start3A_286 : memref<1x!tpu.dma_semaphore, #tpu.memory_space<semaphore_mem>> -> memref<!tpu.dma_semaphore, #tpu.memory_space<semaphore_mem>>
        %dma_start3A_288 = arith.constant 384 : i32
        %dma_start3A_289 = arith.constant 0 : i32
        %dma_start3A_290 = tpu.memref_slice %arg7[%sub3A_196, %dma_start3A_288, %dma_start3A_289] : memref<2x768x1024xf32, #tpu.memory_space<vmem>> -> memref<1x96x1024xf32, #tpu.memory_space<vmem>>
        %dma_start3A_291 = tpu.memref_squeeze %dma_start3A_290 : memref<1x96x1024xf32, #tpu.memory_space<vmem>> -> memref<96x1024xf32, #tpu.memory_space<vmem>>
        %dma_start3A_292 = arith.constant 384 : i32
        %dma_start3A_293 = arith.constant 0 : i32
        %dma_start3A_294 = tpu.memref_slice %arg4[%get3A_15, %dma_start3A_292, %dma_start3A_293] : memref<8x768x1024xf32, #tpu.memory_space<any>> -> memref<1x96x1024xf32, #tpu.memory_space<any>>
        %dma_start3A_295 = tpu.memref_squeeze %dma_start3A_294 : memref<1x96x1024xf32, #tpu.memory_space<any>> -> memref<96x1024xf32, #tpu.memory_space<any>>
        tpu.enqueue_dma source(%dma_start3A_295 : memref<96x1024xf32, #tpu.memory_space<any>>) target(%dma_start3A_291 : memref<96x1024xf32, #tpu.memory_space<vmem>>) target_semaphore(%dma_start3A_287 : memref<!tpu.dma_semaphore, #tpu.memory_space<semaphore_mem>>)
        %dma_start3A_296 = tpu.memref_slice %arg8[%sub3A_196] : memref<2x!tpu.dma_semaphore, #tpu.memory_space<semaphore_mem>> -> memref<1x!tpu.dma_semaphore, #tpu.memory_space<semaphore_mem>>
        %dma_start3A_297 = tpu.memref_squeeze %dma_start3A_296 : memref<1x!tpu.dma_semaphore, #tpu.memory_space<semaphore_mem>> -> memref<!tpu.dma_semaphore, #tpu.memory_space<semaphore_mem>>
        %dma_start3A_298 = arith.constant 1280 : i32
        %dma_start3A_299 = arith.constant 0 : i32
        %dma_start3A_300 = tpu.memref_slice %arg6[%sub3A_196, %dma_start3A_298, %dma_start3A_299] : memref<2x2048x768xf32, #tpu.memory_space<vmem>> -> memref<1x256x768xf32, #tpu.memory_space<vmem>>
        %dma_start3A_301 = tpu.memref_squeeze %dma_start3A_300 : memref<1x256x768xf32, #tpu.memory_space<vmem>> -> memref<256x768xf32, #tpu.memory_space<vmem>>
        %dma_start3A_302 = arith.constant 1280 : i32
        %dma_start3A_303 = arith.constant 0 : i32
        %dma_start3A_304 = tpu.memref_slice %arg3[%get3A_15, %dma_start3A_302, %dma_start3A_303] : memref<8x2048x768xf32, #tpu.memory_space<any>> -> memref<1x256x768xf32, #tpu.memory_space<any>>
        %dma_start3A_305 = tpu.memref_squeeze %dma_start3A_304 : memref<1x256x768xf32, #tpu.memory_space<any>> -> memref<256x768xf32, #tpu.memory_space<any>>
        tpu.enqueue_dma source(%dma_start3A_305 : memref<256x768xf32, #tpu.memory_space<any>>) target(%dma_start3A_301 : memref<256x768xf32, #tpu.memory_space<vmem>>) target_semaphore(%dma_start3A_297 : memref<!tpu.dma_semaphore, #tpu.memory_space<semaphore_mem>>)
        %dma_start3A_306 = tpu.memref_slice %arg9[%sub3A_196] : memref<2x!tpu.dma_semaphore, #tpu.memory_space<semaphore_mem>> -> memref<1x!tpu.dma_semaphore, #tpu.memory_space<semaphore_mem>>
        %dma_start3A_307 = tpu.memref_squeeze %dma_start3A_306 : memref<1x!tpu.dma_semaphore, #tpu.memory_space<semaphore_mem>> -> memref<!tpu.dma_semaphore, #tpu.memory_space<semaphore_mem>>
        %dma_start3A_308 = arith.constant 480 : i32
        %dma_start3A_309 = arith.constant 0 : i32
        %dma_start3A_310 = tpu.memref_slice %arg7[%sub3A_196, %dma_start3A_308, %dma_start3A_309] : memref<2x768x1024xf32, #tpu.memory_space<vmem>> -> memref<1x96x1024xf32, #tpu.memory_space<vmem>>
        %dma_start3A_311 = tpu.memref_squeeze %dma_start3A_310 : memref<1x96x1024xf32, #tpu.memory_space<vmem>> -> memref<96x1024xf32, #tpu.memory_space<vmem>>
        %dma_start3A_312 = arith.constant 480 : i32
        %dma_start3A_313 = arith.constant 0 : i32
        %dma_start3A_314 = tpu.memref_slice %arg4[%get3A_15, %dma_start3A_312, %dma_start3A_313] : memref<8x768x1024xf32, #tpu.memory_space<any>> -> memref<1x96x1024xf32, #tpu.memory_space<any>>
        %dma_start3A_315 = tpu.memref_squeeze %dma_start3A_314 : memref<1x96x1024xf32, #tpu.memory_space<any>> -> memref<96x1024xf32, #tpu.memory_space<any>>
        tpu.enqueue_dma source(%dma_start3A_315 : memref<96x1024xf32, #tpu.memory_space<any>>) target(%dma_start3A_311 : memref<96x1024xf32, #tpu.memory_space<vmem>>) target_semaphore(%dma_start3A_307 : memref<!tpu.dma_semaphore, #tpu.memory_space<semaphore_mem>>)
        %dma_start3A_316 = tpu.memref_slice %arg8[%sub3A_196] : memref<2x!tpu.dma_semaphore, #tpu.memory_space<semaphore_mem>> -> memref<1x!tpu.dma_semaphore, #tpu.memory_space<semaphore_mem>>
        %dma_start3A_317 = tpu.memref_squeeze %dma_start3A_316 : memref<1x!tpu.dma_semaphore, #tpu.memory_space<semaphore_mem>> -> memref<!tpu.dma_semaphore, #tpu.memory_space<semaphore_mem>>
        %dma_start3A_318 = arith.constant 1536 : i32
        %dma_start3A_319 = arith.constant 0 : i32
        %dma_start3A_320 = tpu.memref_slice %arg6[%sub3A_196, %dma_start3A_318, %dma_start3A_319] : memref<2x2048x768xf32, #tpu.memory_space<vmem>> -> memref<1x256x768xf32, #tpu.memory_space<vmem>>
        %dma_start3A_321 = tpu.memref_squeeze %dma_start3A_320 : memref<1x256x768xf32, #tpu.memory_space<vmem>> -> memref<256x768xf32, #tpu.memory_space<vmem>>
        %dma_start3A_322 = arith.constant 1536 : i32
        %dma_start3A_323 = arith.constant 0 : i32
        %dma_start3A_324 = tpu.memref_slice %arg3[%get3A_15, %dma_start3A_322, %dma_start3A_323] : memref<8x2048x768xf32, #tpu.memory_space<any>> -> memref<1x256x768xf32, #tpu.memory_space<any>>
        %dma_start3A_325 = tpu.memref_squeeze %dma_start3A_324 : memref<1x256x768xf32, #tpu.memory_space<any>> -> memref<256x768xf32, #tpu.memory_space<any>>
        tpu.enqueue_dma source(%dma_start3A_325 : memref<256x768xf32, #tpu.memory_space<any>>) target(%dma_start3A_321 : memref<256x768xf32, #tpu.memory_space<vmem>>) target_semaphore(%dma_start3A_317 : memref<!tpu.dma_semaphore, #tpu.memory_space<semaphore_mem>>)
        %dma_start3A_326 = tpu.memref_slice %arg9[%sub3A_196] : memref<2x!tpu.dma_semaphore, #tpu.memory_space<semaphore_mem>> -> memref<1x!tpu.dma_semaphore, #tpu.memory_space<semaphore_mem>>
        %dma_start3A_327 = tpu.memref_squeeze %dma_start3A_326 : memref<1x!tpu.dma_semaphore, #tpu.memory_space<semaphore_mem>> -> memref<!tpu.dma_semaphore, #tpu.memory_space<semaphore_mem>>
        %dma_start3A_328 = arith.constant 576 : i32
        %dma_start3A_329 = arith.constant 0 : i32
        %dma_start3A_330 = tpu.memref_slice %arg7[%sub3A_196, %dma_start3A_328, %dma_start3A_329] : memref<2x768x1024xf32, #tpu.memory_space<vmem>> -> memref<1x96x1024xf32, #tpu.memory_space<vmem>>
        %dma_start3A_331 = tpu.memref_squeeze %dma_start3A_330 : memref<1x96x1024xf32, #tpu.memory_space<vmem>> -> memref<96x1024xf32, #tpu.memory_space<vmem>>
        %dma_start3A_332 = arith.constant 576 : i32
        %dma_start3A_333 = arith.constant 0 : i32
        %dma_start3A_334 = tpu.memref_slice %arg4[%get3A_15, %dma_start3A_332, %dma_start3A_333] : memref<8x768x1024xf32, #tpu.memory_space<any>> -> memref<1x96x1024xf32, #tpu.memory_space<any>>
        %dma_start3A_335 = tpu.memref_squeeze %dma_start3A_334 : memref<1x96x1024xf32, #tpu.memory_space<any>> -> memref<96x1024xf32, #tpu.memory_space<any>>
        tpu.enqueue_dma source(%dma_start3A_335 : memref<96x1024xf32, #tpu.memory_space<any>>) target(%dma_start3A_331 : memref<96x1024xf32, #tpu.memory_space<vmem>>) target_semaphore(%dma_start3A_327 : memref<!tpu.dma_semaphore, #tpu.memory_space<semaphore_mem>>)
        %dma_start3A_336 = tpu.memref_slice %arg8[%sub3A_196] : memref<2x!tpu.dma_semaphore, #tpu.memory_space<semaphore_mem>> -> memref<1x!tpu.dma_semaphore, #tpu.memory_space<semaphore_mem>>
        %dma_start3A_337 = tpu.memref_squeeze %dma_start3A_336 : memref<1x!tpu.dma_semaphore, #tpu.memory_space<semaphore_mem>> -> memref<!tpu.dma_semaphore, #tpu.memory_space<semaphore_mem>>
        %dma_start3A_338 = arith.constant 1792 : i32
        %dma_start3A_339 = arith.constant 0 : i32
        %dma_start3A_340 = tpu.memref_slice %arg6[%sub3A_196, %dma_start3A_338, %dma_start3A_339] : memref<2x2048x768xf32, #tpu.memory_space<vmem>> -> memref<1x256x768xf32, #tpu.memory_space<vmem>>
        %dma_start3A_341 = tpu.memref_squeeze %dma_start3A_340 : memref<1x256x768xf32, #tpu.memory_space<vmem>> -> memref<256x768xf32, #tpu.memory_space<vmem>>
        %dma_start3A_342 = arith.constant 1792 : i32
        %dma_start3A_343 = arith.constant 0 : i32
        %dma_start3A_344 = tpu.memref_slice %arg3[%get3A_15, %dma_start3A_342, %dma_start3A_343] : memref<8x2048x768xf32, #tpu.memory_space<any>> -> memref<1x256x768xf32, #tpu.memory_space<any>>
        %dma_start3A_345 = tpu.memref_squeeze %dma_start3A_344 : memref<1x256x768xf32, #tpu.memory_space<any>> -> memref<256x768xf32, #tpu.memory_space<any>>
        tpu.enqueue_dma source(%dma_start3A_345 : memref<256x768xf32, #tpu.memory_space<any>>) target(%dma_start3A_341 : memref<256x768xf32, #tpu.memory_space<vmem>>) target_semaphore(%dma_start3A_337 : memref<!tpu.dma_semaphore, #tpu.memory_space<semaphore_mem>>)
        %dma_start3A_346 = tpu.memref_slice %arg9[%sub3A_196] : memref<2x!tpu.dma_semaphore, #tpu.memory_space<semaphore_mem>> -> memref<1x!tpu.dma_semaphore, #tpu.memory_space<semaphore_mem>>
        %dma_start3A_347 = tpu.memref_squeeze %dma_start3A_346 : memref<1x!tpu.dma_semaphore, #tpu.memory_space<semaphore_mem>> -> memref<!tpu.dma_semaphore, #tpu.memory_space<semaphore_mem>>
        %dma_start3A_348 = arith.constant 672 : i32
        %dma_start3A_349 = arith.constant 0 : i32
        %dma_start3A_350 = tpu.memref_slice %arg7[%sub3A_196, %dma_start3A_348, %dma_start3A_349] : memref<2x768x1024xf32, #tpu.memory_space<vmem>> -> memref<1x96x1024xf32, #tpu.memory_space<vmem>>
        %dma_start3A_351 = tpu.memref_squeeze %dma_start3A_350 : memref<1x96x1024xf32, #tpu.memory_space<vmem>> -> memref<96x1024xf32, #tpu.memory_space<vmem>>
        %dma_start3A_352 = arith.constant 672 : i32
        %dma_start3A_353 = arith.constant 0 : i32
        %dma_start3A_354 = tpu.memref_slice %arg4[%get3A_15, %dma_start3A_352, %dma_start3A_353] : memref<8x768x1024xf32, #tpu.memory_space<any>> -> memref<1x96x1024xf32, #tpu.memory_space<any>>
        %dma_start3A_355 = tpu.memref_squeeze %dma_start3A_354 : memref<1x96x1024xf32, #tpu.memory_space<any>> -> memref<96x1024xf32, #tpu.memory_space<any>>
        tpu.enqueue_dma source(%dma_start3A_355 : memref<96x1024xf32, #tpu.memory_space<any>>) target(%dma_start3A_351 : memref<96x1024xf32, #tpu.memory_space<vmem>>) target_semaphore(%dma_start3A_347 : memref<!tpu.dma_semaphore, #tpu.memory_space<semaphore_mem>>)
      } else {
      }
    } else {
    }
    %eq3A_22 = arith.constant 1 : i32
    %eq3A_23 = arith.cmpi eq, %get3A_3, %eq3A_22 : i32
    %convert_element_type3A_24 = arith.extui %eq3A_23 : i1 to i32
    %cond3A_25 = arith.constant 0 : i32
    %cond3A_26 = arith.cmpi ne, %convert_element_type3A_24, %cond3A_25 : i32
    scf.if %cond3A_26 {
      %get3A_27 = arith.constant 0 : index
      %get3A_28 = arith.constant 0 : index
      %get3A_29 = vector.load %arg2[%get3A_27, %get3A_28] : memref<128x768xf32, #tpu.memory_space<vmem>>, vector<128x768xf32>
      %get3A_30 = arith.index_cast %get3A_11 : i32 to index
      %get3A_31 = arith.constant 0 : index
      %get3A_32 = arith.constant 0 : index
      %get3A_33 = vector.load %arg6[%get3A_30, %get3A_31, %get3A_32] : memref<2x2048x768xf32, #tpu.memory_space<vmem>>, vector<1x2048x768xf32>
      %get3A_34 = vector.shape_cast %get3A_33 : vector<1x2048x768xf32> to vector<2048x768xf32>
      %dot_general3A = arith.constant dense<0.000000e+00> : vector<128x2048xf32>
      %dot_general3A_35 = tpu.matmul %get3A_29, %get3A_34, %dot_general3A {dimension_numbers = #tpu.dot_dimension_numbers<[1], [1], [0], [0], [0, 0, 1, 0], [], []>, transpose_lhs_hint = false} : vector<128x768xf32>, vector<2048x768xf32>, vector<128x2048xf32> -> vector<128x2048xf32>
      %slice3A = vector.extract_strided_slice %dot_general3A_35 {offsets = [0, 0], sizes = [128, 1024], strides = [1, 1]} : vector<128x2048xf32> to vector<128x1024xf32>
      %slice3A_36 = vector.extract_strided_slice %dot_general3A_35 {offsets = [0, 1024], sizes = [128, 1024], strides = [1, 1]} : vector<128x2048xf32> to vector<128x1024xf32>
      %neg3A = arith.constant 0.000000e+00 : f32
      %neg3A_37 = vector.broadcast %neg3A : f32 to vector<128x1024xf32>
      %neg3A_38 = arith.subf %neg3A_37, %slice3A : vector<128x1024xf32>
      %exp3A = math.exp %neg3A_38 : vector<128x1024xf32>
      %add3A_39 = arith.constant 1.000000e+00 : f32
      %add3A_40 = vector.broadcast %add3A_39 : f32 to vector<128x1024xf32>
      %add3A_41 = arith.addf %add3A_40, %exp3A : vector<128x1024xf32>
      %div3A = arith.constant 1.000000e+00 : f32
      %div3A_42 = vector.broadcast %div3A : f32 to vector<128x1024xf32>
      %div3A_43 = arith.divf %div3A_42, %add3A_41 : vector<128x1024xf32>
      %mul3A = arith.mulf %slice3A, %div3A_43 : vector<128x1024xf32>
      %mul3A_44 = arith.mulf %mul3A, %slice3A_36 : vector<128x1024xf32>
      %get3A_45 = arith.index_cast %get3A_11 : i32 to index
      %get3A_46 = arith.constant 0 : index
      %get3A_47 = arith.constant 0 : index
      %get3A_48 = vector.load %arg7[%get3A_45, %get3A_46, %get3A_47] : memref<2x768x1024xf32, #tpu.memory_space<vmem>>, vector<1x768x1024xf32>
      %get3A_49 = vector.shape_cast %get3A_48 : vector<1x768x1024xf32> to vector<768x1024xf32>
      %dot_general3A_50 = arith.constant dense<0.000000e+00> : vector<128x768xf32>
      %dot_general3A_51 = tpu.matmul %mul3A_44, %get3A_49, %dot_general3A_50 {dimension_numbers = #tpu.dot_dimension_numbers<[1], [1], [0], [0], [0, 0, 1, 0], [], []>, transpose_lhs_hint = false} : vector<128x1024xf32>, vector<768x1024xf32>, vector<128x768xf32> -> vector<128x768xf32>
      %swap3A = arith.constant 0 : index
      %swap3A_52 = arith.constant 0 : index
      %swap3A_53 = vector.load %arg5[%swap3A, %swap3A_52] : memref<128x768xf32, #tpu.memory_space<vmem>>, vector<128x768xf32>
      tpu.vector_store %arg5[%swap3A, %swap3A_52], %dot_general3A_51 {strides = array<i32>} : memref<128x768xf32, #tpu.memory_space<vmem>>, vector<128x768xf32>,
    } else {
    }
    return
  }
  func.func @transform_0(%arg0: i32, %arg1: memref<240xi32, #tpu.memory_space<smem>>) -> (i32, i32) {
    %add3A = arith.constant 40 : i32
    %add3A_0 = arith.addi %add3A, %arg0 : i32
    %get3A = arith.index_cast %add3A_0 : i32 to index
    %get3A_1 = memref.load %arg1[%get3A] : memref<240xi32, #tpu.memory_space<smem>>
    %eq3A = arith.constant 1 : i32
    %eq3A_2 = arith.cmpi eq, %get3A_1, %eq3A : i32
    %jit3A = arith.constant 39 : i32
    %select_n3A = arith.select %eq3A_2, %arg0, %jit3A : i32
    %c0_i32 = arith.constant 0 : i32
    %c0_i32_3 = arith.constant 0 : i32
    return %select_n3A, %c0_i32 : i32, i32
  }
  func.func @transform_3(%arg0: i32, %arg1: memref<240xi32, #tpu.memory_space<smem>>) -> (i32, i32) {
    %add3A = arith.constant 40 : i32
    %add3A_0 = arith.addi %add3A, %arg0 : i32
    %get3A = arith.index_cast %add3A_0 : i32 to index
    %get3A_1 = memref.load %arg1[%get3A] : memref<240xi32, #tpu.memory_space<smem>>
    %eq3A = arith.constant 1 : i32
    %eq3A_2 = arith.cmpi eq, %get3A_1, %eq3A : i32
    %jit3A = arith.constant 39 : i32
    %select_n3A = arith.select %eq3A_2, %arg0, %jit3A : i32
    %c0_i32 = arith.constant 0 : i32
    %c0_i32_3 = arith.constant 0 : i32
    return %select_n3A, %c0_i32 : i32, i32
  }
}

module attributes {stable_mosaic.version = 14 : i64} {
  func.func @_routing_body(%arg0: memref<2048x768xf32, #tpu.memory_space<vmem>>, %arg1: memref<8x768xf32, #tpu.memory_space<vmem>>, %arg2: memref<16x128xi32, #tpu.memory_space<vmem>>, %arg3: memref<16x128xi32, #tpu.memory_space<vmem>>, %arg4: memref<2048x128xf32, #tpu.memory_space<vmem>>, %arg5: memref<8x128xi32, #tpu.memory_space<vmem>>) attributes {dimension_semantics = [], scalar_prefetch = 0 : i64, scratch_operands = 0 : i64, tpu.core_type = #tpu.core_type<tc>} {
    %get3A = arith.constant 0 : index
    %get3A_0 = arith.constant 0 : index
    %get3A_1 = vector.load %arg0[%get3A, %get3A_0] : memref<2048x768xf32, #tpu.memory_space<vmem>>, vector<2048x768xf32>
    %get3A_2 = arith.constant 0 : index
    %get3A_3 = arith.constant 0 : index
    %get3A_4 = vector.load %arg1[%get3A_2, %get3A_3] : memref<8x768xf32, #tpu.memory_space<vmem>>, vector<8x768xf32>
    %dot_general3A = arith.constant dense<0.000000e+00> : vector<2048x8xf32>
    %dot_general3A_5 = tpu.matmul %get3A_1, %get3A_4, %dot_general3A {dimension_numbers = #tpu.dot_dimension_numbers<[1], [1], [0], [0], [0, 0, 1, 0], [], []>, transpose_lhs_hint = false} : vector<2048x768xf32>, vector<8x768xf32>, vector<2048x8xf32> -> vector<2048x8xf32>
    %broadcast_in_dim3A = arith.constant -1.000000e+30 : f32
    %broadcast_in_dim3A_6 = vector.broadcast %broadcast_in_dim3A : f32 to vector<2048x120xf32>
    %concatenate3A = tpu.concatenate %dot_general3A_5, %broadcast_in_dim3A_6 in 1 : vector<2048x8xf32>, vector<2048x120xf32> -> vector<2048x128xf32>
    %iota3A = tpu.iota {dimensions = array<i32: 1>} : vector<2048x128xi32>
    %lt3A = arith.constant 8 : i32
    %lt3A_7 = vector.broadcast %lt3A : i32 to vector<2048x128xi32>
    %lt3A_8 = arith.cmpi slt, %iota3A, %lt3A_7 : vector<2048x128xi32>
    %reduce_max3A = arith.constant dense<0xFF800000> : vector<2048xf32>
    %reduce_max3A_9 = vector.multi_reduction <maximumf>, %concatenate3A, %reduce_max3A [1] : vector<2048x128xf32> to vector<2048xf32>
    %broadcast_in_dim3A_10 = vector.shape_cast %reduce_max3A_9 : vector<2048xf32> to vector<2048x1xf32>
    %sub3A = vector.broadcast %broadcast_in_dim3A_10 : vector<2048x1xf32> to vector<2048x128xf32>
    %sub3A_11 = arith.subf %concatenate3A, %sub3A : vector<2048x128xf32>
    %exp3A = math.exp %sub3A_11 : vector<2048x128xf32>
    %jit3A = arith.constant 0.000000e+00 : f32
    %broadcast_in_dim3A_12 = vector.broadcast %jit3A : f32 to vector<2048x128xf32>
    %select_n3A = arith.select %lt3A_8, %exp3A, %broadcast_in_dim3A_12 : vector<2048x128xi1>, vector<2048x128xf32>
    %reduce_max3A_13 = arith.constant dense<0xFF800000> : vector<2048xf32>
    %reduce_max3A_14 = vector.multi_reduction <maximumf>, %select_n3A, %reduce_max3A_13 [1] : vector<2048x128xf32> to vector<2048xf32>
    %broadcast_in_dim3A_15 = vector.shape_cast %reduce_max3A_14 : vector<2048xf32> to vector<2048x1xf32>
    %eq3A = vector.broadcast %broadcast_in_dim3A_15 : vector<2048x1xf32> to vector<2048x128xf32>
    %eq3A_16 = arith.cmpf oeq, %select_n3A, %eq3A : vector<2048x128xf32>
    %jit3A_17 = arith.constant 128 : i32
    %broadcast_in_dim3A_18 = vector.broadcast %jit3A_17 : i32 to vector<2048x128xi32>
    %select_n3A_19 = arith.select %eq3A_16, %iota3A, %broadcast_in_dim3A_18 : vector<2048x128xi1>, vector<2048x128xi32>
    %reduce_min3A = arith.constant dense<2147483647> : vector<2048xi32>
    %reduce_min3A_20 = vector.multi_reduction <minsi>, %select_n3A_19, %reduce_min3A [1] : vector<2048x128xi32> to vector<2048xi32>
    %broadcast_in_dim3A_21 = vector.shape_cast %reduce_min3A_20 : vector<2048xi32> to vector<2048x1xi32>
    %eq3A_22 = vector.broadcast %broadcast_in_dim3A_21 : vector<2048x1xi32> to vector<2048x128xi32>
    %eq3A_23 = arith.cmpi eq, %iota3A, %eq3A_22 : vector<2048x128xi32>
    %jit3A_24 = arith.constant 0.000000e+00 : f32
    %broadcast_in_dim3A_25 = vector.broadcast %jit3A_24 : f32 to vector<2048x128xf32>
    %select_n3A_26 = arith.select %eq3A_23, %broadcast_in_dim3A_25, %select_n3A : vector<2048x128xi1>, vector<2048x128xf32>
    %reduce_max3A_27 = arith.constant dense<0xFF800000> : vector<2048xf32>
    %reduce_max3A_28 = vector.multi_reduction <maximumf>, %select_n3A_26, %reduce_max3A_27 [1] : vector<2048x128xf32> to vector<2048xf32>
    %broadcast_in_dim3A_29 = vector.shape_cast %reduce_max3A_28 : vector<2048xf32> to vector<2048x1xf32>
    %eq3A_30 = vector.broadcast %broadcast_in_dim3A_29 : vector<2048x1xf32> to vector<2048x128xf32>
    %eq3A_31 = arith.cmpf oeq, %select_n3A_26, %eq3A_30 : vector<2048x128xf32>
    %jit3A_32 = arith.constant 128 : i32
    %broadcast_in_dim3A_33 = vector.broadcast %jit3A_32 : i32 to vector<2048x128xi32>
    %select_n3A_34 = arith.select %eq3A_31, %iota3A, %broadcast_in_dim3A_33 : vector<2048x128xi1>, vector<2048x128xi32>
    %reduce_min3A_35 = arith.constant dense<2147483647> : vector<2048xi32>
    %reduce_min3A_36 = vector.multi_reduction <minsi>, %select_n3A_34, %reduce_min3A_35 [1] : vector<2048x128xi32> to vector<2048xi32>
    %broadcast_in_dim3A_37 = vector.shape_cast %reduce_min3A_36 : vector<2048xi32> to vector<2048x1xi32>
    %eq3A_38 = vector.broadcast %broadcast_in_dim3A_37 : vector<2048x1xi32> to vector<2048x128xi32>
    %eq3A_39 = arith.cmpi eq, %iota3A, %eq3A_38 : vector<2048x128xi32>
    %add3A = arith.addf %broadcast_in_dim3A_15, %broadcast_in_dim3A_29 : vector<2048x1xf32>
    %div3A = arith.divf %broadcast_in_dim3A_15, %add3A : vector<2048x1xf32>
    %broadcast_in_dim3A_40 = vector.shape_cast %div3A : vector<2048x1xf32> to vector<2048x1xf32>
    %broadcast_in_dim3A_41 = vector.broadcast %broadcast_in_dim3A_40 : vector<2048x1xf32> to vector<2048x16xf32>
    %div3A_42 = arith.divf %broadcast_in_dim3A_29, %add3A : vector<2048x1xf32>
    %broadcast_in_dim3A_43 = vector.shape_cast %div3A_42 : vector<2048x1xf32> to vector<2048x1xf32>
    %broadcast_in_dim3A_44 = vector.broadcast %broadcast_in_dim3A_43 : vector<2048x1xf32> to vector<2048x16xf32>
    %broadcast_in_dim3A_45 = arith.constant 0.000000e+00 : f32
    %broadcast_in_dim3A_46 = vector.broadcast %broadcast_in_dim3A_45 : f32 to vector<2048x96xf32>
    %concatenate3A_47 = tpu.concatenate %broadcast_in_dim3A_41, %broadcast_in_dim3A_44, %broadcast_in_dim3A_46 in 1 : vector<2048x16xf32>, vector<2048x16xf32>, vector<2048x96xf32> -> vector<2048x128xf32>
    %swap3A = arith.constant 0 : index
    %swap3A_48 = arith.constant 0 : index
    %swap3A_49 = vector.load %arg4[%swap3A, %swap3A_48] : memref<2048x128xf32, #tpu.memory_space<vmem>>, vector<2048x128xf32>
    tpu.vector_store %arg4[%swap3A, %swap3A_48], %concatenate3A_47 {strides = array<i32>} : memref<2048x128xf32, #tpu.memory_space<vmem>>, vector<2048x128xf32>,
    %convert_element_type3A = arith.extui %eq3A_23 : vector<2048x128xi1> to vector<2048x128xi32>
    %convert_element_type3A_50 = arith.sitofp %convert_element_type3A : vector<2048x128xi32> to vector<2048x128xf32>
    %convert_element_type3A_51 = arith.extui %eq3A_39 : vector<2048x128xi1> to vector<2048x128xi32>
    %convert_element_type3A_52 = arith.sitofp %convert_element_type3A_51 : vector<2048x128xi32> to vector<2048x128xf32>
    %add3A_53 = arith.addf %convert_element_type3A_50, %convert_element_type3A_52 : vector<2048x128xf32>
    %broadcast_in_dim3A_54 = arith.constant 0.000000e+00 : f32
    %broadcast_in_dim3A_55 = vector.broadcast %broadcast_in_dim3A_54 : f32 to vector<1x128xf32>
    %slice3A = vector.extract_strided_slice %add3A_53 {offsets = [0, 0], sizes = [2047, 128], strides = [1, 1]} : vector<2048x128xf32> to vector<2047x128xf32>
    %concatenate3A_56 = tpu.concatenate %broadcast_in_dim3A_55, %slice3A in 0 : vector<1x128xf32>, vector<2047x128xf32> -> vector<2048x128xf32>
    %add3A_57 = arith.addf %add3A_53, %concatenate3A_56 : vector<2048x128xf32>
    %broadcast_in_dim3A_58 = arith.constant 0.000000e+00 : f32
    %broadcast_in_dim3A_59 = vector.broadcast %broadcast_in_dim3A_58 : f32 to vector<2x128xf32>
    %slice3A_60 = vector.extract_strided_slice %add3A_57 {offsets = [0, 0], sizes = [2046, 128], strides = [1, 1]} : vector<2048x128xf32> to vector<2046x128xf32>
    %concatenate3A_61 = tpu.concatenate %broadcast_in_dim3A_59, %slice3A_60 in 0 : vector<2x128xf32>, vector<2046x128xf32> -> vector<2048x128xf32>
    %add3A_62 = arith.addf %add3A_57, %concatenate3A_61 : vector<2048x128xf32>
    %broadcast_in_dim3A_63 = arith.constant 0.000000e+00 : f32
    %broadcast_in_dim3A_64 = vector.broadcast %broadcast_in_dim3A_63 : f32 to vector<4x128xf32>
    %slice3A_65 = vector.extract_strided_slice %add3A_62 {offsets = [0, 0], sizes = [2044, 128], strides = [1, 1]} : vector<2048x128xf32> to vector<2044x128xf32>
    %concatenate3A_66 = tpu.concatenate %broadcast_in_dim3A_64, %slice3A_65 in 0 : vector<4x128xf32>, vector<2044x128xf32> -> vector<2048x128xf32>
    %add3A_67 = arith.addf %add3A_62, %concatenate3A_66 : vector<2048x128xf32>
    %broadcast_in_dim3A_68 = arith.constant 0.000000e+00 : f32
    %broadcast_in_dim3A_69 = vector.broadcast %broadcast_in_dim3A_68 : f32 to vector<8x128xf32>
    %slice3A_70 = vector.extract_strided_slice %add3A_67 {offsets = [0, 0], sizes = [2040, 128], strides = [1, 1]} : vector<2048x128xf32> to vector<2040x128xf32>
    %concatenate3A_71 = tpu.concatenate %broadcast_in_dim3A_69, %slice3A_70 in 0 : vector<8x128xf32>, vector<2040x128xf32> -> vector<2048x128xf32>
    %add3A_72 = arith.addf %add3A_67, %concatenate3A_71 : vector<2048x128xf32>
    %broadcast_in_dim3A_73 = arith.constant 0.000000e+00 : f32
    %broadcast_in_dim3A_74 = vector.broadcast %broadcast_in_dim3A_73 : f32 to vector<16x128xf32>
    %slice3A_75 = vector.extract_strided_slice %add3A_72 {offsets = [0, 0], sizes = [2032, 128], strides = [1, 1]} : vector<2048x128xf32> to vector<2032x128xf32>
    %concatenate3A_76 = tpu.concatenate %broadcast_in_dim3A_74, %slice3A_75 in 0 : vector<16x128xf32>, vector<2032x128xf32> -> vector<2048x128xf32>
    %add3A_77 = arith.addf %add3A_72, %concatenate3A_76 : vector<2048x128xf32>
    %broadcast_in_dim3A_78 = arith.constant 0.000000e+00 : f32
    %broadcast_in_dim3A_79 = vector.broadcast %broadcast_in_dim3A_78 : f32 to vector<32x128xf32>
    %slice3A_80 = vector.extract_strided_slice %add3A_77 {offsets = [0, 0], sizes = [2016, 128], strides = [1, 1]} : vector<2048x128xf32> to vector<2016x128xf32>
    %concatenate3A_81 = tpu.concatenate %broadcast_in_dim3A_79, %slice3A_80 in 0 : vector<32x128xf32>, vector<2016x128xf32> -> vector<2048x128xf32>
    %add3A_82 = arith.addf %add3A_77, %concatenate3A_81 : vector<2048x128xf32>
    %broadcast_in_dim3A_83 = arith.constant 0.000000e+00 : f32
    %broadcast_in_dim3A_84 = vector.broadcast %broadcast_in_dim3A_83 : f32 to vector<64x128xf32>
    %slice3A_85 = vector.extract_strided_slice %add3A_82 {offsets = [0, 0], sizes = [1984, 128], strides = [1, 1]} : vector<2048x128xf32> to vector<1984x128xf32>
    %concatenate3A_86 = tpu.concatenate %broadcast_in_dim3A_84, %slice3A_85 in 0 : vector<64x128xf32>, vector<1984x128xf32> -> vector<2048x128xf32>
    %add3A_87 = arith.addf %add3A_82, %concatenate3A_86 : vector<2048x128xf32>
    %broadcast_in_dim3A_88 = arith.constant 0.000000e+00 : f32
    %broadcast_in_dim3A_89 = vector.broadcast %broadcast_in_dim3A_88 : f32 to vector<128x128xf32>
    %slice3A_90 = vector.extract_strided_slice %add3A_87 {offsets = [0, 0], sizes = [1920, 128], strides = [1, 1]} : vector<2048x128xf32> to vector<1920x128xf32>
    %concatenate3A_91 = tpu.concatenate %broadcast_in_dim3A_89, %slice3A_90 in 0 : vector<128x128xf32>, vector<1920x128xf32> -> vector<2048x128xf32>
    %add3A_92 = arith.addf %add3A_87, %concatenate3A_91 : vector<2048x128xf32>
    %broadcast_in_dim3A_93 = arith.constant 0.000000e+00 : f32
    %broadcast_in_dim3A_94 = vector.broadcast %broadcast_in_dim3A_93 : f32 to vector<256x128xf32>
    %slice3A_95 = vector.extract_strided_slice %add3A_92 {offsets = [0, 0], sizes = [1792, 128], strides = [1, 1]} : vector<2048x128xf32> to vector<1792x128xf32>
    %concatenate3A_96 = tpu.concatenate %broadcast_in_dim3A_94, %slice3A_95 in 0 : vector<256x128xf32>, vector<1792x128xf32> -> vector<2048x128xf32>
    %add3A_97 = arith.addf %add3A_92, %concatenate3A_96 : vector<2048x128xf32>
    %broadcast_in_dim3A_98 = arith.constant 0.000000e+00 : f32
    %broadcast_in_dim3A_99 = vector.broadcast %broadcast_in_dim3A_98 : f32 to vector<512x128xf32>
    %slice3A_100 = vector.extract_strided_slice %add3A_97 {offsets = [0, 0], sizes = [1536, 128], strides = [1, 1]} : vector<2048x128xf32> to vector<1536x128xf32>
    %concatenate3A_101 = tpu.concatenate %broadcast_in_dim3A_99, %slice3A_100 in 0 : vector<512x128xf32>, vector<1536x128xf32> -> vector<2048x128xf32>
    %add3A_102 = arith.addf %add3A_97, %concatenate3A_101 : vector<2048x128xf32>
    %broadcast_in_dim3A_103 = arith.constant 0.000000e+00 : f32
    %broadcast_in_dim3A_104 = vector.broadcast %broadcast_in_dim3A_103 : f32 to vector<1024x128xf32>
    %slice3A_105 = vector.extract_strided_slice %add3A_102 {offsets = [0, 0], sizes = [1024, 128], strides = [1, 1]} : vector<2048x128xf32> to vector<1024x128xf32>
    %concatenate3A_106 = tpu.concatenate %broadcast_in_dim3A_104, %slice3A_105 in 0 : vector<1024x128xf32>, vector<1024x128xf32> -> vector<2048x128xf32>
    %add3A_107 = arith.addf %add3A_102, %concatenate3A_106 : vector<2048x128xf32>
    %sub3A_108 = arith.subf %add3A_107, %add3A_53 : vector<2048x128xf32>
    %convert_element_type3A_109 = arith.fptosi %sub3A_108 : vector<2048x128xf32> to vector<2048x128xi32>
    %slice3A_110 = vector.extract_strided_slice %add3A_107 {offsets = [2047, 0], sizes = [1, 128], strides = [1, 1]} : vector<2048x128xf32> to vector<1x128xf32>
    %convert_element_type3A_111 = arith.fptosi %slice3A_110 : vector<1x128xf32> to vector<1x128xi32>
    %add3A_112 = arith.constant 128 : i32
    %add3A_113 = vector.broadcast %add3A_112 : i32 to vector<1x128xi32>
    %add3A_114 = arith.addi %convert_element_type3A_111, %add3A_113 : vector<1x128xi32>
    %sub3A_115 = arith.constant 1 : i32
    %sub3A_116 = vector.broadcast %sub3A_115 : i32 to vector<1x128xi32>
    %sub3A_117 = arith.subi %add3A_114, %sub3A_116 : vector<1x128xi32>
    %jit3A_118 = arith.constant 128 : i32
    %div3A_119 = vector.broadcast %jit3A_118 : i32 to vector<1x128xi32>
    %div3A_120 = arith.divsi %sub3A_117, %div3A_119 : vector<1x128xi32>
    %sign3A = arith.constant 0 : i32
    %sign3A_121 = vector.broadcast %sign3A : i32 to vector<1x128xi32>
    %sign3A_122 = arith.cmpi sgt, %sub3A_117, %sign3A_121 : vector<1x128xi32>
    %sign3A_123 = arith.extui %sign3A_122 : vector<1x128xi1> to vector<1x128xi32>
    %sign3A_124 = arith.constant 0 : i32
    %sign3A_125 = vector.broadcast %sign3A_124 : i32 to vector<1x128xi32>
    %sign3A_126 = arith.cmpi slt, %sub3A_117, %sign3A_125 : vector<1x128xi32>
    %sign3A_127 = arith.extui %sign3A_126 : vector<1x128xi1> to vector<1x128xi32>
    %sign3A_128 = arith.subi %sign3A_123, %sign3A_127 : vector<1x128xi32>
    %sign3A_129 = arith.constant 0 : i32
    %sign3A_130 = arith.cmpi sgt, %jit3A_118, %sign3A_129 : i32
    %sign3A_131 = arith.extui %sign3A_130 : i1 to i32
    %sign3A_132 = arith.constant 0 : i32
    %sign3A_133 = arith.cmpi slt, %jit3A_118, %sign3A_132 : i32
    %sign3A_134 = arith.extui %sign3A_133 : i1 to i32
    %sign3A_135 = arith.subi %sign3A_131, %sign3A_134 : i32
    %ne3A = vector.broadcast %sign3A_135 : i32 to vector<1x128xi32>
    %ne3A_136 = arith.cmpi ne, %sign3A_128, %ne3A : vector<1x128xi32>
    %rem3A = vector.broadcast %jit3A_118 : i32 to vector<1x128xi32>
    %rem3A_137 = arith.remsi %sub3A_117, %rem3A : vector<1x128xi32>
    %ne3A_138 = arith.constant 0 : i32
    %ne3A_139 = vector.broadcast %ne3A_138 : i32 to vector<1x128xi32>
    %ne3A_140 = arith.cmpi ne, %rem3A_137, %ne3A_139 : vector<1x128xi32>
    %and3A = arith.andi %ne3A_136, %ne3A_140 : vector<1x128xi1>
    %sub3A_141 = arith.constant 1 : i32
    %sub3A_142 = vector.broadcast %sub3A_141 : i32 to vector<1x128xi32>
    %sub3A_143 = arith.subi %div3A_120, %sub3A_142 : vector<1x128xi32>
    %select_n3A_144 = arith.select %and3A, %sub3A_143, %div3A_120 : vector<1x128xi1>, vector<1x128xi32>
    %mul3A = arith.constant 128 : i32
    %mul3A_145 = vector.broadcast %mul3A : i32 to vector<1x128xi32>
    %mul3A_146 = arith.muli %select_n3A_144, %mul3A_145 : vector<1x128xi32>
    %broadcast_in_dim3A_147 = arith.constant 0 : i32
    %broadcast_in_dim3A_148 = vector.broadcast %broadcast_in_dim3A_147 : i32 to vector<1x1xi32>
    %slice3A_149 = vector.extract_strided_slice %mul3A_146 {offsets = [0, 0], sizes = [1, 127], strides = [1, 1]} : vector<1x128xi32> to vector<1x127xi32>
    %concatenate3A_150 = tpu.concatenate %broadcast_in_dim3A_148, %slice3A_149 in 1 : vector<1x1xi32>, vector<1x127xi32> -> vector<1x128xi32>
    %add3A_151 = arith.addi %mul3A_146, %concatenate3A_150 : vector<1x128xi32>
    %broadcast_in_dim3A_152 = arith.constant 0 : i32
    %broadcast_in_dim3A_153 = vector.broadcast %broadcast_in_dim3A_152 : i32 to vector<1x2xi32>
    %slice3A_154 = vector.extract_strided_slice %add3A_151 {offsets = [0, 0], sizes = [1, 126], strides = [1, 1]} : vector<1x128xi32> to vector<1x126xi32>
    %concatenate3A_155 = tpu.concatenate %broadcast_in_dim3A_153, %slice3A_154 in 1 : vector<1x2xi32>, vector<1x126xi32> -> vector<1x128xi32>
    %add3A_156 = arith.addi %add3A_151, %concatenate3A_155 : vector<1x128xi32>
    %broadcast_in_dim3A_157 = arith.constant 0 : i32
    %broadcast_in_dim3A_158 = vector.broadcast %broadcast_in_dim3A_157 : i32 to vector<1x4xi32>
    %slice3A_159 = vector.extract_strided_slice %add3A_156 {offsets = [0, 0], sizes = [1, 124], strides = [1, 1]} : vector<1x128xi32> to vector<1x124xi32>
    %concatenate3A_160 = tpu.concatenate %broadcast_in_dim3A_158, %slice3A_159 in 1 : vector<1x4xi32>, vector<1x124xi32> -> vector<1x128xi32>
    %add3A_161 = arith.addi %add3A_156, %concatenate3A_160 : vector<1x128xi32>
    %broadcast_in_dim3A_162 = arith.constant 0 : i32
    %broadcast_in_dim3A_163 = vector.broadcast %broadcast_in_dim3A_162 : i32 to vector<1x8xi32>
    %slice3A_164 = vector.extract_strided_slice %add3A_161 {offsets = [0, 0], sizes = [1, 120], strides = [1, 1]} : vector<1x128xi32> to vector<1x120xi32>
    %concatenate3A_165 = tpu.concatenate %broadcast_in_dim3A_163, %slice3A_164 in 1 : vector<1x8xi32>, vector<1x120xi32> -> vector<1x128xi32>
    %add3A_166 = arith.addi %add3A_161, %concatenate3A_165 : vector<1x128xi32>
    %broadcast_in_dim3A_167 = arith.constant 0 : i32
    %broadcast_in_dim3A_168 = vector.broadcast %broadcast_in_dim3A_167 : i32 to vector<1x16xi32>
    %slice3A_169 = vector.extract_strided_slice %add3A_166 {offsets = [0, 0], sizes = [1, 112], strides = [1, 1]} : vector<1x128xi32> to vector<1x112xi32>
    %concatenate3A_170 = tpu.concatenate %broadcast_in_dim3A_168, %slice3A_169 in 1 : vector<1x16xi32>, vector<1x112xi32> -> vector<1x128xi32>
    %add3A_171 = arith.addi %add3A_166, %concatenate3A_170 : vector<1x128xi32>
    %broadcast_in_dim3A_172 = arith.constant 0 : i32
    %broadcast_in_dim3A_173 = vector.broadcast %broadcast_in_dim3A_172 : i32 to vector<1x32xi32>
    %slice3A_174 = vector.extract_strided_slice %add3A_171 {offsets = [0, 0], sizes = [1, 96], strides = [1, 1]} : vector<1x128xi32> to vector<1x96xi32>
    %concatenate3A_175 = tpu.concatenate %broadcast_in_dim3A_173, %slice3A_174 in 1 : vector<1x32xi32>, vector<1x96xi32> -> vector<1x128xi32>
    %add3A_176 = arith.addi %add3A_171, %concatenate3A_175 : vector<1x128xi32>
    %broadcast_in_dim3A_177 = arith.constant 0 : i32
    %broadcast_in_dim3A_178 = vector.broadcast %broadcast_in_dim3A_177 : i32 to vector<1x64xi32>
    %slice3A_179 = vector.extract_strided_slice %add3A_176 {offsets = [0, 0], sizes = [1, 64], strides = [1, 1]} : vector<1x128xi32> to vector<1x64xi32>
    %concatenate3A_180 = tpu.concatenate %broadcast_in_dim3A_178, %slice3A_179 in 1 : vector<1x64xi32>, vector<1x64xi32> -> vector<1x128xi32>
    %add3A_181 = arith.addi %add3A_176, %concatenate3A_180 : vector<1x128xi32>
    %sub3A_182 = arith.subi %add3A_181, %mul3A_146 : vector<1x128xi32>
    %convert_element_type3A_183 = arith.extui %eq3A_23 : vector<2048x128xi1> to vector<2048x128xi32>
    %convert_element_type3A_184 = arith.extui %eq3A_39 : vector<2048x128xi1> to vector<2048x128xi32>
    %add3A_185 = vector.broadcast %sub3A_182 : vector<1x128xi32> to vector<2048x128xi32>
    %add3A_186 = arith.addi %add3A_185, %convert_element_type3A_109 : vector<2048x128xi32>
    %mul3A_187 = arith.muli %add3A_186, %convert_element_type3A_183 : vector<2048x128xi32>
    %reduce_sum3A = arith.constant dense<0> : vector<2048xi32>
    %reduce_sum3A_188 = vector.multi_reduction <add>, %mul3A_187, %reduce_sum3A [1] : vector<2048x128xi32> to vector<2048xi32>
    %broadcast_in_dim3A_189 = vector.shape_cast %reduce_sum3A_188 : vector<2048xi32> to vector<2048x1xi32>
    %reshape3A = vector.shape_cast %broadcast_in_dim3A_189 : vector<2048x1xi32> to vector<16x128xi32>
    %swap3A_190 = arith.constant 0 : index
    %swap3A_191 = arith.constant 0 : index
    %swap3A_192 = vector.load %arg2[%swap3A_190, %swap3A_191] : memref<16x128xi32, #tpu.memory_space<vmem>>, vector<16x128xi32>
    tpu.vector_store %arg2[%swap3A_190, %swap3A_191], %reshape3A {strides = array<i32>} : memref<16x128xi32, #tpu.memory_space<vmem>>, vector<16x128xi32>,
    %add3A_193 = vector.broadcast %sub3A_182 : vector<1x128xi32> to vector<2048x128xi32>
    %add3A_194 = arith.addi %add3A_193, %convert_element_type3A_109 : vector<2048x128xi32>
    %add3A_195 = arith.addi %add3A_194, %convert_element_type3A_183 : vector<2048x128xi32>
    %mul3A_196 = arith.muli %add3A_195, %convert_element_type3A_184 : vector<2048x128xi32>
    %reduce_sum3A_197 = arith.constant dense<0> : vector<2048xi32>
    %reduce_sum3A_198 = vector.multi_reduction <add>, %mul3A_196, %reduce_sum3A_197 [1] : vector<2048x128xi32> to vector<2048xi32>
    %broadcast_in_dim3A_199 = vector.shape_cast %reduce_sum3A_198 : vector<2048xi32> to vector<2048x1xi32>
    %reshape3A_200 = vector.shape_cast %broadcast_in_dim3A_199 : vector<2048x1xi32> to vector<16x128xi32>
    %swap3A_201 = arith.constant 0 : index
    %swap3A_202 = arith.constant 0 : index
    %swap3A_203 = vector.load %arg3[%swap3A_201, %swap3A_202] : memref<16x128xi32, #tpu.memory_space<vmem>>, vector<16x128xi32>
    tpu.vector_store %arg3[%swap3A_201, %swap3A_202], %reshape3A_200 {strides = array<i32>} : memref<16x128xi32, #tpu.memory_space<vmem>>, vector<16x128xi32>,
    %slice3A_204 = vector.extract_strided_slice %iota3A {offsets = [0, 0], sizes = [1, 128], strides = [1, 1]} : vector<2048x128xi32> to vector<1x128xi32>
    %mul3A_205 = arith.constant 128 : i32
    %mul3A_206 = vector.broadcast %mul3A_205 : i32 to vector<1x128xi32>
    %mul3A_207 = arith.muli %slice3A_204, %mul3A_206 : vector<1x128xi32>
    %broadcast_in_dim3A_208 = arith.constant 0 : i32
    %broadcast_in_dim3A_209 = vector.broadcast %broadcast_in_dim3A_208 : i32 to vector<1x128xi32>
    %broadcast_in_dim3A_210 = arith.constant 0 : i32
    %broadcast_in_dim3A_211 = vector.broadcast %broadcast_in_dim3A_210 : i32 to vector<1x128xi32>
    %slice3A_212 = vector.extract_strided_slice %iota3A {offsets = [0, 0], sizes = [1, 128], strides = [1, 1]} : vector<2048x128xi32> to vector<1x128xi32>
    %eq3A_213 = arith.constant 0 : i32
    %eq3A_214 = vector.broadcast %eq3A_213 : i32 to vector<1x128xi32>
    %eq3A_215 = arith.cmpi eq, %slice3A_212, %eq3A_214 : vector<1x128xi32>
    %convert_element_type3A_216 = arith.extui %eq3A_215 : vector<1x128xi1> to vector<1x128xi32>
    %mul3A_217 = arith.muli %sub3A_182, %convert_element_type3A_216 : vector<1x128xi32>
    %reduce_sum3A_218 = arith.constant dense<0> : vector<1xi32>
    %reduce_sum3A_219 = vector.multi_reduction <add>, %mul3A_217, %reduce_sum3A_218 [1] : vector<1x128xi32> to vector<1xi32>
    %broadcast_in_dim3A_220 = vector.shape_cast %reduce_sum3A_219 : vector<1xi32> to vector<1x1xi32>
    %le3A = vector.broadcast %broadcast_in_dim3A_220 : vector<1x1xi32> to vector<1x128xi32>
    %le3A_221 = arith.cmpi sle, %le3A, %mul3A_207 : vector<1x128xi32>
    %convert_element_type3A_222 = arith.extui %le3A_221 : vector<1x128xi1> to vector<1x128xi32>
    %add3A_223 = arith.addi %broadcast_in_dim3A_209, %convert_element_type3A_222 : vector<1x128xi32>
    %slice3A_224 = vector.extract_strided_slice %iota3A {offsets = [0, 0], sizes = [1, 128], strides = [1, 1]} : vector<2048x128xi32> to vector<1x128xi32>
    %eq3A_225 = arith.constant 1 : i32
    %eq3A_226 = vector.broadcast %eq3A_225 : i32 to vector<1x128xi32>
    %eq3A_227 = arith.cmpi eq, %slice3A_224, %eq3A_226 : vector<1x128xi32>
    %convert_element_type3A_228 = arith.extui %eq3A_227 : vector<1x128xi1> to vector<1x128xi32>
    %mul3A_229 = arith.muli %sub3A_182, %convert_element_type3A_228 : vector<1x128xi32>
    %reduce_sum3A_230 = arith.constant dense<0> : vector<1xi32>
    %reduce_sum3A_231 = vector.multi_reduction <add>, %mul3A_229, %reduce_sum3A_230 [1] : vector<1x128xi32> to vector<1xi32>
    %broadcast_in_dim3A_232 = vector.shape_cast %reduce_sum3A_231 : vector<1xi32> to vector<1x1xi32>
    %le3A_233 = vector.broadcast %broadcast_in_dim3A_232 : vector<1x1xi32> to vector<1x128xi32>
    %le3A_234 = arith.cmpi sle, %le3A_233, %mul3A_207 : vector<1x128xi32>
    %convert_element_type3A_235 = arith.extui %le3A_234 : vector<1x128xi1> to vector<1x128xi32>
    %add3A_236 = arith.addi %add3A_223, %convert_element_type3A_235 : vector<1x128xi32>
    %slice3A_237 = vector.extract_strided_slice %iota3A {offsets = [0, 0], sizes = [1, 128], strides = [1, 1]} : vector<2048x128xi32> to vector<1x128xi32>
    %eq3A_238 = arith.constant 2 : i32
    %eq3A_239 = vector.broadcast %eq3A_238 : i32 to vector<1x128xi32>
    %eq3A_240 = arith.cmpi eq, %slice3A_237, %eq3A_239 : vector<1x128xi32>
    %convert_element_type3A_241 = arith.extui %eq3A_240 : vector<1x128xi1> to vector<1x128xi32>
    %mul3A_242 = arith.muli %sub3A_182, %convert_element_type3A_241 : vector<1x128xi32>
    %reduce_sum3A_243 = arith.constant dense<0> : vector<1xi32>
    %reduce_sum3A_244 = vector.multi_reduction <add>, %mul3A_242, %reduce_sum3A_243 [1] : vector<1x128xi32> to vector<1xi32>
    %broadcast_in_dim3A_245 = vector.shape_cast %reduce_sum3A_244 : vector<1xi32> to vector<1x1xi32>
    %le3A_246 = vector.broadcast %broadcast_in_dim3A_245 : vector<1x1xi32> to vector<1x128xi32>
    %le3A_247 = arith.cmpi sle, %le3A_246, %mul3A_207 : vector<1x128xi32>
    %convert_element_type3A_248 = arith.extui %le3A_247 : vector<1x128xi1> to vector<1x128xi32>
    %add3A_249 = arith.addi %add3A_236, %convert_element_type3A_248 : vector<1x128xi32>
    %slice3A_250 = vector.extract_strided_slice %iota3A {offsets = [0, 0], sizes = [1, 128], strides = [1, 1]} : vector<2048x128xi32> to vector<1x128xi32>
    %eq3A_251 = arith.constant 3 : i32
    %eq3A_252 = vector.broadcast %eq3A_251 : i32 to vector<1x128xi32>
    %eq3A_253 = arith.cmpi eq, %slice3A_250, %eq3A_252 : vector<1x128xi32>
    %convert_element_type3A_254 = arith.extui %eq3A_253 : vector<1x128xi1> to vector<1x128xi32>
    %mul3A_255 = arith.muli %sub3A_182, %convert_element_type3A_254 : vector<1x128xi32>
    %reduce_sum3A_256 = arith.constant dense<0> : vector<1xi32>
    %reduce_sum3A_257 = vector.multi_reduction <add>, %mul3A_255, %reduce_sum3A_256 [1] : vector<1x128xi32> to vector<1xi32>
    %broadcast_in_dim3A_258 = vector.shape_cast %reduce_sum3A_257 : vector<1xi32> to vector<1x1xi32>
    %le3A_259 = vector.broadcast %broadcast_in_dim3A_258 : vector<1x1xi32> to vector<1x128xi32>
    %le3A_260 = arith.cmpi sle, %le3A_259, %mul3A_207 : vector<1x128xi32>
    %convert_element_type3A_261 = arith.extui %le3A_260 : vector<1x128xi1> to vector<1x128xi32>
    %add3A_262 = arith.addi %add3A_249, %convert_element_type3A_261 : vector<1x128xi32>
    %slice3A_263 = vector.extract_strided_slice %iota3A {offsets = [0, 0], sizes = [1, 128], strides = [1, 1]} : vector<2048x128xi32> to vector<1x128xi32>
    %eq3A_264 = arith.constant 4 : i32
    %eq3A_265 = vector.broadcast %eq3A_264 : i32 to vector<1x128xi32>
    %eq3A_266 = arith.cmpi eq, %slice3A_263, %eq3A_265 : vector<1x128xi32>
    %convert_element_type3A_267 = arith.extui %eq3A_266 : vector<1x128xi1> to vector<1x128xi32>
    %mul3A_268 = arith.muli %sub3A_182, %convert_element_type3A_267 : vector<1x128xi32>
    %reduce_sum3A_269 = arith.constant dense<0> : vector<1xi32>
    %reduce_sum3A_270 = vector.multi_reduction <add>, %mul3A_268, %reduce_sum3A_269 [1] : vector<1x128xi32> to vector<1xi32>
    %broadcast_in_dim3A_271 = vector.shape_cast %reduce_sum3A_270 : vector<1xi32> to vector<1x1xi32>
    %le3A_272 = vector.broadcast %broadcast_in_dim3A_271 : vector<1x1xi32> to vector<1x128xi32>
    %le3A_273 = arith.cmpi sle, %le3A_272, %mul3A_207 : vector<1x128xi32>
    %convert_element_type3A_274 = arith.extui %le3A_273 : vector<1x128xi1> to vector<1x128xi32>
    %add3A_275 = arith.addi %add3A_262, %convert_element_type3A_274 : vector<1x128xi32>
    %slice3A_276 = vector.extract_strided_slice %iota3A {offsets = [0, 0], sizes = [1, 128], strides = [1, 1]} : vector<2048x128xi32> to vector<1x128xi32>
    %eq3A_277 = arith.constant 5 : i32
    %eq3A_278 = vector.broadcast %eq3A_277 : i32 to vector<1x128xi32>
    %eq3A_279 = arith.cmpi eq, %slice3A_276, %eq3A_278 : vector<1x128xi32>
    %convert_element_type3A_280 = arith.extui %eq3A_279 : vector<1x128xi1> to vector<1x128xi32>
    %mul3A_281 = arith.muli %sub3A_182, %convert_element_type3A_280 : vector<1x128xi32>
    %reduce_sum3A_282 = arith.constant dense<0> : vector<1xi32>
    %reduce_sum3A_283 = vector.multi_reduction <add>, %mul3A_281, %reduce_sum3A_282 [1] : vector<1x128xi32> to vector<1xi32>
    %broadcast_in_dim3A_284 = vector.shape_cast %reduce_sum3A_283 : vector<1xi32> to vector<1x1xi32>
    %le3A_285 = vector.broadcast %broadcast_in_dim3A_284 : vector<1x1xi32> to vector<1x128xi32>
    %le3A_286 = arith.cmpi sle, %le3A_285, %mul3A_207 : vector<1x128xi32>
    %convert_element_type3A_287 = arith.extui %le3A_286 : vector<1x128xi1> to vector<1x128xi32>
    %add3A_288 = arith.addi %add3A_275, %convert_element_type3A_287 : vector<1x128xi32>
    %slice3A_289 = vector.extract_strided_slice %iota3A {offsets = [0, 0], sizes = [1, 128], strides = [1, 1]} : vector<2048x128xi32> to vector<1x128xi32>
    %eq3A_290 = arith.constant 6 : i32
    %eq3A_291 = vector.broadcast %eq3A_290 : i32 to vector<1x128xi32>
    %eq3A_292 = arith.cmpi eq, %slice3A_289, %eq3A_291 : vector<1x128xi32>
    %convert_element_type3A_293 = arith.extui %eq3A_292 : vector<1x128xi1> to vector<1x128xi32>
    %mul3A_294 = arith.muli %sub3A_182, %convert_element_type3A_293 : vector<1x128xi32>
    %reduce_sum3A_295 = arith.constant dense<0> : vector<1xi32>
    %reduce_sum3A_296 = vector.multi_reduction <add>, %mul3A_294, %reduce_sum3A_295 [1] : vector<1x128xi32> to vector<1xi32>
    %broadcast_in_dim3A_297 = vector.shape_cast %reduce_sum3A_296 : vector<1xi32> to vector<1x1xi32>
    %le3A_298 = vector.broadcast %broadcast_in_dim3A_297 : vector<1x1xi32> to vector<1x128xi32>
    %le3A_299 = arith.cmpi sle, %le3A_298, %mul3A_207 : vector<1x128xi32>
    %convert_element_type3A_300 = arith.extui %le3A_299 : vector<1x128xi1> to vector<1x128xi32>
    %add3A_301 = arith.addi %add3A_288, %convert_element_type3A_300 : vector<1x128xi32>
    %slice3A_302 = vector.extract_strided_slice %iota3A {offsets = [0, 0], sizes = [1, 128], strides = [1, 1]} : vector<2048x128xi32> to vector<1x128xi32>
    %eq3A_303 = arith.constant 7 : i32
    %eq3A_304 = vector.broadcast %eq3A_303 : i32 to vector<1x128xi32>
    %eq3A_305 = arith.cmpi eq, %slice3A_302, %eq3A_304 : vector<1x128xi32>
    %convert_element_type3A_306 = arith.extui %eq3A_305 : vector<1x128xi1> to vector<1x128xi32>
    %mul3A_307 = arith.muli %sub3A_182, %convert_element_type3A_306 : vector<1x128xi32>
    %reduce_sum3A_308 = arith.constant dense<0> : vector<1xi32>
    %reduce_sum3A_309 = vector.multi_reduction <add>, %mul3A_307, %reduce_sum3A_308 [1] : vector<1x128xi32> to vector<1xi32>
    %broadcast_in_dim3A_310 = vector.shape_cast %reduce_sum3A_309 : vector<1xi32> to vector<1x1xi32>
    %le3A_311 = vector.broadcast %broadcast_in_dim3A_310 : vector<1x1xi32> to vector<1x128xi32>
    %le3A_312 = arith.cmpi sle, %le3A_311, %mul3A_207 : vector<1x128xi32>
    %convert_element_type3A_313 = arith.extui %le3A_312 : vector<1x128xi1> to vector<1x128xi32>
    %add3A_314 = arith.addi %add3A_301, %convert_element_type3A_313 : vector<1x128xi32>
    %sub3A_315 = arith.constant 1 : i32
    %sub3A_316 = vector.broadcast %sub3A_315 : i32 to vector<1x128xi32>
    %sub3A_317 = arith.subi %add3A_314, %sub3A_316 : vector<1x128xi32>
    %max3A = arith.constant 0 : i32
    %max3A_318 = vector.broadcast %max3A : i32 to vector<1x128xi32>
    %max3A_319 = arith.maxsi %sub3A_317, %max3A_318 : vector<1x128xi32>
    %slice3A_320 = vector.extract_strided_slice %iota3A {offsets = [0, 0], sizes = [1, 128], strides = [1, 1]} : vector<2048x128xi32> to vector<1x128xi32>
    %eq3A_321 = arith.constant 0 : i32
    %eq3A_322 = vector.broadcast %eq3A_321 : i32 to vector<1x128xi32>
    %eq3A_323 = arith.cmpi eq, %slice3A_320, %eq3A_322 : vector<1x128xi32>
    %convert_element_type3A_324 = arith.extui %eq3A_323 : vector<1x128xi1> to vector<1x128xi32>
    %add3A_325 = arith.addi %sub3A_182, %convert_element_type3A_111 : vector<1x128xi32>
    %mul3A_326 = arith.muli %add3A_325, %convert_element_type3A_324 : vector<1x128xi32>
    %reduce_sum3A_327 = arith.constant dense<0> : vector<1xi32>
    %reduce_sum3A_328 = vector.multi_reduction <add>, %mul3A_326, %reduce_sum3A_327 [1] : vector<1x128xi32> to vector<1xi32>
    %broadcast_in_dim3A_329 = vector.shape_cast %reduce_sum3A_328 : vector<1xi32> to vector<1x1xi32>
    %eq3A_330 = arith.constant 0 : i32
    %eq3A_331 = vector.broadcast %eq3A_330 : i32 to vector<1x128xi32>
    %eq3A_332 = arith.cmpi eq, %max3A_319, %eq3A_331 : vector<1x128xi32>
    %convert_element_type3A_333 = arith.extui %eq3A_332 : vector<1x128xi1> to vector<1x128xi32>
    %mul3A_334 = vector.broadcast %broadcast_in_dim3A_329 : vector<1x1xi32> to vector<1x128xi32>
    %mul3A_335 = arith.muli %convert_element_type3A_333, %mul3A_334 : vector<1x128xi32>
    %add3A_336 = arith.addi %broadcast_in_dim3A_211, %mul3A_335 : vector<1x128xi32>
    %slice3A_337 = vector.extract_strided_slice %iota3A {offsets = [0, 0], sizes = [1, 128], strides = [1, 1]} : vector<2048x128xi32> to vector<1x128xi32>
    %eq3A_338 = arith.constant 1 : i32
    %eq3A_339 = vector.broadcast %eq3A_338 : i32 to vector<1x128xi32>
    %eq3A_340 = arith.cmpi eq, %slice3A_337, %eq3A_339 : vector<1x128xi32>
    %convert_element_type3A_341 = arith.extui %eq3A_340 : vector<1x128xi1> to vector<1x128xi32>
    %add3A_342 = arith.addi %sub3A_182, %convert_element_type3A_111 : vector<1x128xi32>
    %mul3A_343 = arith.muli %add3A_342, %convert_element_type3A_341 : vector<1x128xi32>
    %reduce_sum3A_344 = arith.constant dense<0> : vector<1xi32>
    %reduce_sum3A_345 = vector.multi_reduction <add>, %mul3A_343, %reduce_sum3A_344 [1] : vector<1x128xi32> to vector<1xi32>
    %broadcast_in_dim3A_346 = vector.shape_cast %reduce_sum3A_345 : vector<1xi32> to vector<1x1xi32>
    %eq3A_347 = arith.constant 1 : i32
    %eq3A_348 = vector.broadcast %eq3A_347 : i32 to vector<1x128xi32>
    %eq3A_349 = arith.cmpi eq, %max3A_319, %eq3A_348 : vector<1x128xi32>
    %convert_element_type3A_350 = arith.extui %eq3A_349 : vector<1x128xi1> to vector<1x128xi32>
    %mul3A_351 = vector.broadcast %broadcast_in_dim3A_346 : vector<1x1xi32> to vector<1x128xi32>
    %mul3A_352 = arith.muli %convert_element_type3A_350, %mul3A_351 : vector<1x128xi32>
    %add3A_353 = arith.addi %add3A_336, %mul3A_352 : vector<1x128xi32>
    %slice3A_354 = vector.extract_strided_slice %iota3A {offsets = [0, 0], sizes = [1, 128], strides = [1, 1]} : vector<2048x128xi32> to vector<1x128xi32>
    %eq3A_355 = arith.constant 2 : i32
    %eq3A_356 = vector.broadcast %eq3A_355 : i32 to vector<1x128xi32>
    %eq3A_357 = arith.cmpi eq, %slice3A_354, %eq3A_356 : vector<1x128xi32>
    %convert_element_type3A_358 = arith.extui %eq3A_357 : vector<1x128xi1> to vector<1x128xi32>
    %add3A_359 = arith.addi %sub3A_182, %convert_element_type3A_111 : vector<1x128xi32>
    %mul3A_360 = arith.muli %add3A_359, %convert_element_type3A_358 : vector<1x128xi32>
    %reduce_sum3A_361 = arith.constant dense<0> : vector<1xi32>
    %reduce_sum3A_362 = vector.multi_reduction <add>, %mul3A_360, %reduce_sum3A_361 [1] : vector<1x128xi32> to vector<1xi32>
    %broadcast_in_dim3A_363 = vector.shape_cast %reduce_sum3A_362 : vector<1xi32> to vector<1x1xi32>
    %eq3A_364 = arith.constant 2 : i32
    %eq3A_365 = vector.broadcast %eq3A_364 : i32 to vector<1x128xi32>
    %eq3A_366 = arith.cmpi eq, %max3A_319, %eq3A_365 : vector<1x128xi32>
    %convert_element_type3A_367 = arith.extui %eq3A_366 : vector<1x128xi1> to vector<1x128xi32>
    %mul3A_368 = vector.broadcast %broadcast_in_dim3A_363 : vector<1x1xi32> to vector<1x128xi32>
    %mul3A_369 = arith.muli %convert_element_type3A_367, %mul3A_368 : vector<1x128xi32>
    %add3A_370 = arith.addi %add3A_353, %mul3A_369 : vector<1x128xi32>
    %slice3A_371 = vector.extract_strided_slice %iota3A {offsets = [0, 0], sizes = [1, 128], strides = [1, 1]} : vector<2048x128xi32> to vector<1x128xi32>
    %eq3A_372 = arith.constant 3 : i32
    %eq3A_373 = vector.broadcast %eq3A_372 : i32 to vector<1x128xi32>
    %eq3A_374 = arith.cmpi eq, %slice3A_371, %eq3A_373 : vector<1x128xi32>
    %convert_element_type3A_375 = arith.extui %eq3A_374 : vector<1x128xi1> to vector<1x128xi32>
    %add3A_376 = arith.addi %sub3A_182, %convert_element_type3A_111 : vector<1x128xi32>
    %mul3A_377 = arith.muli %add3A_376, %convert_element_type3A_375 : vector<1x128xi32>
    %reduce_sum3A_378 = arith.constant dense<0> : vector<1xi32>
    %reduce_sum3A_379 = vector.multi_reduction <add>, %mul3A_377, %reduce_sum3A_378 [1] : vector<1x128xi32> to vector<1xi32>
    %broadcast_in_dim3A_380 = vector.shape_cast %reduce_sum3A_379 : vector<1xi32> to vector<1x1xi32>
    %eq3A_381 = arith.constant 3 : i32
    %eq3A_382 = vector.broadcast %eq3A_381 : i32 to vector<1x128xi32>
    %eq3A_383 = arith.cmpi eq, %max3A_319, %eq3A_382 : vector<1x128xi32>
    %convert_element_type3A_384 = arith.extui %eq3A_383 : vector<1x128xi1> to vector<1x128xi32>
    %mul3A_385 = vector.broadcast %broadcast_in_dim3A_380 : vector<1x1xi32> to vector<1x128xi32>
    %mul3A_386 = arith.muli %convert_element_type3A_384, %mul3A_385 : vector<1x128xi32>
    %add3A_387 = arith.addi %add3A_370, %mul3A_386 : vector<1x128xi32>
    %slice3A_388 = vector.extract_strided_slice %iota3A {offsets = [0, 0], sizes = [1, 128], strides = [1, 1]} : vector<2048x128xi32> to vector<1x128xi32>
    %eq3A_389 = arith.constant 4 : i32
    %eq3A_390 = vector.broadcast %eq3A_389 : i32 to vector<1x128xi32>
    %eq3A_391 = arith.cmpi eq, %slice3A_388, %eq3A_390 : vector<1x128xi32>
    %convert_element_type3A_392 = arith.extui %eq3A_391 : vector<1x128xi1> to vector<1x128xi32>
    %add3A_393 = arith.addi %sub3A_182, %convert_element_type3A_111 : vector<1x128xi32>
    %mul3A_394 = arith.muli %add3A_393, %convert_element_type3A_392 : vector<1x128xi32>
    %reduce_sum3A_395 = arith.constant dense<0> : vector<1xi32>
    %reduce_sum3A_396 = vector.multi_reduction <add>, %mul3A_394, %reduce_sum3A_395 [1] : vector<1x128xi32> to vector<1xi32>
    %broadcast_in_dim3A_397 = vector.shape_cast %reduce_sum3A_396 : vector<1xi32> to vector<1x1xi32>
    %eq3A_398 = arith.constant 4 : i32
    %eq3A_399 = vector.broadcast %eq3A_398 : i32 to vector<1x128xi32>
    %eq3A_400 = arith.cmpi eq, %max3A_319, %eq3A_399 : vector<1x128xi32>
    %convert_element_type3A_401 = arith.extui %eq3A_400 : vector<1x128xi1> to vector<1x128xi32>
    %mul3A_402 = vector.broadcast %broadcast_in_dim3A_397 : vector<1x1xi32> to vector<1x128xi32>
    %mul3A_403 = arith.muli %convert_element_type3A_401, %mul3A_402 : vector<1x128xi32>
    %add3A_404 = arith.addi %add3A_387, %mul3A_403 : vector<1x128xi32>
    %slice3A_405 = vector.extract_strided_slice %iota3A {offsets = [0, 0], sizes = [1, 128], strides = [1, 1]} : vector<2048x128xi32> to vector<1x128xi32>
    %eq3A_406 = arith.constant 5 : i32
    %eq3A_407 = vector.broadcast %eq3A_406 : i32 to vector<1x128xi32>
    %eq3A_408 = arith.cmpi eq, %slice3A_405, %eq3A_407 : vector<1x128xi32>
    %convert_element_type3A_409 = arith.extui %eq3A_408 : vector<1x128xi1> to vector<1x128xi32>
    %add3A_410 = arith.addi %sub3A_182, %convert_element_type3A_111 : vector<1x128xi32>
    %mul3A_411 = arith.muli %add3A_410, %convert_element_type3A_409 : vector<1x128xi32>
    %reduce_sum3A_412 = arith.constant dense<0> : vector<1xi32>
    %reduce_sum3A_413 = vector.multi_reduction <add>, %mul3A_411, %reduce_sum3A_412 [1] : vector<1x128xi32> to vector<1xi32>
    %broadcast_in_dim3A_414 = vector.shape_cast %reduce_sum3A_413 : vector<1xi32> to vector<1x1xi32>
    %eq3A_415 = arith.constant 5 : i32
    %eq3A_416 = vector.broadcast %eq3A_415 : i32 to vector<1x128xi32>
    %eq3A_417 = arith.cmpi eq, %max3A_319, %eq3A_416 : vector<1x128xi32>
    %convert_element_type3A_418 = arith.extui %eq3A_417 : vector<1x128xi1> to vector<1x128xi32>
    %mul3A_419 = vector.broadcast %broadcast_in_dim3A_414 : vector<1x1xi32> to vector<1x128xi32>
    %mul3A_420 = arith.muli %convert_element_type3A_418, %mul3A_419 : vector<1x128xi32>
    %add3A_421 = arith.addi %add3A_404, %mul3A_420 : vector<1x128xi32>
    %slice3A_422 = vector.extract_strided_slice %iota3A {offsets = [0, 0], sizes = [1, 128], strides = [1, 1]} : vector<2048x128xi32> to vector<1x128xi32>
    %eq3A_423 = arith.constant 6 : i32
    %eq3A_424 = vector.broadcast %eq3A_423 : i32 to vector<1x128xi32>
    %eq3A_425 = arith.cmpi eq, %slice3A_422, %eq3A_424 : vector<1x128xi32>
    %convert_element_type3A_426 = arith.extui %eq3A_425 : vector<1x128xi1> to vector<1x128xi32>
    %add3A_427 = arith.addi %sub3A_182, %convert_element_type3A_111 : vector<1x128xi32>
    %mul3A_428 = arith.muli %add3A_427, %convert_element_type3A_426 : vector<1x128xi32>
    %reduce_sum3A_429 = arith.constant dense<0> : vector<1xi32>
    %reduce_sum3A_430 = vector.multi_reduction <add>, %mul3A_428, %reduce_sum3A_429 [1] : vector<1x128xi32> to vector<1xi32>
    %broadcast_in_dim3A_431 = vector.shape_cast %reduce_sum3A_430 : vector<1xi32> to vector<1x1xi32>
    %eq3A_432 = arith.constant 6 : i32
    %eq3A_433 = vector.broadcast %eq3A_432 : i32 to vector<1x128xi32>
    %eq3A_434 = arith.cmpi eq, %max3A_319, %eq3A_433 : vector<1x128xi32>
    %convert_element_type3A_435 = arith.extui %eq3A_434 : vector<1x128xi1> to vector<1x128xi32>
    %mul3A_436 = vector.broadcast %broadcast_in_dim3A_431 : vector<1x1xi32> to vector<1x128xi32>
    %mul3A_437 = arith.muli %convert_element_type3A_435, %mul3A_436 : vector<1x128xi32>
    %add3A_438 = arith.addi %add3A_421, %mul3A_437 : vector<1x128xi32>
    %slice3A_439 = vector.extract_strided_slice %iota3A {offsets = [0, 0], sizes = [1, 128], strides = [1, 1]} : vector<2048x128xi32> to vector<1x128xi32>
    %eq3A_440 = arith.constant 7 : i32
    %eq3A_441 = vector.broadcast %eq3A_440 : i32 to vector<1x128xi32>
    %eq3A_442 = arith.cmpi eq, %slice3A_439, %eq3A_441 : vector<1x128xi32>
    %convert_element_type3A_443 = arith.extui %eq3A_442 : vector<1x128xi1> to vector<1x128xi32>
    %add3A_444 = arith.addi %sub3A_182, %convert_element_type3A_111 : vector<1x128xi32>
    %mul3A_445 = arith.muli %add3A_444, %convert_element_type3A_443 : vector<1x128xi32>
    %reduce_sum3A_446 = arith.constant dense<0> : vector<1xi32>
    %reduce_sum3A_447 = vector.multi_reduction <add>, %mul3A_445, %reduce_sum3A_446 [1] : vector<1x128xi32> to vector<1xi32>
    %broadcast_in_dim3A_448 = vector.shape_cast %reduce_sum3A_447 : vector<1xi32> to vector<1x1xi32>
    %eq3A_449 = arith.constant 7 : i32
    %eq3A_450 = vector.broadcast %eq3A_449 : i32 to vector<1x128xi32>
    %eq3A_451 = arith.cmpi eq, %max3A_319, %eq3A_450 : vector<1x128xi32>
    %convert_element_type3A_452 = arith.extui %eq3A_451 : vector<1x128xi1> to vector<1x128xi32>
    %mul3A_453 = vector.broadcast %broadcast_in_dim3A_448 : vector<1x1xi32> to vector<1x128xi32>
    %mul3A_454 = arith.muli %convert_element_type3A_452, %mul3A_453 : vector<1x128xi32>
    %add3A_455 = arith.addi %add3A_438, %mul3A_454 : vector<1x128xi32>
    %lt3A_456 = arith.cmpi slt, %mul3A_207, %add3A_455 : vector<1x128xi32>
    %convert_element_type3A_457 = arith.extui %lt3A_456 : vector<1x128xi1> to vector<1x128xi32>
    %broadcast_in_dim3A_458 = arith.constant -1 : i32
    %broadcast_in_dim3A_459 = vector.broadcast %broadcast_in_dim3A_458 : i32 to vector<1x1xi32>
    %slice3A_460 = vector.extract_strided_slice %max3A_319 {offsets = [0, 0], sizes = [1, 127], strides = [1, 1]} : vector<1x128xi32> to vector<1x127xi32>
    %concatenate3A_461 = tpu.concatenate %broadcast_in_dim3A_459, %slice3A_460 in 1 : vector<1x1xi32>, vector<1x127xi32> -> vector<1x128xi32>
    %ne3A_462 = arith.cmpi ne, %max3A_319, %concatenate3A_461 : vector<1x128xi32>
    %convert_element_type3A_463 = arith.extui %ne3A_462 : vector<1x128xi1> to vector<1x128xi32>
    %mul3A_464 = arith.muli %convert_element_type3A_457, %convert_element_type3A_463 : vector<1x128xi32>
    %broadcast_in_dim3A_465 = arith.constant 0 : i32
    %broadcast_in_dim3A_466 = vector.broadcast %broadcast_in_dim3A_465 : i32 to vector<1x1xi32>
    %slice3A_467 = vector.extract_strided_slice %mul3A_464 {offsets = [0, 0], sizes = [1, 127], strides = [1, 1]} : vector<1x128xi32> to vector<1x127xi32>
    %concatenate3A_468 = tpu.concatenate %broadcast_in_dim3A_466, %slice3A_467 in 1 : vector<1x1xi32>, vector<1x127xi32> -> vector<1x128xi32>
    %add3A_469 = arith.addi %mul3A_464, %concatenate3A_468 : vector<1x128xi32>
    %broadcast_in_dim3A_470 = arith.constant 0 : i32
    %broadcast_in_dim3A_471 = vector.broadcast %broadcast_in_dim3A_470 : i32 to vector<1x2xi32>
    %slice3A_472 = vector.extract_strided_slice %add3A_469 {offsets = [0, 0], sizes = [1, 126], strides = [1, 1]} : vector<1x128xi32> to vector<1x126xi32>
    %concatenate3A_473 = tpu.concatenate %broadcast_in_dim3A_471, %slice3A_472 in 1 : vector<1x2xi32>, vector<1x126xi32> -> vector<1x128xi32>
    %add3A_474 = arith.addi %add3A_469, %concatenate3A_473 : vector<1x128xi32>
    %broadcast_in_dim3A_475 = arith.constant 0 : i32
    %broadcast_in_dim3A_476 = vector.broadcast %broadcast_in_dim3A_475 : i32 to vector<1x4xi32>
    %slice3A_477 = vector.extract_strided_slice %add3A_474 {offsets = [0, 0], sizes = [1, 124], strides = [1, 1]} : vector<1x128xi32> to vector<1x124xi32>
    %concatenate3A_478 = tpu.concatenate %broadcast_in_dim3A_476, %slice3A_477 in 1 : vector<1x4xi32>, vector<1x124xi32> -> vector<1x128xi32>
    %add3A_479 = arith.addi %add3A_474, %concatenate3A_478 : vector<1x128xi32>
    %broadcast_in_dim3A_480 = arith.constant 0 : i32
    %broadcast_in_dim3A_481 = vector.broadcast %broadcast_in_dim3A_480 : i32 to vector<1x8xi32>
    %slice3A_482 = vector.extract_strided_slice %add3A_479 {offsets = [0, 0], sizes = [1, 120], strides = [1, 1]} : vector<1x128xi32> to vector<1x120xi32>
    %concatenate3A_483 = tpu.concatenate %broadcast_in_dim3A_481, %slice3A_482 in 1 : vector<1x8xi32>, vector<1x120xi32> -> vector<1x128xi32>
    %add3A_484 = arith.addi %add3A_479, %concatenate3A_483 : vector<1x128xi32>
    %broadcast_in_dim3A_485 = arith.constant 0 : i32
    %broadcast_in_dim3A_486 = vector.broadcast %broadcast_in_dim3A_485 : i32 to vector<1x16xi32>
    %slice3A_487 = vector.extract_strided_slice %add3A_484 {offsets = [0, 0], sizes = [1, 112], strides = [1, 1]} : vector<1x128xi32> to vector<1x112xi32>
    %concatenate3A_488 = tpu.concatenate %broadcast_in_dim3A_486, %slice3A_487 in 1 : vector<1x16xi32>, vector<1x112xi32> -> vector<1x128xi32>
    %add3A_489 = arith.addi %add3A_484, %concatenate3A_488 : vector<1x128xi32>
    %broadcast_in_dim3A_490 = arith.constant 0 : i32
    %broadcast_in_dim3A_491 = vector.broadcast %broadcast_in_dim3A_490 : i32 to vector<1x32xi32>
    %slice3A_492 = vector.extract_strided_slice %add3A_489 {offsets = [0, 0], sizes = [1, 96], strides = [1, 1]} : vector<1x128xi32> to vector<1x96xi32>
    %concatenate3A_493 = tpu.concatenate %broadcast_in_dim3A_491, %slice3A_492 in 1 : vector<1x32xi32>, vector<1x96xi32> -> vector<1x128xi32>
    %add3A_494 = arith.addi %add3A_489, %concatenate3A_493 : vector<1x128xi32>
    %broadcast_in_dim3A_495 = arith.constant 0 : i32
    %broadcast_in_dim3A_496 = vector.broadcast %broadcast_in_dim3A_495 : i32 to vector<1x64xi32>
    %slice3A_497 = vector.extract_strided_slice %add3A_494 {offsets = [0, 0], sizes = [1, 64], strides = [1, 1]} : vector<1x128xi32> to vector<1x64xi32>
    %concatenate3A_498 = tpu.concatenate %broadcast_in_dim3A_496, %slice3A_497 in 1 : vector<1x64xi32>, vector<1x64xi32> -> vector<1x128xi32>
    %add3A_499 = arith.addi %add3A_494, %concatenate3A_498 : vector<1x128xi32>
    %reduce_sum3A_500 = arith.constant dense<0> : vector<1xi32>
    %reduce_sum3A_501 = vector.multi_reduction <add>, %mul3A_464, %reduce_sum3A_500 [1] : vector<1x128xi32> to vector<1xi32>
    %broadcast_in_dim3A_502 = vector.shape_cast %reduce_sum3A_501 : vector<1xi32> to vector<1x1xi32>
    %sub3A_503 = arith.constant 1 : i32
    %sub3A_504 = vector.broadcast %sub3A_503 : i32 to vector<1x128xi32>
    %sub3A_505 = arith.subi %add3A_499, %sub3A_504 : vector<1x128xi32>
    %jit3A_506 = arith.constant 2 : i32
    %eq3A_507 = arith.constant 0 : i32
    %eq3A_508 = arith.cmpi eq, %jit3A_506, %eq3A_507 : i32
    %jit3A_509 = arith.constant 1 : i32
    %select_n3A_510 = arith.select %eq3A_508, %jit3A_509, %jit3A_506 : i32
    %rem3A_511 = vector.broadcast %select_n3A_510 : i32 to vector<1x128xi32>
    %rem3A_512 = arith.remsi %sub3A_505, %rem3A_511 : vector<1x128xi32>
    %ne3A_513 = arith.constant 0 : i32
    %ne3A_514 = vector.broadcast %ne3A_513 : i32 to vector<1x128xi32>
    %ne3A_515 = arith.cmpi ne, %rem3A_512, %ne3A_514 : vector<1x128xi32>
    %lt3A_516 = arith.constant 0 : i32
    %lt3A_517 = vector.broadcast %lt3A_516 : i32 to vector<1x128xi32>
    %lt3A_518 = arith.cmpi slt, %rem3A_512, %lt3A_517 : vector<1x128xi32>
    %lt3A_519 = arith.constant 0 : i32
    %lt3A_520 = arith.cmpi slt, %select_n3A_510, %lt3A_519 : i32
    %ne3A_521 = vector.broadcast %lt3A_520 : i1 to vector<1x128xi1>
    %ne3A_522 = vector.broadcast %ne3A_521 : vector<1x128xi1> to vector<1x128xi1>
    %ne3A_523 = arith.xori %lt3A_518, %ne3A_522 : vector<1x128xi1>
    %and3A_524 = arith.andi %ne3A_523, %ne3A_515 : vector<1x128xi1>
    %add3A_525 = vector.broadcast %select_n3A_510 : i32 to vector<1x128xi32>
    %add3A_526 = arith.addi %rem3A_512, %add3A_525 : vector<1x128xi32>
    %select_n3A_527 = arith.select %and3A_524, %add3A_526, %rem3A_512 : vector<1x128xi1>, vector<1x128xi32>
    %broadcast_in_dim3A_528 = arith.constant 0 : i32
    %broadcast_in_dim3A_529 = vector.broadcast %broadcast_in_dim3A_528 : i32 to vector<1x128xi32>
    %eq3A_530 = arith.constant 0 : i32
    %eq3A_531 = vector.broadcast %eq3A_530 : i32 to vector<1x128xi32>
    %eq3A_532 = arith.cmpi eq, %sub3A_505, %eq3A_531 : vector<1x128xi32>
    %convert_element_type3A_533 = arith.extui %eq3A_532 : vector<1x128xi1> to vector<1x128xi32>
    %mul3A_534 = arith.muli %mul3A_464, %convert_element_type3A_533 : vector<1x128xi32>
    %mul3A_535 = arith.muli %mul3A_534, %max3A_319 : vector<1x128xi32>
    %reduce_sum3A_536 = arith.constant dense<0> : vector<1xi32>
    %reduce_sum3A_537 = vector.multi_reduction <add>, %mul3A_535, %reduce_sum3A_536 [1] : vector<1x128xi32> to vector<1xi32>
    %broadcast_in_dim3A_538 = vector.shape_cast %reduce_sum3A_537 : vector<1xi32> to vector<1x1xi32>
    %add3A_539 = arith.constant 1 : i32
    %add3A_540 = vector.broadcast %add3A_539 : i32 to vector<1x128xi32>
    %add3A_541 = arith.addi %sub3A_505, %add3A_540 : vector<1x128xi32>
    %eq3A_542 = arith.constant 0 : i32
    %eq3A_543 = vector.broadcast %eq3A_542 : i32 to vector<1x128xi32>
    %eq3A_544 = arith.cmpi eq, %add3A_541, %eq3A_543 : vector<1x128xi32>
    %convert_element_type3A_545 = arith.extui %eq3A_544 : vector<1x128xi1> to vector<1x128xi32>
    %mul3A_546 = vector.broadcast %broadcast_in_dim3A_538 : vector<1x1xi32> to vector<1x128xi32>
    %mul3A_547 = arith.muli %convert_element_type3A_545, %mul3A_546 : vector<1x128xi32>
    %add3A_548 = arith.addi %broadcast_in_dim3A_529, %mul3A_547 : vector<1x128xi32>
    %eq3A_549 = arith.constant 1 : i32
    %eq3A_550 = vector.broadcast %eq3A_549 : i32 to vector<1x128xi32>
    %eq3A_551 = arith.cmpi eq, %sub3A_505, %eq3A_550 : vector<1x128xi32>
    %convert_element_type3A_552 = arith.extui %eq3A_551 : vector<1x128xi1> to vector<1x128xi32>
    %mul3A_553 = arith.muli %mul3A_464, %convert_element_type3A_552 : vector<1x128xi32>
    %mul3A_554 = arith.muli %mul3A_553, %max3A_319 : vector<1x128xi32>
    %reduce_sum3A_555 = arith.constant dense<0> : vector<1xi32>
    %reduce_sum3A_556 = vector.multi_reduction <add>, %mul3A_554, %reduce_sum3A_555 [1] : vector<1x128xi32> to vector<1xi32>
    %broadcast_in_dim3A_557 = vector.shape_cast %reduce_sum3A_556 : vector<1xi32> to vector<1x1xi32>
    %add3A_558 = arith.constant 1 : i32
    %add3A_559 = vector.broadcast %add3A_558 : i32 to vector<1x128xi32>
    %add3A_560 = arith.addi %sub3A_505, %add3A_559 : vector<1x128xi32>
    %eq3A_561 = arith.constant 1 : i32
    %eq3A_562 = vector.broadcast %eq3A_561 : i32 to vector<1x128xi32>
    %eq3A_563 = arith.cmpi eq, %add3A_560, %eq3A_562 : vector<1x128xi32>
    %convert_element_type3A_564 = arith.extui %eq3A_563 : vector<1x128xi1> to vector<1x128xi32>
    %mul3A_565 = vector.broadcast %broadcast_in_dim3A_557 : vector<1x1xi32> to vector<1x128xi32>
    %mul3A_566 = arith.muli %convert_element_type3A_564, %mul3A_565 : vector<1x128xi32>
    %add3A_567 = arith.addi %add3A_548, %mul3A_566 : vector<1x128xi32>
    %eq3A_568 = arith.constant 2 : i32
    %eq3A_569 = vector.broadcast %eq3A_568 : i32 to vector<1x128xi32>
    %eq3A_570 = arith.cmpi eq, %sub3A_505, %eq3A_569 : vector<1x128xi32>
    %convert_element_type3A_571 = arith.extui %eq3A_570 : vector<1x128xi1> to vector<1x128xi32>
    %mul3A_572 = arith.muli %mul3A_464, %convert_element_type3A_571 : vector<1x128xi32>
    %mul3A_573 = arith.muli %mul3A_572, %max3A_319 : vector<1x128xi32>
    %reduce_sum3A_574 = arith.constant dense<0> : vector<1xi32>
    %reduce_sum3A_575 = vector.multi_reduction <add>, %mul3A_573, %reduce_sum3A_574 [1] : vector<1x128xi32> to vector<1xi32>
    %broadcast_in_dim3A_576 = vector.shape_cast %reduce_sum3A_575 : vector<1xi32> to vector<1x1xi32>
    %add3A_577 = arith.constant 1 : i32
    %add3A_578 = vector.broadcast %add3A_577 : i32 to vector<1x128xi32>
    %add3A_579 = arith.addi %sub3A_505, %add3A_578 : vector<1x128xi32>
    %eq3A_580 = arith.constant 2 : i32
    %eq3A_581 = vector.broadcast %eq3A_580 : i32 to vector<1x128xi32>
    %eq3A_582 = arith.cmpi eq, %add3A_579, %eq3A_581 : vector<1x128xi32>
    %convert_element_type3A_583 = arith.extui %eq3A_582 : vector<1x128xi1> to vector<1x128xi32>
    %mul3A_584 = vector.broadcast %broadcast_in_dim3A_576 : vector<1x1xi32> to vector<1x128xi32>
    %mul3A_585 = arith.muli %convert_element_type3A_583, %mul3A_584 : vector<1x128xi32>
    %add3A_586 = arith.addi %add3A_567, %mul3A_585 : vector<1x128xi32>
    %eq3A_587 = arith.constant 3 : i32
    %eq3A_588 = vector.broadcast %eq3A_587 : i32 to vector<1x128xi32>
    %eq3A_589 = arith.cmpi eq, %sub3A_505, %eq3A_588 : vector<1x128xi32>
    %convert_element_type3A_590 = arith.extui %eq3A_589 : vector<1x128xi1> to vector<1x128xi32>
    %mul3A_591 = arith.muli %mul3A_464, %convert_element_type3A_590 : vector<1x128xi32>
    %mul3A_592 = arith.muli %mul3A_591, %max3A_319 : vector<1x128xi32>
    %reduce_sum3A_593 = arith.constant dense<0> : vector<1xi32>
    %reduce_sum3A_594 = vector.multi_reduction <add>, %mul3A_592, %reduce_sum3A_593 [1] : vector<1x128xi32> to vector<1xi32>
    %broadcast_in_dim3A_595 = vector.shape_cast %reduce_sum3A_594 : vector<1xi32> to vector<1x1xi32>
    %add3A_596 = arith.constant 1 : i32
    %add3A_597 = vector.broadcast %add3A_596 : i32 to vector<1x128xi32>
    %add3A_598 = arith.addi %sub3A_505, %add3A_597 : vector<1x128xi32>
    %eq3A_599 = arith.constant 3 : i32
    %eq3A_600 = vector.broadcast %eq3A_599 : i32 to vector<1x128xi32>
    %eq3A_601 = arith.cmpi eq, %add3A_598, %eq3A_600 : vector<1x128xi32>
    %convert_element_type3A_602 = arith.extui %eq3A_601 : vector<1x128xi1> to vector<1x128xi32>
    %mul3A_603 = vector.broadcast %broadcast_in_dim3A_595 : vector<1x1xi32> to vector<1x128xi32>
    %mul3A_604 = arith.muli %convert_element_type3A_602, %mul3A_603 : vector<1x128xi32>
    %add3A_605 = arith.addi %add3A_586, %mul3A_604 : vector<1x128xi32>
    %eq3A_606 = arith.constant 4 : i32
    %eq3A_607 = vector.broadcast %eq3A_606 : i32 to vector<1x128xi32>
    %eq3A_608 = arith.cmpi eq, %sub3A_505, %eq3A_607 : vector<1x128xi32>
    %convert_element_type3A_609 = arith.extui %eq3A_608 : vector<1x128xi1> to vector<1x128xi32>
    %mul3A_610 = arith.muli %mul3A_464, %convert_element_type3A_609 : vector<1x128xi32>
    %mul3A_611 = arith.muli %mul3A_610, %max3A_319 : vector<1x128xi32>
    %reduce_sum3A_612 = arith.constant dense<0> : vector<1xi32>
    %reduce_sum3A_613 = vector.multi_reduction <add>, %mul3A_611, %reduce_sum3A_612 [1] : vector<1x128xi32> to vector<1xi32>
    %broadcast_in_dim3A_614 = vector.shape_cast %reduce_sum3A_613 : vector<1xi32> to vector<1x1xi32>
    %add3A_615 = arith.constant 1 : i32
    %add3A_616 = vector.broadcast %add3A_615 : i32 to vector<1x128xi32>
    %add3A_617 = arith.addi %sub3A_505, %add3A_616 : vector<1x128xi32>
    %eq3A_618 = arith.constant 4 : i32
    %eq3A_619 = vector.broadcast %eq3A_618 : i32 to vector<1x128xi32>
    %eq3A_620 = arith.cmpi eq, %add3A_617, %eq3A_619 : vector<1x128xi32>
    %convert_element_type3A_621 = arith.extui %eq3A_620 : vector<1x128xi1> to vector<1x128xi32>
    %mul3A_622 = vector.broadcast %broadcast_in_dim3A_614 : vector<1x1xi32> to vector<1x128xi32>
    %mul3A_623 = arith.muli %convert_element_type3A_621, %mul3A_622 : vector<1x128xi32>
    %add3A_624 = arith.addi %add3A_605, %mul3A_623 : vector<1x128xi32>
    %eq3A_625 = arith.constant 5 : i32
    %eq3A_626 = vector.broadcast %eq3A_625 : i32 to vector<1x128xi32>
    %eq3A_627 = arith.cmpi eq, %sub3A_505, %eq3A_626 : vector<1x128xi32>
    %convert_element_type3A_628 = arith.extui %eq3A_627 : vector<1x128xi1> to vector<1x128xi32>
    %mul3A_629 = arith.muli %mul3A_464, %convert_element_type3A_628 : vector<1x128xi32>
    %mul3A_630 = arith.muli %mul3A_629, %max3A_319 : vector<1x128xi32>
    %reduce_sum3A_631 = arith.constant dense<0> : vector<1xi32>
    %reduce_sum3A_632 = vector.multi_reduction <add>, %mul3A_630, %reduce_sum3A_631 [1] : vector<1x128xi32> to vector<1xi32>
    %broadcast_in_dim3A_633 = vector.shape_cast %reduce_sum3A_632 : vector<1xi32> to vector<1x1xi32>
    %add3A_634 = arith.constant 1 : i32
    %add3A_635 = vector.broadcast %add3A_634 : i32 to vector<1x128xi32>
    %add3A_636 = arith.addi %sub3A_505, %add3A_635 : vector<1x128xi32>
    %eq3A_637 = arith.constant 5 : i32
    %eq3A_638 = vector.broadcast %eq3A_637 : i32 to vector<1x128xi32>
    %eq3A_639 = arith.cmpi eq, %add3A_636, %eq3A_638 : vector<1x128xi32>
    %convert_element_type3A_640 = arith.extui %eq3A_639 : vector<1x128xi1> to vector<1x128xi32>
    %mul3A_641 = vector.broadcast %broadcast_in_dim3A_633 : vector<1x1xi32> to vector<1x128xi32>
    %mul3A_642 = arith.muli %convert_element_type3A_640, %mul3A_641 : vector<1x128xi32>
    %add3A_643 = arith.addi %add3A_624, %mul3A_642 : vector<1x128xi32>
    %eq3A_644 = arith.constant 6 : i32
    %eq3A_645 = vector.broadcast %eq3A_644 : i32 to vector<1x128xi32>
    %eq3A_646 = arith.cmpi eq, %sub3A_505, %eq3A_645 : vector<1x128xi32>
    %convert_element_type3A_647 = arith.extui %eq3A_646 : vector<1x128xi1> to vector<1x128xi32>
    %mul3A_648 = arith.muli %mul3A_464, %convert_element_type3A_647 : vector<1x128xi32>
    %mul3A_649 = arith.muli %mul3A_648, %max3A_319 : vector<1x128xi32>
    %reduce_sum3A_650 = arith.constant dense<0> : vector<1xi32>
    %reduce_sum3A_651 = vector.multi_reduction <add>, %mul3A_649, %reduce_sum3A_650 [1] : vector<1x128xi32> to vector<1xi32>
    %broadcast_in_dim3A_652 = vector.shape_cast %reduce_sum3A_651 : vector<1xi32> to vector<1x1xi32>
    %add3A_653 = arith.constant 1 : i32
    %add3A_654 = vector.broadcast %add3A_653 : i32 to vector<1x128xi32>
    %add3A_655 = arith.addi %sub3A_505, %add3A_654 : vector<1x128xi32>
    %eq3A_656 = arith.constant 6 : i32
    %eq3A_657 = vector.broadcast %eq3A_656 : i32 to vector<1x128xi32>
    %eq3A_658 = arith.cmpi eq, %add3A_655, %eq3A_657 : vector<1x128xi32>
    %convert_element_type3A_659 = arith.extui %eq3A_658 : vector<1x128xi1> to vector<1x128xi32>
    %mul3A_660 = vector.broadcast %broadcast_in_dim3A_652 : vector<1x1xi32> to vector<1x128xi32>
    %mul3A_661 = arith.muli %convert_element_type3A_659, %mul3A_660 : vector<1x128xi32>
    %add3A_662 = arith.addi %add3A_643, %mul3A_661 : vector<1x128xi32>
    %eq3A_663 = arith.constant 7 : i32
    %eq3A_664 = vector.broadcast %eq3A_663 : i32 to vector<1x128xi32>
    %eq3A_665 = arith.cmpi eq, %sub3A_505, %eq3A_664 : vector<1x128xi32>
    %convert_element_type3A_666 = arith.extui %eq3A_665 : vector<1x128xi1> to vector<1x128xi32>
    %mul3A_667 = arith.muli %mul3A_464, %convert_element_type3A_666 : vector<1x128xi32>
    %mul3A_668 = arith.muli %mul3A_667, %max3A_319 : vector<1x128xi32>
    %reduce_sum3A_669 = arith.constant dense<0> : vector<1xi32>
    %reduce_sum3A_670 = vector.multi_reduction <add>, %mul3A_668, %reduce_sum3A_669 [1] : vector<1x128xi32> to vector<1xi32>
    %broadcast_in_dim3A_671 = vector.shape_cast %reduce_sum3A_670 : vector<1xi32> to vector<1x1xi32>
    %add3A_672 = arith.constant 1 : i32
    %add3A_673 = vector.broadcast %add3A_672 : i32 to vector<1x128xi32>
    %add3A_674 = arith.addi %sub3A_505, %add3A_673 : vector<1x128xi32>
    %eq3A_675 = arith.constant 7 : i32
    %eq3A_676 = vector.broadcast %eq3A_675 : i32 to vector<1x128xi32>
    %eq3A_677 = arith.cmpi eq, %add3A_674, %eq3A_676 : vector<1x128xi32>
    %convert_element_type3A_678 = arith.extui %eq3A_677 : vector<1x128xi1> to vector<1x128xi32>
    %mul3A_679 = vector.broadcast %broadcast_in_dim3A_671 : vector<1x1xi32> to vector<1x128xi32>
    %mul3A_680 = arith.muli %convert_element_type3A_678, %mul3A_679 : vector<1x128xi32>
    %add3A_681 = arith.addi %add3A_662, %mul3A_680 : vector<1x128xi32>
    %add3A_682 = arith.constant 1 : i32
    %add3A_683 = vector.broadcast %add3A_682 : i32 to vector<1x128xi32>
    %add3A_684 = arith.addi %sub3A_505, %add3A_683 : vector<1x128xi32>
    %lt3A_685 = vector.broadcast %broadcast_in_dim3A_502 : vector<1x1xi32> to vector<1x128xi32>
    %lt3A_686 = arith.cmpi slt, %add3A_684, %lt3A_685 : vector<1x128xi32>
    %convert_element_type3A_687 = arith.extui %lt3A_686 : vector<1x128xi1> to vector<1x128xi32>
    %broadcast_in_dim3A_688 = arith.constant 0 : i32
    %broadcast_in_dim3A_689 = vector.broadcast %broadcast_in_dim3A_688 : i32 to vector<1x128xi32>
    %concatenate3A_690 = tpu.concatenate %max3A_319, %convert_element_type3A_457, %mul3A_464, %select_n3A_527, %add3A_681, %convert_element_type3A_687, %broadcast_in_dim3A_689, %broadcast_in_dim3A_689 in 0 : vector<1x128xi32>, vector<1x128xi32>, vector<1x128xi32>, vector<1x128xi32>, vector<1x128xi32>, vector<1x128xi32>, vector<1x128xi32>, vector<1x128xi32> -> vector<8x128xi32>
    %swap3A_691 = arith.constant 0 : index
    %swap3A_692 = arith.constant 0 : index
    %swap3A_693 = vector.load %arg5[%swap3A_691, %swap3A_692] : memref<8x128xi32, #tpu.memory_space<vmem>>, vector<8x128xi32>
    tpu.vector_store %arg5[%swap3A_691, %swap3A_692], %concatenate3A_690 {strides = array<i32>} : memref<8x128xi32, #tpu.memory_space<vmem>>, vector<8x128xi32>,
    return
  }
}

</mosaic_0001>

<sc_bundles>
// kernel: kernel.6.cloned.1.call-start
scs
__scs_entry_jumppad:
0x0: {  	(pc) =	sbr.rel $0x88, $3  }
0x1: {  	(tag) =	ssettag $0x0;
	lr =	simm.s32 $0x1  }
0x2: {  	[smem:$0x3F9D] =	sst lr;
	_ =	strace $0xD0000000  }
0x3: {  	_ = 	snop  }
0x4: {  	_ = 	snop  }
0x5: {  	_ = 	snop  }
0x6: {  	_ = 	snop  }
0x7: {  	_ = 	snop  }
__scs_overlays_trampoline_lowered:
0x8: {  	[smem:$0x3FAC] =	sst s0  }
0x9: {  	[smem:$0x3FAD] =	sst s1  }
0xa: {  	[smem:$0x3FAE] =	sst s2  }
0xb: {  	[smem:$0x3FAF] =	sst s3  }
0xc: {  	[smem:$0x3FB0] =	sst s4  }
0xd: {  	[smem:$0x3FB1] =	sst s5  }
0xe: {  	[smem:$0x3FB2] =	sst s6  }
0xf: {  	[smem:$0x3FB3] =	sst s7  }
0x10: {  	[smem:$0x3FB4] =	sst s8  }
0x11: {  	[smem:$0x3FB5] =	sst s9;
	s0 =	simm.s32 @!p0 $0x0  }
0x12: {  	s1 =	sld [smem:$0x3F9B];
	s0 =	simm.s32 @p0 $0x1  }
0x13: {  	[smem:$0x3FB6] =	sst s0;
	s0 =	simm.s32 @!p1 $0x0  }
0x14: {  	s2 =	sld [smem:$0x3F9A];
	s0 =	simm.s32 @p1 $0x1  }
0x15: {  	[smem:$0x3FB7] =	sst s0;
	s0 =	simm.s32 @!p2 $0x0  }
0x16: {  	s3 =	sld [smem:$0x3FDB];
	s0 =	simm.s32 @p2 $0x1  }
0x17: {  	s4 =	simm.s32 $0x1BF5;
	[smem:$0x3FB9] =	sst s0  }
0x18: {  	s0 =	sld [smem:$0x3F9C];
	_ =	swait.ge [sflag:s4], $0x0  }
0x19: {  	s7 =	sld [smem:$0x3F9D]  }
0x1a: {  	s8 =	sadd.s32 $0xFFFFE003, lr  }
0x1b: {  	s9 =	sadd.s32 $0xFFFFFEF7, lr;
	s5 =	simm.s32 $0xFFFFFFFF;
	p2 =	slt.u32 s8, $0xFFFFF086  }
0x1c: {  	p1 =	slt.u32 s9, $0xF7A;
	s5 =	simm.s32 @!p2 $0x0  }
0x1d: {  	s5 =	simm.s32 @p1 $0x1;
	p0 =	seq.s32 s7, s2  }
0x1e: {  	s7 =	smul.u32 @!p0 $0xF7A, s2;
	p2 =	seq.s32 @!p0 s5, $0x0  }
0x1f: {  	s9 =	smul.u32 $0xF7A, s1;
	s8 =	simm.s32 @!p0 $0x1BF5;
	p2 =	por !p2, p0  }
0x20: {  	[sflag:s8] =	ssyncset.s32 @!p0 $0xFFFFF086;
	s6 =	sadd.s32 @!p0 s3, s7;
	s7 =	simm.s32 @!p0 $0x108  }
0x21: {  	s3 =	sadd.s32 s3, s9;
	s6 =	sadd.s32 @!p0 $0x88, s6;
	s7 =	simm.s32 @p2 $0x1082  }
0x22: {  	[simem:s7], [sflag:s8] =	dma.local @!p0 [hbm:s6], $0xF7A  }
0x23: {  	s9 =	sor.u32 $0xD0000000, s2;
	s6 =	simm.s32 $0x108;
	_ =	swait.ge @!p0 [sflag:s8], $0x0  }
0x24: {  	s3 =	sadd.s32 $0x88, s3;
	s6 =	simm.s32 @!p1 $0x1082;
	[sflag:s4] =	ssyncset.s32 $0xFFFFF086  }
0x25: {  	[simem:s6], [sflag:s4] =	dma.local [hbm:s3], $0xF7A  }
0x26: {  	[smem:$0x3F9D] =	sst s1;
	(tag) =	ssettag s2;
	_ =	strace s9  }
0x27: {  	s1 =	sld [smem:$0x3FAD]  }
0x28: {  	s2 =	sld [smem:$0x3FAE]  }
0x29: {  	s4 =	sld [smem:$0x3FB0]  }
0x2a: {  	p0 =	seq.s32 s5, $0x0;
	s5 =	sld [smem:$0x3FB1]  }
0x2b: {  	s6 =	sld [smem:$0x3FB2]  }
0x2c: {  	s7 =	sld [smem:$0x3FB3]  }
0x2d: {  	s3 =	simm.s32 $0x108;
	s8 =	sld [smem:$0x3FB4]  }
0x2e: {  	s3 =	simm.s32 @!p0 $0x1082;
	s9 =	sld [smem:$0x3FB5]  }
0x2f: {  	lr =	sadd.s32 s0, s3;
	s0 =	sld [smem:$0x3FAC]  }
0x30: {  	s3 =	sld [smem:$0x3FAF]  }
0x31: {  	[smem:$0x3FB8] =	sst s10  }
0x32: {  	s10 =	sld [smem:$0x3FB6];
	_ =	sdelay $0x3  }
0x33: {  	p0 =	seq.s32 s10, $0x1;
	s10 =	sld [smem:$0x3FB8];
	_ =	sdelay $0x3  }
0x34: {  	[smem:$0x3FB8] =	sst s10  }
0x35: {  	s10 =	sld [smem:$0x3FB7];
	_ =	sdelay $0x3  }
0x36: {  	p1 =	seq.s32 s10, $0x1;
	s10 =	sld [smem:$0x3FB8];
	_ =	sdelay $0x3  }
0x37: {  	[smem:$0x3FB8] =	sst s10  }
0x38: {  	s10 =	sld [smem:$0x3FB9]  }
0x39: {  	_ = 	snop;
	(pc) =	sbr.ind lr, $3  }
0x3a: {  	_ = 	snop  }
0x3b: {  	_ = 	snop  }
0x3c: {  	p2 =	seq.s32 s10, $0x1;
	s10 =	sld [smem:$0x3FB8]  }
0x3d: {  	_ =	shalt  }
0x3e: {  	_ =	shalt  }
0x3f: {  	_ =	shalt  }
0x40: {  	_ =	shalt  }
0x41: {  	_ =	shalt  }
0x42: {  	_ =	shalt  }
0x43: {  	_ =	shalt  }
0x44: {  	_ =	shalt  }
0x45: {  	_ =	shalt  }
0x46: {  	_ =	shalt  }
0x47: {  	_ =	shalt  }
0x48: {  	_ =	shalt  }
0x49: {  	_ =	shalt  }
0x4a: {  	_ =	shalt  }
0x4b: {  	_ =	shalt  }
0x4c: {  	_ =	shalt  }
0x4d: {  	_ =	shalt  }
0x4e: {  	_ =	shalt  }
0x4f: {  	_ =	shalt  }
0x50: {  	_ =	shalt  }
0x51: {  	_ =	shalt  }
0x52: {  	_ =	shalt  }
0x53: {  	_ =	shalt  }
0x54: {  	_ =	shalt  }
0x55: {  	_ =	shalt  }
0x56: {  	_ =	shalt  }
0x57: {  	_ =	shalt  }
0x58: {  	_ =	shalt  }
0x59: {  	_ =	shalt  }
0x5a: {  	_ =	shalt  }
0x5b: {  	_ =	shalt  }
0x5c: {  	_ =	shalt  }
0x5d: {  	_ =	shalt  }
0x5e: {  	_ =	shalt  }
0x5f: {  	_ =	shalt  }
0x60: {  	_ =	shalt  }
0x61: {  	_ =	shalt  }
0x62: {  	_ =	shalt  }
0x63: {  	_ =	shalt  }
0x64: {  	_ =	shalt  }
0x65: {  	_ =	shalt  }
0x66: {  	_ =	shalt  }
0x67: {  	_ =	shalt  }
0x68: {  	_ =	shalt  }
0x69: {  	_ =	shalt  }
0x6a: {  	_ =	shalt  }
0x6b: {  	_ =	shalt  }
0x6c: {  	_ =	shalt  }
0x6d: {  	_ =	shalt  }
0x6e: {  	_ =	shalt  }
0x6f: {  	_ =	shalt  }
0x70: {  	_ =	shalt  }
0x71: {  	_ =	shalt  }
0x72: {  	_ =	shalt  }
0x73: {  	_ =	shalt  }
0x74: {  	_ =	shalt  }
0x75: {  	_ =	shalt  }
0x76: {  	_ =	shalt  }
0x77: {  	_ =	shalt  }
0x78: {  	_ =	shalt  }
0x79: {  	_ =	shalt  }
0x7a: {  	_ =	shalt  }
0x7b: {  	_ =	shalt  }
0x7c: {  	_ =	shalt  }
0x7d: {  	_ =	shalt  }
0x7e: {  	_ =	shalt  }
0x7f: {  	_ =	shalt  }
0x80: {  	_ =	shalt  }
0x81: {  	_ =	shalt  }
0x82: {  	_ =	shalt  }
0x83: {  	_ =	shalt  }
0x84: {  	_ =	shalt  }
0x85: {  	_ =	shalt  }
0x86: {  	_ =	shalt  }
0x87: {  	_ =	shalt  }
.Lfunc_end0:
.L_simem_size_0:
called_computation_lowered:
.L_overlay_start_0:
0x88: {  	s2 =	sld [smem:$0x3FD9]  }
0x89: {  	s3 =	sld [smem:$0x3FFE];
	_ =	sdelay $0x1  }
0x8a: {  	s1 =	srdreg.scid  }
0x8b: {  	s0 =	sand.u32 $0x1, s1  }
0x8c: {  	s17 =	sshll.u32 s0, $0xA;
	s2 =	sadd.s32 s3, s2  }
0x8d: {  	s2 =	sadd.s32 s2, s17  }
0x8e: {  	[smem:$0x3FC4] =	sst s2  }
0x8f: {  	_ = 	snop  }
0x90: {  	s2 =	sld [smem:$0x3FC9];
	(tm) =	ssettm $0x1  }
0x91: {  	s18 =	sld [smem:$0x3FFB];
	_ =	sdelay $0x3  }
0x92: {  	_ =	strace s18  }
0x93: {  	s3 =	sld [smem:$0x3FFC];
	_ =	sdelay $0x3  }
0x94: {  	_ =	strace s3  }
0x95: {  	s3 =	sld [smem:$0x3FFD];
	_ =	sdelay $0x3  }
0x96: {  	_ =	strace s3  }
0x97: {  	_ =	strace $0x8FFFFFFF  }
0x98: {  	s19 =	sld [smem:$0x3FDB];
	_ =	sdelay $0x1  }
0x99: {  	s4 =	simm.s32 $_scs_section_size  }
0x9a: {  	s5 =	simm.s32 $_size__tile_overlayer_lowered;
	s6 =	simm.s32 $_tile_overlayer_lowered  }
0x9b: {  	s22 =	simm.s32 $0x1BFF;
	s21 =	sshll.u32 s6, $0x1;
	s3 =	sadd.s32 s4, s19  }
0x9c: {  	s7 =	simm.s32 $0x0;
	s20 =	sshll.u32 s5, $0x1;
	s5 =	sadd.s32 s21, s3  }
0x9d: {  	[timem:s7], [sflag:s22] =	dma.local [hbm:s5], s20  }
0x9e: {  	_ =	swait.ge [sflag:s22], s20  }
0x9f: {  	s4 =	ssub.s32 $0x0, s20;
	[sflag:s22] =	ssyncset.done $0x0  }
0xa0: {  	[sflag:s22] =	ssyncadd.s32 s4;
	_ =	sdelay $0x1  }
0xa1: {  	s23 =	simm.s32 $0x1B8B  }
0xa2: {  	_ =	swait.ge [sflag:s23], $0x1  }
0xa3: {  	[sflag:s23] =	ssyncset.done $0x0  }
0xa4: {  	s25 =	simm.s32 $0x1B8E;
	s24 =	sld [smem:$0x3FFE];
	[sflag:s23] =	ssyncadd.s32 $0xFFFFFFFF  }
0xa5: {  	s26 =	simm.s32 $execute0_lowered;
	[smem:$0x3FD2] =	sst s25  }
0xa6: {  	s5 =	sshll.u32 s26, $0x1;
	_ =	strace $0x80000046;
	[dreg:$0x1] =	wrdreg $0xFFFFFFFF  }
0xa7: {  	s28 =	simm.s32 $_size_execute0_lowered;
	s3 =	sadd.s32 s3, s5;
	[dreg:$0x0] =	wrdreg $0x0  }
0xa8: {  	s5 =	sshll.u32 s28, $0x1;
	[dreg:$0x2] =	wrdreg s3  }
0xa9: {  	[dreg:$0x3] =	wrdreg s5  }
0xaa: {  	[dreg:$0x4] =	wrdreg $0xC0  }
0xab: {  	_ =	task [dreg:s7], $0x5FFFF  }
0xac: {  	[dreg:$0x1] =	wrdreg $0xFFFFFFFF  }
0xad: {  	[dreg:$0x0] =	wrdreg $0x60  }
0xae: {  	[dreg:$0x2] =	wrdreg s2  }
0xaf: {  	[dreg:$0x3] =	wrdreg s24  }
0xb0: {  	[dreg:$0x4] =	wrdreg $0x9  }
0xb1: {  	_ =	task.clear_ibuf [dreg:s7], $0x5FFFF;
	_ =	strace $0x90000046  }
0xb2: {  	s29 =	simm.s32 $0x9;
	_ =	strace $0x80000048  }
0xb3: {  	_ =	swait.ge [sflag:s29], $0x1  }
0xb4: {  	[sflag:s29] =	ssyncadd.s32 $0xFFFFFFFF  }
0xb5: {  	_ =	strace $0x90000048  }
0xb6: {  	_ =	sfence  }
0xb7: {  	s30 =	sld [smem:$0x0];
	_ =	sdelay $0x2  }
0xb8: {  	s31 =	sshll.u32 s1, $0xD;
	s1 =	sshrl.u32 s1, $0x2  }
0xb9: {  	s3 =	sand.u32 $0x4000, s31;
	s1 =	sadd.s32 s1, s30  }
0xba: {  	s0 =	sor.u32 s3, s0;
	s1 =	sshll.u32 s1, $0x11  }
0xbb: {  	s0 =	sor.u32 s1, s0  }
0xbc: {  	s0 =	sadd.s32 $0x8F2B, s0  }
0xbd: {  	[sflag:s0] =	ssyncadd.remote.s32 $0x1  }
0xbe: {  	_ =	sfence.sel $0xFFFF  }
0xbf: {  	[dreg:$0x0] =	wrdreg $0xFFFFFFFF;
	(pc) =	sbr.abs _section_cstart, $3  }
0xc0: {  	[dreg:$0x1] =	wrdreg $0xFFFFFFFF  }
0xc1: {  	_ =	task.clear_ibuf [dreg:s7], $0x2FFFF;
	_ =	strace $0x9FFFFFFF  }
0xc2: {  	(tm) =	ssettm $0x7FFFFFFF  }
0xc3: {  	_ =	shalt  }
tec
execute0_lowered:
.L_overlay_start_1:
0x0: {  	(tag) =	ssettag $0x1  }
0x1: {  	s1 =	srdreg.scid  }
0x2: {  	s4 =	rddreg [dreg:$0x0];
	s0 =	stileid.u32  }
0x3: {  	s5 =	rddreg [dreg:$0x1];
	s2 =	simm.s32 $0x0;
	s26 =	simm.s32 $0xC000  }
0x4: {  	s8 =	simm.s32 $0xC080;
	s9 =	simm.s32 $0x1000;
	s10 =	simm.s32 $0x1800  }
0x5: {  	s11 =	simm.s32 $0x2000;
	s12 =	simm.s32 $0x2800;
	s13 =	simm.s32 $0x3000  }
0x6: {  	s14 =	simm.s32 $0x3800;
	s15 =	simm.s32 $0x4000;
	s16 =	simm.s32 $0x4800  }
0x7: {  	s17 =	simm.s32 $0x5000;
	s18 =	simm.s32 $0x5800;
	s19 =	simm.s32 $0x6000  }
0x8: {  	s20 =	simm.s32 $0x6800;
	s21 =	simm.s32 $0x7000;
	s22 =	simm.s32 $0x7800  }
0x9: {  	s28 =	simm.s32 $0xA000;
	s29 =	simm.s32 $0xA800;
	s30 =	simm.s32 $0xB000  }
0xa: {  	s31 =	simm.s32 $0xB800;
	s1 =	sand.u32 $0x1, s1;
	[smem:$0x7FF] =	sst s2  }
0xb: {  	s3 =	sshll.u32 s0, $0x4;
	_ =	strace $0x80000047;
	[dreg:$0x6] =	wrdreg s26  }
0xc: {  	s6 =	sshll.u32 s1, $0x3;
	s1 =	ssub.s32 $0x2, s1;
	[dreg:$0x7] =	wrdreg s8  }
0xd: {  	s26 =	simm.s32 $0x9800;
	s3 =	sor.u32 s6, s3;
	s23 =	sshrl.u32 s1, $0x1  }
0xe: {  	s6 =	smul.u32 $0x300, s3;
	s7 =	sadd.s32 s3, s5;
	s3 =	sadd.s32 $0x9A00, s5  }
0xf: {  	s1 =	ssub.s32 s1, s23;
	s23 =	simm.s32 $0x8000;
	s24 =	sadd.s32 $0x1600, s7  }
0x10: {  	s25 =	sadd.s32 $0x1800, s7;
	s7 =	simm.s32 $0x2;
	[dreg:$0x4] =	wrdreg s24  }
0x11: {  	v2 =	vlaneseq.u32;
	s4 =	sadd.s32 s4, s6;
	[dreg:$0x5] =	wrdreg s25;
	s6 =	smax.u32 s1, $0x1  }
0x12: {  	vm0 =	vmmov $0xffff;
	v1 =	vshrl.u32 v2, $0x3;
	s24 =	simm.s32 $0x8800;
	s25 =	simm.s32 $0x9000;
	s1 =	simm.s32 $0x1  }
0x13: {  	v0 =	vand.u32 $0x7, v2;
	v2 =	vor.u32 $0x8, v2;
	v1 =	vmul.u32 $0x8, v1;
	[dreg:$0x3] =	wrdreg s4;
	s4 =	sadd.s32 $0x9B00, s5;
	s5 =	sadd.s32 $0x9C00, s5  }
.LBB2_1:
0x14: {  	s0 =	rddreg [dreg:$0x3]  }
0x15: {  	[tilespmem:s2], [sflag:$0x2] =	stream.linear.gather [hbm4b:s0+s2], $0xC000, $0x38;
	[tilespmem:$0xC100] =	vst v63  }
0x16: {  	_ =	swait.ge [sflag:s7], $0xC000  }
0x17: {  	s0 =	rddreg [dreg:$0x4];
	[sflag:s7] =	ssyncset.done $0x0  }
0x18: {  	s8 =	rddreg [dreg:$0x6];
	[sflag:s7] =	ssyncadd.s32 $0xFFFF4000  }
0x19: {  	[tilespmem:s8], [sflag:$0x2] =	stream.linear.gather [hbm4b:s0+s2], $0x40, $0x38;
	[tilespmem:$0xC100] =	vst v63  }
0x1a: {  	_ =	swait.ge [sflag:s7], $0x40  }
0x1b: {  	s0 =	rddreg [dreg:$0x5];
	[sflag:s7] =	ssyncset.done $0x0  }
0x1c: {  	s8 =	rddreg [dreg:$0x7];
	[sflag:s7] =	ssyncadd.s32 $0xFFFFFFC0  }
0x1d: {  	[tilespmem:s8], [sflag:$0x2] =	stream.linear.gather [hbm4b:s0+s2], $0x40, $0x38;
	[tilespmem:$0xC100] =	vst v63  }
0x1e: {  	_ =	swait.ge [sflag:s7], $0x40  }
0x1f: {  	[sflag:s7] =	ssyncset.done $0x0  }
0x20: {  	[sflag:s7] =	ssyncadd.s32 $0xFFFFFFC0  }
0x21: {  	v3 =	vld [tilespmem:$0xC000];
	_ =	sdelay $0x4  }
0x22: {  	v4 =	vshrl.u32 v3, $0x3  }
0x23: {  	v4 =	vmul.u32 $0x30, v4  }
0x24: {  	v3 =	vand.u32 $0x7, v3  }
0x25: {  	v3 =	vor.u32 v3, v4  }
0x26: {  	v4 =	vperm.xlane v3, v0;
	_ =	sdelay $0x1  }
0x27: {  	v4 =	vadd.s32 v1, v4;
	_ =	sdelay $0x3  }
0x28: {  	v3 =	vperm.xlane v3, v2  }
0x29: {  	[hbm4b:s3+s2] =	stream.indirect_vreg.scatter [tilespmem:s2], [sflag:$0x1], $0x80, v4, vm0, $0xb8;
	[tilespmem:$0xC100] =	vst v63  }
0x2a: {  	s8 =	simm.s32 $0x800;
	v3 =	vadd.s32 v1, v3  }
0x2b: {  	[hbm4b:s4+s2] =	stream.indirect_vreg.scatter [tilespmem:s8], [sflag:$0x1], $0x80, v4, vm0, $0xb8;
	[tilespmem:$0xC100] =	vst v63  }
0x2c: {  	_ = 	snop  }
0x2d: {  	[hbm4b:s5+s2] =	stream.indirect_vreg.scatter [tilespmem:s9], [sflag:$0x1], $0x80, v4, vm0, $0xb8;
	[tilespmem:$0xC100] =	vst v63  }
0x2e: {  	_ = 	snop  }
0x2f: {  	[hbm4b:s3+s2] =	stream.indirect_vreg.scatter [tilespmem:s10], [sflag:$0x1], $0x80, v3, vm0, $0xb8;
	[tilespmem:$0xC100] =	vst v63  }
0x30: {  	_ = 	snop  }
0x31: {  	[hbm4b:s4+s2] =	stream.indirect_vreg.scatter [tilespmem:s11], [sflag:$0x1], $0x80, v3, vm0, $0xb8;
	[tilespmem:$0xC100] =	vst v63  }
0x32: {  	_ = 	snop  }
0x33: {  	[hbm4b:s5+s2] =	stream.indirect_vreg.scatter [tilespmem:s12], [sflag:$0x1], $0x80, v3, vm0, $0xb8;
	[tilespmem:$0xC100] =	vst v63  }
0x34: {  	v3 =	vld [tilespmem:$0xC010];
	_ =	sdelay $0x4  }
0x35: {  	v57 =	vshrl.u32 v3, $0x3  }
0x36: {  	v4 =	vmul.u32 $0x30, v57  }
0x37: {  	v3 =	vand.u32 $0x7, v3  }
0x38: {  	v3 =	vor.u32 v3, v4  }
0x39: {  	v4 =	vperm.xlane v3, v0;
	_ =	sdelay $0x1  }
0x3a: {  	v4 =	vadd.s32 v1, v4;
	_ =	sdelay $0x3  }
0x3b: {  	v3 =	vperm.xlane v3, v2  }
0x3c: {  	[hbm4b:s3+s2] =	stream.indirect_vreg.scatter [tilespmem:s13], [sflag:$0x1], $0x80, v4, vm0, $0xb8;
	[tilespmem:$0xC100] =	vst v63  }
0x3d: {  	v3 =	vadd.s32 v1, v3  }
0x3e: {  	[hbm4b:s4+s2] =	stream.indirect_vreg.scatter [tilespmem:s14], [sflag:$0x1], $0x80, v4, vm0, $0xb8;
	[tilespmem:$0xC100] =	vst v63  }
0x3f: {  	_ = 	snop  }
0x40: {  	[hbm4b:s5+s2] =	stream.indirect_vreg.scatter [tilespmem:s15], [sflag:$0x1], $0x80, v4, vm0, $0xb8;
	[tilespmem:$0xC100] =	vst v63  }
0x41: {  	_ = 	snop  }
0x42: {  	[hbm4b:s3+s2] =	stream.indirect_vreg.scatter [tilespmem:s16], [sflag:$0x1], $0x80, v3, vm0, $0xb8;
	[tilespmem:$0xC100] =	vst v63  }
0x43: {  	_ = 	snop  }
0x44: {  	[hbm4b:s4+s2] =	stream.indirect_vreg.scatter [tilespmem:s17], [sflag:$0x1], $0x80, v3, vm0, $0xb8;
	[tilespmem:$0xC100] =	vst v63  }
0x45: {  	_ = 	snop  }
0x46: {  	[hbm4b:s5+s2] =	stream.indirect_vreg.scatter [tilespmem:s18], [sflag:$0x1], $0x80, v3, vm0, $0xb8;
	[tilespmem:$0xC100] =	vst v63  }
0x47: {  	v3 =	vld [tilespmem:$0xC020];
	_ =	sdelay $0x4  }
0x48: {  	v58 =	vshrl.u32 v3, $0x3  }
0x49: {  	v4 =	vmul.u32 $0x30, v58  }
0x4a: {  	v3 =	vand.u32 $0x7, v3  }
0x4b: {  	v3 =	vor.u32 v3, v4  }
0x4c: {  	v4 =	vperm.xlane v3, v0;
	_ =	sdelay $0x1  }
0x4d: {  	v4 =	vadd.s32 v1, v4;
	_ =	sdelay $0x3  }
0x4e: {  	v3 =	vperm.xlane v3, v2  }
0x4f: {  	[hbm4b:s3+s2] =	stream.indirect_vreg.scatter [tilespmem:s19], [sflag:$0x1], $0x80, v4, vm0, $0xb8;
	[tilespmem:$0xC100] =	vst v63  }
0x50: {  	v3 =	vadd.s32 v1, v3  }
0x51: {  	[hbm4b:s4+s2] =	stream.indirect_vreg.scatter [tilespmem:s20], [sflag:$0x1], $0x80, v4, vm0, $0xb8;
	[tilespmem:$0xC100] =	vst v63  }
0x52: {  	_ = 	snop  }
0x53: {  	[hbm4b:s5+s2] =	stream.indirect_vreg.scatter [tilespmem:s21], [sflag:$0x1], $0x80, v4, vm0, $0xb8;
	[tilespmem:$0xC100] =	vst v63  }
0x54: {  	_ = 	snop  }
0x55: {  	[hbm4b:s3+s2] =	stream.indirect_vreg.scatter [tilespmem:s22], [sflag:$0x1], $0x80, v3, vm0, $0xb8;
	[tilespmem:$0xC100] =	vst v63  }
0x56: {  	_ = 	snop  }
0x57: {  	[hbm4b:s4+s2] =	stream.indirect_vreg.scatter [tilespmem:s23], [sflag:$0x1], $0x80, v3, vm0, $0xb8;
	[tilespmem:$0xC100] =	vst v63  }
0x58: {  	_ = 	snop  }
0x59: {  	[hbm4b:s5+s2] =	stream.indirect_vreg.scatter [tilespmem:s24], [sflag:$0x1], $0x80, v3, vm0, $0xb8;
	[tilespmem:$0xC100] =	vst v63  }
0x5a: {  	v3 =	vld [tilespmem:$0xC030];
	_ =	sdelay $0x4  }
0x5b: {  	v59 =	vshrl.u32 v3, $0x3  }
0x5c: {  	v4 =	vmul.u32 $0x30, v59  }
0x5d: {  	v3 =	vand.u32 $0x7, v3  }
0x5e: {  	v3 =	vor.u32 v3, v4  }
0x5f: {  	v4 =	vperm.xlane v3, v0;
	_ =	sdelay $0x1  }
0x60: {  	v4 =	vadd.s32 v1, v4;
	_ =	sdelay $0x3  }
0x61: {  	v3 =	vperm.xlane v3, v2  }
0x62: {  	[hbm4b:s3+s2] =	stream.indirect_vreg.scatter [tilespmem:s25], [sflag:$0x1], $0x80, v4, vm0, $0xb8;
	[tilespmem:$0xC100] =	vst v63  }
0x63: {  	v3 =	vadd.s32 v1, v3  }
0x64: {  	[hbm4b:s4+s2] =	stream.indirect_vreg.scatter [tilespmem:s26], [sflag:$0x1], $0x80, v4, vm0, $0xb8;
	[tilespmem:$0xC100] =	vst v63  }
0x65: {  	_ = 	snop  }
0x66: {  	[hbm4b:s5+s2] =	stream.indirect_vreg.scatter [tilespmem:s28], [sflag:$0x1], $0x80, v4, vm0, $0xb8;
	[tilespmem:$0xC100] =	vst v63  }
0x67: {  	_ = 	snop  }
0x68: {  	[hbm4b:s3+s2] =	stream.indirect_vreg.scatter [tilespmem:s29], [sflag:$0x1], $0x80, v3, vm0, $0xb8;
	[tilespmem:$0xC100] =	vst v63  }
0x69: {  	_ = 	snop  }
0x6a: {  	[hbm4b:s4+s2] =	stream.indirect_vreg.scatter [tilespmem:s30], [sflag:$0x1], $0x80, v3, vm0, $0xb8;
	[tilespmem:$0xC100] =	vst v63  }
0x6b: {  	_ = 	snop  }
0x6c: {  	[hbm4b:s5+s2] =	stream.indirect_vreg.scatter [tilespmem:s31], [sflag:$0x1], $0x80, v3, vm0, $0xb8;
	[tilespmem:$0xC100] =	vst v63  }
0x6d: {  	v3 =	vld [tilespmem:$0xC080];
	_ =	sdelay $0x4  }
0x6e: {  	v60 =	vshrl.u32 v3, $0x3  }
0x6f: {  	v4 =	vmul.u32 $0x30, v60  }
0x70: {  	v3 =	vand.u32 $0x7, v3  }
0x71: {  	v3 =	vor.u32 v3, v4  }
0x72: {  	v4 =	vperm.xlane v3, v0;
	_ =	sdelay $0x1  }
0x73: {  	v4 =	vadd.s32 v1, v4;
	_ =	sdelay $0x3  }
0x74: {  	v3 =	vperm.xlane v3, v2  }
0x75: {  	[hbm4b:s3+s2] =	stream.indirect_vreg.scatter [tilespmem:s2], [sflag:$0x1], $0x80, v4, vm0, $0xb8;
	[tilespmem:$0xC100] =	vst v63  }
0x76: {  	v3 =	vadd.s32 v1, v3  }
0x77: {  	[hbm4b:s4+s2] =	stream.indirect_vreg.scatter [tilespmem:s8], [sflag:$0x1], $0x80, v4, vm0, $0xb8;
	[tilespmem:$0xC100] =	vst v63  }
0x78: {  	_ = 	snop  }
0x79: {  	[hbm4b:s5+s2] =	stream.indirect_vreg.scatter [tilespmem:s9], [sflag:$0x1], $0x80, v4, vm0, $0xb8;
	[tilespmem:$0xC100] =	vst v63  }
0x7a: {  	_ = 	snop  }
0x7b: {  	[hbm4b:s3+s2] =	stream.indirect_vreg.scatter [tilespmem:s10], [sflag:$0x1], $0x80, v3, vm0, $0xb8;
	[tilespmem:$0xC100] =	vst v63  }
0x7c: {  	_ = 	snop  }
0x7d: {  	[hbm4b:s4+s2] =	stream.indirect_vreg.scatter [tilespmem:s11], [sflag:$0x1], $0x80, v3, vm0, $0xb8;
	[tilespmem:$0xC100] =	vst v63  }
0x7e: {  	_ = 	snop  }
0x7f: {  	[hbm4b:s5+s2] =	stream.indirect_vreg.scatter [tilespmem:s12], [sflag:$0x1], $0x80, v3, vm0, $0xb8;
	[tilespmem:$0xC100] =	vst v63  }
0x80: {  	v3 =	vld [tilespmem:$0xC090];
	_ =	sdelay $0x4  }
0x81: {  	v61 =	vshrl.u32 v3, $0x3  }
0x82: {  	v4 =	vmul.u32 $0x30, v61  }
0x83: {  	v3 =	vand.u32 $0x7, v3  }
0x84: {  	v3 =	vor.u32 v3, v4  }
0x85: {  	v4 =	vperm.xlane v3, v0;
	_ =	sdelay $0x1  }
0x86: {  	v4 =	vadd.s32 v1, v4;
	_ =	sdelay $0x3  }
0x87: {  	v3 =	vperm.xlane v3, v2  }
0x88: {  	[hbm4b:s3+s2] =	stream.indirect_vreg.scatter [tilespmem:s13], [sflag:$0x1], $0x80, v4, vm0, $0xb8;
	[tilespmem:$0xC100] =	vst v63  }
0x89: {  	v3 =	vadd.s32 v1, v3  }
0x8a: {  	[hbm4b:s4+s2] =	stream.indirect_vreg.scatter [tilespmem:s14], [sflag:$0x1], $0x80, v4, vm0, $0xb8;
	[tilespmem:$0xC100] =	vst v63  }
0x8b: {  	_ = 	snop  }
0x8c: {  	[hbm4b:s5+s2] =	stream.indirect_vreg.scatter [tilespmem:s15], [sflag:$0x1], $0x80, v4, vm0, $0xb8;
	[tilespmem:$0xC100] =	vst v63  }
0x8d: {  	_ = 	snop  }
0x8e: {  	[hbm4b:s3+s2] =	stream.indirect_vreg.scatter [tilespmem:s16], [sflag:$0x1], $0x80, v3, vm0, $0xb8;
	[tilespmem:$0xC100] =	vst v63  }
0x8f: {  	_ = 	snop  }
0x90: {  	[hbm4b:s4+s2] =	stream.indirect_vreg.scatter [tilespmem:s17], [sflag:$0x1], $0x80, v3, vm0, $0xb8;
	[tilespmem:$0xC100] =	vst v63  }
0x91: {  	_ = 	snop  }
0x92: {  	[hbm4b:s5+s2] =	stream.indirect_vreg.scatter [tilespmem:s18], [sflag:$0x1], $0x80, v3, vm0, $0xb8;
	[tilespmem:$0xC100] =	vst v63  }
0x93: {  	v3 =	vld [tilespmem:$0xC0A0];
	_ =	sdelay $0x4  }
0x94: {  	v62 =	vshrl.u32 v3, $0x3  }
0x95: {  	v4 =	vmul.u32 $0x30, v62  }
0x96: {  	v3 =	vand.u32 $0x7, v3  }
0x97: {  	v3 =	vor.u32 v3, v4  }
0x98: {  	v4 =	vperm.xlane v3, v0;
	_ =	sdelay $0x1  }
0x99: {  	v4 =	vadd.s32 v1, v4;
	_ =	sdelay $0x3  }
0x9a: {  	v3 =	vperm.xlane v3, v2  }
0x9b: {  	[hbm4b:s3+s2] =	stream.indirect_vreg.scatter [tilespmem:s19], [sflag:$0x1], $0x80, v4, vm0, $0xb8;
	[tilespmem:$0xC100] =	vst v63  }
0x9c: {  	v3 =	vadd.s32 v1, v3  }
0x9d: {  	[hbm4b:s4+s2] =	stream.indirect_vreg.scatter [tilespmem:s20], [sflag:$0x1], $0x80, v4, vm0, $0xb8;
	[tilespmem:$0xC100] =	vst v63  }
0x9e: {  	_ = 	snop  }
0x9f: {  	[hbm4b:s5+s2] =	stream.indirect_vreg.scatter [tilespmem:s21], [sflag:$0x1], $0x80, v4, vm0, $0xb8;
	[tilespmem:$0xC100] =	vst v63  }
0xa0: {  	_ = 	snop  }
0xa1: {  	[hbm4b:s3+s2] =	stream.indirect_vreg.scatter [tilespmem:s22], [sflag:$0x1], $0x80, v3, vm0, $0xb8;
	[tilespmem:$0xC100] =	vst v63  }
0xa2: {  	_ = 	snop  }
0xa3: {  	[hbm4b:s4+s2] =	stream.indirect_vreg.scatter [tilespmem:s23], [sflag:$0x1], $0x80, v3, vm0, $0xb8;
	[tilespmem:$0xC100] =	vst v63  }
0xa4: {  	_ = 	snop  }
0xa5: {  	[hbm4b:s5+s2] =	stream.indirect_vreg.scatter [tilespmem:s24], [sflag:$0x1], $0x80, v3, vm0, $0xb8;
	[tilespmem:$0xC100] =	vst v63  }
0xa6: {  	v3 =	vld [tilespmem:$0xC0B0];
	_ =	sdelay $0x4  }
0xa7: {  	v63 =	vshrl.u32 v3, $0x3  }
0xa8: {  	v4 =	vmul.u32 $0x30, v63  }
0xa9: {  	v3 =	vand.u32 $0x7, v3  }
0xaa: {  	v3 =	vor.u32 v3, v4  }
0xab: {  	v4 =	vperm.xlane v3, v0;
	_ =	sdelay $0x1  }
0xac: {  	v4 =	vadd.s32 v1, v4;
	_ =	sdelay $0x3  }
0xad: {  	v3 =	vperm.xlane v3, v2  }
0xae: {  	[hbm4b:s3+s2] =	stream.indirect_vreg.scatter [tilespmem:s25], [sflag:$0x1], $0x80, v4, vm0, $0xb8;
	[tilespmem:$0xC100] =	vst v63  }
0xaf: {  	v3 =	vadd.s32 v1, v3  }
0xb0: {  	[hbm4b:s4+s2] =	stream.indirect_vreg.scatter [tilespmem:s26], [sflag:$0x1], $0x80, v4, vm0, $0xb8;
	[tilespmem:$0xC100] =	vst v63  }
0xb1: {  	_ = 	snop  }
0xb2: {  	[hbm4b:s5+s2] =	stream.indirect_vreg.scatter [tilespmem:s28], [sflag:$0x1], $0x80, v4, vm0, $0xb8;
	[tilespmem:$0xC100] =	vst v63  }
0xb3: {  	_ = 	snop  }
0xb4: {  	[hbm4b:s3+s2] =	stream.indirect_vreg.scatter [tilespmem:s29], [sflag:$0x1], $0x80, v3, vm0, $0xb8;
	[tilespmem:$0xC100] =	vst v63  }
0xb5: {  	_ = 	snop  }
0xb6: {  	[hbm4b:s4+s2] =	stream.indirect_vreg.scatter [tilespmem:s30], [sflag:$0x1], $0x80, v3, vm0, $0xb8;
	[tilespmem:$0xC100] =	vst v63  }
0xb7: {  	_ = 	snop  }
0xb8: {  	[hbm4b:s5+s2] =	stream.indirect_vreg.scatter [tilespmem:s31], [sflag:$0x1], $0x80, v3, vm0, $0xb8;
	[tilespmem:$0xC100] =	vst v63  }
0xb9: {  	p0 =	sne.s32 s6, $0x1;
	_ =	swait.ge [sflag:s1], $0xC000  }
.Ltmp0:
0xba: {  	[sflag:s1] =	ssyncset.done $0x0;
	(pc) =	sbr.rel @p0 .LBB2_1-.Ltmp0, $4  }
0xbb: {  	[sflag:s1] =	ssyncadd.s32 $0xFFFF4000  }
0xbc: {  	_ =	swait.ge [sflag:s1], $0xC000  }
0xbd: {  	[sflag:s1] =	ssyncset.done $0x0  }
0xbe: {  	s6 =	sadd.s32 $0xFFFFFFFF, s6;
	[sflag:s1] =	ssyncadd.s32 $0xFFFF4000  }
0xbf: {  	_ =	sfence.sel $0x180000  }
0xc0: {  	[bflag:$0x0] =	sbarrier.arrive $0xFFFF  }
0xc1: {  	_ =	strace $0x90000047  }
0xc2: {  	s0 =	stileid.u32;
	[bflag:$0x2] =	sbarrier.arrive $0xFFFF  }
0xc3: {  	p0 =	sne.s32 s0, $0x0;
	s0 =	rddreg [dreg:$0x2]  }
0xc4: {  	s0 =	sadd.s32 @!p0 $0x100000, s0  }
0xc5: {  	[sflag:s0] =	ssyncadd.tile.s32 @!p0 $0x1;
	_ =	shalt  }
.Lfunc_end2:
_tile_overlayer_lowered:
.L_overlay_start_2:
0xc6: {  	(tag) =	ssettag $0x2  }
0xc7: {  	s0 =	rddreg [dreg:$0x0];
	s2 =	stileid.u32  }
0xc8: {  	s1 =	rddreg [dreg:$0x1];
	p0 =	sne.s32 s2, $0x0  }
0xc9: {  	s3 =	rddreg [dreg:$0x2];
	[bflag:$0x3] =	sbarrier.arrive $0xFFFF;
	s2 =	simm.s32 @!p0 $0x1C02  }
0xca: {  	[timem:s3], [sflag:s2] =	dma.local @!p0 [hbm:s0], s1  }
0xcb: {  	s0 =	simm.s32 @!p0 $0x2  }
0xcc: {  	_ =	swait.ge @!p0 [sflag:s0], s1  }
0xcd: {  	s1 =	ssub.s32 @!p0 $0x0, s1;
	[sflag:s0] =	ssyncset.done @!p0 $0x0  }
0xce: {  	[sflag:s0] =	ssyncadd.s32 @!p0 s1  }
0xcf: {  	[bflag:$0x3] =	sbarrier.arrive $0xFFFF  }
0xd0: {  	_ =	shalt  }

// kernel: kernel.9.cloned.1.call-start
scs
__scs_entry_jumppad:
0x0: {  	(pc) =	sbr.rel $0x88, $3  }
0x1: {  	(tag) =	ssettag $0x0;
	lr =	simm.s32 $0x1  }
0x2: {  	[smem:$0x3F9D] =	sst lr;
	_ =	strace $0xD0000000  }
0x3: {  	_ = 	snop  }
0x4: {  	_ = 	snop  }
0x5: {  	_ = 	snop  }
0x6: {  	_ = 	snop  }
0x7: {  	_ = 	snop  }
__scs_overlays_trampoline_lowered:
0x8: {  	[smem:$0x3FAC] =	sst s0  }
0x9: {  	[smem:$0x3FAD] =	sst s1  }
0xa: {  	[smem:$0x3FAE] =	sst s2  }
0xb: {  	[smem:$0x3FAF] =	sst s3  }
0xc: {  	[smem:$0x3FB0] =	sst s4  }
0xd: {  	[smem:$0x3FB1] =	sst s5  }
0xe: {  	[smem:$0x3FB2] =	sst s6  }
0xf: {  	[smem:$0x3FB3] =	sst s7  }
0x10: {  	[smem:$0x3FB4] =	sst s8  }
0x11: {  	[smem:$0x3FB5] =	sst s9;
	s0 =	simm.s32 @!p0 $0x0  }
0x12: {  	s1 =	sld [smem:$0x3F9B];
	s0 =	simm.s32 @p0 $0x1  }
0x13: {  	[smem:$0x3FB6] =	sst s0;
	s0 =	simm.s32 @!p1 $0x0  }
0x14: {  	s2 =	sld [smem:$0x3F9A];
	s0 =	simm.s32 @p1 $0x1  }
0x15: {  	[smem:$0x3FB7] =	sst s0;
	s0 =	simm.s32 @!p2 $0x0  }
0x16: {  	s3 =	sld [smem:$0x3FDB];
	s0 =	simm.s32 @p2 $0x1  }
0x17: {  	s4 =	simm.s32 $0x1BF5;
	[smem:$0x3FB9] =	sst s0  }
0x18: {  	s0 =	sld [smem:$0x3F9C];
	_ =	swait.ge [sflag:s4], $0x0  }
0x19: {  	s7 =	sld [smem:$0x3F9D]  }
0x1a: {  	s8 =	sadd.s32 $0xFFFFE003, lr  }
0x1b: {  	s9 =	sadd.s32 $0xFFFFFEF7, lr;
	s5 =	simm.s32 $0xFFFFFFFF;
	p2 =	slt.u32 s8, $0xFFFFF086  }
0x1c: {  	p1 =	slt.u32 s9, $0xF7A;
	s5 =	simm.s32 @!p2 $0x0  }
0x1d: {  	s5 =	simm.s32 @p1 $0x1;
	p0 =	seq.s32 s7, s2  }
0x1e: {  	s7 =	smul.u32 @!p0 $0xF7A, s2;
	p2 =	seq.s32 @!p0 s5, $0x0  }
0x1f: {  	s9 =	smul.u32 $0xF7A, s1;
	s8 =	simm.s32 @!p0 $0x1BF5;
	p2 =	por !p2, p0  }
0x20: {  	[sflag:s8] =	ssyncset.s32 @!p0 $0xFFFFF086;
	s6 =	sadd.s32 @!p0 s3, s7;
	s7 =	simm.s32 @!p0 $0x108  }
0x21: {  	s3 =	sadd.s32 s3, s9;
	s6 =	sadd.s32 @!p0 $0x88, s6;
	s7 =	simm.s32 @p2 $0x1082  }
0x22: {  	[simem:s7], [sflag:s8] =	dma.local @!p0 [hbm:s6], $0xF7A  }
0x23: {  	s9 =	sor.u32 $0xD0000000, s2;
	s6 =	simm.s32 $0x108;
	_ =	swait.ge @!p0 [sflag:s8], $0x0  }
0x24: {  	s3 =	sadd.s32 $0x88, s3;
	s6 =	simm.s32 @!p1 $0x1082;
	[sflag:s4] =	ssyncset.s32 $0xFFFFF086  }
0x25: {  	[simem:s6], [sflag:s4] =	dma.local [hbm:s3], $0xF7A  }
0x26: {  	[smem:$0x3F9D] =	sst s1;
	(tag) =	ssettag s2;
	_ =	strace s9  }
0x27: {  	s1 =	sld [smem:$0x3FAD]  }
0x28: {  	s2 =	sld [smem:$0x3FAE]  }
0x29: {  	s4 =	sld [smem:$0x3FB0]  }
0x2a: {  	p0 =	seq.s32 s5, $0x0;
	s5 =	sld [smem:$0x3FB1]  }
0x2b: {  	s6 =	sld [smem:$0x3FB2]  }
0x2c: {  	s7 =	sld [smem:$0x3FB3]  }
0x2d: {  	s3 =	simm.s32 $0x108;
	s8 =	sld [smem:$0x3FB4]  }
0x2e: {  	s3 =	simm.s32 @!p0 $0x1082;
	s9 =	sld [smem:$0x3FB5]  }
0x2f: {  	lr =	sadd.s32 s0, s3;
	s0 =	sld [smem:$0x3FAC]  }
0x30: {  	s3 =	sld [smem:$0x3FAF]  }
0x31: {  	[smem:$0x3FB8] =	sst s10  }
0x32: {  	s10 =	sld [smem:$0x3FB6];
	_ =	sdelay $0x3  }
0x33: {  	p0 =	seq.s32 s10, $0x1;
	s10 =	sld [smem:$0x3FB8];
	_ =	sdelay $0x3  }
0x34: {  	[smem:$0x3FB8] =	sst s10  }
0x35: {  	s10 =	sld [smem:$0x3FB7];
	_ =	sdelay $0x3  }
0x36: {  	p1 =	seq.s32 s10, $0x1;
	s10 =	sld [smem:$0x3FB8];
	_ =	sdelay $0x3  }
0x37: {  	[smem:$0x3FB8] =	sst s10  }
0x38: {  	s10 =	sld [smem:$0x3FB9]  }
0x39: {  	_ = 	snop;
	(pc) =	sbr.ind lr, $3  }
0x3a: {  	_ = 	snop  }
0x3b: {  	_ = 	snop  }
0x3c: {  	p2 =	seq.s32 s10, $0x1;
	s10 =	sld [smem:$0x3FB8]  }
0x3d: {  	_ =	shalt  }
0x3e: {  	_ =	shalt  }
0x3f: {  	_ =	shalt  }
0x40: {  	_ =	shalt  }
0x41: {  	_ =	shalt  }
0x42: {  	_ =	shalt  }
0x43: {  	_ =	shalt  }
0x44: {  	_ =	shalt  }
0x45: {  	_ =	shalt  }
0x46: {  	_ =	shalt  }
0x47: {  	_ =	shalt  }
0x48: {  	_ =	shalt  }
0x49: {  	_ =	shalt  }
0x4a: {  	_ =	shalt  }
0x4b: {  	_ =	shalt  }
0x4c: {  	_ =	shalt  }
0x4d: {  	_ =	shalt  }
0x4e: {  	_ =	shalt  }
0x4f: {  	_ =	shalt  }
0x50: {  	_ =	shalt  }
0x51: {  	_ =	shalt  }
0x52: {  	_ =	shalt  }
0x53: {  	_ =	shalt  }
0x54: {  	_ =	shalt  }
0x55: {  	_ =	shalt  }
0x56: {  	_ =	shalt  }
0x57: {  	_ =	shalt  }
0x58: {  	_ =	shalt  }
0x59: {  	_ =	shalt  }
0x5a: {  	_ =	shalt  }
0x5b: {  	_ =	shalt  }
0x5c: {  	_ =	shalt  }
0x5d: {  	_ =	shalt  }
0x5e: {  	_ =	shalt  }
0x5f: {  	_ =	shalt  }
0x60: {  	_ =	shalt  }
0x61: {  	_ =	shalt  }
0x62: {  	_ =	shalt  }
0x63: {  	_ =	shalt  }
0x64: {  	_ =	shalt  }
0x65: {  	_ =	shalt  }
0x66: {  	_ =	shalt  }
0x67: {  	_ =	shalt  }
0x68: {  	_ =	shalt  }
0x69: {  	_ =	shalt  }
0x6a: {  	_ =	shalt  }
0x6b: {  	_ =	shalt  }
0x6c: {  	_ =	shalt  }
0x6d: {  	_ =	shalt  }
0x6e: {  	_ =	shalt  }
0x6f: {  	_ =	shalt  }
0x70: {  	_ =	shalt  }
0x71: {  	_ =	shalt  }
0x72: {  	_ =	shalt  }
0x73: {  	_ =	shalt  }
0x74: {  	_ =	shalt  }
0x75: {  	_ =	shalt  }
0x76: {  	_ =	shalt  }
0x77: {  	_ =	shalt  }
0x78: {  	_ =	shalt  }
0x79: {  	_ =	shalt  }
0x7a: {  	_ =	shalt  }
0x7b: {  	_ =	shalt  }
0x7c: {  	_ =	shalt  }
0x7d: {  	_ =	shalt  }
0x7e: {  	_ =	shalt  }
0x7f: {  	_ =	shalt  }
0x80: {  	_ =	shalt  }
0x81: {  	_ =	shalt  }
0x82: {  	_ =	shalt  }
0x83: {  	_ =	shalt  }
0x84: {  	_ =	shalt  }
0x85: {  	_ =	shalt  }
0x86: {  	_ =	shalt  }
0x87: {  	_ =	shalt  }
.Lfunc_end0:
.L_simem_size_0:
called_computation.1_lowered:
.L_overlay_start_0:
0x88: {  	s2 =	sld [smem:$0x3FD9]  }
0x89: {  	s3 =	sld [smem:$0x3FFE];
	_ =	sdelay $0x1  }
0x8a: {  	s1 =	srdreg.scid  }
0x8b: {  	s0 =	sand.u32 $0x1, s1  }
0x8c: {  	s17 =	sshll.u32 s0, $0xA;
	s2 =	sadd.s32 s3, s2  }
0x8d: {  	s2 =	sadd.s32 s2, s17  }
0x8e: {  	[smem:$0x3FC4] =	sst s2  }
0x8f: {  	_ = 	snop  }
0x90: {  	s2 =	sld [smem:$0x3FD0];
	(tm) =	ssettm $0x1  }
0x91: {  	s18 =	sld [smem:$0x3FFB];
	_ =	sdelay $0x3  }
0x92: {  	_ =	strace s18  }
0x93: {  	s3 =	sld [smem:$0x3FFC];
	_ =	sdelay $0x3  }
0x94: {  	_ =	strace s3  }
0x95: {  	s3 =	sld [smem:$0x3FFD];
	_ =	sdelay $0x3  }
0x96: {  	_ =	strace s3  }
0x97: {  	_ =	strace $0x8FFFFFFF  }
0x98: {  	s19 =	sld [smem:$0x3FDB];
	_ =	sdelay $0x1  }
0x99: {  	s4 =	simm.s32 $_scs_section_size  }
0x9a: {  	s5 =	simm.s32 $_size__tile_overlayer_lowered;
	s6 =	simm.s32 $_tile_overlayer_lowered  }
0x9b: {  	s22 =	simm.s32 $0x1BFF;
	s21 =	sshll.u32 s6, $0x1;
	s3 =	sadd.s32 s4, s19  }
0x9c: {  	s7 =	simm.s32 $0x0;
	s20 =	sshll.u32 s5, $0x1;
	s5 =	sadd.s32 s21, s3  }
0x9d: {  	[timem:s7], [sflag:s22] =	dma.local [hbm:s5], s20  }
0x9e: {  	_ =	swait.ge [sflag:s22], s20  }
0x9f: {  	s4 =	ssub.s32 $0x0, s20;
	[sflag:s22] =	ssyncset.done $0x0  }
0xa0: {  	[sflag:s22] =	ssyncadd.s32 s4;
	_ =	sdelay $0x1  }
0xa1: {  	s23 =	simm.s32 $0x1B8B  }
0xa2: {  	_ =	swait.ge [sflag:s23], $0x1  }
0xa3: {  	[sflag:s23] =	ssyncset.done $0x0  }
0xa4: {  	s25 =	simm.s32 $0x1B8E;
	s24 =	sld [smem:$0x3FFE];
	[sflag:s23] =	ssyncadd.s32 $0xFFFFFFFF  }
0xa5: {  	s26 =	simm.s32 $execute0_lowered;
	[smem:$0x3FD2] =	sst s25  }
0xa6: {  	s5 =	sshll.u32 s26, $0x1;
	_ =	strace $0x80000049;
	[dreg:$0x1] =	wrdreg $0xFFFFFFFF  }
0xa7: {  	s28 =	simm.s32 $_size_execute0_lowered;
	s3 =	sadd.s32 s3, s5;
	[dreg:$0x0] =	wrdreg $0x0  }
0xa8: {  	s5 =	sshll.u32 s28, $0x1;
	[dreg:$0x2] =	wrdreg s3  }
0xa9: {  	[dreg:$0x3] =	wrdreg s5  }
0xaa: {  	[dreg:$0x4] =	wrdreg $0xC0  }
0xab: {  	_ =	task [dreg:s7], $0x5FFFF  }
0xac: {  	[dreg:$0x1] =	wrdreg $0xFFFFFFFF  }
0xad: {  	[dreg:$0x0] =	wrdreg $0x60  }
0xae: {  	[dreg:$0x2] =	wrdreg s24  }
0xaf: {  	[dreg:$0x3] =	wrdreg s2  }
0xb0: {  	[dreg:$0x4] =	wrdreg $0x9  }
0xb1: {  	_ =	task.clear_ibuf [dreg:s7], $0x5FFFF;
	_ =	strace $0x90000049  }
0xb2: {  	s29 =	simm.s32 $0x9;
	_ =	strace $0x8000004B  }
0xb3: {  	_ =	swait.ge [sflag:s29], $0x1  }
0xb4: {  	[sflag:s29] =	ssyncadd.s32 $0xFFFFFFFF  }
0xb5: {  	_ =	strace $0x9000004B  }
0xb6: {  	_ =	sfence  }
0xb7: {  	s30 =	sld [smem:$0x0];
	_ =	sdelay $0x2  }
0xb8: {  	s31 =	sshll.u32 s1, $0xD;
	s1 =	sshrl.u32 s1, $0x2  }
0xb9: {  	s3 =	sand.u32 $0x4000, s31;
	s1 =	sadd.s32 s1, s30  }
0xba: {  	s0 =	sor.u32 s3, s0;
	s1 =	sshll.u32 s1, $0x11  }
0xbb: {  	s0 =	sor.u32 s1, s0  }
0xbc: {  	s0 =	sadd.s32 $0x8F2B, s0  }
0xbd: {  	[sflag:s0] =	ssyncadd.remote.s32 $0x1  }
0xbe: {  	_ =	sfence.sel $0xFFFF  }
0xbf: {  	[dreg:$0x0] =	wrdreg $0xFFFFFFFF;
	(pc) =	sbr.abs _section_cstart, $3  }
0xc0: {  	[dreg:$0x1] =	wrdreg $0xFFFFFFFF  }
0xc1: {  	_ =	task.clear_ibuf [dreg:s7], $0x2FFFF;
	_ =	strace $0x9FFFFFFF  }
0xc2: {  	(tm) =	ssettm $0x7FFFFFFF  }
0xc3: {  	_ =	shalt  }
tec
execute0_lowered:
.L_overlay_start_1:
0x0: {  	(tag) =	ssettag $0x1  }
0x1: {  	s0 =	rddreg [dreg:$0x0]  }
0x2: {  	s1 =	rddreg [dreg:$0x1];
	s3 =	srdreg.scid;
	s2 =	simm.s32 $0x0  }
0x3: {  	s5 =	stileid.u32;
	s12 =	simm.s32 $0x2;
	s29 =	simm.s32 $0x11800  }
0x4: {  	s30 =	simm.s32 $0x12000;
	s31 =	simm.s32 $0x12800;
	s13 =	simm.s32 $0x14800  }
0x5: {  	s14 =	simm.s32 $0x15000;
	s15 =	simm.s32 $0x15800;
	s16 =	simm.s32 $0x16000  }
0x6: {  	s17 =	simm.s32 $0x16800;
	s18 =	simm.s32 $0x17000;
	s19 =	simm.s32 $0x17800  }
0x7: {  	s20 =	simm.s32 $0x1;
	s21 =	simm.s32 $0x0;
	s4 =	sand.u32 $0x1, s3  }
0x8: {  	[smem:$0x7FF] =	sst s2;
	s26 =	sshll.u32 s5, $0x7;
	s28 =	sshll.u32 s4, $0x6  }
0x9: {  	s3 =	sadd.s32 $0x9A00, s0;
	s4 =	ssub.s32 $0x2, s4;
	s5 =	sor.u32 s28, s26  }
0xa: {  	_ =	strace $0x8000004A;
	s8 =	sshrl.u32 s4, $0x1;
	s6 =	sshrl.u32 s5, $0x3  }
0xb: {  	s5 =	sshll.u32 s5, $0x4;
	s10 =	ssub.s32 s4, s8;
	s8 =	sadd.s32 $0x9C00, s0  }
0xc: {  	s7 =	sadd.s32 s6, s0;
	s9 =	sadd.s32 s5, s0;
	s11 =	smul.u32 $0x300, s6  }
0xd: {  	v2 =	vlaneseq.u32;
	s10 =	smax.u32 s10, $0x1;
	s4 =	sadd.s32 $0x1600, s7;
	s5 =	sadd.s32 $0x1800, s7  }
0xe: {  	vm0 =	vmmov $0xffff;
	v1 =	vshrl.u32 v2, $0x3;
	s6 =	sadd.s32 $0x1A00, s9;
	s7 =	sadd.s32 $0x9B00, s0;
	s0 =	simm.s32 $0x13000  }
0xf: {  	v0 =	vand.u32 $0x7, v2;
	v2 =	vor.u32 $0x8, v2;
	v1 =	vmul.u32 $0x8, v1;
	s9 =	sadd.s32 s1, s11;
	s1 =	simm.s32 $0x13800;
	s11 =	simm.s32 $0x14000  }
.LBB2_1:
0x10: {  	s22 =	simm.s32 $0x18000  }
0x11: {  	[tilespmem:s22], [sflag:$0x2] =	stream.linear.gather [hbm4b:s4+s2], $0x40, $0x38;
	[tilespmem:$0x1A100] =	vst v63  }
0x12: {  	_ =	swait.ge [sflag:s12], $0x40  }
0x13: {  	[sflag:s12] =	ssyncset.done $0x0  }
0x14: {  	s25 =	simm.s32 $0x18080;
	[sflag:s12] =	ssyncadd.s32 $0xFFFFFFC0  }
0x15: {  	[tilespmem:s25], [sflag:$0x2] =	stream.linear.gather [hbm4b:s5+s2], $0x40, $0x38;
	[tilespmem:$0x1A100] =	vst v63  }
0x16: {  	_ =	swait.ge [sflag:s12], $0x40  }
0x17: {  	[sflag:s12] =	ssyncset.done $0x0  }
0x18: {  	s26 =	simm.s32 $0x18100;
	[sflag:s12] =	ssyncadd.s32 $0xFFFFFFC0  }
0x19: {  	[tilespmem:s26], [sflag:$0x2] =	stream.linear.gather [hbm4b:s6+s2], $0x2000, $0x38;
	[tilespmem:$0x1A100] =	vst v63  }
0x1a: {  	_ =	swait.ge [sflag:s12], $0x2000  }
0x1b: {  	[sflag:s12] =	ssyncset.done $0x0  }
0x1c: {  	[sflag:s12] =	ssyncadd.s32 $0xFFFFE000  }
0x1d: {  	v3 =	vld [tilespmem:$0x18000];
	_ =	sdelay $0x4  }
0x1e: {  	v4 =	vshrl.u32 v3, $0x3  }
0x1f: {  	v4 =	vmul.u32 $0x30, v4  }
0x20: {  	v3 =	vand.u32 $0x7, v3  }
0x21: {  	v3 =	vor.u32 v3, v4  }
0x22: {  	v4 =	vperm.xlane v3, v0;
	_ =	sdelay $0x1  }
0x23: {  	v4 =	vadd.s32 v1, v4;
	_ =	sdelay $0x3  }
0x24: {  	v3 =	vperm.xlane v3, v2  }
0x25: {  	[tilespmem:s2], [sflag:$0x1] =	stream.indirect_vreg.gather [hbm4b:s3+s2], $0x80, v4, vm0, $0xb8;
	[tilespmem:$0x1A100] =	vst v63  }
0x26: {  	s28 =	simm.s32 $0x800;
	v3 =	vadd.s32 v1, v3  }
0x27: {  	[tilespmem:s28], [sflag:$0x1] =	stream.indirect_vreg.gather [hbm4b:s7+s2], $0x80, v4, vm0, $0xb8;
	[tilespmem:$0x1A100] =	vst v63  }
0x28: {  	s23 =	simm.s32 $0x1000  }
0x29: {  	[tilespmem:s23], [sflag:$0x1] =	stream.indirect_vreg.gather [hbm4b:s8+s2], $0x80, v4, vm0, $0xb8;
	[tilespmem:$0x1A100] =	vst v63  }
0x2a: {  	s24 =	simm.s32 $0x1800  }
0x2b: {  	[tilespmem:s24], [sflag:$0x1] =	stream.indirect_vreg.gather [hbm4b:s3+s2], $0x80, v3, vm0, $0xb8;
	[tilespmem:$0x1A100] =	vst v63  }
0x2c: {  	s25 =	simm.s32 $0x2000  }
0x2d: {  	[tilespmem:s25], [sflag:$0x1] =	stream.indirect_vreg.gather [hbm4b:s7+s2], $0x80, v3, vm0, $0xb8;
	[tilespmem:$0x1A100] =	vst v63  }
0x2e: {  	s26 =	simm.s32 $0x2800  }
0x2f: {  	[tilespmem:s26], [sflag:$0x1] =	stream.indirect_vreg.gather [hbm4b:s8+s2], $0x80, v3, vm0, $0xb8;
	[tilespmem:$0x1A100] =	vst v63  }
0x30: {  	v3 =	vld [tilespmem:$0x18010];
	_ =	sdelay $0x4  }
0x31: {  	v4 =	vshrl.u32 v3, $0x3  }
0x32: {  	v4 =	vmul.u32 $0x30, v4  }
0x33: {  	v3 =	vand.u32 $0x7, v3  }
0x34: {  	v3 =	vor.u32 v3, v4  }
0x35: {  	v4 =	vperm.xlane v3, v0;
	_ =	sdelay $0x1  }
0x36: {  	v4 =	vadd.s32 v1, v4;
	_ =	sdelay $0x3  }
0x37: {  	s28 =	simm.s32 $0x3000;
	v3 =	vperm.xlane v3, v2  }
0x38: {  	[tilespmem:s28], [sflag:$0x1] =	stream.indirect_vreg.gather [hbm4b:s3+s2], $0x80, v4, vm0, $0xb8;
	[tilespmem:$0x1A100] =	vst v63  }
0x39: {  	s23 =	simm.s32 $0x3800;
	v3 =	vadd.s32 v1, v3  }
0x3a: {  	[tilespmem:s23], [sflag:$0x1] =	stream.indirect_vreg.gather [hbm4b:s7+s2], $0x80, v4, vm0, $0xb8;
	[tilespmem:$0x1A100] =	vst v63  }
0x3b: {  	s24 =	simm.s32 $0x4000  }
0x3c: {  	[tilespmem:s24], [sflag:$0x1] =	stream.indirect_vreg.gather [hbm4b:s8+s2], $0x80, v4, vm0, $0xb8;
	[tilespmem:$0x1A100] =	vst v63  }
0x3d: {  	s25 =	simm.s32 $0x4800  }
0x3e: {  	[tilespmem:s25], [sflag:$0x1] =	stream.indirect_vreg.gather [hbm4b:s3+s2], $0x80, v3, vm0, $0xb8;
	[tilespmem:$0x1A100] =	vst v63  }
0x3f: {  	s26 =	simm.s32 $0x5000  }
0x40: {  	[tilespmem:s26], [sflag:$0x1] =	stream.indirect_vreg.gather [hbm4b:s7+s2], $0x80, v3, vm0, $0xb8;
	[tilespmem:$0x1A100] =	vst v63  }
0x41: {  	s28 =	simm.s32 $0x5800  }
0x42: {  	[tilespmem:s28], [sflag:$0x1] =	stream.indirect_vreg.gather [hbm4b:s8+s2], $0x80, v3, vm0, $0xb8;
	[tilespmem:$0x1A100] =	vst v63  }
0x43: {  	v3 =	vld [tilespmem:$0x18020];
	_ =	sdelay $0x4  }
0x44: {  	v4 =	vshrl.u32 v3, $0x3  }
0x45: {  	v4 =	vmul.u32 $0x30, v4  }
0x46: {  	v3 =	vand.u32 $0x7, v3  }
0x47: {  	v3 =	vor.u32 v3, v4  }
0x48: {  	v4 =	vperm.xlane v3, v0;
	_ =	sdelay $0x1  }
0x49: {  	v4 =	vadd.s32 v1, v4;
	_ =	sdelay $0x3  }
0x4a: {  	s23 =	simm.s32 $0x6000;
	v3 =	vperm.xlane v3, v2  }
0x4b: {  	[tilespmem:s23], [sflag:$0x1] =	stream.indirect_vreg.gather [hbm4b:s3+s2], $0x80, v4, vm0, $0xb8;
	[tilespmem:$0x1A100] =	vst v63  }
0x4c: {  	s24 =	simm.s32 $0x6800;
	v3 =	vadd.s32 v1, v3  }
0x4d: {  	[tilespmem:s24], [sflag:$0x1] =	stream.indirect_vreg.gather [hbm4b:s7+s2], $0x80, v4, vm0, $0xb8;
	[tilespmem:$0x1A100] =	vst v63  }
0x4e: {  	s25 =	simm.s32 $0x7000  }
0x4f: {  	[tilespmem:s25], [sflag:$0x1] =	stream.indirect_vreg.gather [hbm4b:s8+s2], $0x80, v4, vm0, $0xb8;
	[tilespmem:$0x1A100] =	vst v63  }
0x50: {  	s26 =	simm.s32 $0x7800  }
0x51: {  	[tilespmem:s26], [sflag:$0x1] =	stream.indirect_vreg.gather [hbm4b:s3+s2], $0x80, v3, vm0, $0xb8;
	[tilespmem:$0x1A100] =	vst v63  }
0x52: {  	s28 =	simm.s32 $0x8000  }
0x53: {  	[tilespmem:s28], [sflag:$0x1] =	stream.indirect_vreg.gather [hbm4b:s7+s2], $0x80, v3, vm0, $0xb8;
	[tilespmem:$0x1A100] =	vst v63  }
0x54: {  	s23 =	simm.s32 $0x8800  }
0x55: {  	[tilespmem:s23], [sflag:$0x1] =	stream.indirect_vreg.gather [hbm4b:s8+s2], $0x80, v3, vm0, $0xb8;
	[tilespmem:$0x1A100] =	vst v63  }
0x56: {  	v3 =	vld [tilespmem:$0x18030];
	_ =	sdelay $0x4  }
0x57: {  	v4 =	vshrl.u32 v3, $0x3  }
0x58: {  	v4 =	vmul.u32 $0x30, v4  }
0x59: {  	v3 =	vand.u32 $0x7, v3  }
0x5a: {  	v3 =	vor.u32 v3, v4  }
0x5b: {  	v4 =	vperm.xlane v3, v0;
	_ =	sdelay $0x1  }
0x5c: {  	v4 =	vadd.s32 v1, v4;
	_ =	sdelay $0x3  }
0x5d: {  	s24 =	simm.s32 $0x9000;
	v3 =	vperm.xlane v3, v2  }
0x5e: {  	[tilespmem:s24], [sflag:$0x1] =	stream.indirect_vreg.gather [hbm4b:s3+s2], $0x80, v4, vm0, $0xb8;
	[tilespmem:$0x1A100] =	vst v63  }
0x5f: {  	s25 =	simm.s32 $0x9800;
	v3 =	vadd.s32 v1, v3  }
0x60: {  	[tilespmem:s25], [sflag:$0x1] =	stream.indirect_vreg.gather [hbm4b:s7+s2], $0x80, v4, vm0, $0xb8;
	[tilespmem:$0x1A100] =	vst v63  }
0x61: {  	s26 =	simm.s32 $0xA000  }
0x62: {  	[tilespmem:s26], [sflag:$0x1] =	stream.indirect_vreg.gather [hbm4b:s8+s2], $0x80, v4, vm0, $0xb8;
	[tilespmem:$0x1A100] =	vst v63  }
0x63: {  	s28 =	simm.s32 $0xA800  }
0x64: {  	[tilespmem:s28], [sflag:$0x1] =	stream.indirect_vreg.gather [hbm4b:s3+s2], $0x80, v3, vm0, $0xb8;
	[tilespmem:$0x1A100] =	vst v63  }
0x65: {  	s23 =	simm.s32 $0xB000  }
0x66: {  	[tilespmem:s23], [sflag:$0x1] =	stream.indirect_vreg.gather [hbm4b:s7+s2], $0x80, v3, vm0, $0xb8;
	[tilespmem:$0x1A100] =	vst v63  }
0x67: {  	s24 =	simm.s32 $0xB800  }
0x68: {  	[tilespmem:s24], [sflag:$0x1] =	stream.indirect_vreg.gather [hbm4b:s8+s2], $0x80, v3, vm0, $0xb8;
	[tilespmem:$0x1A100] =	vst v63  }
0x69: {  	v3 =	vld [tilespmem:$0x18080];
	_ =	sdelay $0x4  }
0x6a: {  	v4 =	vshrl.u32 v3, $0x3  }
0x6b: {  	v4 =	vmul.u32 $0x30, v4  }
0x6c: {  	v3 =	vand.u32 $0x7, v3  }
0x6d: {  	v3 =	vor.u32 v3, v4  }
0x6e: {  	v4 =	vperm.xlane v3, v0;
	_ =	sdelay $0x1  }
0x6f: {  	v4 =	vadd.s32 v1, v4;
	_ =	sdelay $0x3  }
0x70: {  	s25 =	simm.s32 $0xC000;
	v3 =	vperm.xlane v3, v2  }
0x71: {  	[tilespmem:s25], [sflag:$0x1] =	stream.indirect_vreg.gather [hbm4b:s3+s2], $0x80, v4, vm0, $0xb8;
	[tilespmem:$0x1A100] =	vst v63  }
0x72: {  	s26 =	simm.s32 $0xC800;
	v3 =	vadd.s32 v1, v3  }
0x73: {  	[tilespmem:s26], [sflag:$0x1] =	stream.indirect_vreg.gather [hbm4b:s7+s2], $0x80, v4, vm0, $0xb8;
	[tilespmem:$0x1A100] =	vst v63  }
0x74: {  	s28 =	simm.s32 $0xD000  }
0x75: {  	[tilespmem:s28], [sflag:$0x1] =	stream.indirect_vreg.gather [hbm4b:s8+s2], $0x80, v4, vm0, $0xb8;
	[tilespmem:$0x1A100] =	vst v63  }
0x76: {  	s23 =	simm.s32 $0xD800  }
0x77: {  	[tilespmem:s23], [sflag:$0x1] =	stream.indirect_vreg.gather [hbm4b:s3+s2], $0x80, v3, vm0, $0xb8;
	[tilespmem:$0x1A100] =	vst v63  }
0x78: {  	s24 =	simm.s32 $0xE000  }
0x79: {  	[tilespmem:s24], [sflag:$0x1] =	stream.indirect_vreg.gather [hbm4b:s7+s2], $0x80, v3, vm0, $0xb8;
	[tilespmem:$0x1A100] =	vst v63  }
0x7a: {  	s25 =	simm.s32 $0xE800  }
0x7b: {  	[tilespmem:s25], [sflag:$0x1] =	stream.indirect_vreg.gather [hbm4b:s8+s2], $0x80, v3, vm0, $0xb8;
	[tilespmem:$0x1A100] =	vst v63  }
0x7c: {  	v3 =	vld [tilespmem:$0x18090];
	_ =	sdelay $0x4  }
0x7d: {  	v4 =	vshrl.u32 v3, $0x3  }
0x7e: {  	v4 =	vmul.u32 $0x30, v4  }
0x7f: {  	v3 =	vand.u32 $0x7, v3  }
0x80: {  	v3 =	vor.u32 v3, v4  }
0x81: {  	v4 =	vperm.xlane v3, v0;
	_ =	sdelay $0x1  }
0x82: {  	v4 =	vadd.s32 v1, v4;
	_ =	sdelay $0x3  }
0x83: {  	s26 =	simm.s32 $0xF000;
	v3 =	vperm.xlane v3, v2  }
0x84: {  	[tilespmem:s26], [sflag:$0x1] =	stream.indirect_vreg.gather [hbm4b:s3+s2], $0x80, v4, vm0, $0xb8;
	[tilespmem:$0x1A100] =	vst v63  }
0x85: {  	s28 =	simm.s32 $0xF800;
	v3 =	vadd.s32 v1, v3  }
0x86: {  	[tilespmem:s28], [sflag:$0x1] =	stream.indirect_vreg.gather [hbm4b:s7+s2], $0x80, v4, vm0, $0xb8;
	[tilespmem:$0x1A100] =	vst v63  }
0x87: {  	s23 =	simm.s32 $0x10000  }
0x88: {  	[tilespmem:s23], [sflag:$0x1] =	stream.indirect_vreg.gather [hbm4b:s8+s2], $0x80, v4, vm0, $0xb8;
	[tilespmem:$0x1A100] =	vst v63  }
0x89: {  	s24 =	simm.s32 $0x10800  }
0x8a: {  	[tilespmem:s24], [sflag:$0x1] =	stream.indirect_vreg.gather [hbm4b:s3+s2], $0x80, v3, vm0, $0xb8;
	[tilespmem:$0x1A100] =	vst v63  }
0x8b: {  	s25 =	simm.s32 $0x11000  }
0x8c: {  	[tilespmem:s25], [sflag:$0x1] =	stream.indirect_vreg.gather [hbm4b:s7+s2], $0x80, v3, vm0, $0xb8;
	[tilespmem:$0x1A100] =	vst v63  }
0x8d: {  	_ = 	snop  }
0x8e: {  	[tilespmem:s29], [sflag:$0x1] =	stream.indirect_vreg.gather [hbm4b:s8+s2], $0x80, v3, vm0, $0xb8;
	[tilespmem:$0x1A100] =	vst v63  }
0x8f: {  	v3 =	vld [tilespmem:$0x180A0];
	_ =	sdelay $0x4  }
0x90: {  	v4 =	vshrl.u32 v3, $0x3  }
0x91: {  	v4 =	vmul.u32 $0x30, v4  }
0x92: {  	v3 =	vand.u32 $0x7, v3  }
0x93: {  	v3 =	vor.u32 v3, v4  }
0x94: {  	v4 =	vperm.xlane v3, v0;
	_ =	sdelay $0x1  }
0x95: {  	v4 =	vadd.s32 v1, v4;
	_ =	sdelay $0x3  }
0x96: {  	v3 =	vperm.xlane v3, v2  }
0x97: {  	[tilespmem:s30], [sflag:$0x1] =	stream.indirect_vreg.gather [hbm4b:s3+s2], $0x80, v4, vm0, $0xb8;
	[tilespmem:$0x1A100] =	vst v63  }
0x98: {  	v3 =	vadd.s32 v1, v3  }
0x99: {  	[tilespmem:s31], [sflag:$0x1] =	stream.indirect_vreg.gather [hbm4b:s7+s2], $0x80, v4, vm0, $0xb8;
	[tilespmem:$0x1A100] =	vst v63  }
0x9a: {  	_ = 	snop  }
0x9b: {  	[tilespmem:s0], [sflag:$0x1] =	stream.indirect_vreg.gather [hbm4b:s8+s2], $0x80, v4, vm0, $0xb8;
	[tilespmem:$0x1A100] =	vst v63  }
0x9c: {  	_ = 	snop  }
0x9d: {  	[tilespmem:s1], [sflag:$0x1] =	stream.indirect_vreg.gather [hbm4b:s3+s2], $0x80, v3, vm0, $0xb8;
	[tilespmem:$0x1A100] =	vst v63  }
0x9e: {  	_ = 	snop  }
0x9f: {  	[tilespmem:s11], [sflag:$0x1] =	stream.indirect_vreg.gather [hbm4b:s7+s2], $0x80, v3, vm0, $0xb8;
	[tilespmem:$0x1A100] =	vst v63  }
0xa0: {  	_ = 	snop  }
0xa1: {  	[tilespmem:s13], [sflag:$0x1] =	stream.indirect_vreg.gather [hbm4b:s8+s2], $0x80, v3, vm0, $0xb8;
	[tilespmem:$0x1A100] =	vst v63  }
0xa2: {  	v3 =	vld [tilespmem:$0x180B0];
	_ =	sdelay $0x4  }
0xa3: {  	v4 =	vshrl.u32 v3, $0x3  }
0xa4: {  	v4 =	vmul.u32 $0x30, v4  }
0xa5: {  	v3 =	vand.u32 $0x7, v3  }
0xa6: {  	v3 =	vor.u32 v3, v4  }
0xa7: {  	v4 =	vperm.xlane v3, v0;
	_ =	sdelay $0x1  }
0xa8: {  	v4 =	vadd.s32 v1, v4;
	_ =	sdelay $0x3  }
0xa9: {  	v3 =	vperm.xlane v3, v2  }
0xaa: {  	[tilespmem:s14], [sflag:$0x1] =	stream.indirect_vreg.gather [hbm4b:s3+s2], $0x80, v4, vm0, $0xb8;
	[tilespmem:$0x1A100] =	vst v63  }
0xab: {  	v3 =	vadd.s32 v1, v3  }
0xac: {  	[tilespmem:s15], [sflag:$0x1] =	stream.indirect_vreg.gather [hbm4b:s7+s2], $0x80, v4, vm0, $0xb8;
	[tilespmem:$0x1A100] =	vst v63  }
0xad: {  	_ = 	snop  }
0xae: {  	[tilespmem:s16], [sflag:$0x1] =	stream.indirect_vreg.gather [hbm4b:s8+s2], $0x80, v4, vm0, $0xb8;
	[tilespmem:$0x1A100] =	vst v63  }
0xaf: {  	_ = 	snop  }
0xb0: {  	[tilespmem:s17], [sflag:$0x1] =	stream.indirect_vreg.gather [hbm4b:s3+s2], $0x80, v3, vm0, $0xb8;
	[tilespmem:$0x1A100] =	vst v63  }
0xb1: {  	_ = 	snop  }
0xb2: {  	[tilespmem:s18], [sflag:$0x1] =	stream.indirect_vreg.gather [hbm4b:s7+s2], $0x80, v3, vm0, $0xb8;
	[tilespmem:$0x1A100] =	vst v63  }
0xb3: {  	_ = 	snop  }
0xb4: {  	[tilespmem:s19], [sflag:$0x1] =	stream.indirect_vreg.gather [hbm4b:s8+s2], $0x80, v3, vm0, $0xb8;
	[tilespmem:$0x1A100] =	vst v63  }
0xb5: {  	_ =	swait.ge [sflag:s20], $0xC000  }
0xb6: {  	[sflag:s20] =	ssyncset.done $0x0  }
0xb7: {  	s26 =	simm.s32 $0x0;
	[sflag:s20] =	ssyncadd.s32 $0xFFFF4000  }
0xb8: {  	s22 =	smul.u32 $0x1800, s26;
	_ =	swait.ge [sflag:s20], $0xC000  }
0xb9: {  	s23 =	sand.u32 $0x380, s2;
	[sflag:s20] =	ssyncset.done $0x0  }
0xba: {  	s25 =	sor.u32 s23, s22;
	[sflag:s20] =	ssyncadd.s32 $0xFFFF4000  }
0xbb: {  	v4 =	vld [tilespmem:s25+$0x10]  }
0xbc: {  	v3 =	vld [tilespmem:s25+$0xC010]  }
0xbd: {  	v6 =	vld [tilespmem:s25+$0x20]  }
0xbe: {  	v5 =	vld [tilespmem:s25+$0xC020]  }
0xbf: {  	v10 =	vld [tilespmem:s25+$0x30]  }
0xc0: {  	v7 =	vld [tilespmem:s25+$0xC030]  }
0xc1: {  	v12 =	vld [tilespmem:s25+$0x40]  }
0xc2: {  	v11 =	vld [tilespmem:s25+$0xC040]  }
0xc3: {  	v13 =	vld [tilespmem:s25+$0x60]  }
0xc4: {  	v14 =	vld [tilespmem:s25+$0x70]  }
0xc5: {  	v15 =	vld [tilespmem:s25+$0x400]  }
0xc6: {  	v16 =	vld [tilespmem:s25+$0x410]  }
0xc7: {  	v17 =	vld [tilespmem:s25+$0x420]  }
0xc8: {  	v18 =	vld [tilespmem:s25+$0x430]  }
0xc9: {  	v19 =	vld [tilespmem:s25+$0x440]  }
0xca: {  	v20 =	vld [tilespmem:s25+$0x450]  }
0xcb: {  	v21 =	vld [tilespmem:s25+$0x460]  }
0xcc: {  	v22 =	vld [tilespmem:s25+$0x470]  }
0xcd: {  	v23 =	vld [tilespmem:s25+$0x800]  }
0xce: {  	v24 =	vld [tilespmem:s25+$0x810]  }
0xcf: {  	v25 =	vld [tilespmem:s25+$0x820]  }
0xd0: {  	v26 =	vld [tilespmem:s25+$0x830]  }
0xd1: {  	v27 =	vld [tilespmem:s25+$0x840]  }
0xd2: {  	v28 =	vld [tilespmem:s25+$0x850]  }
0xd3: {  	v29 =	vld [tilespmem:s25+$0x860]  }
0xd4: {  	v30 =	vld [tilespmem:s25+$0x870]  }
0xd5: {  	v31 =	vld [tilespmem:s25+$0xC00]  }
0xd6: {  	v32 =	vld [tilespmem:s25+$0xC10]  }
0xd7: {  	v33 =	vld [tilespmem:s25+$0xC20]  }
0xd8: {  	v34 =	vld [tilespmem:s25+$0xC30]  }
0xd9: {  	v35 =	vld [tilespmem:s25+$0xC40]  }
0xda: {  	v36 =	vld [tilespmem:s25+$0xC50]  }
0xdb: {  	v37 =	vld [tilespmem:s25+$0xC60]  }
0xdc: {  	v38 =	vld [tilespmem:s25+$0xC70]  }
0xdd: {  	v39 =	vld [tilespmem:s25+$0x1000]  }
0xde: {  	v40 =	vld [tilespmem:s25+$0x1010]  }
0xdf: {  	v41 =	vld [tilespmem:s25+$0x1020]  }
0xe0: {  	v42 =	vld [tilespmem:s25+$0x1030]  }
0xe1: {  	v43 =	vld [tilespmem:s25+$0x1040]  }
0xe2: {  	v44 =	vld [tilespmem:s25+$0x1050]  }
0xe3: {  	v45 =	vld [tilespmem:s25+$0x1060]  }
0xe4: {  	v46 =	vld [tilespmem:s25+$0x1400]  }
0xe5: {  	v47 =	vld [tilespmem:s25+$0x1410]  }
0xe6: {  	v48 =	vld [tilespmem:s25+$0xD410]  }
0xe7: {  	v49 =	vld [tilespmem:s25+$0xD430]  }
0xe8: {  	v50 =	vld [tilespmem:s25+$0x1430]  }
0xe9: {  	s23 =	simm.s32 $0x18110;
	v51 =	vld [tilespmem:s25+$0x1420]  }
0xea: {  	v8 =	vld [tilespmem:s23+$0xFFFFFFF0]  }
0xeb: {  	v9 =	vld [tilespmem:s23+$0x0]  }
0xec: {  	v52 =	vld [tilespmem:s25+$0xD420]  }
0xed: {  	v53 =	vld [tilespmem:s25+$0xD400]  }
0xee: {  	v54 =	vld [tilespmem:s25+$0x1070]  }
0xef: {  	v55 =	vld [tilespmem:s25+$0xD070];
	v50 =	vmul.f32 v50, v8  }
0xf0: {  	v56 =	vld [tilespmem:s25+$0xD060];
	v49 =	vmul.f32 v49, v9;
	v51 =	vmul.f32 v51, v8  }
0xf1: {  	v61 =	vld [tilespmem:s25+$0xD000];
	v52 =	vmul.f32 v52, v9;
	v47 =	vmul.f32 v47, v8  }
0xf2: {  	v57 =	vld [tilespmem:s25+$0xD050];
	v48 =	vmul.f32 v48, v9;
	v46 =	vmul.f32 v46, v8;
	v49 =	vadd.f32 v49, v50  }
0xf3: {  	v58 =	vld [tilespmem:s25+$0xD040];
	v62 =	vmul.f32 v53, v9;
	v63 =	vmul.f32 v54, v8;
	v51 =	vadd.f32 v52, v51  }
0xf4: {  	v53 =	vld [tilespmem:s25+$0xD030];
	v59 =	vmul.f32 v55, v9;
	v45 =	vmul.f32 v45, v8;
	v47 =	vadd.f32 v48, v47;
	[tilespmem:s25+$0x1430] =	vst v49  }
0xf5: {  	v60 =	vmul.f32 v56, v9;
	v56 =	vld [tilespmem:s25+$0xCC60];
	v39 =	vmul.f32 v39, v8;
	v46 =	vadd.f32 v62, v46;
	[tilespmem:s25+$0x1420] =	vst v51  }
0xf6: {  	v61 =	vmul.f32 v61, v9;
	v55 =	vld [tilespmem:s25+$0xC870];
	v12 =	vmul.f32 v12, v8;
	v52 =	vadd.f32 v59, v63;
	[tilespmem:s25+$0x1410] =	vst v47  }
0xf7: {  	v11 =	vmul.f32 v11, v9;
	v10 =	vmul.f32 v10, v8;
	v48 =	vld [tilespmem:s25+$0xD020];
	v45 =	vadd.f32 v60, v45;
	[tilespmem:s25+$0x1400] =	vst v46  }
0xf8: {  	v7 =	vmul.f32 v7, v9;
	v63 =	vmul.f32 v58, v9;
	v58 =	vld [tilespmem:s25+$0xCC50];
	v39 =	vadd.f32 v61, v39;
	[tilespmem:s25+$0x1070] =	vst v52  }
0xf9: {  	v44 =	vmul.f32 v44, v8;
	v62 =	vmul.f32 v57, v9;
	v59 =	vld [tilespmem:s25+$0xCC40];
	v11 =	vadd.f32 v11, v12;
	[tilespmem:s25+$0x1060] =	vst v45  }
0xfa: {  	v43 =	vmul.f32 v43, v8;
	v60 =	vld [tilespmem:s25+$0xCC30];
	v7 =	vadd.f32 v7, v10;
	[tilespmem:s25+$0x1000] =	vst v39  }
0xfb: {  	v42 =	vmul.f32 v42, v8;
	v61 =	vld [tilespmem:s25+$0xC810];
	v44 =	vadd.f32 v62, v44;
	[tilespmem:s25+$0x40] =	vst v11;
	v57 =	vmul.f32 v53, v9  }
0xfc: {  	v37 =	vmul.f32 v37, v8;
	v49 =	vld [tilespmem:s25+$0xD010];
	v43 =	vadd.f32 v63, v43;
	[tilespmem:s25+$0x30] =	vst v7;
	v46 =	vmul.f32 v56, v9  }
0xfd: {  	v41 =	vmul.f32 v41, v8;
	v47 =	vld [tilespmem:s25+$0xCC70];
	[tilespmem:s25+$0x1050] =	vst v44;
	v48 =	vmul.f32 v48, v9;
	v42 =	vadd.f32 v57, v42  }
0xfe: {  	v36 =	vmul.f32 v36, v8;
	v62 =	vld [tilespmem:s25+$0xCC20];
	[tilespmem:s25+$0x1040] =	vst v43;
	v54 =	vmul.f32 v58, v9;
	v37 =	vadd.f32 v46, v37  }
0xff: {  	v35 =	vmul.f32 v35, v8;
	v63 =	vld [tilespmem:s25+$0xCC10];
	v45 =	vmul.f32 v59, v9;
	v41 =	vadd.f32 v48, v41;
	[tilespmem:s25+$0x1030] =	vst v42  }
0x100: {  	v34 =	vmul.f32 v34, v8;
	v56 =	vld [tilespmem:s25+$0xC860];
	v44 =	vmul.f32 v60, v9;
	v36 =	vadd.f32 v54, v36;
	[tilespmem:s25+$0xC60] =	vst v37  }
0x101: {  	v40 =	vmul.f32 v40, v8;
	v53 =	vld [tilespmem:s25+$0xCC00];
	v49 =	vmul.f32 v49, v9;
	v35 =	vadd.f32 v45, v35;
	[tilespmem:s25+$0x1020] =	vst v41  }
0x102: {  	v38 =	vmul.f32 v38, v8;
	v12 =	vld [tilespmem:s25+$0x1460];
	v47 =	vmul.f32 v47, v9;
	v34 =	vadd.f32 v44, v34;
	[tilespmem:s25+$0xC50] =	vst v36  }
0x103: {  	v33 =	vmul.f32 v33, v8;
	v58 =	vld [tilespmem:s25+$0xC840];
	v43 =	vmul.f32 v62, v9;
	v40 =	vadd.f32 v49, v40;
	[tilespmem:s25+$0xC40] =	vst v35  }
0x104: {  	v32 =	vmul.f32 v32, v8;
	v57 =	vld [tilespmem:s25+$0xC850];
	v42 =	vmul.f32 v63, v9;
	v38 =	vadd.f32 v47, v38;
	[tilespmem:s25+$0xC30] =	vst v34  }
0x105: {  	v29 =	vmul.f32 v29, v8;
	v60 =	vld [tilespmem:s25+$0xC820];
	v39 =	vmul.f32 v56, v9;
	v33 =	vadd.f32 v43, v33;
	[tilespmem:s25+$0x1010] =	vst v40  }
0x106: {  	v31 =	vmul.f32 v31, v8;
	v59 =	vld [tilespmem:s25+$0xC830];
	v41 =	vmul.f32 v53, v9;
	v32 =	vadd.f32 v42, v32;
	[tilespmem:s25+$0xC70] =	vst v38  }
0x107: {  	v24 =	vmul.f32 v24, v8;
	v62 =	vld [tilespmem:s25+$0xC800];
	v34 =	vmul.f32 v61, v9;
	v29 =	vadd.f32 v39, v29;
	[tilespmem:s25+$0xC20] =	vst v33  }
0x108: {  	v27 =	vmul.f32 v27, v8;
	v63 =	vld [tilespmem:s25+$0xC470];
	v37 =	vmul.f32 v58, v9;
	v31 =	vadd.f32 v41, v31;
	[tilespmem:s25+$0xC10] =	vst v32  }
0x109: {  	v30 =	vmul.f32 v30, v8;
	v40 =	vmul.f32 v55, v9;
	v24 =	vadd.f32 v34, v24;
	[tilespmem:s25+$0x860] =	vst v29;
	v29 =	vld [tilespmem:s25+$0xC440]  }
0x10a: {  	v25 =	vmul.f32 v25, v8;
	v35 =	vmul.f32 v60, v9;
	v27 =	vadd.f32 v37, v27;
	[tilespmem:s25+$0xC00] =	vst v31;
	v31 =	vld [tilespmem:s25+$0xC460]  }
0x10b: {  	v28 =	vmul.f32 v28, v8;
	v38 =	vmul.f32 v57, v9;
	v30 =	vadd.f32 v40, v30;
	[tilespmem:s25+$0x810] =	vst v24;
	v24 =	vld [tilespmem:s25+$0xC070]  }
0x10c: {  	v23 =	vmul.f32 v23, v8;
	v33 =	vmul.f32 v62, v9;
	v25 =	vadd.f32 v35, v25;
	[tilespmem:s25+$0x840] =	vst v27;
	v27 =	vld [tilespmem:s25+$0xC420]  }
0x10d: {  	v26 =	vmul.f32 v26, v8;
	v36 =	vmul.f32 v59, v9;
	v28 =	vadd.f32 v38, v28;
	[tilespmem:s25+$0x870] =	vst v30;
	v30 =	vld [tilespmem:s25+$0xC450]  }
0x10e: {  	v22 =	vmul.f32 v22, v8;
	v32 =	vmul.f32 v63, v9;
	v23 =	vadd.f32 v33, v23;
	[tilespmem:s25+$0x820] =	vst v25;
	v25 =	vld [tilespmem:s25+$0xC400]  }
0x10f: {  	v19 =	vmul.f32 v19, v8;
	v26 =	vadd.f32 v36, v26;
	[tilespmem:s25+$0x850] =	vst v28;
	v28 =	vld [tilespmem:s25+$0xC430];
	v29 =	vmul.f32 v29, v9  }
0x110: {  	v21 =	vmul.f32 v21, v8;
	v22 =	vadd.f32 v32, v22;
	[tilespmem:s25+$0x800] =	vst v23;
	v23 =	vld [tilespmem:s25+$0xC060];
	v31 =	vmul.f32 v31, v9  }
0x111: {  	v17 =	vmul.f32 v17, v8;
	[tilespmem:s25+$0x830] =	vst v26;
	v26 =	vld [tilespmem:s25+$0xC410];
	v27 =	vmul.f32 v27, v9;
	v19 =	vadd.f32 v29, v19  }
0x112: {  	v20 =	vmul.f32 v20, v8;
	[tilespmem:s25+$0x470] =	vst v22;
	v22 =	vld [tilespmem:s25+$0x50];
	v30 =	vmul.f32 v30, v9;
	v21 =	vadd.f32 v31, v21  }
0x113: {  	v15 =	vmul.f32 v15, v8;
	v25 =	vmul.f32 v25, v9;
	v17 =	vadd.f32 v27, v17;
	[tilespmem:s25+$0x440] =	vst v19;
	v19 =	vld [tilespmem:s25+$0xD450]  }
0x114: {  	v18 =	vmul.f32 v18, v8;
	v28 =	vmul.f32 v28, v9;
	v20 =	vadd.f32 v30, v20;
	[tilespmem:s25+$0x460] =	vst v21;
	v21 =	vld [tilespmem:s25+$0xC050]  }
0x115: {  	v13 =	vmul.f32 v13, v8;
	v23 =	vmul.f32 v23, v9;
	v15 =	vadd.f32 v25, v15;
	[tilespmem:s25+$0x420] =	vst v17;
	v17 =	vld [tilespmem:s25+$0x1440]  }
0x116: {  	v6 =	vmul.f32 v6, v8;
	v5 =	vmul.f32 v5, v9;
	v18 =	vadd.f32 v28, v18;
	[tilespmem:s25+$0x450] =	vst v20;
	v20 =	vld [tilespmem:s25+$0xD440]  }
0x117: {  	v14 =	vmul.f32 v14, v8;
	v24 =	vmul.f32 v24, v9;
	v13 =	vadd.f32 v23, v13;
	[tilespmem:s25+$0x400] =	vst v15;
	v15 =	vld [tilespmem:s25+$0x1450]  }
0x118: {  	v4 =	vmul.f32 v4, v8;
	v3 =	vmul.f32 v3, v9;
	v5 =	vadd.f32 v5, v6;
	[tilespmem:s25+$0x430] =	vst v18;
	v18 =	vld [tilespmem:s25+$0xD460]  }
0x119: {  	v6 =	vld [tilespmem:s25+$0x0];
	v14 =	vadd.f32 v24, v14;
	v10 =	vmul.f32 v22, v8;
	[tilespmem:s25+$0x60] =	vst v13;
	v13 =	vmul.f32 v21, v9  }
0x11a: {  	s28 =	simm.s32 $0x0;
	v16 =	vmul.f32 v16, v8;
	v3 =	vadd.f32 v3, v4;
	v7 =	vld [tilespmem:s25+$0xC000];
	[tilespmem:s25+$0x20] =	vst v5;
	v26 =	vmul.f32 v26, v9  }
0x11b: {  	s24 =	simm.s32 $0x80;
	s22 =	smul.u32 $0x1800, s28;
	[tilespmem:s25+$0x70] =	vst v14;
	v14 =	vld [tilespmem:s25+$0x1470];
	v11 =	vmul.f32 v17, v8;
	v17 =	vmul.f32 v20, v9;
	v4 =	vadd.f32 v13, v10  }
0x11c: {  	s26 =	sand.u32 $0x380, s24;
	[tilespmem:s25+$0x10] =	vst v3;
	v16 =	vadd.f32 v26, v16;
	v5 =	vmul.f32 v15, v8;
	v10 =	vmul.f32 v19, v9  }
0x11d: {  	s22 =	sor.u32 s26, s22;
	v11 =	vadd.f32 v17, v11;
	[tilespmem:s25+$0x50] =	vst v4;
	v4 =	vmul.f32 v12, v8;
	v12 =	vmul.f32 v18, v9  }
0x11e: {  	v3 =	vld [tilespmem:s22+$0x10];
	[tilespmem:s25+$0x410] =	vst v16;
	v5 =	vadd.f32 v10, v5  }
0x11f: {  	v7 =	vmul.f32 v7, v9;
	v16 =	vld [tilespmem:s25+$0xD470];
	[tilespmem:s25+$0x1440] =	vst v11;
	v12 =	vadd.f32 v12, v4  }
0x120: {  	v10 =	vmul.f32 v14, v8;
	v8 =	vmul.f32 v6, v8;
	v4 =	vld [tilespmem:s22+$0xC010];
	[tilespmem:s25+$0x1450] =	vst v5  }
0x121: {  	v6 =	vld [tilespmem:s22+$0x20];
	[tilespmem:s25+$0x1460] =	vst v12  }
0x122: {  	v7 =	vadd.f32 v7, v8;
	v5 =	vld [tilespmem:s22+$0xC020]  }
0x123: {  	v8 =	vld [tilespmem:s22+$0x30]  }
0x124: {  	[tilespmem:s25+$0x0] =	vst v7;
	v18 =	vld [tilespmem:s22+$0x430]  }
0x125: {  	v11 =	vmul.f32 v16, v9;
	v26 =	vld [tilespmem:s22+$0x830]  }
0x126: {  	v36 =	vld [tilespmem:s22+$0xC30]  }
0x127: {  	v9 =	vadd.f32 v11, v10;
	v44 =	vld [tilespmem:s22+$0x1030]  }
0x128: {  	v48 =	vld [tilespmem:s22+$0x1400]  }
0x129: {  	[tilespmem:s25+$0x1470] =	vst v9;
	v50 =	vld [tilespmem:s22+$0x1410]  }
0x12a: {  	v7 =	vld [tilespmem:s22+$0xC030]  }
0x12b: {  	v10 =	vld [tilespmem:s22+$0x40]  }
0x12c: {  	v9 =	vld [tilespmem:s22+$0xC040]  }
0x12d: {  	v12 =	vld [tilespmem:s22+$0x50]  }
0x12e: {  	v11 =	vld [tilespmem:s22+$0xC050]  }
0x12f: {  	v13 =	vld [tilespmem:s22+$0x60]  }
0x130: {  	v14 =	vld [tilespmem:s22+$0x70]  }
0x131: {  	v15 =	vld [tilespmem:s22+$0x400]  }
0x132: {  	v16 =	vld [tilespmem:s22+$0x410]  }
0x133: {  	v17 =	vld [tilespmem:s22+$0x420]  }
0x134: {  	v19 =	vld [tilespmem:s22+$0x440]  }
0x135: {  	v20 =	vld [tilespmem:s22+$0x450]  }
0x136: {  	v21 =	vld [tilespmem:s22+$0x460]  }
0x137: {  	v22 =	vld [tilespmem:s22+$0x470]  }
0x138: {  	v23 =	vld [tilespmem:s22+$0x800]  }
0x139: {  	v24 =	vld [tilespmem:s22+$0x810]  }
0x13a: {  	v25 =	vld [tilespmem:s22+$0x820]  }
0x13b: {  	v27 =	vld [tilespmem:s22+$0x840]  }
0x13c: {  	v28 =	vld [tilespmem:s22+$0x850]  }
0x13d: {  	v29 =	vld [tilespmem:s22+$0x860]  }
0x13e: {  	v30 =	vld [tilespmem:s22+$0x870]  }
0x13f: {  	v32 =	vld [tilespmem:s22+$0xC00]  }
0x140: {  	v34 =	vld [tilespmem:s22+$0xC10]  }
0x141: {  	v35 =	vld [tilespmem:s22+$0xC20]  }
0x142: {  	v37 =	vld [tilespmem:s22+$0xC40]  }
0x143: {  	v38 =	vld [tilespmem:s22+$0xC50]  }
0x144: {  	v39 =	vld [tilespmem:s22+$0xC60]  }
0x145: {  	v40 =	vld [tilespmem:s22+$0xC70]  }
0x146: {  	v41 =	vld [tilespmem:s22+$0x1000]  }
0x147: {  	v42 =	vld [tilespmem:s22+$0x1010]  }
0x148: {  	v43 =	vld [tilespmem:s22+$0x1020]  }
0x149: {  	v45 =	vld [tilespmem:s22+$0x1040]  }
0x14a: {  	v46 =	vld [tilespmem:s22+$0x1050]  }
0x14b: {  	v47 =	vld [tilespmem:s22+$0x1060]  }
0x14c: {  	v49 =	vld [tilespmem:s22+$0xD410]  }
0x14d: {  	s25 =	simm.s32 $0x2;
	v51 =	vld [tilespmem:s22+$0xD430]  }
.LBB2_2:
0x14e: {  	p0 =	sne.s32 s25, $0x3F;
	v52 =	vld [tilespmem:s22+$0x1430]  }
0x14f: {  	s23 =	sadd.s32 $0x80, s23;
	v53 =	vld [tilespmem:s22+$0x1420]  }
0x150: {  	v33 =	vld [tilespmem:s23+$0xFFFFFFF0]  }
0x151: {  	v31 =	vld [tilespmem:s23+$0x0]  }
0x152: {  	v54 =	vld [tilespmem:s22+$0xD420]  }
0x153: {  	v55 =	vld [tilespmem:s22+$0xD400]  }
0x154: {  	v56 =	vld [tilespmem:s22+$0x1070]  }
0x155: {  	v57 =	vld [tilespmem:s22+$0xD070];
	v50 =	vmul.f32 v50, v33;
	v53 =	vmul.f32 v53, v33  }
0x156: {  	v52 =	vmul.f32 v52, v33;
	v58 =	vld [tilespmem:s22+$0xD060];
	v51 =	vmul.f32 v51, v31  }
0x157: {  	v49 =	vmul.f32 v49, v31;
	v59 =	vld [tilespmem:s22+$0xD050];
	v54 =	vmul.f32 v54, v31  }
0x158: {  	v48 =	vmul.f32 v48, v33;
	v60 =	vld [tilespmem:s22+$0xD040];
	v55 =	vmul.f32 v55, v31;
	v51 =	vadd.f32 v51, v52  }
0x159: {  	v49 =	vadd.f32 v49, v50;
	v52 =	vld [tilespmem:s22+$0xD030];
	v56 =	vmul.f32 v56, v33;
	v50 =	vadd.f32 v54, v53  }
0x15a: {  	v47 =	vmul.f32 v47, v33;
	v53 =	vld [tilespmem:s22+$0xD020];
	v54 =	vmul.f32 v57, v31;
	v48 =	vadd.f32 v55, v48;
	[tilespmem:s22+$0x1430] =	vst v51  }
0x15b: {  	v46 =	vmul.f32 v46, v33;
	v51 =	vld [tilespmem:s22+$0xD010];
	v55 =	vmul.f32 v58, v31;
	[tilespmem:s22+$0x1420] =	vst v50  }
0x15c: {  	v45 =	vmul.f32 v45, v33;
	v50 =	vld [tilespmem:s22+$0xD000];
	v57 =	vmul.f32 v59, v31;
	v54 =	vadd.f32 v54, v56;
	[tilespmem:s22+$0x1410] =	vst v49  }
0x15d: {  	v44 =	vmul.f32 v44, v33;
	v49 =	vld [tilespmem:s22+$0xCC70];
	v56 =	vmul.f32 v60, v31;
	v47 =	vadd.f32 v55, v47;
	[tilespmem:s22+$0x1400] =	vst v48  }
0x15e: {  	v43 =	vmul.f32 v43, v33;
	v48 =	vld [tilespmem:s22+$0xCC60];
	v52 =	vmul.f32 v52, v31;
	v46 =	vadd.f32 v57, v46;
	[tilespmem:s22+$0x1070] =	vst v54  }
0x15f: {  	v42 =	vmul.f32 v42, v33;
	v54 =	vld [tilespmem:s22+$0xCC50];
	v53 =	vmul.f32 v53, v31;
	v45 =	vadd.f32 v56, v45;
	[tilespmem:s22+$0x1060] =	vst v47  }
0x160: {  	v41 =	vmul.f32 v41, v33;
	v47 =	vld [tilespmem:s22+$0xCC40];
	v51 =	vmul.f32 v51, v31;
	v44 =	vadd.f32 v52, v44;
	[tilespmem:s22+$0x1050] =	vst v46  }
0x161: {  	v40 =	vmul.f32 v40, v33;
	v46 =	vld [tilespmem:s22+$0xCC30];
	v50 =	vmul.f32 v50, v31;
	v43 =	vadd.f32 v53, v43;
	[tilespmem:s22+$0x1040] =	vst v45  }
0x162: {  	v39 =	vmul.f32 v39, v33;
	v45 =	vld [tilespmem:s22+$0xCC20];
	v49 =	vmul.f32 v49, v31;
	v42 =	vadd.f32 v51, v42;
	[tilespmem:s22+$0x1030] =	vst v44  }
0x163: {  	v38 =	vmul.f32 v38, v33;
	v44 =	vld [tilespmem:s22+$0xCC10];
	v48 =	vmul.f32 v48, v31;
	v41 =	vadd.f32 v50, v41;
	[tilespmem:s22+$0x1020] =	vst v43  }
0x164: {  	v37 =	vmul.f32 v37, v33;
	v43 =	vld [tilespmem:s22+$0xCC00];
	v50 =	vmul.f32 v54, v31;
	v40 =	vadd.f32 v49, v40;
	[tilespmem:s22+$0x1010] =	vst v42  }
0x165: {  	v36 =	vmul.f32 v36, v33;
	v42 =	vld [tilespmem:s22+$0xC870];
	v47 =	vmul.f32 v47, v31;
	v39 =	vadd.f32 v48, v39;
	[tilespmem:s22+$0x1000] =	vst v41  }
0x166: {  	v35 =	vmul.f32 v35, v33;
	v41 =	vld [tilespmem:s22+$0xC860];
	v46 =	vmul.f32 v46, v31;
	v38 =	vadd.f32 v50, v38;
	[tilespmem:s22+$0xC70] =	vst v40  }
0x167: {  	v34 =	vmul.f32 v34, v33;
	v40 =	vld [tilespmem:s22+$0xC850];
	v45 =	vmul.f32 v45, v31;
	v37 =	vadd.f32 v47, v37;
	[tilespmem:s22+$0xC60] =	vst v39  }
0x168: {  	v32 =	vmul.f32 v32, v33;
	v39 =	vld [tilespmem:s22+$0xC840];
	v44 =	vmul.f32 v44, v31;
	v36 =	vadd.f32 v46, v36;
	[tilespmem:s22+$0xC50] =	vst v38  }
0x169: {  	v30 =	vmul.f32 v30, v33;
	v38 =	vld [tilespmem:s22+$0xC830];
	v43 =	vmul.f32 v43, v31;
	v35 =	vadd.f32 v45, v35;
	[tilespmem:s22+$0xC40] =	vst v37  }
0x16a: {  	v29 =	vmul.f32 v29, v33;
	v37 =	vld [tilespmem:s22+$0xC820];
	v42 =	vmul.f32 v42, v31;
	v34 =	vadd.f32 v44, v34;
	[tilespmem:s22+$0xC30] =	vst v36  }
0x16b: {  	v28 =	vmul.f32 v28, v33;
	v36 =	vld [tilespmem:s22+$0xC810];
	v41 =	vmul.f32 v41, v31;
	v32 =	vadd.f32 v43, v32;
	[tilespmem:s22+$0xC20] =	vst v35  }
0x16c: {  	v27 =	vmul.f32 v27, v33;
	v35 =	vld [tilespmem:s22+$0xC800];
	v40 =	vmul.f32 v40, v31;
	v30 =	vadd.f32 v42, v30;
	[tilespmem:s22+$0xC10] =	vst v34  }
0x16d: {  	v26 =	vmul.f32 v26, v33;
	v34 =	vld [tilespmem:s22+$0xC470];
	v39 =	vmul.f32 v39, v31;
	v29 =	vadd.f32 v41, v29;
	[tilespmem:s22+$0xC00] =	vst v32  }
0x16e: {  	v25 =	vmul.f32 v25, v33;
	v32 =	vld [tilespmem:s22+$0xC460];
	v38 =	vmul.f32 v38, v31;
	v28 =	vadd.f32 v40, v28;
	[tilespmem:s22+$0x870] =	vst v30  }
0x16f: {  	v24 =	vmul.f32 v24, v33;
	v30 =	vld [tilespmem:s22+$0xC450];
	v37 =	vmul.f32 v37, v31;
	v27 =	vadd.f32 v39, v27;
	[tilespmem:s22+$0x860] =	vst v29  }
0x170: {  	v23 =	vmul.f32 v23, v33;
	v29 =	vld [tilespmem:s22+$0xC440];
	v36 =	vmul.f32 v36, v31;
	v26 =	vadd.f32 v38, v26;
	[tilespmem:s22+$0x850] =	vst v28  }
0x171: {  	v22 =	vmul.f32 v22, v33;
	v28 =	vld [tilespmem:s22+$0xC430];
	v35 =	vmul.f32 v35, v31;
	v25 =	vadd.f32 v37, v25;
	[tilespmem:s22+$0x840] =	vst v27  }
0x172: {  	v21 =	vmul.f32 v21, v33;
	v27 =	vld [tilespmem:s22+$0xC420];
	v34 =	vmul.f32 v34, v31;
	v24 =	vadd.f32 v36, v24;
	[tilespmem:s22+$0x830] =	vst v26  }
0x173: {  	v20 =	vmul.f32 v20, v33;
	v26 =	vld [tilespmem:s22+$0xC410];
	v32 =	vmul.f32 v32, v31;
	v23 =	vadd.f32 v35, v23;
	[tilespmem:s22+$0x820] =	vst v25  }
0x174: {  	v19 =	vmul.f32 v19, v33;
	v25 =	vld [tilespmem:s22+$0xC400];
	v30 =	vmul.f32 v30, v31;
	v22 =	vadd.f32 v34, v22;
	[tilespmem:s22+$0x810] =	vst v24  }
0x175: {  	v18 =	vmul.f32 v18, v33;
	v24 =	vld [tilespmem:s22+$0xC070];
	v29 =	vmul.f32 v29, v31;
	v21 =	vadd.f32 v32, v21;
	[tilespmem:s22+$0x800] =	vst v23  }
0x176: {  	v17 =	vmul.f32 v17, v33;
	v23 =	vld [tilespmem:s22+$0xC060];
	v28 =	vmul.f32 v28, v31;
	v20 =	vadd.f32 v30, v20;
	[tilespmem:s22+$0x470] =	vst v22  }
0x177: {  	v16 =	vmul.f32 v16, v33;
	v22 =	vmul.f32 v27, v31;
	v19 =	vadd.f32 v29, v19;
	[tilespmem:s22+$0x460] =	vst v21;
	v21 =	vld [tilespmem:s22+$0xD440]  }
0x178: {  	v15 =	vmul.f32 v15, v33;
	v26 =	vmul.f32 v26, v31;
	v18 =	vadd.f32 v28, v18;
	[tilespmem:s22+$0x450] =	vst v20;
	v20 =	vld [tilespmem:s22+$0xD450]  }
0x179: {  	v14 =	vmul.f32 v14, v33;
	v25 =	vmul.f32 v25, v31;
	v17 =	vadd.f32 v22, v17;
	[tilespmem:s22+$0x440] =	vst v19;
	v19 =	vld [tilespmem:s22+$0xD460]  }
0x17a: {  	v13 =	vmul.f32 v13, v33;
	v22 =	vmul.f32 v24, v31;
	v16 =	vadd.f32 v26, v16;
	[tilespmem:s22+$0x430] =	vst v18;
	v18 =	vld [tilespmem:s22+$0xD470]  }
0x17b: {  	v12 =	vmul.f32 v12, v33;
	v23 =	vmul.f32 v23, v31;
	v15 =	vadd.f32 v25, v15;
	[tilespmem:s22+$0x420] =	vst v17;
	v17 =	vld [tilespmem:s22+$0x1440]  }
0x17c: {  	v10 =	vmul.f32 v10, v33;
	v11 =	vmul.f32 v11, v31;
	v14 =	vadd.f32 v22, v14;
	[tilespmem:s22+$0x410] =	vst v16;
	v16 =	vld [tilespmem:s22+$0x1450]  }
0x17d: {  	v8 =	vmul.f32 v8, v33;
	v9 =	vmul.f32 v9, v31;
	v13 =	vadd.f32 v23, v13;
	[tilespmem:s22+$0x400] =	vst v15;
	v15 =	vld [tilespmem:s22+$0x1460]  }
0x17e: {  	v6 =	vmul.f32 v6, v33;
	v7 =	vmul.f32 v7, v31;
	v11 =	vadd.f32 v11, v12;
	[tilespmem:s22+$0x70] =	vst v14;
	v12 =	vld [tilespmem:s22+$0x1470]  }
0x17f: {  	v3 =	vmul.f32 v3, v33;
	v5 =	vmul.f32 v5, v31;
	v9 =	vadd.f32 v9, v10;
	v14 =	vld [tilespmem:s22+$0x0];
	[tilespmem:s22+$0x60] =	vst v13  }
0x180: {  	v4 =	vmul.f32 v4, v31;
	v7 =	vadd.f32 v7, v8;
	v10 =	vld [tilespmem:s22+$0xC000];
	[tilespmem:s22+$0x50] =	vst v11;
	v8 =	vmul.f32 v17, v33  }
0x181: {  	s26 =	sshrl.u32 s25, $0x3;
	v5 =	vadd.f32 v5, v6;
	v6 =	vmul.f32 v21, v31;
	[tilespmem:s22+$0x40] =	vst v9;
	v9 =	vmul.f32 v16, v33  }
0x182: {  	s24 =	sadd.s32 $0x80, s24;
	s26 =	smul.u32 $0x1800, s26;
	v3 =	vadd.f32 v4, v3;
	v4 =	vmul.f32 v20, v31;
	[tilespmem:s22+$0x30] =	vst v7;
	v7 =	vmul.f32 v15, v33  }
0x183: {  	s28 =	sand.u32 $0x380, s24;
	[tilespmem:s22+$0x20] =	vst v5;
	v5 =	vadd.f32 v6, v8;
	v6 =	vmul.f32 v19, v31;
	v8 =	vmul.f32 v12, v33  }
0x184: {  	s26 =	sor.u32 s28, s26;
	v9 =	vadd.f32 v4, v9;
	v12 =	vmul.f32 v18, v31;
	v11 =	vmul.f32 v14, v33;
	[tilespmem:s22+$0x10] =	vst v3  }
0x185: {  	v3 =	vld [tilespmem:s26+$0x10];
	v10 =	vmul.f32 v10, v31;
	[tilespmem:s22+$0x1440] =	vst v5;
	v5 =	vadd.f32 v6, v7  }
0x186: {  	v7 =	vadd.f32 v12, v8;
	v4 =	vld [tilespmem:s26+$0xC010];
	[tilespmem:s22+$0x1450] =	vst v9  }
0x187: {  	v6 =	vld [tilespmem:s26+$0x20];
	v9 =	vadd.f32 v10, v11;
	[tilespmem:s22+$0x1460] =	vst v5  }
0x188: {  	v5 =	vld [tilespmem:s26+$0xC020];
	[tilespmem:s22+$0x1470] =	vst v7  }
0x189: {  	v8 =	vld [tilespmem:s26+$0x30];
	[tilespmem:s22+$0x0] =	vst v9;
	s22 =	smov.u32 s26  }
0x18a: {  	v7 =	vld [tilespmem:s22+$0xC030]  }
0x18b: {  	v10 =	vld [tilespmem:s22+$0x40]  }
0x18c: {  	v9 =	vld [tilespmem:s22+$0xC040]  }
0x18d: {  	v12 =	vld [tilespmem:s22+$0x50]  }
0x18e: {  	v11 =	vld [tilespmem:s22+$0xC050]  }
0x18f: {  	v13 =	vld [tilespmem:s22+$0x60]  }
0x190: {  	v14 =	vld [tilespmem:s22+$0x70]  }
0x191: {  	v15 =	vld [tilespmem:s22+$0x400]  }
0x192: {  	v16 =	vld [tilespmem:s22+$0x410]  }
0x193: {  	v17 =	vld [tilespmem:s22+$0x420]  }
0x194: {  	v18 =	vld [tilespmem:s22+$0x430]  }
0x195: {  	v19 =	vld [tilespmem:s22+$0x440]  }
0x196: {  	v20 =	vld [tilespmem:s22+$0x450]  }
0x197: {  	v21 =	vld [tilespmem:s22+$0x460]  }
0x198: {  	v22 =	vld [tilespmem:s22+$0x470]  }
0x199: {  	v23 =	vld [tilespmem:s22+$0x800]  }
0x19a: {  	v24 =	vld [tilespmem:s22+$0x810]  }
0x19b: {  	v25 =	vld [tilespmem:s22+$0x820]  }
0x19c: {  	v26 =	vld [tilespmem:s22+$0x830]  }
0x19d: {  	v27 =	vld [tilespmem:s22+$0x840]  }
0x19e: {  	v28 =	vld [tilespmem:s22+$0x850]  }
0x19f: {  	v29 =	vld [tilespmem:s22+$0x860]  }
0x1a0: {  	v30 =	vld [tilespmem:s22+$0x870]  }
0x1a1: {  	v32 =	vld [tilespmem:s22+$0xC00]  }
0x1a2: {  	v34 =	vld [tilespmem:s22+$0xC10]  }
0x1a3: {  	v35 =	vld [tilespmem:s22+$0xC20]  }
0x1a4: {  	v36 =	vld [tilespmem:s22+$0xC30]  }
0x1a5: {  	v37 =	vld [tilespmem:s22+$0xC40]  }
0x1a6: {  	v38 =	vld [tilespmem:s22+$0xC50]  }
0x1a7: {  	v39 =	vld [tilespmem:s22+$0xC60]  }
0x1a8: {  	v40 =	vld [tilespmem:s22+$0xC70]  }
0x1a9: {  	v41 =	vld [tilespmem:s22+$0x1000]  }
0x1aa: {  	v42 =	vld [tilespmem:s22+$0x1010]  }
0x1ab: {  	v43 =	vld [tilespmem:s22+$0x1020]  }
0x1ac: {  	v44 =	vld [tilespmem:s22+$0x1030]  }
0x1ad: {  	v45 =	vld [tilespmem:s22+$0x1040]  }
0x1ae: {  	v46 =	vld [tilespmem:s22+$0x1050]  }
.Ltmp0:
0x1af: {  	v47 =	vld [tilespmem:s22+$0x1060];
	(pc) =	sbr.rel @p0 .LBB2_2-.Ltmp0, $4  }
0x1b0: {  	v48 =	vld [tilespmem:s22+$0x1400]  }
0x1b1: {  	v50 =	vld [tilespmem:s22+$0x1410]  }
0x1b2: {  	v49 =	vld [tilespmem:s22+$0xD410]  }
0x1b3: {  	s25 =	sadd.s32 $0x1, s25;
	v51 =	vld [tilespmem:s22+$0xD430]  }
0x1b4: {  	v52 =	vld [tilespmem:s22+$0x1430]  }
0x1b5: {  	v53 =	vld [tilespmem:s22+$0x1420];
	s23 =	sadd.s32 $0x80, s23  }
0x1b6: {  	v31 =	vld [tilespmem:s23+$0xFFFFFFF0]  }
0x1b7: {  	v33 =	vld [tilespmem:s23+$0x0]  }
0x1b8: {  	v54 =	vld [tilespmem:s22+$0xD420];
	_ =	sdelay $0x1  }
0x1b9: {  	v55 =	vld [tilespmem:s22+$0xD400]  }
0x1ba: {  	v56 =	vld [tilespmem:s22+$0x1070]  }
0x1bb: {  	v58 =	vld [tilespmem:s22+$0xD060];
	v52 =	vmul.f32 v52, v31;
	v51 =	vmul.f32 v51, v33  }
0x1bc: {  	v57 =	vld [tilespmem:s22+$0xD070];
	v53 =	vmul.f32 v53, v31;
	v54 =	vmul.f32 v54, v33  }
0x1bd: {  	v59 =	vld [tilespmem:s22+$0xD050];
	v50 =	vmul.f32 v50, v31;
	v49 =	vmul.f32 v49, v33  }
0x1be: {  	v60 =	vld [tilespmem:s22+$0xD040];
	v48 =	vmul.f32 v48, v31;
	v62 =	vmul.f32 v55, v33;
	v51 =	vadd.f32 v51, v52  }
0x1bf: {  	v61 =	vld [tilespmem:s22+$0xD020];
	v63 =	vmul.f32 v56, v31;
	v47 =	vmul.f32 v47, v31;
	v53 =	vadd.f32 v54, v53  }
0x1c0: {  	v58 =	vmul.f32 v58, v33;
	v55 =	vld [tilespmem:s22+$0xC460];
	v12 =	vmul.f32 v12, v31;
	v49 =	vadd.f32 v49, v50;
	[tilespmem:s22+$0x1430] =	vst v51  }
0x1c1: {  	v56 =	vld [tilespmem:s22+$0xC450];
	v11 =	vmul.f32 v11, v33;
	v10 =	vmul.f32 v10, v31;
	v48 =	vadd.f32 v62, v48;
	[tilespmem:s22+$0x1420] =	vst v53  }
0x1c2: {  	v9 =	vmul.f32 v9, v33;
	v8 =	vmul.f32 v8, v31;
	v52 =	vld [tilespmem:s22+$0xD030];
	v47 =	vadd.f32 v58, v47;
	[tilespmem:s22+$0x1410] =	vst v49  }
0x1c3: {  	v7 =	vmul.f32 v7, v33;
	v6 =	vmul.f32 v6, v31;
	v50 =	vld [tilespmem:s22+$0xD000];
	v11 =	vadd.f32 v11, v12;
	[tilespmem:s22+$0x1400] =	vst v48  }
0x1c4: {  	v5 =	vmul.f32 v5, v33;
	v3 =	vmul.f32 v3, v31;
	v58 =	vld [tilespmem:s22+$0xCC20];
	v9 =	vadd.f32 v9, v10;
	[tilespmem:s22+$0x1060] =	vst v47  }
0x1c5: {  	v4 =	vmul.f32 v4, v33;
	v62 =	vmul.f32 v59, v33;
	v59 =	vld [tilespmem:s22+$0xCC10];
	v7 =	vadd.f32 v7, v8;
	[tilespmem:s22+$0x50] =	vst v11  }
0x1c6: {  	v57 =	vmul.f32 v57, v33;
	v54 =	vld [tilespmem:s22+$0xC470];
	v5 =	vadd.f32 v5, v6;
	[tilespmem:s22+$0x40] =	vst v9  }
0x1c7: {  	v46 =	vmul.f32 v46, v31;
	v3 =	vadd.f32 v4, v3;
	v51 =	vld [tilespmem:s22+$0xD010];
	[tilespmem:s22+$0x30] =	vst v7  }
0x1c8: {  	v45 =	vmul.f32 v45, v31;
	v49 =	vld [tilespmem:s22+$0xCC70];
	v53 =	vadd.f32 v57, v63;
	v63 =	vmul.f32 v60, v33;
	[tilespmem:s22+$0x20] =	vst v5  }
0x1c9: {  	v43 =	vmul.f32 v43, v31;
	v48 =	vld [tilespmem:s22+$0xCC60];
	v46 =	vadd.f32 v62, v46;
	v57 =	vmul.f32 v61, v33;
	[tilespmem:s22+$0x10] =	vst v3  }
0x1ca: {  	v44 =	vmul.f32 v44, v31;
	v47 =	vld [tilespmem:s22+$0xCC40];
	[tilespmem:s22+$0x1070] =	vst v53;
	v45 =	vadd.f32 v63, v45;
	v52 =	vmul.f32 v52, v33  }
0x1cb: {  	v41 =	vmul.f32 v41, v31;
	v60 =	vld [tilespmem:s22+$0xCC00];
	[tilespmem:s22+$0x1050] =	vst v46;
	v43 =	vadd.f32 v57, v43;
	v50 =	vmul.f32 v50, v33  }
0x1cc: {  	v35 =	vmul.f32 v35, v31;
	v61 =	vld [tilespmem:s22+$0xC870];
	[tilespmem:s22+$0x1040] =	vst v45;
	v45 =	vmul.f32 v58, v33;
	v44 =	vadd.f32 v52, v44  }
0x1cd: {  	v42 =	vmul.f32 v42, v31;
	v53 =	vld [tilespmem:s22+$0xCC50];
	[tilespmem:s22+$0x1020] =	vst v43;
	v51 =	vmul.f32 v51, v33;
	v41 =	vadd.f32 v50, v41  }
0x1ce: {  	v40 =	vmul.f32 v40, v31;
	v46 =	vld [tilespmem:s22+$0xCC30];
	v49 =	vmul.f32 v49, v33;
	v35 =	vadd.f32 v45, v35;
	[tilespmem:s22+$0x1030] =	vst v44  }
0x1cf: {  	v39 =	vmul.f32 v39, v31;
	v62 =	vld [tilespmem:s22+$0xC860];
	v48 =	vmul.f32 v48, v33;
	v42 =	vadd.f32 v51, v42;
	[tilespmem:s22+$0x1000] =	vst v41  }
0x1d0: {  	v37 =	vmul.f32 v37, v31;
	v57 =	vld [tilespmem:s22+$0xC440];
	v47 =	vmul.f32 v47, v33;
	v40 =	vadd.f32 v49, v40;
	[tilespmem:s22+$0xC20] =	vst v35  }
0x1d1: {  	v32 =	vmul.f32 v32, v31;
	v58 =	vld [tilespmem:s22+$0xC430];
	v43 =	vmul.f32 v60, v33;
	v39 =	vadd.f32 v48, v39;
	[tilespmem:s22+$0x1010] =	vst v42  }
0x1d2: {  	v38 =	vmul.f32 v38, v31;
	v50 =	vld [tilespmem:s22+$0xC830];
	v63 =	vmul.f32 v53, v33;
	v37 =	vadd.f32 v47, v37;
	[tilespmem:s22+$0xC70] =	vst v40  }
0x1d3: {  	v36 =	vmul.f32 v36, v31;
	v60 =	vld [tilespmem:s22+$0xC410];
	v46 =	vmul.f32 v46, v33;
	v32 =	vadd.f32 v43, v32;
	[tilespmem:s22+$0xC60] =	vst v39  }
0x1d4: {  	v34 =	vmul.f32 v34, v31;
	v52 =	vld [tilespmem:s22+$0xC810];
	v44 =	vmul.f32 v59, v33;
	v38 =	vadd.f32 v63, v38;
	[tilespmem:s22+$0xC40] =	vst v37  }
0x1d5: {  	v29 =	vmul.f32 v29, v31;
	v45 =	vld [tilespmem:s22+$0x1440];
	v41 =	vmul.f32 v62, v33;
	v36 =	vadd.f32 v46, v36;
	[tilespmem:s22+$0xC00] =	vst v32  }
0x1d6: {  	v21 =	vmul.f32 v21, v31;
	v48 =	vld [tilespmem:s22+$0xC850];
	v62 =	vmul.f32 v55, v33;
	v34 =	vadd.f32 v44, v34;
	[tilespmem:s22+$0xC50] =	vst v38  }
0x1d7: {  	v30 =	vmul.f32 v30, v31;
	v49 =	vld [tilespmem:s22+$0xC840];
	v42 =	vmul.f32 v61, v33;
	v29 =	vadd.f32 v41, v29;
	[tilespmem:s22+$0xC30] =	vst v36  }
0x1d8: {  	v16 =	vmul.f32 v16, v31;
	v51 =	vld [tilespmem:s22+$0xC820];
	v21 =	vadd.f32 v62, v21;
	v41 =	vmul.f32 v60, v33;
	[tilespmem:s22+$0xC10] =	vst v34  }
0x1d9: {  	v26 =	vmul.f32 v26, v31;
	v53 =	vld [tilespmem:s22+$0xC800];
	v30 =	vadd.f32 v42, v30;
	[tilespmem:s22+$0x860] =	vst v29;
	v38 =	vmul.f32 v50, v33  }
0x1da: {  	v24 =	vmul.f32 v24, v31;
	v59 =	vld [tilespmem:s22+$0xC420];
	v36 =	vmul.f32 v52, v33;
	[tilespmem:s22+$0x460] =	vst v21;
	v16 =	vadd.f32 v41, v16  }
0x1db: {  	v22 =	vmul.f32 v22, v31;
	v43 =	vld [tilespmem:s22+$0xD470];
	v34 =	vmul.f32 v54, v33;
	[tilespmem:s22+$0x870] =	vst v30;
	v26 =	vadd.f32 v38, v26  }
0x1dc: {  	v28 =	vmul.f32 v28, v31;
	v61 =	vld [tilespmem:s22+$0xC400];
	v40 =	vmul.f32 v48, v33;
	v24 =	vadd.f32 v36, v24;
	[tilespmem:s22+$0x410] =	vst v16  }
0x1dd: {  	v27 =	vmul.f32 v27, v31;
	v63 =	vld [tilespmem:s22+$0xC070];
	v39 =	vmul.f32 v49, v33;
	v22 =	vadd.f32 v34, v22;
	[tilespmem:s22+$0x830] =	vst v26  }
0x1de: {  	v25 =	vmul.f32 v25, v31;
	v46 =	vld [tilespmem:s22+$0x1450];
	v37 =	vmul.f32 v51, v33;
	v28 =	vadd.f32 v40, v28;
	[tilespmem:s22+$0x810] =	vst v24  }
0x1df: {  	v23 =	vmul.f32 v23, v31;
	v50 =	vld [tilespmem:s22+$0xC000];
	v35 =	vmul.f32 v53, v33;
	v27 =	vadd.f32 v39, v27;
	[tilespmem:s22+$0x470] =	vst v22  }
0x1e0: {  	v20 =	vmul.f32 v20, v31;
	v48 =	vld [tilespmem:s22+$0x1460];
	v30 =	vmul.f32 v56, v33;
	v25 =	vadd.f32 v37, v25;
	[tilespmem:s22+$0x850] =	vst v28  }
0x1e1: {  	v19 =	vmul.f32 v19, v31;
	v51 =	vld [tilespmem:s22+$0x0];
	v23 =	vadd.f32 v35, v23;
	v35 =	vmul.f32 v57, v33;
	[tilespmem:s22+$0x840] =	vst v27  }
0x1e2: {  	v18 =	vmul.f32 v18, v31;
	v34 =	vld [tilespmem:s22+$0xC060];
	v37 =	vmul.f32 v58, v33;
	v20 =	vadd.f32 v30, v20;
	[tilespmem:s22+$0x820] =	vst v25  }
0x1e3: {  	v17 =	vmul.f32 v17, v31;
	v36 =	vld [tilespmem:s22+$0xD440];
	v39 =	vmul.f32 v59, v33;
	[tilespmem:s22+$0x800] =	vst v23;
	v19 =	vadd.f32 v35, v19  }
0x1e4: {  	v15 =	vmul.f32 v15, v31;
	v38 =	vld [tilespmem:s22+$0xD450];
	v42 =	vmul.f32 v61, v33;
	v18 =	vadd.f32 v37, v18;
	[tilespmem:s22+$0x450] =	vst v20  }
0x1e5: {  	v14 =	vmul.f32 v14, v31;
	v40 =	vld [tilespmem:s22+$0xD460];
	v44 =	vmul.f32 v63, v33;
	v17 =	vadd.f32 v39, v17;
	[tilespmem:s22+$0x440] =	vst v19  }
0x1e6: {  	v49 =	vld [tilespmem:s22+$0x1470];
	v15 =	vadd.f32 v42, v15;
	v10 =	vmul.f32 v50, v33;
	v61 =	vmul.f32 v51, v31;
	[tilespmem:s22+$0x430] =	vst v18  }
0x1e7: {  	v13 =	vmul.f32 v13, v31;
	v14 =	vadd.f32 v44, v14;
	[tilespmem:s22+$0x420] =	vst v17;
	v47 =	vmul.f32 v34, v33  }
0x1e8: {  	v52 =	vmul.f32 v45, v31;
	[tilespmem:s22+$0x400] =	vst v15;
	v53 =	vmul.f32 v36, v33;
	v63 =	vadd.f32 v10, v61  }
0x1e9: {  	v54 =	vmul.f32 v46, v31;
	[tilespmem:s22+$0x70] =	vst v14;
	v55 =	vmul.f32 v38, v33;
	v13 =	vadd.f32 v47, v13  }
0x1ea: {  	v56 =	vmul.f32 v48, v31;
	v58 =	vmul.f32 v40, v33;
	v57 =	vadd.f32 v53, v52;
	[tilespmem:s22+$0x0] =	vst v63  }
0x1eb: {  	v60 =	vmul.f32 v43, v33;
	v59 =	vmul.f32 v49, v31;
	v3 =	vadd.f32 v55, v54;
	[tilespmem:s22+$0x60] =	vst v13  }
0x1ec: {  	v62 =	vadd.f32 v58, v56;
	[tilespmem:s22+$0x1440] =	vst v57  }
0x1ed: {  	s21 =	sadd.s32 $0x1, s21;
	[tilespmem:s22+$0x1450] =	vst v3;
	v3 =	vadd.f32 v60, v59  }
0x1ee: {  	p0 =	sne.s32 s21, s10;
	[tilespmem:s22+$0x1460] =	vst v62  }
.Ltmp1:
0x1ef: {  	[tilespmem:s22+$0x1470] =	vst v3;
	(pc) =	sbr.rel @p0 .LBB2_1-.Ltmp1, $4  }
0x1f0: {  	[hbm4b:s9+s2] =	stream.linear.scatter [tilespmem:s2], [sflag:$0x2], $0xC000, $0x38;
	[tilespmem:$0x1A100] =	vst v63  }
0x1f1: {  	_ =	swait.ge [sflag:s12], $0xC000  }
0x1f2: {  	[sflag:s12] =	ssyncset.done $0x0  }
0x1f3: {  	[sflag:s12] =	ssyncadd.s32 $0xFFFF4000  }
0x1f4: {  	_ =	sfence.sel $0x180000  }
0x1f5: {  	[bflag:$0x0] =	sbarrier.arrive $0xFFFF  }
0x1f6: {  	_ =	strace $0x9000004A  }
0x1f7: {  	s0 =	stileid.u32;
	[bflag:$0x2] =	sbarrier.arrive $0xFFFF  }
0x1f8: {  	p0 =	sne.s32 s0, $0x0;
	s0 =	rddreg [dreg:$0x2]  }
0x1f9: {  	s0 =	sadd.s32 @!p0 $0x100000, s0  }
0x1fa: {  	[sflag:s0] =	ssyncadd.tile.s32 @!p0 $0x1;
	_ =	shalt  }
.Lfunc_end2:
_tile_overlayer_lowered:
.L_overlay_start_2:
0x1fb: {  	(tag) =	ssettag $0x2  }
0x1fc: {  	s0 =	rddreg [dreg:$0x0];
	s2 =	stileid.u32  }
0x1fd: {  	s1 =	rddreg [dreg:$0x1];
	p0 =	sne.s32 s2, $0x0  }
0x1fe: {  	s3 =	rddreg [dreg:$0x2];
	[bflag:$0x3] =	sbarrier.arrive $0xFFFF;
	s2 =	simm.s32 @!p0 $0x1C02  }
0x1ff: {  	[timem:s3], [sflag:s2] =	dma.local @!p0 [hbm:s0], s1  }
0x200: {  	s0 =	simm.s32 @!p0 $0x2  }
0x201: {  	_ =	swait.ge @!p0 [sflag:s0], s1  }
0x202: {  	s1 =	ssub.s32 @!p0 $0x0, s1;
	[sflag:s0] =	ssyncset.done @!p0 $0x0  }
0x203: {  	[sflag:s0] =	ssyncadd.s32 @!p0 s1  }
0x204: {  	[bflag:$0x3] =	sbarrier.arrive $0xFFFF  }
0x205: {  	_ =	shalt  }

</sc_bundles>
